<compile_context>
chip_gen: v7x
topology: tpu7x:2x2x1
jax: 0.10.2.dev20260603
libtpu: 0.0.44.dev20260713+nightly
codegen_flags: <defaults>
</compile_context>

<pallas_src>
import functools

import jax
import jax.numpy as jnp
from jax import lax
from jax.experimental import pallas as pl
from jax.experimental.pallas import tpu as pltpu
from jax.experimental.pallas import tpu_sc as plsc



def _proj_body(tab_ref, w_ref, b_ref, out_ref):
    out_ref[...] = lax.dot_general(
        tab_ref[...], w_ref[...],
        dimension_numbers=(((1,), (1,)), ((), ())),
        preferred_element_type=jnp.float32,
    ) + b_ref[...]


def _project_table(table, W, b):
    V, D = table.shape
    R = 4000
    assert V % R == 0
    return pl.pallas_call(
        _proj_body,
        grid=(V // R,),
        in_specs=[
            pl.BlockSpec((R, D), lambda i: (i, 0)),
            pl.BlockSpec((D, D), lambda i: (0, 0)),
            pl.BlockSpec((1, D), lambda i: (0, 0)),
        ],
        out_specs=pl.BlockSpec((R, D), lambda i: (i, 0)),
        out_shape=jax.ShapeDtypeStruct((V, D), jnp.float32),
    )(table, W, b.reshape(1, D))



_NB = 16


def _make_gather(V, D, BATCH, HIST, nc, ns):
    nw = nc * ns
    assert BATCH % (nw * _NB) == 0
    b_per_w = BATCH // nw
    nch = b_per_w // _NB
    assert nch % 2 == 0

    def body(tab_hbm, ids_hbm, out_hbm, idx_v, rows_v, gsem0, gsem1, ssem0, ssem1):
        wid = lax.axis_index("s") * nc + lax.axis_index("c")
        wbase = wid * b_per_w
        gsems = (gsem0, gsem1)
        ssems = (ssem0, ssem1)

        def fire_gathers(buf, gsem):
            for l in range(HIST):
                pltpu.async_copy(
                    tab_hbm.at[idx_v.at[buf, l]],
                    rows_v.at[buf, l],
                    gsem,
                )

        def drain_gather(buf):
            pltpu.make_async_copy(
                out_hbm.at[:, pl.ds(0, _NB), :], rows_v.at[buf], gsems[buf]
            ).wait()

        def drain_scatter(buf):
            pltpu.make_async_copy(
                rows_v.at[buf], out_hbm.at[:, pl.ds(0, _NB), :], ssems[buf]
            ).wait()

        pltpu.sync_copy(ids_hbm.at[:, pl.ds(wbase, _NB)], idx_v.at[0])
        fire_gathers(0, gsems[0])

        def pair(gg, carry):
            for par in (0, 1):
                g = 2 * gg + par
                nbuf = 1 - par

                @pl.when(g + 1 < nch)
                def _():
                    @pl.when(g >= 1)
                    def _():
                        drain_scatter(nbuf)

                    pltpu.sync_copy(
                        ids_hbm.at[:, pl.ds(wbase + (g + 1) * _NB, _NB)],
                        idx_v.at[nbuf],
                    )
                    fire_gathers(nbuf, gsems[nbuf])

                drain_gather(par)
                pltpu.async_copy(
                    rows_v.at[par],
                    out_hbm.at[:, pl.ds(wbase + g * _NB, _NB), :],
                    ssems[par],
                )
            return carry

        lax.fori_loop(0, nch // 2, pair, 0)
        drain_scatter(0)
        drain_scatter(1)

    return pl.kernel(
        body,
        out_type=jax.ShapeDtypeStruct((HIST, BATCH, D), jnp.float32),
        mesh=plsc.VectorSubcoreMesh(core_axis_name="c", subcore_axis_name="s"),
        scratch_types=[
            pltpu.VMEM((2, HIST, _NB), jnp.int32),
            pltpu.VMEM((2, HIST, _NB, D), jnp.float32),
            pltpu.SemaphoreType.DMA,
            pltpu.SemaphoreType.DMA,
            pltpu.SemaphoreType.DMA,
            pltpu.SemaphoreType.DMA,
        ],
        compiler_params=pltpu.CompilerParams(use_tc_tiling_on_sc=False),
    )


def kernel(emotion_ids, table, W, b):
    BATCH, HIST = emotion_ids.shape
    V, D = table.shape

    table2 = _project_table(table, W, b)

    info = plsc.get_sparse_core_info()
    gather = _make_gather(V, D, BATCH, HIST, info.num_cores, info.num_subcores)
    ids_t = emotion_ids.astype(jnp.int32).T
    ot = gather(table2, ids_t)
    return jnp.transpose(ot, (1, 0, 2))

# --- scband reference (transcript-rebuilt; emitter-appended) ---
"""Pipeline reference for scband-emotion-embedding-45603962749320 (READ-ONLY COPY).

The authoritative reference and input builder live on the scoring server;
editing this copy changes nothing except your own understanding.
"""

import jax, jax.numpy as jnp
import numpy as np

NUM_EMOTIONS = 100000
EMBED_DIM = 64
BATCH = 16384
HIST = 50

def setup_inputs(seed: int = 0) -> dict:
    key = jax.random.key(seed)
    k_ids, k_tab, k_w, k_b = jax.random.split(key, 4)
    emotion_ids = jax.random.randint(k_ids, (BATCH, HIST), 0, NUM_EMOTIONS, dtype=jnp.int64 if jax.config.jax_enable_x64 else jnp.int32)
    table = jax.random.normal(k_tab, (NUM_EMOTIONS, EMBED_DIM), dtype=jnp.float32)
    # nn.Linear init: uniform(-1/sqrt(fan_in), 1/sqrt(fan_in))
    bound = 1.0 / np.sqrt(EMBED_DIM)
    W = jax.random.uniform(k_w, (EMBED_DIM, EMBED_DIM), minval=-bound, maxval=bound, dtype=jnp.float32)
    b = jax.random.uniform(k_b, (EMBED_DIM,), minval=-bound, maxval=bound, dtype=jnp.float32)
    return {"emotion_ids": emotion_ids, "table": table, "W": W, "b": b}

def reference(emotion_ids, table, W, b):
    # x = embedding(emotion_ids)
    x = jnp.take(table, emotion_ids, axis=0)
    # x = proj(x)  (nn.Linear: x @ W.T + b)
    x = jnp.einsum('bld,od->blo', x, W) + b
    return x

if __name__ == "__main__":
    import jax
    _d = setup_inputs()
    print(jax.jit(kernel)(*tuple(_d.values())))

</pallas_src>

<mosaic_0001>
#map = affine_map<(d0, d1) -> (0, 0)>
#map1 = affine_map<(d0, d1) -> (0, 0, 0)>
module attributes {stable_mosaic.version = 14 : i64} {
  func.func @body(%arg0: i32, %arg1: i32, %arg2: memref<100000x64xf32, #tpu.memory_space<hbm>>, %arg3: memref<50x16384xi32, #tpu.memory_space<hbm>>, %arg4: memref<50x16384x64xf32, #tpu.memory_space<hbm>>, %arg5: memref<2x50x16xi32, #tpu.memory_space<vmem>>, %arg6: memref<2x50x16x64xf32, #tpu.memory_space<vmem>>, %arg7: memref<!tpu.dma_semaphore, #tpu.memory_space<semaphore_mem>>, %arg8: memref<!tpu.dma_semaphore, #tpu.memory_space<semaphore_mem>>, %arg9: memref<!tpu.dma_semaphore, #tpu.memory_space<semaphore_mem>>, %arg10: memref<!tpu.dma_semaphore, #tpu.memory_space<semaphore_mem>>) attributes {dimension_semantics = [#tpu.dimension_semantics<core_parallel>, #tpu.dimension_semantics<subcore_parallel>], iteration_bounds = array<i64: 2, 16>, scalar_prefetch = 0 : i64, scratch_operands = 6 : i64, tpu.core_type = #tpu.core_type<sc_vector_subcore>, window_params = [{transform_indices = #map}, {transform_indices = #map}, {transform_indices = #map1}]} {
    %mul3A = arith.constant 2 : i32
    %mul3A_0 = arith.muli %arg1, %mul3A : i32
    %add3A = arith.addi %mul3A_0, %arg0 : i32
    %mul3A_1 = arith.constant 512 : i32
    %mul3A_2 = arith.muli %add3A, %mul3A_1 : i32
    %run_scoped3A = arith.constant 0 : i32
    "tpu.region"() ({
      %run_scoped3A_744 = tpu.sem_alloc : memref<!tpu.dma_semaphore, #tpu.memory_space<semaphore_mem>>
      %dma_start3A_745 = arith.constant 0 : i32
      %dma_start3A_746 = arith.constant 0 : i32
      %dma_start3A_747 = tpu.memref_slice %arg5[%run_scoped3A, %dma_start3A_745, %dma_start3A_746] : memref<2x50x16xi32, #tpu.memory_space<vmem>> -> memref<1x50x16xi32, #tpu.memory_space<vmem>>
      %dma_start3A_748 = tpu.memref_squeeze %dma_start3A_747 : memref<1x50x16xi32, #tpu.memory_space<vmem>> -> memref<50x16xi32, #tpu.memory_space<vmem>>
      %dma_start3A_749 = arith.constant 0 : i32
      %dma_start3A_750 = tpu.memref_slice %arg3[%dma_start3A_749, %mul3A_2] : memref<50x16384xi32, #tpu.memory_space<hbm>> -> memref<50x16xi32, #tpu.memory_space<hbm>>
      %dma_start3A_751 = arith.constant 0 : i32
      %dma_start3A_752 = arith.constant 0 : i32
      %dma_start3A_753 = tpu.memref_slice %arg5[%run_scoped3A, %dma_start3A_751, %dma_start3A_752] : memref<2x50x16xi32, #tpu.memory_space<vmem>> -> memref<1x50x16xi32, #tpu.memory_space<vmem>>
      %dma_start3A_754 = tpu.memref_squeeze %dma_start3A_753 : memref<1x50x16xi32, #tpu.memory_space<vmem>> -> memref<50x16xi32, #tpu.memory_space<vmem>>
      %dma_start3A_755 = arith.constant 0 : i32
      %dma_start3A_756 = tpu.memref_slice %arg3[%dma_start3A_755, %mul3A_2] : memref<50x16384xi32, #tpu.memory_space<hbm>> -> memref<50x16xi32, #tpu.memory_space<hbm>>
      tpu.enqueue_dma source(%dma_start3A_756 : memref<50x16xi32, #tpu.memory_space<hbm>>) target(%dma_start3A_754 : memref<50x16xi32, #tpu.memory_space<vmem>>) target_semaphore(%run_scoped3A_744 : memref<!tpu.dma_semaphore, #tpu.memory_space<semaphore_mem>>)
      %dma_wait3A_757 = arith.constant 0 : i32
      %dma_wait3A_758 = arith.constant 0 : i32
      %dma_wait3A_759 = tpu.memref_slice %arg5[%run_scoped3A, %dma_wait3A_757, %dma_wait3A_758] : memref<2x50x16xi32, #tpu.memory_space<vmem>> -> memref<1x50x16xi32, #tpu.memory_space<vmem>>
      %dma_wait3A_760 = tpu.memref_squeeze %dma_wait3A_759 : memref<1x50x16xi32, #tpu.memory_space<vmem>> -> memref<50x16xi32, #tpu.memory_space<vmem>>
      %dma_wait3A_761 = arith.constant 0 : i32
      %dma_wait3A_762 = tpu.memref_slice %arg3[%dma_wait3A_761, %mul3A_2] : memref<50x16384xi32, #tpu.memory_space<hbm>> -> memref<50x16xi32, #tpu.memory_space<hbm>>
      %dma_wait3A_763 = arith.constant 0 : i32
      %dma_wait3A_764 = arith.constant 0 : i32
      %dma_wait3A_765 = tpu.memref_slice %arg5[%run_scoped3A, %dma_wait3A_763, %dma_wait3A_764] : memref<2x50x16xi32, #tpu.memory_space<vmem>> -> memref<1x50x16xi32, #tpu.memory_space<vmem>>
      %dma_wait3A_766 = tpu.memref_squeeze %dma_wait3A_765 : memref<1x50x16xi32, #tpu.memory_space<vmem>> -> memref<50x16xi32, #tpu.memory_space<vmem>>
      %dma_wait3A_767 = arith.constant 0 : i32
      %dma_wait3A_768 = tpu.memref_slice %arg3[%dma_wait3A_767, %mul3A_2] : memref<50x16384xi32, #tpu.memory_space<hbm>> -> memref<50x16xi32, #tpu.memory_space<hbm>>
      tpu.wait_dma2 semaphore(%run_scoped3A_744 : memref<!tpu.dma_semaphore, #tpu.memory_space<semaphore_mem>>) src(%dma_wait3A_768 : memref<50x16xi32, #tpu.memory_space<hbm>>) dst(%dma_wait3A_766 : memref<50x16xi32, #tpu.memory_space<vmem>>)
      tpu.yield
    }) : () -> ()
    %dma_start3A = arith.constant 0 : i32
    %dma_start3A_3 = arith.constant 0 : i32
    %dma_start3A_4 = arith.constant 0 : i32
    %dma_start3A_5 = arith.constant 0 : i32
    %dma_start3A_6 = arith.constant 0 : i32
    %dma_start3A_7 = arith.constant 0 : i32
    %dma_start3A_8 = tpu.memref_slice %arg6[%dma_start3A_4, %dma_start3A_5, %dma_start3A_6, %dma_start3A_7] : memref<2x50x16x64xf32, #tpu.memory_space<vmem>> -> memref<1x1x16x64xf32, #tpu.memory_space<vmem>>
    %dma_start3A_9 = tpu.memref_squeeze %dma_start3A_8 : memref<1x1x16x64xf32, #tpu.memory_space<vmem>> -> memref<16x64xf32, #tpu.memory_space<vmem>>
    %dma_start3A_10 = arith.constant 0 : i32
    %dma_start3A_11 = tpu.memref_slice %arg5[%dma_start3A, %dma_start3A_3, %dma_start3A_10] : memref<2x50x16xi32, #tpu.memory_space<vmem>> -> memref<1x1x16xi32, #tpu.memory_space<vmem>>
    %dma_start3A_12 = tpu.memref_squeeze %dma_start3A_11 : memref<1x1x16xi32, #tpu.memory_space<vmem>> -> memref<16xi32, #tpu.memory_space<vmem>>
    %dma_start3A_13 = arith.constant 0 : i32
    %dma_start3A_14 = arith.constant 0 : i32
    %dma_start3A_15 = tpu.memref_slice %arg2[%dma_start3A_13, %dma_start3A_14] : memref<100000x64xf32, #tpu.memory_space<hbm>> -> memref<100000x64xf32, #tpu.memory_space<hbm>>
    tpu.enqueue_indirect_dma source(%dma_start3A_15 : memref<100000x64xf32, #tpu.memory_space<hbm>>) target(%dma_start3A_9 : memref<16x64xf32, #tpu.memory_space<vmem>>) offsets(%dma_start3A_12 : memref<16xi32, #tpu.memory_space<vmem>>) semaphore(%arg7 : memref<!tpu.dma_semaphore, #tpu.memory_space<semaphore_mem>>)
    %dma_start3A_16 = arith.constant 0 : i32
    %dma_start3A_17 = arith.constant 1 : i32
    %dma_start3A_18 = arith.constant 0 : i32
    %dma_start3A_19 = arith.constant 1 : i32
    %dma_start3A_20 = arith.constant 0 : i32
    %dma_start3A_21 = arith.constant 0 : i32
    %dma_start3A_22 = tpu.memref_slice %arg6[%dma_start3A_18, %dma_start3A_19, %dma_start3A_20, %dma_start3A_21] : memref<2x50x16x64xf32, #tpu.memory_space<vmem>> -> memref<1x1x16x64xf32, #tpu.memory_space<vmem>>
    %dma_start3A_23 = tpu.memref_squeeze %dma_start3A_22 : memref<1x1x16x64xf32, #tpu.memory_space<vmem>> -> memref<16x64xf32, #tpu.memory_space<vmem>>
    %dma_start3A_24 = arith.constant 0 : i32
    %dma_start3A_25 = tpu.memref_slice %arg5[%dma_start3A_16, %dma_start3A_17, %dma_start3A_24] : memref<2x50x16xi32, #tpu.memory_space<vmem>> -> memref<1x1x16xi32, #tpu.memory_space<vmem>>
    %dma_start3A_26 = tpu.memref_squeeze %dma_start3A_25 : memref<1x1x16xi32, #tpu.memory_space<vmem>> -> memref<16xi32, #tpu.memory_space<vmem>>
    %dma_start3A_27 = arith.constant 0 : i32
    %dma_start3A_28 = arith.constant 0 : i32
    %dma_start3A_29 = tpu.memref_slice %arg2[%dma_start3A_27, %dma_start3A_28] : memref<100000x64xf32, #tpu.memory_space<hbm>> -> memref<100000x64xf32, #tpu.memory_space<hbm>>
    tpu.enqueue_indirect_dma source(%dma_start3A_29 : memref<100000x64xf32, #tpu.memory_space<hbm>>) target(%dma_start3A_23 : memref<16x64xf32, #tpu.memory_space<vmem>>) offsets(%dma_start3A_26 : memref<16xi32, #tpu.memory_space<vmem>>) semaphore(%arg7 : memref<!tpu.dma_semaphore, #tpu.memory_space<semaphore_mem>>)
    %dma_start3A_30 = arith.constant 0 : i32
    %dma_start3A_31 = arith.constant 2 : i32
    %dma_start3A_32 = arith.constant 0 : i32
    %dma_start3A_33 = arith.constant 2 : i32
    %dma_start3A_34 = arith.constant 0 : i32
    %dma_start3A_35 = arith.constant 0 : i32
    %dma_start3A_36 = tpu.memref_slice %arg6[%dma_start3A_32, %dma_start3A_33, %dma_start3A_34, %dma_start3A_35] : memref<2x50x16x64xf32, #tpu.memory_space<vmem>> -> memref<1x1x16x64xf32, #tpu.memory_space<vmem>>
    %dma_start3A_37 = tpu.memref_squeeze %dma_start3A_36 : memref<1x1x16x64xf32, #tpu.memory_space<vmem>> -> memref<16x64xf32, #tpu.memory_space<vmem>>
    %dma_start3A_38 = arith.constant 0 : i32
    %dma_start3A_39 = tpu.memref_slice %arg5[%dma_start3A_30, %dma_start3A_31, %dma_start3A_38] : memref<2x50x16xi32, #tpu.memory_space<vmem>> -> memref<1x1x16xi32, #tpu.memory_space<vmem>>
    %dma_start3A_40 = tpu.memref_squeeze %dma_start3A_39 : memref<1x1x16xi32, #tpu.memory_space<vmem>> -> memref<16xi32, #tpu.memory_space<vmem>>
    %dma_start3A_41 = arith.constant 0 : i32
    %dma_start3A_42 = arith.constant 0 : i32
    %dma_start3A_43 = tpu.memref_slice %arg2[%dma_start3A_41, %dma_start3A_42] : memref<100000x64xf32, #tpu.memory_space<hbm>> -> memref<100000x64xf32, #tpu.memory_space<hbm>>
    tpu.enqueue_indirect_dma source(%dma_start3A_43 : memref<100000x64xf32, #tpu.memory_space<hbm>>) target(%dma_start3A_37 : memref<16x64xf32, #tpu.memory_space<vmem>>) offsets(%dma_start3A_40 : memref<16xi32, #tpu.memory_space<vmem>>) semaphore(%arg7 : memref<!tpu.dma_semaphore, #tpu.memory_space<semaphore_mem>>)
    %dma_start3A_44 = arith.constant 0 : i32
    %dma_start3A_45 = arith.constant 3 : i32
    %dma_start3A_46 = arith.constant 0 : i32
    %dma_start3A_47 = arith.constant 3 : i32
    %dma_start3A_48 = arith.constant 0 : i32
    %dma_start3A_49 = arith.constant 0 : i32
    %dma_start3A_50 = tpu.memref_slice %arg6[%dma_start3A_46, %dma_start3A_47, %dma_start3A_48, %dma_start3A_49] : memref<2x50x16x64xf32, #tpu.memory_space<vmem>> -> memref<1x1x16x64xf32, #tpu.memory_space<vmem>>
    %dma_start3A_51 = tpu.memref_squeeze %dma_start3A_50 : memref<1x1x16x64xf32, #tpu.memory_space<vmem>> -> memref<16x64xf32, #tpu.memory_space<vmem>>
    %dma_start3A_52 = arith.constant 0 : i32
    %dma_start3A_53 = tpu.memref_slice %arg5[%dma_start3A_44, %dma_start3A_45, %dma_start3A_52] : memref<2x50x16xi32, #tpu.memory_space<vmem>> -> memref<1x1x16xi32, #tpu.memory_space<vmem>>
    %dma_start3A_54 = tpu.memref_squeeze %dma_start3A_53 : memref<1x1x16xi32, #tpu.memory_space<vmem>> -> memref<16xi32, #tpu.memory_space<vmem>>
    %dma_start3A_55 = arith.constant 0 : i32
    %dma_start3A_56 = arith.constant 0 : i32
    %dma_start3A_57 = tpu.memref_slice %arg2[%dma_start3A_55, %dma_start3A_56] : memref<100000x64xf32, #tpu.memory_space<hbm>> -> memref<100000x64xf32, #tpu.memory_space<hbm>>
    tpu.enqueue_indirect_dma source(%dma_start3A_57 : memref<100000x64xf32, #tpu.memory_space<hbm>>) target(%dma_start3A_51 : memref<16x64xf32, #tpu.memory_space<vmem>>) offsets(%dma_start3A_54 : memref<16xi32, #tpu.memory_space<vmem>>) semaphore(%arg7 : memref<!tpu.dma_semaphore, #tpu.memory_space<semaphore_mem>>)
    %dma_start3A_58 = arith.constant 0 : i32
    %dma_start3A_59 = arith.constant 4 : i32
    %dma_start3A_60 = arith.constant 0 : i32
    %dma_start3A_61 = arith.constant 4 : i32
    %dma_start3A_62 = arith.constant 0 : i32
    %dma_start3A_63 = arith.constant 0 : i32
    %dma_start3A_64 = tpu.memref_slice %arg6[%dma_start3A_60, %dma_start3A_61, %dma_start3A_62, %dma_start3A_63] : memref<2x50x16x64xf32, #tpu.memory_space<vmem>> -> memref<1x1x16x64xf32, #tpu.memory_space<vmem>>
    %dma_start3A_65 = tpu.memref_squeeze %dma_start3A_64 : memref<1x1x16x64xf32, #tpu.memory_space<vmem>> -> memref<16x64xf32, #tpu.memory_space<vmem>>
    %dma_start3A_66 = arith.constant 0 : i32
    %dma_start3A_67 = tpu.memref_slice %arg5[%dma_start3A_58, %dma_start3A_59, %dma_start3A_66] : memref<2x50x16xi32, #tpu.memory_space<vmem>> -> memref<1x1x16xi32, #tpu.memory_space<vmem>>
    %dma_start3A_68 = tpu.memref_squeeze %dma_start3A_67 : memref<1x1x16xi32, #tpu.memory_space<vmem>> -> memref<16xi32, #tpu.memory_space<vmem>>
    %dma_start3A_69 = arith.constant 0 : i32
    %dma_start3A_70 = arith.constant 0 : i32
    %dma_start3A_71 = tpu.memref_slice %arg2[%dma_start3A_69, %dma_start3A_70] : memref<100000x64xf32, #tpu.memory_space<hbm>> -> memref<100000x64xf32, #tpu.memory_space<hbm>>
    tpu.enqueue_indirect_dma source(%dma_start3A_71 : memref<100000x64xf32, #tpu.memory_space<hbm>>) target(%dma_start3A_65 : memref<16x64xf32, #tpu.memory_space<vmem>>) offsets(%dma_start3A_68 : memref<16xi32, #tpu.memory_space<vmem>>) semaphore(%arg7 : memref<!tpu.dma_semaphore, #tpu.memory_space<semaphore_mem>>)
    %dma_start3A_72 = arith.constant 0 : i32
    %dma_start3A_73 = arith.constant 5 : i32
    %dma_start3A_74 = arith.constant 0 : i32
    %dma_start3A_75 = arith.constant 5 : i32
    %dma_start3A_76 = arith.constant 0 : i32
    %dma_start3A_77 = arith.constant 0 : i32
    %dma_start3A_78 = tpu.memref_slice %arg6[%dma_start3A_74, %dma_start3A_75, %dma_start3A_76, %dma_start3A_77] : memref<2x50x16x64xf32, #tpu.memory_space<vmem>> -> memref<1x1x16x64xf32, #tpu.memory_space<vmem>>
    %dma_start3A_79 = tpu.memref_squeeze %dma_start3A_78 : memref<1x1x16x64xf32, #tpu.memory_space<vmem>> -> memref<16x64xf32, #tpu.memory_space<vmem>>
    %dma_start3A_80 = arith.constant 0 : i32
    %dma_start3A_81 = tpu.memref_slice %arg5[%dma_start3A_72, %dma_start3A_73, %dma_start3A_80] : memref<2x50x16xi32, #tpu.memory_space<vmem>> -> memref<1x1x16xi32, #tpu.memory_space<vmem>>
    %dma_start3A_82 = tpu.memref_squeeze %dma_start3A_81 : memref<1x1x16xi32, #tpu.memory_space<vmem>> -> memref<16xi32, #tpu.memory_space<vmem>>
    %dma_start3A_83 = arith.constant 0 : i32
    %dma_start3A_84 = arith.constant 0 : i32
    %dma_start3A_85 = tpu.memref_slice %arg2[%dma_start3A_83, %dma_start3A_84] : memref<100000x64xf32, #tpu.memory_space<hbm>> -> memref<100000x64xf32, #tpu.memory_space<hbm>>
    tpu.enqueue_indirect_dma source(%dma_start3A_85 : memref<100000x64xf32, #tpu.memory_space<hbm>>) target(%dma_start3A_79 : memref<16x64xf32, #tpu.memory_space<vmem>>) offsets(%dma_start3A_82 : memref<16xi32, #tpu.memory_space<vmem>>) semaphore(%arg7 : memref<!tpu.dma_semaphore, #tpu.memory_space<semaphore_mem>>)
    %dma_start3A_86 = arith.constant 0 : i32
    %dma_start3A_87 = arith.constant 6 : i32
    %dma_start3A_88 = arith.constant 0 : i32
    %dma_start3A_89 = arith.constant 6 : i32
    %dma_start3A_90 = arith.constant 0 : i32
    %dma_start3A_91 = arith.constant 0 : i32
    %dma_start3A_92 = tpu.memref_slice %arg6[%dma_start3A_88, %dma_start3A_89, %dma_start3A_90, %dma_start3A_91] : memref<2x50x16x64xf32, #tpu.memory_space<vmem>> -> memref<1x1x16x64xf32, #tpu.memory_space<vmem>>
    %dma_start3A_93 = tpu.memref_squeeze %dma_start3A_92 : memref<1x1x16x64xf32, #tpu.memory_space<vmem>> -> memref<16x64xf32, #tpu.memory_space<vmem>>
    %dma_start3A_94 = arith.constant 0 : i32
    %dma_start3A_95 = tpu.memref_slice %arg5[%dma_start3A_86, %dma_start3A_87, %dma_start3A_94] : memref<2x50x16xi32, #tpu.memory_space<vmem>> -> memref<1x1x16xi32, #tpu.memory_space<vmem>>
    %dma_start3A_96 = tpu.memref_squeeze %dma_start3A_95 : memref<1x1x16xi32, #tpu.memory_space<vmem>> -> memref<16xi32, #tpu.memory_space<vmem>>
    %dma_start3A_97 = arith.constant 0 : i32
    %dma_start3A_98 = arith.constant 0 : i32
    %dma_start3A_99 = tpu.memref_slice %arg2[%dma_start3A_97, %dma_start3A_98] : memref<100000x64xf32, #tpu.memory_space<hbm>> -> memref<100000x64xf32, #tpu.memory_space<hbm>>
    tpu.enqueue_indirect_dma source(%dma_start3A_99 : memref<100000x64xf32, #tpu.memory_space<hbm>>) target(%dma_start3A_93 : memref<16x64xf32, #tpu.memory_space<vmem>>) offsets(%dma_start3A_96 : memref<16xi32, #tpu.memory_space<vmem>>) semaphore(%arg7 : memref<!tpu.dma_semaphore, #tpu.memory_space<semaphore_mem>>)
    %dma_start3A_100 = arith.constant 0 : i32
    %dma_start3A_101 = arith.constant 7 : i32
    %dma_start3A_102 = arith.constant 0 : i32
    %dma_start3A_103 = arith.constant 7 : i32
    %dma_start3A_104 = arith.constant 0 : i32
    %dma_start3A_105 = arith.constant 0 : i32
    %dma_start3A_106 = tpu.memref_slice %arg6[%dma_start3A_102, %dma_start3A_103, %dma_start3A_104, %dma_start3A_105] : memref<2x50x16x64xf32, #tpu.memory_space<vmem>> -> memref<1x1x16x64xf32, #tpu.memory_space<vmem>>
    %dma_start3A_107 = tpu.memref_squeeze %dma_start3A_106 : memref<1x1x16x64xf32, #tpu.memory_space<vmem>> -> memref<16x64xf32, #tpu.memory_space<vmem>>
    %dma_start3A_108 = arith.constant 0 : i32
    %dma_start3A_109 = tpu.memref_slice %arg5[%dma_start3A_100, %dma_start3A_101, %dma_start3A_108] : memref<2x50x16xi32, #tpu.memory_space<vmem>> -> memref<1x1x16xi32, #tpu.memory_space<vmem>>
    %dma_start3A_110 = tpu.memref_squeeze %dma_start3A_109 : memref<1x1x16xi32, #tpu.memory_space<vmem>> -> memref<16xi32, #tpu.memory_space<vmem>>
    %dma_start3A_111 = arith.constant 0 : i32
    %dma_start3A_112 = arith.constant 0 : i32
    %dma_start3A_113 = tpu.memref_slice %arg2[%dma_start3A_111, %dma_start3A_112] : memref<100000x64xf32, #tpu.memory_space<hbm>> -> memref<100000x64xf32, #tpu.memory_space<hbm>>
    tpu.enqueue_indirect_dma source(%dma_start3A_113 : memref<100000x64xf32, #tpu.memory_space<hbm>>) target(%dma_start3A_107 : memref<16x64xf32, #tpu.memory_space<vmem>>) offsets(%dma_start3A_110 : memref<16xi32, #tpu.memory_space<vmem>>) semaphore(%arg7 : memref<!tpu.dma_semaphore, #tpu.memory_space<semaphore_mem>>)
    %dma_start3A_114 = arith.constant 0 : i32
    %dma_start3A_115 = arith.constant 8 : i32
    %dma_start3A_116 = arith.constant 0 : i32
    %dma_start3A_117 = arith.constant 8 : i32
    %dma_start3A_118 = arith.constant 0 : i32
    %dma_start3A_119 = arith.constant 0 : i32
    %dma_start3A_120 = tpu.memref_slice %arg6[%dma_start3A_116, %dma_start3A_117, %dma_start3A_118, %dma_start3A_119] : memref<2x50x16x64xf32, #tpu.memory_space<vmem>> -> memref<1x1x16x64xf32, #tpu.memory_space<vmem>>
    %dma_start3A_121 = tpu.memref_squeeze %dma_start3A_120 : memref<1x1x16x64xf32, #tpu.memory_space<vmem>> -> memref<16x64xf32, #tpu.memory_space<vmem>>
    %dma_start3A_122 = arith.constant 0 : i32
    %dma_start3A_123 = tpu.memref_slice %arg5[%dma_start3A_114, %dma_start3A_115, %dma_start3A_122] : memref<2x50x16xi32, #tpu.memory_space<vmem>> -> memref<1x1x16xi32, #tpu.memory_space<vmem>>
    %dma_start3A_124 = tpu.memref_squeeze %dma_start3A_123 : memref<1x1x16xi32, #tpu.memory_space<vmem>> -> memref<16xi32, #tpu.memory_space<vmem>>
    %dma_start3A_125 = arith.constant 0 : i32
    %dma_start3A_126 = arith.constant 0 : i32
    %dma_start3A_127 = tpu.memref_slice %arg2[%dma_start3A_125, %dma_start3A_126] : memref<100000x64xf32, #tpu.memory_space<hbm>> -> memref<100000x64xf32, #tpu.memory_space<hbm>>
    tpu.enqueue_indirect_dma source(%dma_start3A_127 : memref<100000x64xf32, #tpu.memory_space<hbm>>) target(%dma_start3A_121 : memref<16x64xf32, #tpu.memory_space<vmem>>) offsets(%dma_start3A_124 : memref<16xi32, #tpu.memory_space<vmem>>) semaphore(%arg7 : memref<!tpu.dma_semaphore, #tpu.memory_space<semaphore_mem>>)
    %dma_start3A_128 = arith.constant 0 : i32
    %dma_start3A_129 = arith.constant 9 : i32
    %dma_start3A_130 = arith.constant 0 : i32
    %dma_start3A_131 = arith.constant 9 : i32
    %dma_start3A_132 = arith.constant 0 : i32
    %dma_start3A_133 = arith.constant 0 : i32
    %dma_start3A_134 = tpu.memref_slice %arg6[%dma_start3A_130, %dma_start3A_131, %dma_start3A_132, %dma_start3A_133] : memref<2x50x16x64xf32, #tpu.memory_space<vmem>> -> memref<1x1x16x64xf32, #tpu.memory_space<vmem>>
    %dma_start3A_135 = tpu.memref_squeeze %dma_start3A_134 : memref<1x1x16x64xf32, #tpu.memory_space<vmem>> -> memref<16x64xf32, #tpu.memory_space<vmem>>
    %dma_start3A_136 = arith.constant 0 : i32
    %dma_start3A_137 = tpu.memref_slice %arg5[%dma_start3A_128, %dma_start3A_129, %dma_start3A_136] : memref<2x50x16xi32, #tpu.memory_space<vmem>> -> memref<1x1x16xi32, #tpu.memory_space<vmem>>
    %dma_start3A_138 = tpu.memref_squeeze %dma_start3A_137 : memref<1x1x16xi32, #tpu.memory_space<vmem>> -> memref<16xi32, #tpu.memory_space<vmem>>
    %dma_start3A_139 = arith.constant 0 : i32
    %dma_start3A_140 = arith.constant 0 : i32
    %dma_start3A_141 = tpu.memref_slice %arg2[%dma_start3A_139, %dma_start3A_140] : memref<100000x64xf32, #tpu.memory_space<hbm>> -> memref<100000x64xf32, #tpu.memory_space<hbm>>
    tpu.enqueue_indirect_dma source(%dma_start3A_141 : memref<100000x64xf32, #tpu.memory_space<hbm>>) target(%dma_start3A_135 : memref<16x64xf32, #tpu.memory_space<vmem>>) offsets(%dma_start3A_138 : memref<16xi32, #tpu.memory_space<vmem>>) semaphore(%arg7 : memref<!tpu.dma_semaphore, #tpu.memory_space<semaphore_mem>>)
    %dma_start3A_142 = arith.constant 0 : i32
    %dma_start3A_143 = arith.constant 10 : i32
    %dma_start3A_144 = arith.constant 0 : i32
    %dma_start3A_145 = arith.constant 10 : i32
    %dma_start3A_146 = arith.constant 0 : i32
    %dma_start3A_147 = arith.constant 0 : i32
    %dma_start3A_148 = tpu.memref_slice %arg6[%dma_start3A_144, %dma_start3A_145, %dma_start3A_146, %dma_start3A_147] : memref<2x50x16x64xf32, #tpu.memory_space<vmem>> -> memref<1x1x16x64xf32, #tpu.memory_space<vmem>>
    %dma_start3A_149 = tpu.memref_squeeze %dma_start3A_148 : memref<1x1x16x64xf32, #tpu.memory_space<vmem>> -> memref<16x64xf32, #tpu.memory_space<vmem>>
    %dma_start3A_150 = arith.constant 0 : i32
    %dma_start3A_151 = tpu.memref_slice %arg5[%dma_start3A_142, %dma_start3A_143, %dma_start3A_150] : memref<2x50x16xi32, #tpu.memory_space<vmem>> -> memref<1x1x16xi32, #tpu.memory_space<vmem>>
    %dma_start3A_152 = tpu.memref_squeeze %dma_start3A_151 : memref<1x1x16xi32, #tpu.memory_space<vmem>> -> memref<16xi32, #tpu.memory_space<vmem>>
    %dma_start3A_153 = arith.constant 0 : i32
    %dma_start3A_154 = arith.constant 0 : i32
    %dma_start3A_155 = tpu.memref_slice %arg2[%dma_start3A_153, %dma_start3A_154] : memref<100000x64xf32, #tpu.memory_space<hbm>> -> memref<100000x64xf32, #tpu.memory_space<hbm>>
    tpu.enqueue_indirect_dma source(%dma_start3A_155 : memref<100000x64xf32, #tpu.memory_space<hbm>>) target(%dma_start3A_149 : memref<16x64xf32, #tpu.memory_space<vmem>>) offsets(%dma_start3A_152 : memref<16xi32, #tpu.memory_space<vmem>>) semaphore(%arg7 : memref<!tpu.dma_semaphore, #tpu.memory_space<semaphore_mem>>)
    %dma_start3A_156 = arith.constant 0 : i32
    %dma_start3A_157 = arith.constant 11 : i32
    %dma_start3A_158 = arith.constant 0 : i32
    %dma_start3A_159 = arith.constant 11 : i32
    %dma_start3A_160 = arith.constant 0 : i32
    %dma_start3A_161 = arith.constant 0 : i32
    %dma_start3A_162 = tpu.memref_slice %arg6[%dma_start3A_158, %dma_start3A_159, %dma_start3A_160, %dma_start3A_161] : memref<2x50x16x64xf32, #tpu.memory_space<vmem>> -> memref<1x1x16x64xf32, #tpu.memory_space<vmem>>
    %dma_start3A_163 = tpu.memref_squeeze %dma_start3A_162 : memref<1x1x16x64xf32, #tpu.memory_space<vmem>> -> memref<16x64xf32, #tpu.memory_space<vmem>>
    %dma_start3A_164 = arith.constant 0 : i32
    %dma_start3A_165 = tpu.memref_slice %arg5[%dma_start3A_156, %dma_start3A_157, %dma_start3A_164] : memref<2x50x16xi32, #tpu.memory_space<vmem>> -> memref<1x1x16xi32, #tpu.memory_space<vmem>>
    %dma_start3A_166 = tpu.memref_squeeze %dma_start3A_165 : memref<1x1x16xi32, #tpu.memory_space<vmem>> -> memref<16xi32, #tpu.memory_space<vmem>>
    %dma_start3A_167 = arith.constant 0 : i32
    %dma_start3A_168 = arith.constant 0 : i32
    %dma_start3A_169 = tpu.memref_slice %arg2[%dma_start3A_167, %dma_start3A_168] : memref<100000x64xf32, #tpu.memory_space<hbm>> -> memref<100000x64xf32, #tpu.memory_space<hbm>>
    tpu.enqueue_indirect_dma source(%dma_start3A_169 : memref<100000x64xf32, #tpu.memory_space<hbm>>) target(%dma_start3A_163 : memref<16x64xf32, #tpu.memory_space<vmem>>) offsets(%dma_start3A_166 : memref<16xi32, #tpu.memory_space<vmem>>) semaphore(%arg7 : memref<!tpu.dma_semaphore, #tpu.memory_space<semaphore_mem>>)
    %dma_start3A_170 = arith.constant 0 : i32
    %dma_start3A_171 = arith.constant 12 : i32
    %dma_start3A_172 = arith.constant 0 : i32
    %dma_start3A_173 = arith.constant 12 : i32
    %dma_start3A_174 = arith.constant 0 : i32
    %dma_start3A_175 = arith.constant 0 : i32
    %dma_start3A_176 = tpu.memref_slice %arg6[%dma_start3A_172, %dma_start3A_173, %dma_start3A_174, %dma_start3A_175] : memref<2x50x16x64xf32, #tpu.memory_space<vmem>> -> memref<1x1x16x64xf32, #tpu.memory_space<vmem>>
    %dma_start3A_177 = tpu.memref_squeeze %dma_start3A_176 : memref<1x1x16x64xf32, #tpu.memory_space<vmem>> -> memref<16x64xf32, #tpu.memory_space<vmem>>
    %dma_start3A_178 = arith.constant 0 : i32
    %dma_start3A_179 = tpu.memref_slice %arg5[%dma_start3A_170, %dma_start3A_171, %dma_start3A_178] : memref<2x50x16xi32, #tpu.memory_space<vmem>> -> memref<1x1x16xi32, #tpu.memory_space<vmem>>
    %dma_start3A_180 = tpu.memref_squeeze %dma_start3A_179 : memref<1x1x16xi32, #tpu.memory_space<vmem>> -> memref<16xi32, #tpu.memory_space<vmem>>
    %dma_start3A_181 = arith.constant 0 : i32
    %dma_start3A_182 = arith.constant 0 : i32
    %dma_start3A_183 = tpu.memref_slice %arg2[%dma_start3A_181, %dma_start3A_182] : memref<100000x64xf32, #tpu.memory_space<hbm>> -> memref<100000x64xf32, #tpu.memory_space<hbm>>
    tpu.enqueue_indirect_dma source(%dma_start3A_183 : memref<100000x64xf32, #tpu.memory_space<hbm>>) target(%dma_start3A_177 : memref<16x64xf32, #tpu.memory_space<vmem>>) offsets(%dma_start3A_180 : memref<16xi32, #tpu.memory_space<vmem>>) semaphore(%arg7 : memref<!tpu.dma_semaphore, #tpu.memory_space<semaphore_mem>>)
    %dma_start3A_184 = arith.constant 0 : i32
    %dma_start3A_185 = arith.constant 13 : i32
    %dma_start3A_186 = arith.constant 0 : i32
    %dma_start3A_187 = arith.constant 13 : i32
    %dma_start3A_188 = arith.constant 0 : i32
    %dma_start3A_189 = arith.constant 0 : i32
    %dma_start3A_190 = tpu.memref_slice %arg6[%dma_start3A_186, %dma_start3A_187, %dma_start3A_188, %dma_start3A_189] : memref<2x50x16x64xf32, #tpu.memory_space<vmem>> -> memref<1x1x16x64xf32, #tpu.memory_space<vmem>>
    %dma_start3A_191 = tpu.memref_squeeze %dma_start3A_190 : memref<1x1x16x64xf32, #tpu.memory_space<vmem>> -> memref<16x64xf32, #tpu.memory_space<vmem>>
    %dma_start3A_192 = arith.constant 0 : i32
    %dma_start3A_193 = tpu.memref_slice %arg5[%dma_start3A_184, %dma_start3A_185, %dma_start3A_192] : memref<2x50x16xi32, #tpu.memory_space<vmem>> -> memref<1x1x16xi32, #tpu.memory_space<vmem>>
    %dma_start3A_194 = tpu.memref_squeeze %dma_start3A_193 : memref<1x1x16xi32, #tpu.memory_space<vmem>> -> memref<16xi32, #tpu.memory_space<vmem>>
    %dma_start3A_195 = arith.constant 0 : i32
    %dma_start3A_196 = arith.constant 0 : i32
    %dma_start3A_197 = tpu.memref_slice %arg2[%dma_start3A_195, %dma_start3A_196] : memref<100000x64xf32, #tpu.memory_space<hbm>> -> memref<100000x64xf32, #tpu.memory_space<hbm>>
    tpu.enqueue_indirect_dma source(%dma_start3A_197 : memref<100000x64xf32, #tpu.memory_space<hbm>>) target(%dma_start3A_191 : memref<16x64xf32, #tpu.memory_space<vmem>>) offsets(%dma_start3A_194 : memref<16xi32, #tpu.memory_space<vmem>>) semaphore(%arg7 : memref<!tpu.dma_semaphore, #tpu.memory_space<semaphore_mem>>)
    %dma_start3A_198 = arith.constant 0 : i32
    %dma_start3A_199 = arith.constant 14 : i32
    %dma_start3A_200 = arith.constant 0 : i32
    %dma_start3A_201 = arith.constant 14 : i32
    %dma_start3A_202 = arith.constant 0 : i32
    %dma_start3A_203 = arith.constant 0 : i32
    %dma_start3A_204 = tpu.memref_slice %arg6[%dma_start3A_200, %dma_start3A_201, %dma_start3A_202, %dma_start3A_203] : memref<2x50x16x64xf32, #tpu.memory_space<vmem>> -> memref<1x1x16x64xf32, #tpu.memory_space<vmem>>
    %dma_start3A_205 = tpu.memref_squeeze %dma_start3A_204 : memref<1x1x16x64xf32, #tpu.memory_space<vmem>> -> memref<16x64xf32, #tpu.memory_space<vmem>>
    %dma_start3A_206 = arith.constant 0 : i32
    %dma_start3A_207 = tpu.memref_slice %arg5[%dma_start3A_198, %dma_start3A_199, %dma_start3A_206] : memref<2x50x16xi32, #tpu.memory_space<vmem>> -> memref<1x1x16xi32, #tpu.memory_space<vmem>>
    %dma_start3A_208 = tpu.memref_squeeze %dma_start3A_207 : memref<1x1x16xi32, #tpu.memory_space<vmem>> -> memref<16xi32, #tpu.memory_space<vmem>>
    %dma_start3A_209 = arith.constant 0 : i32
    %dma_start3A_210 = arith.constant 0 : i32
    %dma_start3A_211 = tpu.memref_slice %arg2[%dma_start3A_209, %dma_start3A_210] : memref<100000x64xf32, #tpu.memory_space<hbm>> -> memref<100000x64xf32, #tpu.memory_space<hbm>>
    tpu.enqueue_indirect_dma source(%dma_start3A_211 : memref<100000x64xf32, #tpu.memory_space<hbm>>) target(%dma_start3A_205 : memref<16x64xf32, #tpu.memory_space<vmem>>) offsets(%dma_start3A_208 : memref<16xi32, #tpu.memory_space<vmem>>) semaphore(%arg7 : memref<!tpu.dma_semaphore, #tpu.memory_space<semaphore_mem>>)
    %dma_start3A_212 = arith.constant 0 : i32
    %dma_start3A_213 = arith.constant 15 : i32
    %dma_start3A_214 = arith.constant 0 : i32
    %dma_start3A_215 = arith.constant 15 : i32
    %dma_start3A_216 = arith.constant 0 : i32
    %dma_start3A_217 = arith.constant 0 : i32
    %dma_start3A_218 = tpu.memref_slice %arg6[%dma_start3A_214, %dma_start3A_215, %dma_start3A_216, %dma_start3A_217] : memref<2x50x16x64xf32, #tpu.memory_space<vmem>> -> memref<1x1x16x64xf32, #tpu.memory_space<vmem>>
    %dma_start3A_219 = tpu.memref_squeeze %dma_start3A_218 : memref<1x1x16x64xf32, #tpu.memory_space<vmem>> -> memref<16x64xf32, #tpu.memory_space<vmem>>
    %dma_start3A_220 = arith.constant 0 : i32
    %dma_start3A_221 = tpu.memref_slice %arg5[%dma_start3A_212, %dma_start3A_213, %dma_start3A_220] : memref<2x50x16xi32, #tpu.memory_space<vmem>> -> memref<1x1x16xi32, #tpu.memory_space<vmem>>
    %dma_start3A_222 = tpu.memref_squeeze %dma_start3A_221 : memref<1x1x16xi32, #tpu.memory_space<vmem>> -> memref<16xi32, #tpu.memory_space<vmem>>
    %dma_start3A_223 = arith.constant 0 : i32
    %dma_start3A_224 = arith.constant 0 : i32
    %dma_start3A_225 = tpu.memref_slice %arg2[%dma_start3A_223, %dma_start3A_224] : memref<100000x64xf32, #tpu.memory_space<hbm>> -> memref<100000x64xf32, #tpu.memory_space<hbm>>
    tpu.enqueue_indirect_dma source(%dma_start3A_225 : memref<100000x64xf32, #tpu.memory_space<hbm>>) target(%dma_start3A_219 : memref<16x64xf32, #tpu.memory_space<vmem>>) offsets(%dma_start3A_222 : memref<16xi32, #tpu.memory_space<vmem>>) semaphore(%arg7 : memref<!tpu.dma_semaphore, #tpu.memory_space<semaphore_mem>>)
    %dma_start3A_226 = arith.constant 0 : i32
    %dma_start3A_227 = arith.constant 16 : i32
    %dma_start3A_228 = arith.constant 0 : i32
    %dma_start3A_229 = arith.constant 16 : i32
    %dma_start3A_230 = arith.constant 0 : i32
    %dma_start3A_231 = arith.constant 0 : i32
    %dma_start3A_232 = tpu.memref_slice %arg6[%dma_start3A_228, %dma_start3A_229, %dma_start3A_230, %dma_start3A_231] : memref<2x50x16x64xf32, #tpu.memory_space<vmem>> -> memref<1x1x16x64xf32, #tpu.memory_space<vmem>>
    %dma_start3A_233 = tpu.memref_squeeze %dma_start3A_232 : memref<1x1x16x64xf32, #tpu.memory_space<vmem>> -> memref<16x64xf32, #tpu.memory_space<vmem>>
    %dma_start3A_234 = arith.constant 0 : i32
    %dma_start3A_235 = tpu.memref_slice %arg5[%dma_start3A_226, %dma_start3A_227, %dma_start3A_234] : memref<2x50x16xi32, #tpu.memory_space<vmem>> -> memref<1x1x16xi32, #tpu.memory_space<vmem>>
    %dma_start3A_236 = tpu.memref_squeeze %dma_start3A_235 : memref<1x1x16xi32, #tpu.memory_space<vmem>> -> memref<16xi32, #tpu.memory_space<vmem>>
    %dma_start3A_237 = arith.constant 0 : i32
    %dma_start3A_238 = arith.constant 0 : i32
    %dma_start3A_239 = tpu.memref_slice %arg2[%dma_start3A_237, %dma_start3A_238] : memref<100000x64xf32, #tpu.memory_space<hbm>> -> memref<100000x64xf32, #tpu.memory_space<hbm>>
    tpu.enqueue_indirect_dma source(%dma_start3A_239 : memref<100000x64xf32, #tpu.memory_space<hbm>>) target(%dma_start3A_233 : memref<16x64xf32, #tpu.memory_space<vmem>>) offsets(%dma_start3A_236 : memref<16xi32, #tpu.memory_space<vmem>>) semaphore(%arg7 : memref<!tpu.dma_semaphore, #tpu.memory_space<semaphore_mem>>)
    %dma_start3A_240 = arith.constant 0 : i32
    %dma_start3A_241 = arith.constant 17 : i32
    %dma_start3A_242 = arith.constant 0 : i32
    %dma_start3A_243 = arith.constant 17 : i32
    %dma_start3A_244 = arith.constant 0 : i32
    %dma_start3A_245 = arith.constant 0 : i32
    %dma_start3A_246 = tpu.memref_slice %arg6[%dma_start3A_242, %dma_start3A_243, %dma_start3A_244, %dma_start3A_245] : memref<2x50x16x64xf32, #tpu.memory_space<vmem>> -> memref<1x1x16x64xf32, #tpu.memory_space<vmem>>
    %dma_start3A_247 = tpu.memref_squeeze %dma_start3A_246 : memref<1x1x16x64xf32, #tpu.memory_space<vmem>> -> memref<16x64xf32, #tpu.memory_space<vmem>>
    %dma_start3A_248 = arith.constant 0 : i32
    %dma_start3A_249 = tpu.memref_slice %arg5[%dma_start3A_240, %dma_start3A_241, %dma_start3A_248] : memref<2x50x16xi32, #tpu.memory_space<vmem>> -> memref<1x1x16xi32, #tpu.memory_space<vmem>>
    %dma_start3A_250 = tpu.memref_squeeze %dma_start3A_249 : memref<1x1x16xi32, #tpu.memory_space<vmem>> -> memref<16xi32, #tpu.memory_space<vmem>>
    %dma_start3A_251 = arith.constant 0 : i32
    %dma_start3A_252 = arith.constant 0 : i32
    %dma_start3A_253 = tpu.memref_slice %arg2[%dma_start3A_251, %dma_start3A_252] : memref<100000x64xf32, #tpu.memory_space<hbm>> -> memref<100000x64xf32, #tpu.memory_space<hbm>>
    tpu.enqueue_indirect_dma source(%dma_start3A_253 : memref<100000x64xf32, #tpu.memory_space<hbm>>) target(%dma_start3A_247 : memref<16x64xf32, #tpu.memory_space<vmem>>) offsets(%dma_start3A_250 : memref<16xi32, #tpu.memory_space<vmem>>) semaphore(%arg7 : memref<!tpu.dma_semaphore, #tpu.memory_space<semaphore_mem>>)
    %dma_start3A_254 = arith.constant 0 : i32
    %dma_start3A_255 = arith.constant 18 : i32
    %dma_start3A_256 = arith.constant 0 : i32
    %dma_start3A_257 = arith.constant 18 : i32
    %dma_start3A_258 = arith.constant 0 : i32
    %dma_start3A_259 = arith.constant 0 : i32
    %dma_start3A_260 = tpu.memref_slice %arg6[%dma_start3A_256, %dma_start3A_257, %dma_start3A_258, %dma_start3A_259] : memref<2x50x16x64xf32, #tpu.memory_space<vmem>> -> memref<1x1x16x64xf32, #tpu.memory_space<vmem>>
    %dma_start3A_261 = tpu.memref_squeeze %dma_start3A_260 : memref<1x1x16x64xf32, #tpu.memory_space<vmem>> -> memref<16x64xf32, #tpu.memory_space<vmem>>
    %dma_start3A_262 = arith.constant 0 : i32
    %dma_start3A_263 = tpu.memref_slice %arg5[%dma_start3A_254, %dma_start3A_255, %dma_start3A_262] : memref<2x50x16xi32, #tpu.memory_space<vmem>> -> memref<1x1x16xi32, #tpu.memory_space<vmem>>
    %dma_start3A_264 = tpu.memref_squeeze %dma_start3A_263 : memref<1x1x16xi32, #tpu.memory_space<vmem>> -> memref<16xi32, #tpu.memory_space<vmem>>
    %dma_start3A_265 = arith.constant 0 : i32
    %dma_start3A_266 = arith.constant 0 : i32
    %dma_start3A_267 = tpu.memref_slice %arg2[%dma_start3A_265, %dma_start3A_266] : memref<100000x64xf32, #tpu.memory_space<hbm>> -> memref<100000x64xf32, #tpu.memory_space<hbm>>
    tpu.enqueue_indirect_dma source(%dma_start3A_267 : memref<100000x64xf32, #tpu.memory_space<hbm>>) target(%dma_start3A_261 : memref<16x64xf32, #tpu.memory_space<vmem>>) offsets(%dma_start3A_264 : memref<16xi32, #tpu.memory_space<vmem>>) semaphore(%arg7 : memref<!tpu.dma_semaphore, #tpu.memory_space<semaphore_mem>>)
    %dma_start3A_268 = arith.constant 0 : i32
    %dma_start3A_269 = arith.constant 19 : i32
    %dma_start3A_270 = arith.constant 0 : i32
    %dma_start3A_271 = arith.constant 19 : i32
    %dma_start3A_272 = arith.constant 0 : i32
    %dma_start3A_273 = arith.constant 0 : i32
    %dma_start3A_274 = tpu.memref_slice %arg6[%dma_start3A_270, %dma_start3A_271, %dma_start3A_272, %dma_start3A_273] : memref<2x50x16x64xf32, #tpu.memory_space<vmem>> -> memref<1x1x16x64xf32, #tpu.memory_space<vmem>>
    %dma_start3A_275 = tpu.memref_squeeze %dma_start3A_274 : memref<1x1x16x64xf32, #tpu.memory_space<vmem>> -> memref<16x64xf32, #tpu.memory_space<vmem>>
    %dma_start3A_276 = arith.constant 0 : i32
    %dma_start3A_277 = tpu.memref_slice %arg5[%dma_start3A_268, %dma_start3A_269, %dma_start3A_276] : memref<2x50x16xi32, #tpu.memory_space<vmem>> -> memref<1x1x16xi32, #tpu.memory_space<vmem>>
    %dma_start3A_278 = tpu.memref_squeeze %dma_start3A_277 : memref<1x1x16xi32, #tpu.memory_space<vmem>> -> memref<16xi32, #tpu.memory_space<vmem>>
    %dma_start3A_279 = arith.constant 0 : i32
    %dma_start3A_280 = arith.constant 0 : i32
    %dma_start3A_281 = tpu.memref_slice %arg2[%dma_start3A_279, %dma_start3A_280] : memref<100000x64xf32, #tpu.memory_space<hbm>> -> memref<100000x64xf32, #tpu.memory_space<hbm>>
    tpu.enqueue_indirect_dma source(%dma_start3A_281 : memref<100000x64xf32, #tpu.memory_space<hbm>>) target(%dma_start3A_275 : memref<16x64xf32, #tpu.memory_space<vmem>>) offsets(%dma_start3A_278 : memref<16xi32, #tpu.memory_space<vmem>>) semaphore(%arg7 : memref<!tpu.dma_semaphore, #tpu.memory_space<semaphore_mem>>)
    %dma_start3A_282 = arith.constant 0 : i32
    %dma_start3A_283 = arith.constant 20 : i32
    %dma_start3A_284 = arith.constant 0 : i32
    %dma_start3A_285 = arith.constant 20 : i32
    %dma_start3A_286 = arith.constant 0 : i32
    %dma_start3A_287 = arith.constant 0 : i32
    %dma_start3A_288 = tpu.memref_slice %arg6[%dma_start3A_284, %dma_start3A_285, %dma_start3A_286, %dma_start3A_287] : memref<2x50x16x64xf32, #tpu.memory_space<vmem>> -> memref<1x1x16x64xf32, #tpu.memory_space<vmem>>
    %dma_start3A_289 = tpu.memref_squeeze %dma_start3A_288 : memref<1x1x16x64xf32, #tpu.memory_space<vmem>> -> memref<16x64xf32, #tpu.memory_space<vmem>>
    %dma_start3A_290 = arith.constant 0 : i32
    %dma_start3A_291 = tpu.memref_slice %arg5[%dma_start3A_282, %dma_start3A_283, %dma_start3A_290] : memref<2x50x16xi32, #tpu.memory_space<vmem>> -> memref<1x1x16xi32, #tpu.memory_space<vmem>>
    %dma_start3A_292 = tpu.memref_squeeze %dma_start3A_291 : memref<1x1x16xi32, #tpu.memory_space<vmem>> -> memref<16xi32, #tpu.memory_space<vmem>>
    %dma_start3A_293 = arith.constant 0 : i32
    %dma_start3A_294 = arith.constant 0 : i32
    %dma_start3A_295 = tpu.memref_slice %arg2[%dma_start3A_293, %dma_start3A_294] : memref<100000x64xf32, #tpu.memory_space<hbm>> -> memref<100000x64xf32, #tpu.memory_space<hbm>>
    tpu.enqueue_indirect_dma source(%dma_start3A_295 : memref<100000x64xf32, #tpu.memory_space<hbm>>) target(%dma_start3A_289 : memref<16x64xf32, #tpu.memory_space<vmem>>) offsets(%dma_start3A_292 : memref<16xi32, #tpu.memory_space<vmem>>) semaphore(%arg7 : memref<!tpu.dma_semaphore, #tpu.memory_space<semaphore_mem>>)
    %dma_start3A_296 = arith.constant 0 : i32
    %dma_start3A_297 = arith.constant 21 : i32
    %dma_start3A_298 = arith.constant 0 : i32
    %dma_start3A_299 = arith.constant 21 : i32
    %dma_start3A_300 = arith.constant 0 : i32
    %dma_start3A_301 = arith.constant 0 : i32
    %dma_start3A_302 = tpu.memref_slice %arg6[%dma_start3A_298, %dma_start3A_299, %dma_start3A_300, %dma_start3A_301] : memref<2x50x16x64xf32, #tpu.memory_space<vmem>> -> memref<1x1x16x64xf32, #tpu.memory_space<vmem>>
    %dma_start3A_303 = tpu.memref_squeeze %dma_start3A_302 : memref<1x1x16x64xf32, #tpu.memory_space<vmem>> -> memref<16x64xf32, #tpu.memory_space<vmem>>
    %dma_start3A_304 = arith.constant 0 : i32
    %dma_start3A_305 = tpu.memref_slice %arg5[%dma_start3A_296, %dma_start3A_297, %dma_start3A_304] : memref<2x50x16xi32, #tpu.memory_space<vmem>> -> memref<1x1x16xi32, #tpu.memory_space<vmem>>
    %dma_start3A_306 = tpu.memref_squeeze %dma_start3A_305 : memref<1x1x16xi32, #tpu.memory_space<vmem>> -> memref<16xi32, #tpu.memory_space<vmem>>
    %dma_start3A_307 = arith.constant 0 : i32
    %dma_start3A_308 = arith.constant 0 : i32
    %dma_start3A_309 = tpu.memref_slice %arg2[%dma_start3A_307, %dma_start3A_308] : memref<100000x64xf32, #tpu.memory_space<hbm>> -> memref<100000x64xf32, #tpu.memory_space<hbm>>
    tpu.enqueue_indirect_dma source(%dma_start3A_309 : memref<100000x64xf32, #tpu.memory_space<hbm>>) target(%dma_start3A_303 : memref<16x64xf32, #tpu.memory_space<vmem>>) offsets(%dma_start3A_306 : memref<16xi32, #tpu.memory_space<vmem>>) semaphore(%arg7 : memref<!tpu.dma_semaphore, #tpu.memory_space<semaphore_mem>>)
    %dma_start3A_310 = arith.constant 0 : i32
    %dma_start3A_311 = arith.constant 22 : i32
    %dma_start3A_312 = arith.constant 0 : i32
    %dma_start3A_313 = arith.constant 22 : i32
    %dma_start3A_314 = arith.constant 0 : i32
    %dma_start3A_315 = arith.constant 0 : i32
    %dma_start3A_316 = tpu.memref_slice %arg6[%dma_start3A_312, %dma_start3A_313, %dma_start3A_314, %dma_start3A_315] : memref<2x50x16x64xf32, #tpu.memory_space<vmem>> -> memref<1x1x16x64xf32, #tpu.memory_space<vmem>>
    %dma_start3A_317 = tpu.memref_squeeze %dma_start3A_316 : memref<1x1x16x64xf32, #tpu.memory_space<vmem>> -> memref<16x64xf32, #tpu.memory_space<vmem>>
    %dma_start3A_318 = arith.constant 0 : i32
    %dma_start3A_319 = tpu.memref_slice %arg5[%dma_start3A_310, %dma_start3A_311, %dma_start3A_318] : memref<2x50x16xi32, #tpu.memory_space<vmem>> -> memref<1x1x16xi32, #tpu.memory_space<vmem>>
    %dma_start3A_320 = tpu.memref_squeeze %dma_start3A_319 : memref<1x1x16xi32, #tpu.memory_space<vmem>> -> memref<16xi32, #tpu.memory_space<vmem>>
    %dma_start3A_321 = arith.constant 0 : i32
    %dma_start3A_322 = arith.constant 0 : i32
    %dma_start3A_323 = tpu.memref_slice %arg2[%dma_start3A_321, %dma_start3A_322] : memref<100000x64xf32, #tpu.memory_space<hbm>> -> memref<100000x64xf32, #tpu.memory_space<hbm>>
    tpu.enqueue_indirect_dma source(%dma_start3A_323 : memref<100000x64xf32, #tpu.memory_space<hbm>>) target(%dma_start3A_317 : memref<16x64xf32, #tpu.memory_space<vmem>>) offsets(%dma_start3A_320 : memref<16xi32, #tpu.memory_space<vmem>>) semaphore(%arg7 : memref<!tpu.dma_semaphore, #tpu.memory_space<semaphore_mem>>)
    %dma_start3A_324 = arith.constant 0 : i32
    %dma_start3A_325 = arith.constant 23 : i32
    %dma_start3A_326 = arith.constant 0 : i32
    %dma_start3A_327 = arith.constant 23 : i32
    %dma_start3A_328 = arith.constant 0 : i32
    %dma_start3A_329 = arith.constant 0 : i32
    %dma_start3A_330 = tpu.memref_slice %arg6[%dma_start3A_326, %dma_start3A_327, %dma_start3A_328, %dma_start3A_329] : memref<2x50x16x64xf32, #tpu.memory_space<vmem>> -> memref<1x1x16x64xf32, #tpu.memory_space<vmem>>
    %dma_start3A_331 = tpu.memref_squeeze %dma_start3A_330 : memref<1x1x16x64xf32, #tpu.memory_space<vmem>> -> memref<16x64xf32, #tpu.memory_space<vmem>>
    %dma_start3A_332 = arith.constant 0 : i32
    %dma_start3A_333 = tpu.memref_slice %arg5[%dma_start3A_324, %dma_start3A_325, %dma_start3A_332] : memref<2x50x16xi32, #tpu.memory_space<vmem>> -> memref<1x1x16xi32, #tpu.memory_space<vmem>>
    %dma_start3A_334 = tpu.memref_squeeze %dma_start3A_333 : memref<1x1x16xi32, #tpu.memory_space<vmem>> -> memref<16xi32, #tpu.memory_space<vmem>>
    %dma_start3A_335 = arith.constant 0 : i32
    %dma_start3A_336 = arith.constant 0 : i32
    %dma_start3A_337 = tpu.memref_slice %arg2[%dma_start3A_335, %dma_start3A_336] : memref<100000x64xf32, #tpu.memory_space<hbm>> -> memref<100000x64xf32, #tpu.memory_space<hbm>>
    tpu.enqueue_indirect_dma source(%dma_start3A_337 : memref<100000x64xf32, #tpu.memory_space<hbm>>) target(%dma_start3A_331 : memref<16x64xf32, #tpu.memory_space<vmem>>) offsets(%dma_start3A_334 : memref<16xi32, #tpu.memory_space<vmem>>) semaphore(%arg7 : memref<!tpu.dma_semaphore, #tpu.memory_space<semaphore_mem>>)
    %dma_start3A_338 = arith.constant 0 : i32
    %dma_start3A_339 = arith.constant 24 : i32
    %dma_start3A_340 = arith.constant 0 : i32
    %dma_start3A_341 = arith.constant 24 : i32
    %dma_start3A_342 = arith.constant 0 : i32
    %dma_start3A_343 = arith.constant 0 : i32
    %dma_start3A_344 = tpu.memref_slice %arg6[%dma_start3A_340, %dma_start3A_341, %dma_start3A_342, %dma_start3A_343] : memref<2x50x16x64xf32, #tpu.memory_space<vmem>> -> memref<1x1x16x64xf32, #tpu.memory_space<vmem>>
    %dma_start3A_345 = tpu.memref_squeeze %dma_start3A_344 : memref<1x1x16x64xf32, #tpu.memory_space<vmem>> -> memref<16x64xf32, #tpu.memory_space<vmem>>
    %dma_start3A_346 = arith.constant 0 : i32
    %dma_start3A_347 = tpu.memref_slice %arg5[%dma_start3A_338, %dma_start3A_339, %dma_start3A_346] : memref<2x50x16xi32, #tpu.memory_space<vmem>> -> memref<1x1x16xi32, #tpu.memory_space<vmem>>
    %dma_start3A_348 = tpu.memref_squeeze %dma_start3A_347 : memref<1x1x16xi32, #tpu.memory_space<vmem>> -> memref<16xi32, #tpu.memory_space<vmem>>
    %dma_start3A_349 = arith.constant 0 : i32
    %dma_start3A_350 = arith.constant 0 : i32
    %dma_start3A_351 = tpu.memref_slice %arg2[%dma_start3A_349, %dma_start3A_350] : memref<100000x64xf32, #tpu.memory_space<hbm>> -> memref<100000x64xf32, #tpu.memory_space<hbm>>
    tpu.enqueue_indirect_dma source(%dma_start3A_351 : memref<100000x64xf32, #tpu.memory_space<hbm>>) target(%dma_start3A_345 : memref<16x64xf32, #tpu.memory_space<vmem>>) offsets(%dma_start3A_348 : memref<16xi32, #tpu.memory_space<vmem>>) semaphore(%arg7 : memref<!tpu.dma_semaphore, #tpu.memory_space<semaphore_mem>>)
    %dma_start3A_352 = arith.constant 0 : i32
    %dma_start3A_353 = arith.constant 25 : i32
    %dma_start3A_354 = arith.constant 0 : i32
    %dma_start3A_355 = arith.constant 25 : i32
    %dma_start3A_356 = arith.constant 0 : i32
    %dma_start3A_357 = arith.constant 0 : i32
    %dma_start3A_358 = tpu.memref_slice %arg6[%dma_start3A_354, %dma_start3A_355, %dma_start3A_356, %dma_start3A_357] : memref<2x50x16x64xf32, #tpu.memory_space<vmem>> -> memref<1x1x16x64xf32, #tpu.memory_space<vmem>>
    %dma_start3A_359 = tpu.memref_squeeze %dma_start3A_358 : memref<1x1x16x64xf32, #tpu.memory_space<vmem>> -> memref<16x64xf32, #tpu.memory_space<vmem>>
    %dma_start3A_360 = arith.constant 0 : i32
    %dma_start3A_361 = tpu.memref_slice %arg5[%dma_start3A_352, %dma_start3A_353, %dma_start3A_360] : memref<2x50x16xi32, #tpu.memory_space<vmem>> -> memref<1x1x16xi32, #tpu.memory_space<vmem>>
    %dma_start3A_362 = tpu.memref_squeeze %dma_start3A_361 : memref<1x1x16xi32, #tpu.memory_space<vmem>> -> memref<16xi32, #tpu.memory_space<vmem>>
    %dma_start3A_363 = arith.constant 0 : i32
    %dma_start3A_364 = arith.constant 0 : i32
    %dma_start3A_365 = tpu.memref_slice %arg2[%dma_start3A_363, %dma_start3A_364] : memref<100000x64xf32, #tpu.memory_space<hbm>> -> memref<100000x64xf32, #tpu.memory_space<hbm>>
    tpu.enqueue_indirect_dma source(%dma_start3A_365 : memref<100000x64xf32, #tpu.memory_space<hbm>>) target(%dma_start3A_359 : memref<16x64xf32, #tpu.memory_space<vmem>>) offsets(%dma_start3A_362 : memref<16xi32, #tpu.memory_space<vmem>>) semaphore(%arg7 : memref<!tpu.dma_semaphore, #tpu.memory_space<semaphore_mem>>)
    %dma_start3A_366 = arith.constant 0 : i32
    %dma_start3A_367 = arith.constant 26 : i32
    %dma_start3A_368 = arith.constant 0 : i32
    %dma_start3A_369 = arith.constant 26 : i32
    %dma_start3A_370 = arith.constant 0 : i32
    %dma_start3A_371 = arith.constant 0 : i32
    %dma_start3A_372 = tpu.memref_slice %arg6[%dma_start3A_368, %dma_start3A_369, %dma_start3A_370, %dma_start3A_371] : memref<2x50x16x64xf32, #tpu.memory_space<vmem>> -> memref<1x1x16x64xf32, #tpu.memory_space<vmem>>
    %dma_start3A_373 = tpu.memref_squeeze %dma_start3A_372 : memref<1x1x16x64xf32, #tpu.memory_space<vmem>> -> memref<16x64xf32, #tpu.memory_space<vmem>>
    %dma_start3A_374 = arith.constant 0 : i32
    %dma_start3A_375 = tpu.memref_slice %arg5[%dma_start3A_366, %dma_start3A_367, %dma_start3A_374] : memref<2x50x16xi32, #tpu.memory_space<vmem>> -> memref<1x1x16xi32, #tpu.memory_space<vmem>>
    %dma_start3A_376 = tpu.memref_squeeze %dma_start3A_375 : memref<1x1x16xi32, #tpu.memory_space<vmem>> -> memref<16xi32, #tpu.memory_space<vmem>>
    %dma_start3A_377 = arith.constant 0 : i32
    %dma_start3A_378 = arith.constant 0 : i32
    %dma_start3A_379 = tpu.memref_slice %arg2[%dma_start3A_377, %dma_start3A_378] : memref<100000x64xf32, #tpu.memory_space<hbm>> -> memref<100000x64xf32, #tpu.memory_space<hbm>>
    tpu.enqueue_indirect_dma source(%dma_start3A_379 : memref<100000x64xf32, #tpu.memory_space<hbm>>) target(%dma_start3A_373 : memref<16x64xf32, #tpu.memory_space<vmem>>) offsets(%dma_start3A_376 : memref<16xi32, #tpu.memory_space<vmem>>) semaphore(%arg7 : memref<!tpu.dma_semaphore, #tpu.memory_space<semaphore_mem>>)
    %dma_start3A_380 = arith.constant 0 : i32
    %dma_start3A_381 = arith.constant 27 : i32
    %dma_start3A_382 = arith.constant 0 : i32
    %dma_start3A_383 = arith.constant 27 : i32
    %dma_start3A_384 = arith.constant 0 : i32
    %dma_start3A_385 = arith.constant 0 : i32
    %dma_start3A_386 = tpu.memref_slice %arg6[%dma_start3A_382, %dma_start3A_383, %dma_start3A_384, %dma_start3A_385] : memref<2x50x16x64xf32, #tpu.memory_space<vmem>> -> memref<1x1x16x64xf32, #tpu.memory_space<vmem>>
    %dma_start3A_387 = tpu.memref_squeeze %dma_start3A_386 : memref<1x1x16x64xf32, #tpu.memory_space<vmem>> -> memref<16x64xf32, #tpu.memory_space<vmem>>
    %dma_start3A_388 = arith.constant 0 : i32
    %dma_start3A_389 = tpu.memref_slice %arg5[%dma_start3A_380, %dma_start3A_381, %dma_start3A_388] : memref<2x50x16xi32, #tpu.memory_space<vmem>> -> memref<1x1x16xi32, #tpu.memory_space<vmem>>
    %dma_start3A_390 = tpu.memref_squeeze %dma_start3A_389 : memref<1x1x16xi32, #tpu.memory_space<vmem>> -> memref<16xi32, #tpu.memory_space<vmem>>
    %dma_start3A_391 = arith.constant 0 : i32
    %dma_start3A_392 = arith.constant 0 : i32
    %dma_start3A_393 = tpu.memref_slice %arg2[%dma_start3A_391, %dma_start3A_392] : memref<100000x64xf32, #tpu.memory_space<hbm>> -> memref<100000x64xf32, #tpu.memory_space<hbm>>
    tpu.enqueue_indirect_dma source(%dma_start3A_393 : memref<100000x64xf32, #tpu.memory_space<hbm>>) target(%dma_start3A_387 : memref<16x64xf32, #tpu.memory_space<vmem>>) offsets(%dma_start3A_390 : memref<16xi32, #tpu.memory_space<vmem>>) semaphore(%arg7 : memref<!tpu.dma_semaphore, #tpu.memory_space<semaphore_mem>>)
    %dma_start3A_394 = arith.constant 0 : i32
    %dma_start3A_395 = arith.constant 28 : i32
    %dma_start3A_396 = arith.constant 0 : i32
    %dma_start3A_397 = arith.constant 28 : i32
    %dma_start3A_398 = arith.constant 0 : i32
    %dma_start3A_399 = arith.constant 0 : i32
    %dma_start3A_400 = tpu.memref_slice %arg6[%dma_start3A_396, %dma_start3A_397, %dma_start3A_398, %dma_start3A_399] : memref<2x50x16x64xf32, #tpu.memory_space<vmem>> -> memref<1x1x16x64xf32, #tpu.memory_space<vmem>>
    %dma_start3A_401 = tpu.memref_squeeze %dma_start3A_400 : memref<1x1x16x64xf32, #tpu.memory_space<vmem>> -> memref<16x64xf32, #tpu.memory_space<vmem>>
    %dma_start3A_402 = arith.constant 0 : i32
    %dma_start3A_403 = tpu.memref_slice %arg5[%dma_start3A_394, %dma_start3A_395, %dma_start3A_402] : memref<2x50x16xi32, #tpu.memory_space<vmem>> -> memref<1x1x16xi32, #tpu.memory_space<vmem>>
    %dma_start3A_404 = tpu.memref_squeeze %dma_start3A_403 : memref<1x1x16xi32, #tpu.memory_space<vmem>> -> memref<16xi32, #tpu.memory_space<vmem>>
    %dma_start3A_405 = arith.constant 0 : i32
    %dma_start3A_406 = arith.constant 0 : i32
    %dma_start3A_407 = tpu.memref_slice %arg2[%dma_start3A_405, %dma_start3A_406] : memref<100000x64xf32, #tpu.memory_space<hbm>> -> memref<100000x64xf32, #tpu.memory_space<hbm>>
    tpu.enqueue_indirect_dma source(%dma_start3A_407 : memref<100000x64xf32, #tpu.memory_space<hbm>>) target(%dma_start3A_401 : memref<16x64xf32, #tpu.memory_space<vmem>>) offsets(%dma_start3A_404 : memref<16xi32, #tpu.memory_space<vmem>>) semaphore(%arg7 : memref<!tpu.dma_semaphore, #tpu.memory_space<semaphore_mem>>)
    %dma_start3A_408 = arith.constant 0 : i32
    %dma_start3A_409 = arith.constant 29 : i32
    %dma_start3A_410 = arith.constant 0 : i32
    %dma_start3A_411 = arith.constant 29 : i32
    %dma_start3A_412 = arith.constant 0 : i32
    %dma_start3A_413 = arith.constant 0 : i32
    %dma_start3A_414 = tpu.memref_slice %arg6[%dma_start3A_410, %dma_start3A_411, %dma_start3A_412, %dma_start3A_413] : memref<2x50x16x64xf32, #tpu.memory_space<vmem>> -> memref<1x1x16x64xf32, #tpu.memory_space<vmem>>
    %dma_start3A_415 = tpu.memref_squeeze %dma_start3A_414 : memref<1x1x16x64xf32, #tpu.memory_space<vmem>> -> memref<16x64xf32, #tpu.memory_space<vmem>>
    %dma_start3A_416 = arith.constant 0 : i32
    %dma_start3A_417 = tpu.memref_slice %arg5[%dma_start3A_408, %dma_start3A_409, %dma_start3A_416] : memref<2x50x16xi32, #tpu.memory_space<vmem>> -> memref<1x1x16xi32, #tpu.memory_space<vmem>>
    %dma_start3A_418 = tpu.memref_squeeze %dma_start3A_417 : memref<1x1x16xi32, #tpu.memory_space<vmem>> -> memref<16xi32, #tpu.memory_space<vmem>>
    %dma_start3A_419 = arith.constant 0 : i32
    %dma_start3A_420 = arith.constant 0 : i32
    %dma_start3A_421 = tpu.memref_slice %arg2[%dma_start3A_419, %dma_start3A_420] : memref<100000x64xf32, #tpu.memory_space<hbm>> -> memref<100000x64xf32, #tpu.memory_space<hbm>>
    tpu.enqueue_indirect_dma source(%dma_start3A_421 : memref<100000x64xf32, #tpu.memory_space<hbm>>) target(%dma_start3A_415 : memref<16x64xf32, #tpu.memory_space<vmem>>) offsets(%dma_start3A_418 : memref<16xi32, #tpu.memory_space<vmem>>) semaphore(%arg7 : memref<!tpu.dma_semaphore, #tpu.memory_space<semaphore_mem>>)
    %dma_start3A_422 = arith.constant 0 : i32
    %dma_start3A_423 = arith.constant 30 : i32
    %dma_start3A_424 = arith.constant 0 : i32
    %dma_start3A_425 = arith.constant 30 : i32
    %dma_start3A_426 = arith.constant 0 : i32
    %dma_start3A_427 = arith.constant 0 : i32
    %dma_start3A_428 = tpu.memref_slice %arg6[%dma_start3A_424, %dma_start3A_425, %dma_start3A_426, %dma_start3A_427] : memref<2x50x16x64xf32, #tpu.memory_space<vmem>> -> memref<1x1x16x64xf32, #tpu.memory_space<vmem>>
    %dma_start3A_429 = tpu.memref_squeeze %dma_start3A_428 : memref<1x1x16x64xf32, #tpu.memory_space<vmem>> -> memref<16x64xf32, #tpu.memory_space<vmem>>
    %dma_start3A_430 = arith.constant 0 : i32
    %dma_start3A_431 = tpu.memref_slice %arg5[%dma_start3A_422, %dma_start3A_423, %dma_start3A_430] : memref<2x50x16xi32, #tpu.memory_space<vmem>> -> memref<1x1x16xi32, #tpu.memory_space<vmem>>
    %dma_start3A_432 = tpu.memref_squeeze %dma_start3A_431 : memref<1x1x16xi32, #tpu.memory_space<vmem>> -> memref<16xi32, #tpu.memory_space<vmem>>
    %dma_start3A_433 = arith.constant 0 : i32
    %dma_start3A_434 = arith.constant 0 : i32
    %dma_start3A_435 = tpu.memref_slice %arg2[%dma_start3A_433, %dma_start3A_434] : memref<100000x64xf32, #tpu.memory_space<hbm>> -> memref<100000x64xf32, #tpu.memory_space<hbm>>
    tpu.enqueue_indirect_dma source(%dma_start3A_435 : memref<100000x64xf32, #tpu.memory_space<hbm>>) target(%dma_start3A_429 : memref<16x64xf32, #tpu.memory_space<vmem>>) offsets(%dma_start3A_432 : memref<16xi32, #tpu.memory_space<vmem>>) semaphore(%arg7 : memref<!tpu.dma_semaphore, #tpu.memory_space<semaphore_mem>>)
    %dma_start3A_436 = arith.constant 0 : i32
    %dma_start3A_437 = arith.constant 31 : i32
    %dma_start3A_438 = arith.constant 0 : i32
    %dma_start3A_439 = arith.constant 31 : i32
    %dma_start3A_440 = arith.constant 0 : i32
    %dma_start3A_441 = arith.constant 0 : i32
    %dma_start3A_442 = tpu.memref_slice %arg6[%dma_start3A_438, %dma_start3A_439, %dma_start3A_440, %dma_start3A_441] : memref<2x50x16x64xf32, #tpu.memory_space<vmem>> -> memref<1x1x16x64xf32, #tpu.memory_space<vmem>>
    %dma_start3A_443 = tpu.memref_squeeze %dma_start3A_442 : memref<1x1x16x64xf32, #tpu.memory_space<vmem>> -> memref<16x64xf32, #tpu.memory_space<vmem>>
    %dma_start3A_444 = arith.constant 0 : i32
    %dma_start3A_445 = tpu.memref_slice %arg5[%dma_start3A_436, %dma_start3A_437, %dma_start3A_444] : memref<2x50x16xi32, #tpu.memory_space<vmem>> -> memref<1x1x16xi32, #tpu.memory_space<vmem>>
    %dma_start3A_446 = tpu.memref_squeeze %dma_start3A_445 : memref<1x1x16xi32, #tpu.memory_space<vmem>> -> memref<16xi32, #tpu.memory_space<vmem>>
    %dma_start3A_447 = arith.constant 0 : i32
    %dma_start3A_448 = arith.constant 0 : i32
    %dma_start3A_449 = tpu.memref_slice %arg2[%dma_start3A_447, %dma_start3A_448] : memref<100000x64xf32, #tpu.memory_space<hbm>> -> memref<100000x64xf32, #tpu.memory_space<hbm>>
    tpu.enqueue_indirect_dma source(%dma_start3A_449 : memref<100000x64xf32, #tpu.memory_space<hbm>>) target(%dma_start3A_443 : memref<16x64xf32, #tpu.memory_space<vmem>>) offsets(%dma_start3A_446 : memref<16xi32, #tpu.memory_space<vmem>>) semaphore(%arg7 : memref<!tpu.dma_semaphore, #tpu.memory_space<semaphore_mem>>)
    %dma_start3A_450 = arith.constant 0 : i32
    %dma_start3A_451 = arith.constant 32 : i32
    %dma_start3A_452 = arith.constant 0 : i32
    %dma_start3A_453 = arith.constant 32 : i32
    %dma_start3A_454 = arith.constant 0 : i32
    %dma_start3A_455 = arith.constant 0 : i32
    %dma_start3A_456 = tpu.memref_slice %arg6[%dma_start3A_452, %dma_start3A_453, %dma_start3A_454, %dma_start3A_455] : memref<2x50x16x64xf32, #tpu.memory_space<vmem>> -> memref<1x1x16x64xf32, #tpu.memory_space<vmem>>
    %dma_start3A_457 = tpu.memref_squeeze %dma_start3A_456 : memref<1x1x16x64xf32, #tpu.memory_space<vmem>> -> memref<16x64xf32, #tpu.memory_space<vmem>>
    %dma_start3A_458 = arith.constant 0 : i32
    %dma_start3A_459 = tpu.memref_slice %arg5[%dma_start3A_450, %dma_start3A_451, %dma_start3A_458] : memref<2x50x16xi32, #tpu.memory_space<vmem>> -> memref<1x1x16xi32, #tpu.memory_space<vmem>>
    %dma_start3A_460 = tpu.memref_squeeze %dma_start3A_459 : memref<1x1x16xi32, #tpu.memory_space<vmem>> -> memref<16xi32, #tpu.memory_space<vmem>>
    %dma_start3A_461 = arith.constant 0 : i32
    %dma_start3A_462 = arith.constant 0 : i32
    %dma_start3A_463 = tpu.memref_slice %arg2[%dma_start3A_461, %dma_start3A_462] : memref<100000x64xf32, #tpu.memory_space<hbm>> -> memref<100000x64xf32, #tpu.memory_space<hbm>>
    tpu.enqueue_indirect_dma source(%dma_start3A_463 : memref<100000x64xf32, #tpu.memory_space<hbm>>) target(%dma_start3A_457 : memref<16x64xf32, #tpu.memory_space<vmem>>) offsets(%dma_start3A_460 : memref<16xi32, #tpu.memory_space<vmem>>) semaphore(%arg7 : memref<!tpu.dma_semaphore, #tpu.memory_space<semaphore_mem>>)
    %dma_start3A_464 = arith.constant 0 : i32
    %dma_start3A_465 = arith.constant 33 : i32
    %dma_start3A_466 = arith.constant 0 : i32
    %dma_start3A_467 = arith.constant 33 : i32
    %dma_start3A_468 = arith.constant 0 : i32
    %dma_start3A_469 = arith.constant 0 : i32
    %dma_start3A_470 = tpu.memref_slice %arg6[%dma_start3A_466, %dma_start3A_467, %dma_start3A_468, %dma_start3A_469] : memref<2x50x16x64xf32, #tpu.memory_space<vmem>> -> memref<1x1x16x64xf32, #tpu.memory_space<vmem>>
    %dma_start3A_471 = tpu.memref_squeeze %dma_start3A_470 : memref<1x1x16x64xf32, #tpu.memory_space<vmem>> -> memref<16x64xf32, #tpu.memory_space<vmem>>
    %dma_start3A_472 = arith.constant 0 : i32
    %dma_start3A_473 = tpu.memref_slice %arg5[%dma_start3A_464, %dma_start3A_465, %dma_start3A_472] : memref<2x50x16xi32, #tpu.memory_space<vmem>> -> memref<1x1x16xi32, #tpu.memory_space<vmem>>
    %dma_start3A_474 = tpu.memref_squeeze %dma_start3A_473 : memref<1x1x16xi32, #tpu.memory_space<vmem>> -> memref<16xi32, #tpu.memory_space<vmem>>
    %dma_start3A_475 = arith.constant 0 : i32
    %dma_start3A_476 = arith.constant 0 : i32
    %dma_start3A_477 = tpu.memref_slice %arg2[%dma_start3A_475, %dma_start3A_476] : memref<100000x64xf32, #tpu.memory_space<hbm>> -> memref<100000x64xf32, #tpu.memory_space<hbm>>
    tpu.enqueue_indirect_dma source(%dma_start3A_477 : memref<100000x64xf32, #tpu.memory_space<hbm>>) target(%dma_start3A_471 : memref<16x64xf32, #tpu.memory_space<vmem>>) offsets(%dma_start3A_474 : memref<16xi32, #tpu.memory_space<vmem>>) semaphore(%arg7 : memref<!tpu.dma_semaphore, #tpu.memory_space<semaphore_mem>>)
    %dma_start3A_478 = arith.constant 0 : i32
    %dma_start3A_479 = arith.constant 34 : i32
    %dma_start3A_480 = arith.constant 0 : i32
    %dma_start3A_481 = arith.constant 34 : i32
    %dma_start3A_482 = arith.constant 0 : i32
    %dma_start3A_483 = arith.constant 0 : i32
    %dma_start3A_484 = tpu.memref_slice %arg6[%dma_start3A_480, %dma_start3A_481, %dma_start3A_482, %dma_start3A_483] : memref<2x50x16x64xf32, #tpu.memory_space<vmem>> -> memref<1x1x16x64xf32, #tpu.memory_space<vmem>>
    %dma_start3A_485 = tpu.memref_squeeze %dma_start3A_484 : memref<1x1x16x64xf32, #tpu.memory_space<vmem>> -> memref<16x64xf32, #tpu.memory_space<vmem>>
    %dma_start3A_486 = arith.constant 0 : i32
    %dma_start3A_487 = tpu.memref_slice %arg5[%dma_start3A_478, %dma_start3A_479, %dma_start3A_486] : memref<2x50x16xi32, #tpu.memory_space<vmem>> -> memref<1x1x16xi32, #tpu.memory_space<vmem>>
    %dma_start3A_488 = tpu.memref_squeeze %dma_start3A_487 : memref<1x1x16xi32, #tpu.memory_space<vmem>> -> memref<16xi32, #tpu.memory_space<vmem>>
    %dma_start3A_489 = arith.constant 0 : i32
    %dma_start3A_490 = arith.constant 0 : i32
    %dma_start3A_491 = tpu.memref_slice %arg2[%dma_start3A_489, %dma_start3A_490] : memref<100000x64xf32, #tpu.memory_space<hbm>> -> memref<100000x64xf32, #tpu.memory_space<hbm>>
    tpu.enqueue_indirect_dma source(%dma_start3A_491 : memref<100000x64xf32, #tpu.memory_space<hbm>>) target(%dma_start3A_485 : memref<16x64xf32, #tpu.memory_space<vmem>>) offsets(%dma_start3A_488 : memref<16xi32, #tpu.memory_space<vmem>>) semaphore(%arg7 : memref<!tpu.dma_semaphore, #tpu.memory_space<semaphore_mem>>)
    %dma_start3A_492 = arith.constant 0 : i32
    %dma_start3A_493 = arith.constant 35 : i32
    %dma_start3A_494 = arith.constant 0 : i32
    %dma_start3A_495 = arith.constant 35 : i32
    %dma_start3A_496 = arith.constant 0 : i32
    %dma_start3A_497 = arith.constant 0 : i32
    %dma_start3A_498 = tpu.memref_slice %arg6[%dma_start3A_494, %dma_start3A_495, %dma_start3A_496, %dma_start3A_497] : memref<2x50x16x64xf32, #tpu.memory_space<vmem>> -> memref<1x1x16x64xf32, #tpu.memory_space<vmem>>
    %dma_start3A_499 = tpu.memref_squeeze %dma_start3A_498 : memref<1x1x16x64xf32, #tpu.memory_space<vmem>> -> memref<16x64xf32, #tpu.memory_space<vmem>>
    %dma_start3A_500 = arith.constant 0 : i32
    %dma_start3A_501 = tpu.memref_slice %arg5[%dma_start3A_492, %dma_start3A_493, %dma_start3A_500] : memref<2x50x16xi32, #tpu.memory_space<vmem>> -> memref<1x1x16xi32, #tpu.memory_space<vmem>>
    %dma_start3A_502 = tpu.memref_squeeze %dma_start3A_501 : memref<1x1x16xi32, #tpu.memory_space<vmem>> -> memref<16xi32, #tpu.memory_space<vmem>>
    %dma_start3A_503 = arith.constant 0 : i32
    %dma_start3A_504 = arith.constant 0 : i32
    %dma_start3A_505 = tpu.memref_slice %arg2[%dma_start3A_503, %dma_start3A_504] : memref<100000x64xf32, #tpu.memory_space<hbm>> -> memref<100000x64xf32, #tpu.memory_space<hbm>>
    tpu.enqueue_indirect_dma source(%dma_start3A_505 : memref<100000x64xf32, #tpu.memory_space<hbm>>) target(%dma_start3A_499 : memref<16x64xf32, #tpu.memory_space<vmem>>) offsets(%dma_start3A_502 : memref<16xi32, #tpu.memory_space<vmem>>) semaphore(%arg7 : memref<!tpu.dma_semaphore, #tpu.memory_space<semaphore_mem>>)
    %dma_start3A_506 = arith.constant 0 : i32
    %dma_start3A_507 = arith.constant 36 : i32
    %dma_start3A_508 = arith.constant 0 : i32
    %dma_start3A_509 = arith.constant 36 : i32
    %dma_start3A_510 = arith.constant 0 : i32
    %dma_start3A_511 = arith.constant 0 : i32
    %dma_start3A_512 = tpu.memref_slice %arg6[%dma_start3A_508, %dma_start3A_509, %dma_start3A_510, %dma_start3A_511] : memref<2x50x16x64xf32, #tpu.memory_space<vmem>> -> memref<1x1x16x64xf32, #tpu.memory_space<vmem>>
    %dma_start3A_513 = tpu.memref_squeeze %dma_start3A_512 : memref<1x1x16x64xf32, #tpu.memory_space<vmem>> -> memref<16x64xf32, #tpu.memory_space<vmem>>
    %dma_start3A_514 = arith.constant 0 : i32
    %dma_start3A_515 = tpu.memref_slice %arg5[%dma_start3A_506, %dma_start3A_507, %dma_start3A_514] : memref<2x50x16xi32, #tpu.memory_space<vmem>> -> memref<1x1x16xi32, #tpu.memory_space<vmem>>
    %dma_start3A_516 = tpu.memref_squeeze %dma_start3A_515 : memref<1x1x16xi32, #tpu.memory_space<vmem>> -> memref<16xi32, #tpu.memory_space<vmem>>
    %dma_start3A_517 = arith.constant 0 : i32
    %dma_start3A_518 = arith.constant 0 : i32
    %dma_start3A_519 = tpu.memref_slice %arg2[%dma_start3A_517, %dma_start3A_518] : memref<100000x64xf32, #tpu.memory_space<hbm>> -> memref<100000x64xf32, #tpu.memory_space<hbm>>
    tpu.enqueue_indirect_dma source(%dma_start3A_519 : memref<100000x64xf32, #tpu.memory_space<hbm>>) target(%dma_start3A_513 : memref<16x64xf32, #tpu.memory_space<vmem>>) offsets(%dma_start3A_516 : memref<16xi32, #tpu.memory_space<vmem>>) semaphore(%arg7 : memref<!tpu.dma_semaphore, #tpu.memory_space<semaphore_mem>>)
    %dma_start3A_520 = arith.constant 0 : i32
    %dma_start3A_521 = arith.constant 37 : i32
    %dma_start3A_522 = arith.constant 0 : i32
    %dma_start3A_523 = arith.constant 37 : i32
    %dma_start3A_524 = arith.constant 0 : i32
    %dma_start3A_525 = arith.constant 0 : i32
    %dma_start3A_526 = tpu.memref_slice %arg6[%dma_start3A_522, %dma_start3A_523, %dma_start3A_524, %dma_start3A_525] : memref<2x50x16x64xf32, #tpu.memory_space<vmem>> -> memref<1x1x16x64xf32, #tpu.memory_space<vmem>>
    %dma_start3A_527 = tpu.memref_squeeze %dma_start3A_526 : memref<1x1x16x64xf32, #tpu.memory_space<vmem>> -> memref<16x64xf32, #tpu.memory_space<vmem>>
    %dma_start3A_528 = arith.constant 0 : i32
    %dma_start3A_529 = tpu.memref_slice %arg5[%dma_start3A_520, %dma_start3A_521, %dma_start3A_528] : memref<2x50x16xi32, #tpu.memory_space<vmem>> -> memref<1x1x16xi32, #tpu.memory_space<vmem>>
    %dma_start3A_530 = tpu.memref_squeeze %dma_start3A_529 : memref<1x1x16xi32, #tpu.memory_space<vmem>> -> memref<16xi32, #tpu.memory_space<vmem>>
    %dma_start3A_531 = arith.constant 0 : i32
    %dma_start3A_532 = arith.constant 0 : i32
    %dma_start3A_533 = tpu.memref_slice %arg2[%dma_start3A_531, %dma_start3A_532] : memref<100000x64xf32, #tpu.memory_space<hbm>> -> memref<100000x64xf32, #tpu.memory_space<hbm>>
    tpu.enqueue_indirect_dma source(%dma_start3A_533 : memref<100000x64xf32, #tpu.memory_space<hbm>>) target(%dma_start3A_527 : memref<16x64xf32, #tpu.memory_space<vmem>>) offsets(%dma_start3A_530 : memref<16xi32, #tpu.memory_space<vmem>>) semaphore(%arg7 : memref<!tpu.dma_semaphore, #tpu.memory_space<semaphore_mem>>)
    %dma_start3A_534 = arith.constant 0 : i32
    %dma_start3A_535 = arith.constant 38 : i32
    %dma_start3A_536 = arith.constant 0 : i32
    %dma_start3A_537 = arith.constant 38 : i32
    %dma_start3A_538 = arith.constant 0 : i32
    %dma_start3A_539 = arith.constant 0 : i32
    %dma_start3A_540 = tpu.memref_slice %arg6[%dma_start3A_536, %dma_start3A_537, %dma_start3A_538, %dma_start3A_539] : memref<2x50x16x64xf32, #tpu.memory_space<vmem>> -> memref<1x1x16x64xf32, #tpu.memory_space<vmem>>
    %dma_start3A_541 = tpu.memref_squeeze %dma_start3A_540 : memref<1x1x16x64xf32, #tpu.memory_space<vmem>> -> memref<16x64xf32, #tpu.memory_space<vmem>>
    %dma_start3A_542 = arith.constant 0 : i32
    %dma_start3A_543 = tpu.memref_slice %arg5[%dma_start3A_534, %dma_start3A_535, %dma_start3A_542] : memref<2x50x16xi32, #tpu.memory_space<vmem>> -> memref<1x1x16xi32, #tpu.memory_space<vmem>>
    %dma_start3A_544 = tpu.memref_squeeze %dma_start3A_543 : memref<1x1x16xi32, #tpu.memory_space<vmem>> -> memref<16xi32, #tpu.memory_space<vmem>>
    %dma_start3A_545 = arith.constant 0 : i32
    %dma_start3A_546 = arith.constant 0 : i32
    %dma_start3A_547 = tpu.memref_slice %arg2[%dma_start3A_545, %dma_start3A_546] : memref<100000x64xf32, #tpu.memory_space<hbm>> -> memref<100000x64xf32, #tpu.memory_space<hbm>>
    tpu.enqueue_indirect_dma source(%dma_start3A_547 : memref<100000x64xf32, #tpu.memory_space<hbm>>) target(%dma_start3A_541 : memref<16x64xf32, #tpu.memory_space<vmem>>) offsets(%dma_start3A_544 : memref<16xi32, #tpu.memory_space<vmem>>) semaphore(%arg7 : memref<!tpu.dma_semaphore, #tpu.memory_space<semaphore_mem>>)
    %dma_start3A_548 = arith.constant 0 : i32
    %dma_start3A_549 = arith.constant 39 : i32
    %dma_start3A_550 = arith.constant 0 : i32
    %dma_start3A_551 = arith.constant 39 : i32
    %dma_start3A_552 = arith.constant 0 : i32
    %dma_start3A_553 = arith.constant 0 : i32
    %dma_start3A_554 = tpu.memref_slice %arg6[%dma_start3A_550, %dma_start3A_551, %dma_start3A_552, %dma_start3A_553] : memref<2x50x16x64xf32, #tpu.memory_space<vmem>> -> memref<1x1x16x64xf32, #tpu.memory_space<vmem>>
    %dma_start3A_555 = tpu.memref_squeeze %dma_start3A_554 : memref<1x1x16x64xf32, #tpu.memory_space<vmem>> -> memref<16x64xf32, #tpu.memory_space<vmem>>
    %dma_start3A_556 = arith.constant 0 : i32
    %dma_start3A_557 = tpu.memref_slice %arg5[%dma_start3A_548, %dma_start3A_549, %dma_start3A_556] : memref<2x50x16xi32, #tpu.memory_space<vmem>> -> memref<1x1x16xi32, #tpu.memory_space<vmem>>
    %dma_start3A_558 = tpu.memref_squeeze %dma_start3A_557 : memref<1x1x16xi32, #tpu.memory_space<vmem>> -> memref<16xi32, #tpu.memory_space<vmem>>
    %dma_start3A_559 = arith.constant 0 : i32
    %dma_start3A_560 = arith.constant 0 : i32
    %dma_start3A_561 = tpu.memref_slice %arg2[%dma_start3A_559, %dma_start3A_560] : memref<100000x64xf32, #tpu.memory_space<hbm>> -> memref<100000x64xf32, #tpu.memory_space<hbm>>
    tpu.enqueue_indirect_dma source(%dma_start3A_561 : memref<100000x64xf32, #tpu.memory_space<hbm>>) target(%dma_start3A_555 : memref<16x64xf32, #tpu.memory_space<vmem>>) offsets(%dma_start3A_558 : memref<16xi32, #tpu.memory_space<vmem>>) semaphore(%arg7 : memref<!tpu.dma_semaphore, #tpu.memory_space<semaphore_mem>>)
    %dma_start3A_562 = arith.constant 0 : i32
    %dma_start3A_563 = arith.constant 40 : i32
    %dma_start3A_564 = arith.constant 0 : i32
    %dma_start3A_565 = arith.constant 40 : i32
    %dma_start3A_566 = arith.constant 0 : i32
    %dma_start3A_567 = arith.constant 0 : i32
    %dma_start3A_568 = tpu.memref_slice %arg6[%dma_start3A_564, %dma_start3A_565, %dma_start3A_566, %dma_start3A_567] : memref<2x50x16x64xf32, #tpu.memory_space<vmem>> -> memref<1x1x16x64xf32, #tpu.memory_space<vmem>>
    %dma_start3A_569 = tpu.memref_squeeze %dma_start3A_568 : memref<1x1x16x64xf32, #tpu.memory_space<vmem>> -> memref<16x64xf32, #tpu.memory_space<vmem>>
    %dma_start3A_570 = arith.constant 0 : i32
    %dma_start3A_571 = tpu.memref_slice %arg5[%dma_start3A_562, %dma_start3A_563, %dma_start3A_570] : memref<2x50x16xi32, #tpu.memory_space<vmem>> -> memref<1x1x16xi32, #tpu.memory_space<vmem>>
    %dma_start3A_572 = tpu.memref_squeeze %dma_start3A_571 : memref<1x1x16xi32, #tpu.memory_space<vmem>> -> memref<16xi32, #tpu.memory_space<vmem>>
    %dma_start3A_573 = arith.constant 0 : i32
    %dma_start3A_574 = arith.constant 0 : i32
    %dma_start3A_575 = tpu.memref_slice %arg2[%dma_start3A_573, %dma_start3A_574] : memref<100000x64xf32, #tpu.memory_space<hbm>> -> memref<100000x64xf32, #tpu.memory_space<hbm>>
    tpu.enqueue_indirect_dma source(%dma_start3A_575 : memref<100000x64xf32, #tpu.memory_space<hbm>>) target(%dma_start3A_569 : memref<16x64xf32, #tpu.memory_space<vmem>>) offsets(%dma_start3A_572 : memref<16xi32, #tpu.memory_space<vmem>>) semaphore(%arg7 : memref<!tpu.dma_semaphore, #tpu.memory_space<semaphore_mem>>)
    %dma_start3A_576 = arith.constant 0 : i32
    %dma_start3A_577 = arith.constant 41 : i32
    %dma_start3A_578 = arith.constant 0 : i32
    %dma_start3A_579 = arith.constant 41 : i32
    %dma_start3A_580 = arith.constant 0 : i32
    %dma_start3A_581 = arith.constant 0 : i32
    %dma_start3A_582 = tpu.memref_slice %arg6[%dma_start3A_578, %dma_start3A_579, %dma_start3A_580, %dma_start3A_581] : memref<2x50x16x64xf32, #tpu.memory_space<vmem>> -> memref<1x1x16x64xf32, #tpu.memory_space<vmem>>
    %dma_start3A_583 = tpu.memref_squeeze %dma_start3A_582 : memref<1x1x16x64xf32, #tpu.memory_space<vmem>> -> memref<16x64xf32, #tpu.memory_space<vmem>>
    %dma_start3A_584 = arith.constant 0 : i32
    %dma_start3A_585 = tpu.memref_slice %arg5[%dma_start3A_576, %dma_start3A_577, %dma_start3A_584] : memref<2x50x16xi32, #tpu.memory_space<vmem>> -> memref<1x1x16xi32, #tpu.memory_space<vmem>>
    %dma_start3A_586 = tpu.memref_squeeze %dma_start3A_585 : memref<1x1x16xi32, #tpu.memory_space<vmem>> -> memref<16xi32, #tpu.memory_space<vmem>>
    %dma_start3A_587 = arith.constant 0 : i32
    %dma_start3A_588 = arith.constant 0 : i32
    %dma_start3A_589 = tpu.memref_slice %arg2[%dma_start3A_587, %dma_start3A_588] : memref<100000x64xf32, #tpu.memory_space<hbm>> -> memref<100000x64xf32, #tpu.memory_space<hbm>>
    tpu.enqueue_indirect_dma source(%dma_start3A_589 : memref<100000x64xf32, #tpu.memory_space<hbm>>) target(%dma_start3A_583 : memref<16x64xf32, #tpu.memory_space<vmem>>) offsets(%dma_start3A_586 : memref<16xi32, #tpu.memory_space<vmem>>) semaphore(%arg7 : memref<!tpu.dma_semaphore, #tpu.memory_space<semaphore_mem>>)
    %dma_start3A_590 = arith.constant 0 : i32
    %dma_start3A_591 = arith.constant 42 : i32
    %dma_start3A_592 = arith.constant 0 : i32
    %dma_start3A_593 = arith.constant 42 : i32
    %dma_start3A_594 = arith.constant 0 : i32
    %dma_start3A_595 = arith.constant 0 : i32
    %dma_start3A_596 = tpu.memref_slice %arg6[%dma_start3A_592, %dma_start3A_593, %dma_start3A_594, %dma_start3A_595] : memref<2x50x16x64xf32, #tpu.memory_space<vmem>> -> memref<1x1x16x64xf32, #tpu.memory_space<vmem>>
    %dma_start3A_597 = tpu.memref_squeeze %dma_start3A_596 : memref<1x1x16x64xf32, #tpu.memory_space<vmem>> -> memref<16x64xf32, #tpu.memory_space<vmem>>
    %dma_start3A_598 = arith.constant 0 : i32
    %dma_start3A_599 = tpu.memref_slice %arg5[%dma_start3A_590, %dma_start3A_591, %dma_start3A_598] : memref<2x50x16xi32, #tpu.memory_space<vmem>> -> memref<1x1x16xi32, #tpu.memory_space<vmem>>
    %dma_start3A_600 = tpu.memref_squeeze %dma_start3A_599 : memref<1x1x16xi32, #tpu.memory_space<vmem>> -> memref<16xi32, #tpu.memory_space<vmem>>
    %dma_start3A_601 = arith.constant 0 : i32
    %dma_start3A_602 = arith.constant 0 : i32
    %dma_start3A_603 = tpu.memref_slice %arg2[%dma_start3A_601, %dma_start3A_602] : memref<100000x64xf32, #tpu.memory_space<hbm>> -> memref<100000x64xf32, #tpu.memory_space<hbm>>
    tpu.enqueue_indirect_dma source(%dma_start3A_603 : memref<100000x64xf32, #tpu.memory_space<hbm>>) target(%dma_start3A_597 : memref<16x64xf32, #tpu.memory_space<vmem>>) offsets(%dma_start3A_600 : memref<16xi32, #tpu.memory_space<vmem>>) semaphore(%arg7 : memref<!tpu.dma_semaphore, #tpu.memory_space<semaphore_mem>>)
    %dma_start3A_604 = arith.constant 0 : i32
    %dma_start3A_605 = arith.constant 43 : i32
    %dma_start3A_606 = arith.constant 0 : i32
    %dma_start3A_607 = arith.constant 43 : i32
    %dma_start3A_608 = arith.constant 0 : i32
    %dma_start3A_609 = arith.constant 0 : i32
    %dma_start3A_610 = tpu.memref_slice %arg6[%dma_start3A_606, %dma_start3A_607, %dma_start3A_608, %dma_start3A_609] : memref<2x50x16x64xf32, #tpu.memory_space<vmem>> -> memref<1x1x16x64xf32, #tpu.memory_space<vmem>>
    %dma_start3A_611 = tpu.memref_squeeze %dma_start3A_610 : memref<1x1x16x64xf32, #tpu.memory_space<vmem>> -> memref<16x64xf32, #tpu.memory_space<vmem>>
    %dma_start3A_612 = arith.constant 0 : i32
    %dma_start3A_613 = tpu.memref_slice %arg5[%dma_start3A_604, %dma_start3A_605, %dma_start3A_612] : memref<2x50x16xi32, #tpu.memory_space<vmem>> -> memref<1x1x16xi32, #tpu.memory_space<vmem>>
    %dma_start3A_614 = tpu.memref_squeeze %dma_start3A_613 : memref<1x1x16xi32, #tpu.memory_space<vmem>> -> memref<16xi32, #tpu.memory_space<vmem>>
    %dma_start3A_615 = arith.constant 0 : i32
    %dma_start3A_616 = arith.constant 0 : i32
    %dma_start3A_617 = tpu.memref_slice %arg2[%dma_start3A_615, %dma_start3A_616] : memref<100000x64xf32, #tpu.memory_space<hbm>> -> memref<100000x64xf32, #tpu.memory_space<hbm>>
    tpu.enqueue_indirect_dma source(%dma_start3A_617 : memref<100000x64xf32, #tpu.memory_space<hbm>>) target(%dma_start3A_611 : memref<16x64xf32, #tpu.memory_space<vmem>>) offsets(%dma_start3A_614 : memref<16xi32, #tpu.memory_space<vmem>>) semaphore(%arg7 : memref<!tpu.dma_semaphore, #tpu.memory_space<semaphore_mem>>)
    %dma_start3A_618 = arith.constant 0 : i32
    %dma_start3A_619 = arith.constant 44 : i32
    %dma_start3A_620 = arith.constant 0 : i32
    %dma_start3A_621 = arith.constant 44 : i32
    %dma_start3A_622 = arith.constant 0 : i32
    %dma_start3A_623 = arith.constant 0 : i32
    %dma_start3A_624 = tpu.memref_slice %arg6[%dma_start3A_620, %dma_start3A_621, %dma_start3A_622, %dma_start3A_623] : memref<2x50x16x64xf32, #tpu.memory_space<vmem>> -> memref<1x1x16x64xf32, #tpu.memory_space<vmem>>
    %dma_start3A_625 = tpu.memref_squeeze %dma_start3A_624 : memref<1x1x16x64xf32, #tpu.memory_space<vmem>> -> memref<16x64xf32, #tpu.memory_space<vmem>>
    %dma_start3A_626 = arith.constant 0 : i32
    %dma_start3A_627 = tpu.memref_slice %arg5[%dma_start3A_618, %dma_start3A_619, %dma_start3A_626] : memref<2x50x16xi32, #tpu.memory_space<vmem>> -> memref<1x1x16xi32, #tpu.memory_space<vmem>>
    %dma_start3A_628 = tpu.memref_squeeze %dma_start3A_627 : memref<1x1x16xi32, #tpu.memory_space<vmem>> -> memref<16xi32, #tpu.memory_space<vmem>>
    %dma_start3A_629 = arith.constant 0 : i32
    %dma_start3A_630 = arith.constant 0 : i32
    %dma_start3A_631 = tpu.memref_slice %arg2[%dma_start3A_629, %dma_start3A_630] : memref<100000x64xf32, #tpu.memory_space<hbm>> -> memref<100000x64xf32, #tpu.memory_space<hbm>>
    tpu.enqueue_indirect_dma source(%dma_start3A_631 : memref<100000x64xf32, #tpu.memory_space<hbm>>) target(%dma_start3A_625 : memref<16x64xf32, #tpu.memory_space<vmem>>) offsets(%dma_start3A_628 : memref<16xi32, #tpu.memory_space<vmem>>) semaphore(%arg7 : memref<!tpu.dma_semaphore, #tpu.memory_space<semaphore_mem>>)
    %dma_start3A_632 = arith.constant 0 : i32
    %dma_start3A_633 = arith.constant 45 : i32
    %dma_start3A_634 = arith.constant 0 : i32
    %dma_start3A_635 = arith.constant 45 : i32
    %dma_start3A_636 = arith.constant 0 : i32
    %dma_start3A_637 = arith.constant 0 : i32
    %dma_start3A_638 = tpu.memref_slice %arg6[%dma_start3A_634, %dma_start3A_635, %dma_start3A_636, %dma_start3A_637] : memref<2x50x16x64xf32, #tpu.memory_space<vmem>> -> memref<1x1x16x64xf32, #tpu.memory_space<vmem>>
    %dma_start3A_639 = tpu.memref_squeeze %dma_start3A_638 : memref<1x1x16x64xf32, #tpu.memory_space<vmem>> -> memref<16x64xf32, #tpu.memory_space<vmem>>
    %dma_start3A_640 = arith.constant 0 : i32
    %dma_start3A_641 = tpu.memref_slice %arg5[%dma_start3A_632, %dma_start3A_633, %dma_start3A_640] : memref<2x50x16xi32, #tpu.memory_space<vmem>> -> memref<1x1x16xi32, #tpu.memory_space<vmem>>
    %dma_start3A_642 = tpu.memref_squeeze %dma_start3A_641 : memref<1x1x16xi32, #tpu.memory_space<vmem>> -> memref<16xi32, #tpu.memory_space<vmem>>
    %dma_start3A_643 = arith.constant 0 : i32
    %dma_start3A_644 = arith.constant 0 : i32
    %dma_start3A_645 = tpu.memref_slice %arg2[%dma_start3A_643, %dma_start3A_644] : memref<100000x64xf32, #tpu.memory_space<hbm>> -> memref<100000x64xf32, #tpu.memory_space<hbm>>
    tpu.enqueue_indirect_dma source(%dma_start3A_645 : memref<100000x64xf32, #tpu.memory_space<hbm>>) target(%dma_start3A_639 : memref<16x64xf32, #tpu.memory_space<vmem>>) offsets(%dma_start3A_642 : memref<16xi32, #tpu.memory_space<vmem>>) semaphore(%arg7 : memref<!tpu.dma_semaphore, #tpu.memory_space<semaphore_mem>>)
    %dma_start3A_646 = arith.constant 0 : i32
    %dma_start3A_647 = arith.constant 46 : i32
    %dma_start3A_648 = arith.constant 0 : i32
    %dma_start3A_649 = arith.constant 46 : i32
    %dma_start3A_650 = arith.constant 0 : i32
    %dma_start3A_651 = arith.constant 0 : i32
    %dma_start3A_652 = tpu.memref_slice %arg6[%dma_start3A_648, %dma_start3A_649, %dma_start3A_650, %dma_start3A_651] : memref<2x50x16x64xf32, #tpu.memory_space<vmem>> -> memref<1x1x16x64xf32, #tpu.memory_space<vmem>>
    %dma_start3A_653 = tpu.memref_squeeze %dma_start3A_652 : memref<1x1x16x64xf32, #tpu.memory_space<vmem>> -> memref<16x64xf32, #tpu.memory_space<vmem>>
    %dma_start3A_654 = arith.constant 0 : i32
    %dma_start3A_655 = tpu.memref_slice %arg5[%dma_start3A_646, %dma_start3A_647, %dma_start3A_654] : memref<2x50x16xi32, #tpu.memory_space<vmem>> -> memref<1x1x16xi32, #tpu.memory_space<vmem>>
    %dma_start3A_656 = tpu.memref_squeeze %dma_start3A_655 : memref<1x1x16xi32, #tpu.memory_space<vmem>> -> memref<16xi32, #tpu.memory_space<vmem>>
    %dma_start3A_657 = arith.constant 0 : i32
    %dma_start3A_658 = arith.constant 0 : i32
    %dma_start3A_659 = tpu.memref_slice %arg2[%dma_start3A_657, %dma_start3A_658] : memref<100000x64xf32, #tpu.memory_space<hbm>> -> memref<100000x64xf32, #tpu.memory_space<hbm>>
    tpu.enqueue_indirect_dma source(%dma_start3A_659 : memref<100000x64xf32, #tpu.memory_space<hbm>>) target(%dma_start3A_653 : memref<16x64xf32, #tpu.memory_space<vmem>>) offsets(%dma_start3A_656 : memref<16xi32, #tpu.memory_space<vmem>>) semaphore(%arg7 : memref<!tpu.dma_semaphore, #tpu.memory_space<semaphore_mem>>)
    %dma_start3A_660 = arith.constant 0 : i32
    %dma_start3A_661 = arith.constant 47 : i32
    %dma_start3A_662 = arith.constant 0 : i32
    %dma_start3A_663 = arith.constant 47 : i32
    %dma_start3A_664 = arith.constant 0 : i32
    %dma_start3A_665 = arith.constant 0 : i32
    %dma_start3A_666 = tpu.memref_slice %arg6[%dma_start3A_662, %dma_start3A_663, %dma_start3A_664, %dma_start3A_665] : memref<2x50x16x64xf32, #tpu.memory_space<vmem>> -> memref<1x1x16x64xf32, #tpu.memory_space<vmem>>
    %dma_start3A_667 = tpu.memref_squeeze %dma_start3A_666 : memref<1x1x16x64xf32, #tpu.memory_space<vmem>> -> memref<16x64xf32, #tpu.memory_space<vmem>>
    %dma_start3A_668 = arith.constant 0 : i32
    %dma_start3A_669 = tpu.memref_slice %arg5[%dma_start3A_660, %dma_start3A_661, %dma_start3A_668] : memref<2x50x16xi32, #tpu.memory_space<vmem>> -> memref<1x1x16xi32, #tpu.memory_space<vmem>>
    %dma_start3A_670 = tpu.memref_squeeze %dma_start3A_669 : memref<1x1x16xi32, #tpu.memory_space<vmem>> -> memref<16xi32, #tpu.memory_space<vmem>>
    %dma_start3A_671 = arith.constant 0 : i32
    %dma_start3A_672 = arith.constant 0 : i32
    %dma_start3A_673 = tpu.memref_slice %arg2[%dma_start3A_671, %dma_start3A_672] : memref<100000x64xf32, #tpu.memory_space<hbm>> -> memref<100000x64xf32, #tpu.memory_space<hbm>>
    tpu.enqueue_indirect_dma source(%dma_start3A_673 : memref<100000x64xf32, #tpu.memory_space<hbm>>) target(%dma_start3A_667 : memref<16x64xf32, #tpu.memory_space<vmem>>) offsets(%dma_start3A_670 : memref<16xi32, #tpu.memory_space<vmem>>) semaphore(%arg7 : memref<!tpu.dma_semaphore, #tpu.memory_space<semaphore_mem>>)
    %dma_start3A_674 = arith.constant 0 : i32
    %dma_start3A_675 = arith.constant 48 : i32
    %dma_start3A_676 = arith.constant 0 : i32
    %dma_start3A_677 = arith.constant 48 : i32
    %dma_start3A_678 = arith.constant 0 : i32
    %dma_start3A_679 = arith.constant 0 : i32
    %dma_start3A_680 = tpu.memref_slice %arg6[%dma_start3A_676, %dma_start3A_677, %dma_start3A_678, %dma_start3A_679] : memref<2x50x16x64xf32, #tpu.memory_space<vmem>> -> memref<1x1x16x64xf32, #tpu.memory_space<vmem>>
    %dma_start3A_681 = tpu.memref_squeeze %dma_start3A_680 : memref<1x1x16x64xf32, #tpu.memory_space<vmem>> -> memref<16x64xf32, #tpu.memory_space<vmem>>
    %dma_start3A_682 = arith.constant 0 : i32
    %dma_start3A_683 = tpu.memref_slice %arg5[%dma_start3A_674, %dma_start3A_675, %dma_start3A_682] : memref<2x50x16xi32, #tpu.memory_space<vmem>> -> memref<1x1x16xi32, #tpu.memory_space<vmem>>
    %dma_start3A_684 = tpu.memref_squeeze %dma_start3A_683 : memref<1x1x16xi32, #tpu.memory_space<vmem>> -> memref<16xi32, #tpu.memory_space<vmem>>
    %dma_start3A_685 = arith.constant 0 : i32
    %dma_start3A_686 = arith.constant 0 : i32
    %dma_start3A_687 = tpu.memref_slice %arg2[%dma_start3A_685, %dma_start3A_686] : memref<100000x64xf32, #tpu.memory_space<hbm>> -> memref<100000x64xf32, #tpu.memory_space<hbm>>
    tpu.enqueue_indirect_dma source(%dma_start3A_687 : memref<100000x64xf32, #tpu.memory_space<hbm>>) target(%dma_start3A_681 : memref<16x64xf32, #tpu.memory_space<vmem>>) offsets(%dma_start3A_684 : memref<16xi32, #tpu.memory_space<vmem>>) semaphore(%arg7 : memref<!tpu.dma_semaphore, #tpu.memory_space<semaphore_mem>>)
    %dma_start3A_688 = arith.constant 0 : i32
    %dma_start3A_689 = arith.constant 49 : i32
    %dma_start3A_690 = arith.constant 0 : i32
    %dma_start3A_691 = arith.constant 49 : i32
    %dma_start3A_692 = arith.constant 0 : i32
    %dma_start3A_693 = arith.constant 0 : i32
    %dma_start3A_694 = tpu.memref_slice %arg6[%dma_start3A_690, %dma_start3A_691, %dma_start3A_692, %dma_start3A_693] : memref<2x50x16x64xf32, #tpu.memory_space<vmem>> -> memref<1x1x16x64xf32, #tpu.memory_space<vmem>>
    %dma_start3A_695 = tpu.memref_squeeze %dma_start3A_694 : memref<1x1x16x64xf32, #tpu.memory_space<vmem>> -> memref<16x64xf32, #tpu.memory_space<vmem>>
    %dma_start3A_696 = arith.constant 0 : i32
    %dma_start3A_697 = tpu.memref_slice %arg5[%dma_start3A_688, %dma_start3A_689, %dma_start3A_696] : memref<2x50x16xi32, #tpu.memory_space<vmem>> -> memref<1x1x16xi32, #tpu.memory_space<vmem>>
    %dma_start3A_698 = tpu.memref_squeeze %dma_start3A_697 : memref<1x1x16xi32, #tpu.memory_space<vmem>> -> memref<16xi32, #tpu.memory_space<vmem>>
    %dma_start3A_699 = arith.constant 0 : i32
    %dma_start3A_700 = arith.constant 0 : i32
    %dma_start3A_701 = tpu.memref_slice %arg2[%dma_start3A_699, %dma_start3A_700] : memref<100000x64xf32, #tpu.memory_space<hbm>> -> memref<100000x64xf32, #tpu.memory_space<hbm>>
    tpu.enqueue_indirect_dma source(%dma_start3A_701 : memref<100000x64xf32, #tpu.memory_space<hbm>>) target(%dma_start3A_695 : memref<16x64xf32, #tpu.memory_space<vmem>>) offsets(%dma_start3A_698 : memref<16xi32, #tpu.memory_space<vmem>>) semaphore(%arg7 : memref<!tpu.dma_semaphore, #tpu.memory_space<semaphore_mem>>)
    %scan3A = arith.constant 0 : i32
    %scan3A_702 = arith.constant 0 : i32
    %scan3A_703 = arith.constant 16 : i32
    %scan3A_704 = arith.addi %scan3A_702, %scan3A_703 : i32
    %scan3A_705 = arith.constant 1 : i32
    scf.for %scan3A_744 = %scan3A_702 to %scan3A_704 step %scan3A_705  : i32 {
      %mul3A_745 = arith.constant 2 : i32
      %mul3A_746 = arith.muli %mul3A_745, %scan3A_744 : i32
      %add3A_747 = arith.constant 0 : i32
      %add3A_748 = arith.addi %mul3A_746, %add3A_747 : i32
      %add3A_749 = arith.constant 1 : i32
      %add3A_750 = arith.addi %add3A_748, %add3A_749 : i32
      %lt3A = arith.constant 32 : i32
      %lt3A_751 = arith.cmpi slt, %add3A_750, %lt3A : i32
      %convert_element_type3A = arith.extui %lt3A_751 : i1 to i32
      %cond3A = arith.constant 0 : i32
      %cond3A_752 = arith.cmpi ne, %convert_element_type3A, %cond3A : i32
      scf.if %cond3A_752 {
        %ge3A = arith.constant 1 : i32
        %ge3A_842 = arith.cmpi sge, %add3A_748, %ge3A : i32
        %convert_element_type3A_843 = arith.extui %ge3A_842 : i1 to i32
        %cond3A_844 = arith.constant 0 : i32
        %cond3A_845 = arith.cmpi ne, %convert_element_type3A_843, %cond3A_844 : i32
        scf.if %cond3A_845 {
          %dma_wait3A_1552 = arith.constant 1 : i32
          %dma_wait3A_1553 = arith.constant 0 : i32
          %dma_wait3A_1554 = arith.constant 0 : i32
          %dma_wait3A_1555 = arith.constant 0 : i32
          %dma_wait3A_1556 = tpu.memref_slice %arg6[%dma_wait3A_1552, %dma_wait3A_1553, %dma_wait3A_1554, %dma_wait3A_1555] : memref<2x50x16x64xf32, #tpu.memory_space<vmem>> -> memref<1x50x16x64xf32, #tpu.memory_space<vmem>>
          %dma_wait3A_1557 = tpu.memref_squeeze %dma_wait3A_1556 : memref<1x50x16x64xf32, #tpu.memory_space<vmem>> -> memref<50x16x64xf32, #tpu.memory_space<vmem>>
          %dma_wait3A_1558 = arith.constant 0 : i32
          %dma_wait3A_1559 = arith.constant 0 : i32
          %dma_wait3A_1560 = arith.constant 0 : i32
          %dma_wait3A_1561 = tpu.memref_slice %arg4[%dma_wait3A_1558, %dma_wait3A_1559, %dma_wait3A_1560] : memref<50x16384x64xf32, #tpu.memory_space<hbm>> -> memref<50x16x64xf32, #tpu.memory_space<hbm>>
          %dma_wait3A_1562 = arith.constant 0 : i32
          %dma_wait3A_1563 = arith.constant 0 : i32
          %dma_wait3A_1564 = arith.constant 0 : i32
          %dma_wait3A_1565 = tpu.memref_slice %arg4[%dma_wait3A_1562, %dma_wait3A_1563, %dma_wait3A_1564] : memref<50x16384x64xf32, #tpu.memory_space<hbm>> -> memref<50x16x64xf32, #tpu.memory_space<hbm>>
          %dma_wait3A_1566 = arith.constant 0 : i32
          %dma_wait3A_1567 = arith.constant 0 : i32
          %dma_wait3A_1568 = arith.constant 0 : i32
          %dma_wait3A_1569 = tpu.memref_slice %arg6[%dma_wait3A_1552, %dma_wait3A_1566, %dma_wait3A_1567, %dma_wait3A_1568] : memref<2x50x16x64xf32, #tpu.memory_space<vmem>> -> memref<1x50x16x64xf32, #tpu.memory_space<vmem>>
          %dma_wait3A_1570 = tpu.memref_squeeze %dma_wait3A_1569 : memref<1x50x16x64xf32, #tpu.memory_space<vmem>> -> memref<50x16x64xf32, #tpu.memory_space<vmem>>
          tpu.wait_dma2 semaphore(%arg10 : memref<!tpu.dma_semaphore, #tpu.memory_space<semaphore_mem>>) src(%dma_wait3A_1570 : memref<50x16x64xf32, #tpu.memory_space<vmem>>) dst(%dma_wait3A_1565 : memref<50x16x64xf32, #tpu.memory_space<hbm>>)
        } else {
        }
        %add3A_846 = arith.constant 1 : i32
        %add3A_847 = arith.addi %add3A_748, %add3A_846 : i32
        %mul3A_848 = arith.constant 16 : i32
        %mul3A_849 = arith.muli %add3A_847, %mul3A_848 : i32
        %add3A_850 = arith.addi %mul3A_2, %mul3A_849 : i32
        %run_scoped3A_851 = arith.constant 1 : i32
        "tpu.region"() ({
          %run_scoped3A_1552 = tpu.sem_alloc : memref<!tpu.dma_semaphore, #tpu.memory_space<semaphore_mem>>
          %dma_start3A_1553 = arith.constant 0 : i32
          %dma_start3A_1554 = arith.constant 0 : i32
          %dma_start3A_1555 = tpu.memref_slice %arg5[%run_scoped3A_851, %dma_start3A_1553, %dma_start3A_1554] : memref<2x50x16xi32, #tpu.memory_space<vmem>> -> memref<1x50x16xi32, #tpu.memory_space<vmem>>
          %dma_start3A_1556 = tpu.memref_squeeze %dma_start3A_1555 : memref<1x50x16xi32, #tpu.memory_space<vmem>> -> memref<50x16xi32, #tpu.memory_space<vmem>>
          %dma_start3A_1557 = arith.constant 0 : i32
          %dma_start3A_1558 = tpu.memref_slice %arg3[%dma_start3A_1557, %add3A_850] : memref<50x16384xi32, #tpu.memory_space<hbm>> -> memref<50x16xi32, #tpu.memory_space<hbm>>
          %dma_start3A_1559 = arith.constant 0 : i32
          %dma_start3A_1560 = arith.constant 0 : i32
          %dma_start3A_1561 = tpu.memref_slice %arg5[%run_scoped3A_851, %dma_start3A_1559, %dma_start3A_1560] : memref<2x50x16xi32, #tpu.memory_space<vmem>> -> memref<1x50x16xi32, #tpu.memory_space<vmem>>
          %dma_start3A_1562 = tpu.memref_squeeze %dma_start3A_1561 : memref<1x50x16xi32, #tpu.memory_space<vmem>> -> memref<50x16xi32, #tpu.memory_space<vmem>>
          %dma_start3A_1563 = arith.constant 0 : i32
          %dma_start3A_1564 = tpu.memref_slice %arg3[%dma_start3A_1563, %add3A_850] : memref<50x16384xi32, #tpu.memory_space<hbm>> -> memref<50x16xi32, #tpu.memory_space<hbm>>
          tpu.enqueue_dma source(%dma_start3A_1564 : memref<50x16xi32, #tpu.memory_space<hbm>>) target(%dma_start3A_1562 : memref<50x16xi32, #tpu.memory_space<vmem>>) target_semaphore(%run_scoped3A_1552 : memref<!tpu.dma_semaphore, #tpu.memory_space<semaphore_mem>>)
          %dma_wait3A_1565 = arith.constant 0 : i32
          %dma_wait3A_1566 = arith.constant 0 : i32
          %dma_wait3A_1567 = tpu.memref_slice %arg5[%run_scoped3A_851, %dma_wait3A_1565, %dma_wait3A_1566] : memref<2x50x16xi32, #tpu.memory_space<vmem>> -> memref<1x50x16xi32, #tpu.memory_space<vmem>>
          %dma_wait3A_1568 = tpu.memref_squeeze %dma_wait3A_1567 : memref<1x50x16xi32, #tpu.memory_space<vmem>> -> memref<50x16xi32, #tpu.memory_space<vmem>>
          %dma_wait3A_1569 = arith.constant 0 : i32
          %dma_wait3A_1570 = tpu.memref_slice %arg3[%dma_wait3A_1569, %add3A_850] : memref<50x16384xi32, #tpu.memory_space<hbm>> -> memref<50x16xi32, #tpu.memory_space<hbm>>
          %dma_wait3A_1571 = arith.constant 0 : i32
          %dma_wait3A_1572 = arith.constant 0 : i32
          %dma_wait3A_1573 = tpu.memref_slice %arg5[%run_scoped3A_851, %dma_wait3A_1571, %dma_wait3A_1572] : memref<2x50x16xi32, #tpu.memory_space<vmem>> -> memref<1x50x16xi32, #tpu.memory_space<vmem>>
          %dma_wait3A_1574 = tpu.memref_squeeze %dma_wait3A_1573 : memref<1x50x16xi32, #tpu.memory_space<vmem>> -> memref<50x16xi32, #tpu.memory_space<vmem>>
          %dma_wait3A_1575 = arith.constant 0 : i32
          %dma_wait3A_1576 = tpu.memref_slice %arg3[%dma_wait3A_1575, %add3A_850] : memref<50x16384xi32, #tpu.memory_space<hbm>> -> memref<50x16xi32, #tpu.memory_space<hbm>>
          tpu.wait_dma2 semaphore(%run_scoped3A_1552 : memref<!tpu.dma_semaphore, #tpu.memory_space<semaphore_mem>>) src(%dma_wait3A_1576 : memref<50x16xi32, #tpu.memory_space<hbm>>) dst(%dma_wait3A_1574 : memref<50x16xi32, #tpu.memory_space<vmem>>)
          tpu.yield
        }) : () -> ()
        %dma_start3A_852 = arith.constant 1 : i32
        %dma_start3A_853 = arith.constant 0 : i32
        %dma_start3A_854 = arith.constant 1 : i32
        %dma_start3A_855 = arith.constant 0 : i32
        %dma_start3A_856 = arith.constant 0 : i32
        %dma_start3A_857 = arith.constant 0 : i32
        %dma_start3A_858 = tpu.memref_slice %arg6[%dma_start3A_854, %dma_start3A_855, %dma_start3A_856, %dma_start3A_857] : memref<2x50x16x64xf32, #tpu.memory_space<vmem>> -> memref<1x1x16x64xf32, #tpu.memory_space<vmem>>
        %dma_start3A_859 = tpu.memref_squeeze %dma_start3A_858 : memref<1x1x16x64xf32, #tpu.memory_space<vmem>> -> memref<16x64xf32, #tpu.memory_space<vmem>>
        %dma_start3A_860 = arith.constant 0 : i32
        %dma_start3A_861 = tpu.memref_slice %arg5[%dma_start3A_852, %dma_start3A_853, %dma_start3A_860] : memref<2x50x16xi32, #tpu.memory_space<vmem>> -> memref<1x1x16xi32, #tpu.memory_space<vmem>>
        %dma_start3A_862 = tpu.memref_squeeze %dma_start3A_861 : memref<1x1x16xi32, #tpu.memory_space<vmem>> -> memref<16xi32, #tpu.memory_space<vmem>>
        %dma_start3A_863 = arith.constant 0 : i32
        %dma_start3A_864 = arith.constant 0 : i32
        %dma_start3A_865 = tpu.memref_slice %arg2[%dma_start3A_863, %dma_start3A_864] : memref<100000x64xf32, #tpu.memory_space<hbm>> -> memref<100000x64xf32, #tpu.memory_space<hbm>>
        tpu.enqueue_indirect_dma source(%dma_start3A_865 : memref<100000x64xf32, #tpu.memory_space<hbm>>) target(%dma_start3A_859 : memref<16x64xf32, #tpu.memory_space<vmem>>) offsets(%dma_start3A_862 : memref<16xi32, #tpu.memory_space<vmem>>) semaphore(%arg8 : memref<!tpu.dma_semaphore, #tpu.memory_space<semaphore_mem>>)
        %dma_start3A_866 = arith.constant 1 : i32
        %dma_start3A_867 = arith.constant 1 : i32
        %dma_start3A_868 = arith.constant 1 : i32
        %dma_start3A_869 = arith.constant 1 : i32
        %dma_start3A_870 = arith.constant 0 : i32
        %dma_start3A_871 = arith.constant 0 : i32
        %dma_start3A_872 = tpu.memref_slice %arg6[%dma_start3A_868, %dma_start3A_869, %dma_start3A_870, %dma_start3A_871] : memref<2x50x16x64xf32, #tpu.memory_space<vmem>> -> memref<1x1x16x64xf32, #tpu.memory_space<vmem>>
        %dma_start3A_873 = tpu.memref_squeeze %dma_start3A_872 : memref<1x1x16x64xf32, #tpu.memory_space<vmem>> -> memref<16x64xf32, #tpu.memory_space<vmem>>
        %dma_start3A_874 = arith.constant 0 : i32
        %dma_start3A_875 = tpu.memref_slice %arg5[%dma_start3A_866, %dma_start3A_867, %dma_start3A_874] : memref<2x50x16xi32, #tpu.memory_space<vmem>> -> memref<1x1x16xi32, #tpu.memory_space<vmem>>
        %dma_start3A_876 = tpu.memref_squeeze %dma_start3A_875 : memref<1x1x16xi32, #tpu.memory_space<vmem>> -> memref<16xi32, #tpu.memory_space<vmem>>
        %dma_start3A_877 = arith.constant 0 : i32
        %dma_start3A_878 = arith.constant 0 : i32
        %dma_start3A_879 = tpu.memref_slice %arg2[%dma_start3A_877, %dma_start3A_878] : memref<100000x64xf32, #tpu.memory_space<hbm>> -> memref<100000x64xf32, #tpu.memory_space<hbm>>
        tpu.enqueue_indirect_dma source(%dma_start3A_879 : memref<100000x64xf32, #tpu.memory_space<hbm>>) target(%dma_start3A_873 : memref<16x64xf32, #tpu.memory_space<vmem>>) offsets(%dma_start3A_876 : memref<16xi32, #tpu.memory_space<vmem>>) semaphore(%arg8 : memref<!tpu.dma_semaphore, #tpu.memory_space<semaphore_mem>>)
        %dma_start3A_880 = arith.constant 1 : i32
        %dma_start3A_881 = arith.constant 2 : i32
        %dma_start3A_882 = arith.constant 1 : i32
        %dma_start3A_883 = arith.constant 2 : i32
        %dma_start3A_884 = arith.constant 0 : i32
        %dma_start3A_885 = arith.constant 0 : i32
        %dma_start3A_886 = tpu.memref_slice %arg6[%dma_start3A_882, %dma_start3A_883, %dma_start3A_884, %dma_start3A_885] : memref<2x50x16x64xf32, #tpu.memory_space<vmem>> -> memref<1x1x16x64xf32, #tpu.memory_space<vmem>>
        %dma_start3A_887 = tpu.memref_squeeze %dma_start3A_886 : memref<1x1x16x64xf32, #tpu.memory_space<vmem>> -> memref<16x64xf32, #tpu.memory_space<vmem>>
        %dma_start3A_888 = arith.constant 0 : i32
        %dma_start3A_889 = tpu.memref_slice %arg5[%dma_start3A_880, %dma_start3A_881, %dma_start3A_888] : memref<2x50x16xi32, #tpu.memory_space<vmem>> -> memref<1x1x16xi32, #tpu.memory_space<vmem>>
        %dma_start3A_890 = tpu.memref_squeeze %dma_start3A_889 : memref<1x1x16xi32, #tpu.memory_space<vmem>> -> memref<16xi32, #tpu.memory_space<vmem>>
        %dma_start3A_891 = arith.constant 0 : i32
        %dma_start3A_892 = arith.constant 0 : i32
        %dma_start3A_893 = tpu.memref_slice %arg2[%dma_start3A_891, %dma_start3A_892] : memref<100000x64xf32, #tpu.memory_space<hbm>> -> memref<100000x64xf32, #tpu.memory_space<hbm>>
        tpu.enqueue_indirect_dma source(%dma_start3A_893 : memref<100000x64xf32, #tpu.memory_space<hbm>>) target(%dma_start3A_887 : memref<16x64xf32, #tpu.memory_space<vmem>>) offsets(%dma_start3A_890 : memref<16xi32, #tpu.memory_space<vmem>>) semaphore(%arg8 : memref<!tpu.dma_semaphore, #tpu.memory_space<semaphore_mem>>)
        %dma_start3A_894 = arith.constant 1 : i32
        %dma_start3A_895 = arith.constant 3 : i32
        %dma_start3A_896 = arith.constant 1 : i32
        %dma_start3A_897 = arith.constant 3 : i32
        %dma_start3A_898 = arith.constant 0 : i32
        %dma_start3A_899 = arith.constant 0 : i32
        %dma_start3A_900 = tpu.memref_slice %arg6[%dma_start3A_896, %dma_start3A_897, %dma_start3A_898, %dma_start3A_899] : memref<2x50x16x64xf32, #tpu.memory_space<vmem>> -> memref<1x1x16x64xf32, #tpu.memory_space<vmem>>
        %dma_start3A_901 = tpu.memref_squeeze %dma_start3A_900 : memref<1x1x16x64xf32, #tpu.memory_space<vmem>> -> memref<16x64xf32, #tpu.memory_space<vmem>>
        %dma_start3A_902 = arith.constant 0 : i32
        %dma_start3A_903 = tpu.memref_slice %arg5[%dma_start3A_894, %dma_start3A_895, %dma_start3A_902] : memref<2x50x16xi32, #tpu.memory_space<vmem>> -> memref<1x1x16xi32, #tpu.memory_space<vmem>>
        %dma_start3A_904 = tpu.memref_squeeze %dma_start3A_903 : memref<1x1x16xi32, #tpu.memory_space<vmem>> -> memref<16xi32, #tpu.memory_space<vmem>>
        %dma_start3A_905 = arith.constant 0 : i32
        %dma_start3A_906 = arith.constant 0 : i32
        %dma_start3A_907 = tpu.memref_slice %arg2[%dma_start3A_905, %dma_start3A_906] : memref<100000x64xf32, #tpu.memory_space<hbm>> -> memref<100000x64xf32, #tpu.memory_space<hbm>>
        tpu.enqueue_indirect_dma source(%dma_start3A_907 : memref<100000x64xf32, #tpu.memory_space<hbm>>) target(%dma_start3A_901 : memref<16x64xf32, #tpu.memory_space<vmem>>) offsets(%dma_start3A_904 : memref<16xi32, #tpu.memory_space<vmem>>) semaphore(%arg8 : memref<!tpu.dma_semaphore, #tpu.memory_space<semaphore_mem>>)
        %dma_start3A_908 = arith.constant 1 : i32
        %dma_start3A_909 = arith.constant 4 : i32
        %dma_start3A_910 = arith.constant 1 : i32
        %dma_start3A_911 = arith.constant 4 : i32
        %dma_start3A_912 = arith.constant 0 : i32
        %dma_start3A_913 = arith.constant 0 : i32
        %dma_start3A_914 = tpu.memref_slice %arg6[%dma_start3A_910, %dma_start3A_911, %dma_start3A_912, %dma_start3A_913] : memref<2x50x16x64xf32, #tpu.memory_space<vmem>> -> memref<1x1x16x64xf32, #tpu.memory_space<vmem>>
        %dma_start3A_915 = tpu.memref_squeeze %dma_start3A_914 : memref<1x1x16x64xf32, #tpu.memory_space<vmem>> -> memref<16x64xf32, #tpu.memory_space<vmem>>
        %dma_start3A_916 = arith.constant 0 : i32
        %dma_start3A_917 = tpu.memref_slice %arg5[%dma_start3A_908, %dma_start3A_909, %dma_start3A_916] : memref<2x50x16xi32, #tpu.memory_space<vmem>> -> memref<1x1x16xi32, #tpu.memory_space<vmem>>
        %dma_start3A_918 = tpu.memref_squeeze %dma_start3A_917 : memref<1x1x16xi32, #tpu.memory_space<vmem>> -> memref<16xi32, #tpu.memory_space<vmem>>
        %dma_start3A_919 = arith.constant 0 : i32
        %dma_start3A_920 = arith.constant 0 : i32
        %dma_start3A_921 = tpu.memref_slice %arg2[%dma_start3A_919, %dma_start3A_920] : memref<100000x64xf32, #tpu.memory_space<hbm>> -> memref<100000x64xf32, #tpu.memory_space<hbm>>
        tpu.enqueue_indirect_dma source(%dma_start3A_921 : memref<100000x64xf32, #tpu.memory_space<hbm>>) target(%dma_start3A_915 : memref<16x64xf32, #tpu.memory_space<vmem>>) offsets(%dma_start3A_918 : memref<16xi32, #tpu.memory_space<vmem>>) semaphore(%arg8 : memref<!tpu.dma_semaphore, #tpu.memory_space<semaphore_mem>>)
        %dma_start3A_922 = arith.constant 1 : i32
        %dma_start3A_923 = arith.constant 5 : i32
        %dma_start3A_924 = arith.constant 1 : i32
        %dma_start3A_925 = arith.constant 5 : i32
        %dma_start3A_926 = arith.constant 0 : i32
        %dma_start3A_927 = arith.constant 0 : i32
        %dma_start3A_928 = tpu.memref_slice %arg6[%dma_start3A_924, %dma_start3A_925, %dma_start3A_926, %dma_start3A_927] : memref<2x50x16x64xf32, #tpu.memory_space<vmem>> -> memref<1x1x16x64xf32, #tpu.memory_space<vmem>>
        %dma_start3A_929 = tpu.memref_squeeze %dma_start3A_928 : memref<1x1x16x64xf32, #tpu.memory_space<vmem>> -> memref<16x64xf32, #tpu.memory_space<vmem>>
        %dma_start3A_930 = arith.constant 0 : i32
        %dma_start3A_931 = tpu.memref_slice %arg5[%dma_start3A_922, %dma_start3A_923, %dma_start3A_930] : memref<2x50x16xi32, #tpu.memory_space<vmem>> -> memref<1x1x16xi32, #tpu.memory_space<vmem>>
        %dma_start3A_932 = tpu.memref_squeeze %dma_start3A_931 : memref<1x1x16xi32, #tpu.memory_space<vmem>> -> memref<16xi32, #tpu.memory_space<vmem>>
        %dma_start3A_933 = arith.constant 0 : i32
        %dma_start3A_934 = arith.constant 0 : i32
        %dma_start3A_935 = tpu.memref_slice %arg2[%dma_start3A_933, %dma_start3A_934] : memref<100000x64xf32, #tpu.memory_space<hbm>> -> memref<100000x64xf32, #tpu.memory_space<hbm>>
        tpu.enqueue_indirect_dma source(%dma_start3A_935 : memref<100000x64xf32, #tpu.memory_space<hbm>>) target(%dma_start3A_929 : memref<16x64xf32, #tpu.memory_space<vmem>>) offsets(%dma_start3A_932 : memref<16xi32, #tpu.memory_space<vmem>>) semaphore(%arg8 : memref<!tpu.dma_semaphore, #tpu.memory_space<semaphore_mem>>)
        %dma_start3A_936 = arith.constant 1 : i32
        %dma_start3A_937 = arith.constant 6 : i32
        %dma_start3A_938 = arith.constant 1 : i32
        %dma_start3A_939 = arith.constant 6 : i32
        %dma_start3A_940 = arith.constant 0 : i32
        %dma_start3A_941 = arith.constant 0 : i32
        %dma_start3A_942 = tpu.memref_slice %arg6[%dma_start3A_938, %dma_start3A_939, %dma_start3A_940, %dma_start3A_941] : memref<2x50x16x64xf32, #tpu.memory_space<vmem>> -> memref<1x1x16x64xf32, #tpu.memory_space<vmem>>
        %dma_start3A_943 = tpu.memref_squeeze %dma_start3A_942 : memref<1x1x16x64xf32, #tpu.memory_space<vmem>> -> memref<16x64xf32, #tpu.memory_space<vmem>>
        %dma_start3A_944 = arith.constant 0 : i32
        %dma_start3A_945 = tpu.memref_slice %arg5[%dma_start3A_936, %dma_start3A_937, %dma_start3A_944] : memref<2x50x16xi32, #tpu.memory_space<vmem>> -> memref<1x1x16xi32, #tpu.memory_space<vmem>>
        %dma_start3A_946 = tpu.memref_squeeze %dma_start3A_945 : memref<1x1x16xi32, #tpu.memory_space<vmem>> -> memref<16xi32, #tpu.memory_space<vmem>>
        %dma_start3A_947 = arith.constant 0 : i32
        %dma_start3A_948 = arith.constant 0 : i32
        %dma_start3A_949 = tpu.memref_slice %arg2[%dma_start3A_947, %dma_start3A_948] : memref<100000x64xf32, #tpu.memory_space<hbm>> -> memref<100000x64xf32, #tpu.memory_space<hbm>>
        tpu.enqueue_indirect_dma source(%dma_start3A_949 : memref<100000x64xf32, #tpu.memory_space<hbm>>) target(%dma_start3A_943 : memref<16x64xf32, #tpu.memory_space<vmem>>) offsets(%dma_start3A_946 : memref<16xi32, #tpu.memory_space<vmem>>) semaphore(%arg8 : memref<!tpu.dma_semaphore, #tpu.memory_space<semaphore_mem>>)
        %dma_start3A_950 = arith.constant 1 : i32
        %dma_start3A_951 = arith.constant 7 : i32
        %dma_start3A_952 = arith.constant 1 : i32
        %dma_start3A_953 = arith.constant 7 : i32
        %dma_start3A_954 = arith.constant 0 : i32
        %dma_start3A_955 = arith.constant 0 : i32
        %dma_start3A_956 = tpu.memref_slice %arg6[%dma_start3A_952, %dma_start3A_953, %dma_start3A_954, %dma_start3A_955] : memref<2x50x16x64xf32, #tpu.memory_space<vmem>> -> memref<1x1x16x64xf32, #tpu.memory_space<vmem>>
        %dma_start3A_957 = tpu.memref_squeeze %dma_start3A_956 : memref<1x1x16x64xf32, #tpu.memory_space<vmem>> -> memref<16x64xf32, #tpu.memory_space<vmem>>
        %dma_start3A_958 = arith.constant 0 : i32
        %dma_start3A_959 = tpu.memref_slice %arg5[%dma_start3A_950, %dma_start3A_951, %dma_start3A_958] : memref<2x50x16xi32, #tpu.memory_space<vmem>> -> memref<1x1x16xi32, #tpu.memory_space<vmem>>
        %dma_start3A_960 = tpu.memref_squeeze %dma_start3A_959 : memref<1x1x16xi32, #tpu.memory_space<vmem>> -> memref<16xi32, #tpu.memory_space<vmem>>
        %dma_start3A_961 = arith.constant 0 : i32
        %dma_start3A_962 = arith.constant 0 : i32
        %dma_start3A_963 = tpu.memref_slice %arg2[%dma_start3A_961, %dma_start3A_962] : memref<100000x64xf32, #tpu.memory_space<hbm>> -> memref<100000x64xf32, #tpu.memory_space<hbm>>
        tpu.enqueue_indirect_dma source(%dma_start3A_963 : memref<100000x64xf32, #tpu.memory_space<hbm>>) target(%dma_start3A_957 : memref<16x64xf32, #tpu.memory_space<vmem>>) offsets(%dma_start3A_960 : memref<16xi32, #tpu.memory_space<vmem>>) semaphore(%arg8 : memref<!tpu.dma_semaphore, #tpu.memory_space<semaphore_mem>>)
        %dma_start3A_964 = arith.constant 1 : i32
        %dma_start3A_965 = arith.constant 8 : i32
        %dma_start3A_966 = arith.constant 1 : i32
        %dma_start3A_967 = arith.constant 8 : i32
        %dma_start3A_968 = arith.constant 0 : i32
        %dma_start3A_969 = arith.constant 0 : i32
        %dma_start3A_970 = tpu.memref_slice %arg6[%dma_start3A_966, %dma_start3A_967, %dma_start3A_968, %dma_start3A_969] : memref<2x50x16x64xf32, #tpu.memory_space<vmem>> -> memref<1x1x16x64xf32, #tpu.memory_space<vmem>>
        %dma_start3A_971 = tpu.memref_squeeze %dma_start3A_970 : memref<1x1x16x64xf32, #tpu.memory_space<vmem>> -> memref<16x64xf32, #tpu.memory_space<vmem>>
        %dma_start3A_972 = arith.constant 0 : i32
        %dma_start3A_973 = tpu.memref_slice %arg5[%dma_start3A_964, %dma_start3A_965, %dma_start3A_972] : memref<2x50x16xi32, #tpu.memory_space<vmem>> -> memref<1x1x16xi32, #tpu.memory_space<vmem>>
        %dma_start3A_974 = tpu.memref_squeeze %dma_start3A_973 : memref<1x1x16xi32, #tpu.memory_space<vmem>> -> memref<16xi32, #tpu.memory_space<vmem>>
        %dma_start3A_975 = arith.constant 0 : i32
        %dma_start3A_976 = arith.constant 0 : i32
        %dma_start3A_977 = tpu.memref_slice %arg2[%dma_start3A_975, %dma_start3A_976] : memref<100000x64xf32, #tpu.memory_space<hbm>> -> memref<100000x64xf32, #tpu.memory_space<hbm>>
        tpu.enqueue_indirect_dma source(%dma_start3A_977 : memref<100000x64xf32, #tpu.memory_space<hbm>>) target(%dma_start3A_971 : memref<16x64xf32, #tpu.memory_space<vmem>>) offsets(%dma_start3A_974 : memref<16xi32, #tpu.memory_space<vmem>>) semaphore(%arg8 : memref<!tpu.dma_semaphore, #tpu.memory_space<semaphore_mem>>)
        %dma_start3A_978 = arith.constant 1 : i32
        %dma_start3A_979 = arith.constant 9 : i32
        %dma_start3A_980 = arith.constant 1 : i32
        %dma_start3A_981 = arith.constant 9 : i32
        %dma_start3A_982 = arith.constant 0 : i32
        %dma_start3A_983 = arith.constant 0 : i32
        %dma_start3A_984 = tpu.memref_slice %arg6[%dma_start3A_980, %dma_start3A_981, %dma_start3A_982, %dma_start3A_983] : memref<2x50x16x64xf32, #tpu.memory_space<vmem>> -> memref<1x1x16x64xf32, #tpu.memory_space<vmem>>
        %dma_start3A_985 = tpu.memref_squeeze %dma_start3A_984 : memref<1x1x16x64xf32, #tpu.memory_space<vmem>> -> memref<16x64xf32, #tpu.memory_space<vmem>>
        %dma_start3A_986 = arith.constant 0 : i32
        %dma_start3A_987 = tpu.memref_slice %arg5[%dma_start3A_978, %dma_start3A_979, %dma_start3A_986] : memref<2x50x16xi32, #tpu.memory_space<vmem>> -> memref<1x1x16xi32, #tpu.memory_space<vmem>>
        %dma_start3A_988 = tpu.memref_squeeze %dma_start3A_987 : memref<1x1x16xi32, #tpu.memory_space<vmem>> -> memref<16xi32, #tpu.memory_space<vmem>>
        %dma_start3A_989 = arith.constant 0 : i32
        %dma_start3A_990 = arith.constant 0 : i32
        %dma_start3A_991 = tpu.memref_slice %arg2[%dma_start3A_989, %dma_start3A_990] : memref<100000x64xf32, #tpu.memory_space<hbm>> -> memref<100000x64xf32, #tpu.memory_space<hbm>>
        tpu.enqueue_indirect_dma source(%dma_start3A_991 : memref<100000x64xf32, #tpu.memory_space<hbm>>) target(%dma_start3A_985 : memref<16x64xf32, #tpu.memory_space<vmem>>) offsets(%dma_start3A_988 : memref<16xi32, #tpu.memory_space<vmem>>) semaphore(%arg8 : memref<!tpu.dma_semaphore, #tpu.memory_space<semaphore_mem>>)
        %dma_start3A_992 = arith.constant 1 : i32
        %dma_start3A_993 = arith.constant 10 : i32
        %dma_start3A_994 = arith.constant 1 : i32
        %dma_start3A_995 = arith.constant 10 : i32
        %dma_start3A_996 = arith.constant 0 : i32
        %dma_start3A_997 = arith.constant 0 : i32
        %dma_start3A_998 = tpu.memref_slice %arg6[%dma_start3A_994, %dma_start3A_995, %dma_start3A_996, %dma_start3A_997] : memref<2x50x16x64xf32, #tpu.memory_space<vmem>> -> memref<1x1x16x64xf32, #tpu.memory_space<vmem>>
        %dma_start3A_999 = tpu.memref_squeeze %dma_start3A_998 : memref<1x1x16x64xf32, #tpu.memory_space<vmem>> -> memref<16x64xf32, #tpu.memory_space<vmem>>
        %dma_start3A_1000 = arith.constant 0 : i32
        %dma_start3A_1001 = tpu.memref_slice %arg5[%dma_start3A_992, %dma_start3A_993, %dma_start3A_1000] : memref<2x50x16xi32, #tpu.memory_space<vmem>> -> memref<1x1x16xi32, #tpu.memory_space<vmem>>
        %dma_start3A_1002 = tpu.memref_squeeze %dma_start3A_1001 : memref<1x1x16xi32, #tpu.memory_space<vmem>> -> memref<16xi32, #tpu.memory_space<vmem>>
        %dma_start3A_1003 = arith.constant 0 : i32
        %dma_start3A_1004 = arith.constant 0 : i32
        %dma_start3A_1005 = tpu.memref_slice %arg2[%dma_start3A_1003, %dma_start3A_1004] : memref<100000x64xf32, #tpu.memory_space<hbm>> -> memref<100000x64xf32, #tpu.memory_space<hbm>>
        tpu.enqueue_indirect_dma source(%dma_start3A_1005 : memref<100000x64xf32, #tpu.memory_space<hbm>>) target(%dma_start3A_999 : memref<16x64xf32, #tpu.memory_space<vmem>>) offsets(%dma_start3A_1002 : memref<16xi32, #tpu.memory_space<vmem>>) semaphore(%arg8 : memref<!tpu.dma_semaphore, #tpu.memory_space<semaphore_mem>>)
        %dma_start3A_1006 = arith.constant 1 : i32
        %dma_start3A_1007 = arith.constant 11 : i32
        %dma_start3A_1008 = arith.constant 1 : i32
        %dma_start3A_1009 = arith.constant 11 : i32
        %dma_start3A_1010 = arith.constant 0 : i32
        %dma_start3A_1011 = arith.constant 0 : i32
        %dma_start3A_1012 = tpu.memref_slice %arg6[%dma_start3A_1008, %dma_start3A_1009, %dma_start3A_1010, %dma_start3A_1011] : memref<2x50x16x64xf32, #tpu.memory_space<vmem>> -> memref<1x1x16x64xf32, #tpu.memory_space<vmem>>
        %dma_start3A_1013 = tpu.memref_squeeze %dma_start3A_1012 : memref<1x1x16x64xf32, #tpu.memory_space<vmem>> -> memref<16x64xf32, #tpu.memory_space<vmem>>
        %dma_start3A_1014 = arith.constant 0 : i32
        %dma_start3A_1015 = tpu.memref_slice %arg5[%dma_start3A_1006, %dma_start3A_1007, %dma_start3A_1014] : memref<2x50x16xi32, #tpu.memory_space<vmem>> -> memref<1x1x16xi32, #tpu.memory_space<vmem>>
        %dma_start3A_1016 = tpu.memref_squeeze %dma_start3A_1015 : memref<1x1x16xi32, #tpu.memory_space<vmem>> -> memref<16xi32, #tpu.memory_space<vmem>>
        %dma_start3A_1017 = arith.constant 0 : i32
        %dma_start3A_1018 = arith.constant 0 : i32
        %dma_start3A_1019 = tpu.memref_slice %arg2[%dma_start3A_1017, %dma_start3A_1018] : memref<100000x64xf32, #tpu.memory_space<hbm>> -> memref<100000x64xf32, #tpu.memory_space<hbm>>
        tpu.enqueue_indirect_dma source(%dma_start3A_1019 : memref<100000x64xf32, #tpu.memory_space<hbm>>) target(%dma_start3A_1013 : memref<16x64xf32, #tpu.memory_space<vmem>>) offsets(%dma_start3A_1016 : memref<16xi32, #tpu.memory_space<vmem>>) semaphore(%arg8 : memref<!tpu.dma_semaphore, #tpu.memory_space<semaphore_mem>>)
        %dma_start3A_1020 = arith.constant 1 : i32
        %dma_start3A_1021 = arith.constant 12 : i32
        %dma_start3A_1022 = arith.constant 1 : i32
        %dma_start3A_1023 = arith.constant 12 : i32
        %dma_start3A_1024 = arith.constant 0 : i32
        %dma_start3A_1025 = arith.constant 0 : i32
        %dma_start3A_1026 = tpu.memref_slice %arg6[%dma_start3A_1022, %dma_start3A_1023, %dma_start3A_1024, %dma_start3A_1025] : memref<2x50x16x64xf32, #tpu.memory_space<vmem>> -> memref<1x1x16x64xf32, #tpu.memory_space<vmem>>
        %dma_start3A_1027 = tpu.memref_squeeze %dma_start3A_1026 : memref<1x1x16x64xf32, #tpu.memory_space<vmem>> -> memref<16x64xf32, #tpu.memory_space<vmem>>
        %dma_start3A_1028 = arith.constant 0 : i32
        %dma_start3A_1029 = tpu.memref_slice %arg5[%dma_start3A_1020, %dma_start3A_1021, %dma_start3A_1028] : memref<2x50x16xi32, #tpu.memory_space<vmem>> -> memref<1x1x16xi32, #tpu.memory_space<vmem>>
        %dma_start3A_1030 = tpu.memref_squeeze %dma_start3A_1029 : memref<1x1x16xi32, #tpu.memory_space<vmem>> -> memref<16xi32, #tpu.memory_space<vmem>>
        %dma_start3A_1031 = arith.constant 0 : i32
        %dma_start3A_1032 = arith.constant 0 : i32
        %dma_start3A_1033 = tpu.memref_slice %arg2[%dma_start3A_1031, %dma_start3A_1032] : memref<100000x64xf32, #tpu.memory_space<hbm>> -> memref<100000x64xf32, #tpu.memory_space<hbm>>
        tpu.enqueue_indirect_dma source(%dma_start3A_1033 : memref<100000x64xf32, #tpu.memory_space<hbm>>) target(%dma_start3A_1027 : memref<16x64xf32, #tpu.memory_space<vmem>>) offsets(%dma_start3A_1030 : memref<16xi32, #tpu.memory_space<vmem>>) semaphore(%arg8 : memref<!tpu.dma_semaphore, #tpu.memory_space<semaphore_mem>>)
        %dma_start3A_1034 = arith.constant 1 : i32
        %dma_start3A_1035 = arith.constant 13 : i32
        %dma_start3A_1036 = arith.constant 1 : i32
        %dma_start3A_1037 = arith.constant 13 : i32
        %dma_start3A_1038 = arith.constant 0 : i32
        %dma_start3A_1039 = arith.constant 0 : i32
        %dma_start3A_1040 = tpu.memref_slice %arg6[%dma_start3A_1036, %dma_start3A_1037, %dma_start3A_1038, %dma_start3A_1039] : memref<2x50x16x64xf32, #tpu.memory_space<vmem>> -> memref<1x1x16x64xf32, #tpu.memory_space<vmem>>
        %dma_start3A_1041 = tpu.memref_squeeze %dma_start3A_1040 : memref<1x1x16x64xf32, #tpu.memory_space<vmem>> -> memref<16x64xf32, #tpu.memory_space<vmem>>
        %dma_start3A_1042 = arith.constant 0 : i32
        %dma_start3A_1043 = tpu.memref_slice %arg5[%dma_start3A_1034, %dma_start3A_1035, %dma_start3A_1042] : memref<2x50x16xi32, #tpu.memory_space<vmem>> -> memref<1x1x16xi32, #tpu.memory_space<vmem>>
        %dma_start3A_1044 = tpu.memref_squeeze %dma_start3A_1043 : memref<1x1x16xi32, #tpu.memory_space<vmem>> -> memref<16xi32, #tpu.memory_space<vmem>>
        %dma_start3A_1045 = arith.constant 0 : i32
        %dma_start3A_1046 = arith.constant 0 : i32
        %dma_start3A_1047 = tpu.memref_slice %arg2[%dma_start3A_1045, %dma_start3A_1046] : memref<100000x64xf32, #tpu.memory_space<hbm>> -> memref<100000x64xf32, #tpu.memory_space<hbm>>
        tpu.enqueue_indirect_dma source(%dma_start3A_1047 : memref<100000x64xf32, #tpu.memory_space<hbm>>) target(%dma_start3A_1041 : memref<16x64xf32, #tpu.memory_space<vmem>>) offsets(%dma_start3A_1044 : memref<16xi32, #tpu.memory_space<vmem>>) semaphore(%arg8 : memref<!tpu.dma_semaphore, #tpu.memory_space<semaphore_mem>>)
        %dma_start3A_1048 = arith.constant 1 : i32
        %dma_start3A_1049 = arith.constant 14 : i32
        %dma_start3A_1050 = arith.constant 1 : i32
        %dma_start3A_1051 = arith.constant 14 : i32
        %dma_start3A_1052 = arith.constant 0 : i32
        %dma_start3A_1053 = arith.constant 0 : i32
        %dma_start3A_1054 = tpu.memref_slice %arg6[%dma_start3A_1050, %dma_start3A_1051, %dma_start3A_1052, %dma_start3A_1053] : memref<2x50x16x64xf32, #tpu.memory_space<vmem>> -> memref<1x1x16x64xf32, #tpu.memory_space<vmem>>
        %dma_start3A_1055 = tpu.memref_squeeze %dma_start3A_1054 : memref<1x1x16x64xf32, #tpu.memory_space<vmem>> -> memref<16x64xf32, #tpu.memory_space<vmem>>
        %dma_start3A_1056 = arith.constant 0 : i32
        %dma_start3A_1057 = tpu.memref_slice %arg5[%dma_start3A_1048, %dma_start3A_1049, %dma_start3A_1056] : memref<2x50x16xi32, #tpu.memory_space<vmem>> -> memref<1x1x16xi32, #tpu.memory_space<vmem>>
        %dma_start3A_1058 = tpu.memref_squeeze %dma_start3A_1057 : memref<1x1x16xi32, #tpu.memory_space<vmem>> -> memref<16xi32, #tpu.memory_space<vmem>>
        %dma_start3A_1059 = arith.constant 0 : i32
        %dma_start3A_1060 = arith.constant 0 : i32
        %dma_start3A_1061 = tpu.memref_slice %arg2[%dma_start3A_1059, %dma_start3A_1060] : memref<100000x64xf32, #tpu.memory_space<hbm>> -> memref<100000x64xf32, #tpu.memory_space<hbm>>
        tpu.enqueue_indirect_dma source(%dma_start3A_1061 : memref<100000x64xf32, #tpu.memory_space<hbm>>) target(%dma_start3A_1055 : memref<16x64xf32, #tpu.memory_space<vmem>>) offsets(%dma_start3A_1058 : memref<16xi32, #tpu.memory_space<vmem>>) semaphore(%arg8 : memref<!tpu.dma_semaphore, #tpu.memory_space<semaphore_mem>>)
        %dma_start3A_1062 = arith.constant 1 : i32
        %dma_start3A_1063 = arith.constant 15 : i32
        %dma_start3A_1064 = arith.constant 1 : i32
        %dma_start3A_1065 = arith.constant 15 : i32
        %dma_start3A_1066 = arith.constant 0 : i32
        %dma_start3A_1067 = arith.constant 0 : i32
        %dma_start3A_1068 = tpu.memref_slice %arg6[%dma_start3A_1064, %dma_start3A_1065, %dma_start3A_1066, %dma_start3A_1067] : memref<2x50x16x64xf32, #tpu.memory_space<vmem>> -> memref<1x1x16x64xf32, #tpu.memory_space<vmem>>
        %dma_start3A_1069 = tpu.memref_squeeze %dma_start3A_1068 : memref<1x1x16x64xf32, #tpu.memory_space<vmem>> -> memref<16x64xf32, #tpu.memory_space<vmem>>
        %dma_start3A_1070 = arith.constant 0 : i32
        %dma_start3A_1071 = tpu.memref_slice %arg5[%dma_start3A_1062, %dma_start3A_1063, %dma_start3A_1070] : memref<2x50x16xi32, #tpu.memory_space<vmem>> -> memref<1x1x16xi32, #tpu.memory_space<vmem>>
        %dma_start3A_1072 = tpu.memref_squeeze %dma_start3A_1071 : memref<1x1x16xi32, #tpu.memory_space<vmem>> -> memref<16xi32, #tpu.memory_space<vmem>>
        %dma_start3A_1073 = arith.constant 0 : i32
        %dma_start3A_1074 = arith.constant 0 : i32
        %dma_start3A_1075 = tpu.memref_slice %arg2[%dma_start3A_1073, %dma_start3A_1074] : memref<100000x64xf32, #tpu.memory_space<hbm>> -> memref<100000x64xf32, #tpu.memory_space<hbm>>
        tpu.enqueue_indirect_dma source(%dma_start3A_1075 : memref<100000x64xf32, #tpu.memory_space<hbm>>) target(%dma_start3A_1069 : memref<16x64xf32, #tpu.memory_space<vmem>>) offsets(%dma_start3A_1072 : memref<16xi32, #tpu.memory_space<vmem>>) semaphore(%arg8 : memref<!tpu.dma_semaphore, #tpu.memory_space<semaphore_mem>>)
        %dma_start3A_1076 = arith.constant 1 : i32
        %dma_start3A_1077 = arith.constant 16 : i32
        %dma_start3A_1078 = arith.constant 1 : i32
        %dma_start3A_1079 = arith.constant 16 : i32
        %dma_start3A_1080 = arith.constant 0 : i32
        %dma_start3A_1081 = arith.constant 0 : i32
        %dma_start3A_1082 = tpu.memref_slice %arg6[%dma_start3A_1078, %dma_start3A_1079, %dma_start3A_1080, %dma_start3A_1081] : memref<2x50x16x64xf32, #tpu.memory_space<vmem>> -> memref<1x1x16x64xf32, #tpu.memory_space<vmem>>
        %dma_start3A_1083 = tpu.memref_squeeze %dma_start3A_1082 : memref<1x1x16x64xf32, #tpu.memory_space<vmem>> -> memref<16x64xf32, #tpu.memory_space<vmem>>
        %dma_start3A_1084 = arith.constant 0 : i32
        %dma_start3A_1085 = tpu.memref_slice %arg5[%dma_start3A_1076, %dma_start3A_1077, %dma_start3A_1084] : memref<2x50x16xi32, #tpu.memory_space<vmem>> -> memref<1x1x16xi32, #tpu.memory_space<vmem>>
        %dma_start3A_1086 = tpu.memref_squeeze %dma_start3A_1085 : memref<1x1x16xi32, #tpu.memory_space<vmem>> -> memref<16xi32, #tpu.memory_space<vmem>>
        %dma_start3A_1087 = arith.constant 0 : i32
        %dma_start3A_1088 = arith.constant 0 : i32
        %dma_start3A_1089 = tpu.memref_slice %arg2[%dma_start3A_1087, %dma_start3A_1088] : memref<100000x64xf32, #tpu.memory_space<hbm>> -> memref<100000x64xf32, #tpu.memory_space<hbm>>
        tpu.enqueue_indirect_dma source(%dma_start3A_1089 : memref<100000x64xf32, #tpu.memory_space<hbm>>) target(%dma_start3A_1083 : memref<16x64xf32, #tpu.memory_space<vmem>>) offsets(%dma_start3A_1086 : memref<16xi32, #tpu.memory_space<vmem>>) semaphore(%arg8 : memref<!tpu.dma_semaphore, #tpu.memory_space<semaphore_mem>>)
        %dma_start3A_1090 = arith.constant 1 : i32
        %dma_start3A_1091 = arith.constant 17 : i32
        %dma_start3A_1092 = arith.constant 1 : i32
        %dma_start3A_1093 = arith.constant 17 : i32
        %dma_start3A_1094 = arith.constant 0 : i32
        %dma_start3A_1095 = arith.constant 0 : i32
        %dma_start3A_1096 = tpu.memref_slice %arg6[%dma_start3A_1092, %dma_start3A_1093, %dma_start3A_1094, %dma_start3A_1095] : memref<2x50x16x64xf32, #tpu.memory_space<vmem>> -> memref<1x1x16x64xf32, #tpu.memory_space<vmem>>
        %dma_start3A_1097 = tpu.memref_squeeze %dma_start3A_1096 : memref<1x1x16x64xf32, #tpu.memory_space<vmem>> -> memref<16x64xf32, #tpu.memory_space<vmem>>
        %dma_start3A_1098 = arith.constant 0 : i32
        %dma_start3A_1099 = tpu.memref_slice %arg5[%dma_start3A_1090, %dma_start3A_1091, %dma_start3A_1098] : memref<2x50x16xi32, #tpu.memory_space<vmem>> -> memref<1x1x16xi32, #tpu.memory_space<vmem>>
        %dma_start3A_1100 = tpu.memref_squeeze %dma_start3A_1099 : memref<1x1x16xi32, #tpu.memory_space<vmem>> -> memref<16xi32, #tpu.memory_space<vmem>>
        %dma_start3A_1101 = arith.constant 0 : i32
        %dma_start3A_1102 = arith.constant 0 : i32
        %dma_start3A_1103 = tpu.memref_slice %arg2[%dma_start3A_1101, %dma_start3A_1102] : memref<100000x64xf32, #tpu.memory_space<hbm>> -> memref<100000x64xf32, #tpu.memory_space<hbm>>
        tpu.enqueue_indirect_dma source(%dma_start3A_1103 : memref<100000x64xf32, #tpu.memory_space<hbm>>) target(%dma_start3A_1097 : memref<16x64xf32, #tpu.memory_space<vmem>>) offsets(%dma_start3A_1100 : memref<16xi32, #tpu.memory_space<vmem>>) semaphore(%arg8 : memref<!tpu.dma_semaphore, #tpu.memory_space<semaphore_mem>>)
        %dma_start3A_1104 = arith.constant 1 : i32
        %dma_start3A_1105 = arith.constant 18 : i32
        %dma_start3A_1106 = arith.constant 1 : i32
        %dma_start3A_1107 = arith.constant 18 : i32
        %dma_start3A_1108 = arith.constant 0 : i32
        %dma_start3A_1109 = arith.constant 0 : i32
        %dma_start3A_1110 = tpu.memref_slice %arg6[%dma_start3A_1106, %dma_start3A_1107, %dma_start3A_1108, %dma_start3A_1109] : memref<2x50x16x64xf32, #tpu.memory_space<vmem>> -> memref<1x1x16x64xf32, #tpu.memory_space<vmem>>
        %dma_start3A_1111 = tpu.memref_squeeze %dma_start3A_1110 : memref<1x1x16x64xf32, #tpu.memory_space<vmem>> -> memref<16x64xf32, #tpu.memory_space<vmem>>
        %dma_start3A_1112 = arith.constant 0 : i32
        %dma_start3A_1113 = tpu.memref_slice %arg5[%dma_start3A_1104, %dma_start3A_1105, %dma_start3A_1112] : memref<2x50x16xi32, #tpu.memory_space<vmem>> -> memref<1x1x16xi32, #tpu.memory_space<vmem>>
        %dma_start3A_1114 = tpu.memref_squeeze %dma_start3A_1113 : memref<1x1x16xi32, #tpu.memory_space<vmem>> -> memref<16xi32, #tpu.memory_space<vmem>>
        %dma_start3A_1115 = arith.constant 0 : i32
        %dma_start3A_1116 = arith.constant 0 : i32
        %dma_start3A_1117 = tpu.memref_slice %arg2[%dma_start3A_1115, %dma_start3A_1116] : memref<100000x64xf32, #tpu.memory_space<hbm>> -> memref<100000x64xf32, #tpu.memory_space<hbm>>
        tpu.enqueue_indirect_dma source(%dma_start3A_1117 : memref<100000x64xf32, #tpu.memory_space<hbm>>) target(%dma_start3A_1111 : memref<16x64xf32, #tpu.memory_space<vmem>>) offsets(%dma_start3A_1114 : memref<16xi32, #tpu.memory_space<vmem>>) semaphore(%arg8 : memref<!tpu.dma_semaphore, #tpu.memory_space<semaphore_mem>>)
        %dma_start3A_1118 = arith.constant 1 : i32
        %dma_start3A_1119 = arith.constant 19 : i32
        %dma_start3A_1120 = arith.constant 1 : i32
        %dma_start3A_1121 = arith.constant 19 : i32
        %dma_start3A_1122 = arith.constant 0 : i32
        %dma_start3A_1123 = arith.constant 0 : i32
        %dma_start3A_1124 = tpu.memref_slice %arg6[%dma_start3A_1120, %dma_start3A_1121, %dma_start3A_1122, %dma_start3A_1123] : memref<2x50x16x64xf32, #tpu.memory_space<vmem>> -> memref<1x1x16x64xf32, #tpu.memory_space<vmem>>
        %dma_start3A_1125 = tpu.memref_squeeze %dma_start3A_1124 : memref<1x1x16x64xf32, #tpu.memory_space<vmem>> -> memref<16x64xf32, #tpu.memory_space<vmem>>
        %dma_start3A_1126 = arith.constant 0 : i32
        %dma_start3A_1127 = tpu.memref_slice %arg5[%dma_start3A_1118, %dma_start3A_1119, %dma_start3A_1126] : memref<2x50x16xi32, #tpu.memory_space<vmem>> -> memref<1x1x16xi32, #tpu.memory_space<vmem>>
        %dma_start3A_1128 = tpu.memref_squeeze %dma_start3A_1127 : memref<1x1x16xi32, #tpu.memory_space<vmem>> -> memref<16xi32, #tpu.memory_space<vmem>>
        %dma_start3A_1129 = arith.constant 0 : i32
        %dma_start3A_1130 = arith.constant 0 : i32
        %dma_start3A_1131 = tpu.memref_slice %arg2[%dma_start3A_1129, %dma_start3A_1130] : memref<100000x64xf32, #tpu.memory_space<hbm>> -> memref<100000x64xf32, #tpu.memory_space<hbm>>
        tpu.enqueue_indirect_dma source(%dma_start3A_1131 : memref<100000x64xf32, #tpu.memory_space<hbm>>) target(%dma_start3A_1125 : memref<16x64xf32, #tpu.memory_space<vmem>>) offsets(%dma_start3A_1128 : memref<16xi32, #tpu.memory_space<vmem>>) semaphore(%arg8 : memref<!tpu.dma_semaphore, #tpu.memory_space<semaphore_mem>>)
        %dma_start3A_1132 = arith.constant 1 : i32
        %dma_start3A_1133 = arith.constant 20 : i32
        %dma_start3A_1134 = arith.constant 1 : i32
        %dma_start3A_1135 = arith.constant 20 : i32
        %dma_start3A_1136 = arith.constant 0 : i32
        %dma_start3A_1137 = arith.constant 0 : i32
        %dma_start3A_1138 = tpu.memref_slice %arg6[%dma_start3A_1134, %dma_start3A_1135, %dma_start3A_1136, %dma_start3A_1137] : memref<2x50x16x64xf32, #tpu.memory_space<vmem>> -> memref<1x1x16x64xf32, #tpu.memory_space<vmem>>
        %dma_start3A_1139 = tpu.memref_squeeze %dma_start3A_1138 : memref<1x1x16x64xf32, #tpu.memory_space<vmem>> -> memref<16x64xf32, #tpu.memory_space<vmem>>
        %dma_start3A_1140 = arith.constant 0 : i32
        %dma_start3A_1141 = tpu.memref_slice %arg5[%dma_start3A_1132, %dma_start3A_1133, %dma_start3A_1140] : memref<2x50x16xi32, #tpu.memory_space<vmem>> -> memref<1x1x16xi32, #tpu.memory_space<vmem>>
        %dma_start3A_1142 = tpu.memref_squeeze %dma_start3A_1141 : memref<1x1x16xi32, #tpu.memory_space<vmem>> -> memref<16xi32, #tpu.memory_space<vmem>>
        %dma_start3A_1143 = arith.constant 0 : i32
        %dma_start3A_1144 = arith.constant 0 : i32
        %dma_start3A_1145 = tpu.memref_slice %arg2[%dma_start3A_1143, %dma_start3A_1144] : memref<100000x64xf32, #tpu.memory_space<hbm>> -> memref<100000x64xf32, #tpu.memory_space<hbm>>
        tpu.enqueue_indirect_dma source(%dma_start3A_1145 : memref<100000x64xf32, #tpu.memory_space<hbm>>) target(%dma_start3A_1139 : memref<16x64xf32, #tpu.memory_space<vmem>>) offsets(%dma_start3A_1142 : memref<16xi32, #tpu.memory_space<vmem>>) semaphore(%arg8 : memref<!tpu.dma_semaphore, #tpu.memory_space<semaphore_mem>>)
        %dma_start3A_1146 = arith.constant 1 : i32
        %dma_start3A_1147 = arith.constant 21 : i32
        %dma_start3A_1148 = arith.constant 1 : i32
        %dma_start3A_1149 = arith.constant 21 : i32
        %dma_start3A_1150 = arith.constant 0 : i32
        %dma_start3A_1151 = arith.constant 0 : i32
        %dma_start3A_1152 = tpu.memref_slice %arg6[%dma_start3A_1148, %dma_start3A_1149, %dma_start3A_1150, %dma_start3A_1151] : memref<2x50x16x64xf32, #tpu.memory_space<vmem>> -> memref<1x1x16x64xf32, #tpu.memory_space<vmem>>
        %dma_start3A_1153 = tpu.memref_squeeze %dma_start3A_1152 : memref<1x1x16x64xf32, #tpu.memory_space<vmem>> -> memref<16x64xf32, #tpu.memory_space<vmem>>
        %dma_start3A_1154 = arith.constant 0 : i32
        %dma_start3A_1155 = tpu.memref_slice %arg5[%dma_start3A_1146, %dma_start3A_1147, %dma_start3A_1154] : memref<2x50x16xi32, #tpu.memory_space<vmem>> -> memref<1x1x16xi32, #tpu.memory_space<vmem>>
        %dma_start3A_1156 = tpu.memref_squeeze %dma_start3A_1155 : memref<1x1x16xi32, #tpu.memory_space<vmem>> -> memref<16xi32, #tpu.memory_space<vmem>>
        %dma_start3A_1157 = arith.constant 0 : i32
        %dma_start3A_1158 = arith.constant 0 : i32
        %dma_start3A_1159 = tpu.memref_slice %arg2[%dma_start3A_1157, %dma_start3A_1158] : memref<100000x64xf32, #tpu.memory_space<hbm>> -> memref<100000x64xf32, #tpu.memory_space<hbm>>
        tpu.enqueue_indirect_dma source(%dma_start3A_1159 : memref<100000x64xf32, #tpu.memory_space<hbm>>) target(%dma_start3A_1153 : memref<16x64xf32, #tpu.memory_space<vmem>>) offsets(%dma_start3A_1156 : memref<16xi32, #tpu.memory_space<vmem>>) semaphore(%arg8 : memref<!tpu.dma_semaphore, #tpu.memory_space<semaphore_mem>>)
        %dma_start3A_1160 = arith.constant 1 : i32
        %dma_start3A_1161 = arith.constant 22 : i32
        %dma_start3A_1162 = arith.constant 1 : i32
        %dma_start3A_1163 = arith.constant 22 : i32
        %dma_start3A_1164 = arith.constant 0 : i32
        %dma_start3A_1165 = arith.constant 0 : i32
        %dma_start3A_1166 = tpu.memref_slice %arg6[%dma_start3A_1162, %dma_start3A_1163, %dma_start3A_1164, %dma_start3A_1165] : memref<2x50x16x64xf32, #tpu.memory_space<vmem>> -> memref<1x1x16x64xf32, #tpu.memory_space<vmem>>
        %dma_start3A_1167 = tpu.memref_squeeze %dma_start3A_1166 : memref<1x1x16x64xf32, #tpu.memory_space<vmem>> -> memref<16x64xf32, #tpu.memory_space<vmem>>
        %dma_start3A_1168 = arith.constant 0 : i32
        %dma_start3A_1169 = tpu.memref_slice %arg5[%dma_start3A_1160, %dma_start3A_1161, %dma_start3A_1168] : memref<2x50x16xi32, #tpu.memory_space<vmem>> -> memref<1x1x16xi32, #tpu.memory_space<vmem>>
        %dma_start3A_1170 = tpu.memref_squeeze %dma_start3A_1169 : memref<1x1x16xi32, #tpu.memory_space<vmem>> -> memref<16xi32, #tpu.memory_space<vmem>>
        %dma_start3A_1171 = arith.constant 0 : i32
        %dma_start3A_1172 = arith.constant 0 : i32
        %dma_start3A_1173 = tpu.memref_slice %arg2[%dma_start3A_1171, %dma_start3A_1172] : memref<100000x64xf32, #tpu.memory_space<hbm>> -> memref<100000x64xf32, #tpu.memory_space<hbm>>
        tpu.enqueue_indirect_dma source(%dma_start3A_1173 : memref<100000x64xf32, #tpu.memory_space<hbm>>) target(%dma_start3A_1167 : memref<16x64xf32, #tpu.memory_space<vmem>>) offsets(%dma_start3A_1170 : memref<16xi32, #tpu.memory_space<vmem>>) semaphore(%arg8 : memref<!tpu.dma_semaphore, #tpu.memory_space<semaphore_mem>>)
        %dma_start3A_1174 = arith.constant 1 : i32
        %dma_start3A_1175 = arith.constant 23 : i32
        %dma_start3A_1176 = arith.constant 1 : i32
        %dma_start3A_1177 = arith.constant 23 : i32
        %dma_start3A_1178 = arith.constant 0 : i32
        %dma_start3A_1179 = arith.constant 0 : i32
        %dma_start3A_1180 = tpu.memref_slice %arg6[%dma_start3A_1176, %dma_start3A_1177, %dma_start3A_1178, %dma_start3A_1179] : memref<2x50x16x64xf32, #tpu.memory_space<vmem>> -> memref<1x1x16x64xf32, #tpu.memory_space<vmem>>
        %dma_start3A_1181 = tpu.memref_squeeze %dma_start3A_1180 : memref<1x1x16x64xf32, #tpu.memory_space<vmem>> -> memref<16x64xf32, #tpu.memory_space<vmem>>
        %dma_start3A_1182 = arith.constant 0 : i32
        %dma_start3A_1183 = tpu.memref_slice %arg5[%dma_start3A_1174, %dma_start3A_1175, %dma_start3A_1182] : memref<2x50x16xi32, #tpu.memory_space<vmem>> -> memref<1x1x16xi32, #tpu.memory_space<vmem>>
        %dma_start3A_1184 = tpu.memref_squeeze %dma_start3A_1183 : memref<1x1x16xi32, #tpu.memory_space<vmem>> -> memref<16xi32, #tpu.memory_space<vmem>>
        %dma_start3A_1185 = arith.constant 0 : i32
        %dma_start3A_1186 = arith.constant 0 : i32
        %dma_start3A_1187 = tpu.memref_slice %arg2[%dma_start3A_1185, %dma_start3A_1186] : memref<100000x64xf32, #tpu.memory_space<hbm>> -> memref<100000x64xf32, #tpu.memory_space<hbm>>
        tpu.enqueue_indirect_dma source(%dma_start3A_1187 : memref<100000x64xf32, #tpu.memory_space<hbm>>) target(%dma_start3A_1181 : memref<16x64xf32, #tpu.memory_space<vmem>>) offsets(%dma_start3A_1184 : memref<16xi32, #tpu.memory_space<vmem>>) semaphore(%arg8 : memref<!tpu.dma_semaphore, #tpu.memory_space<semaphore_mem>>)
        %dma_start3A_1188 = arith.constant 1 : i32
        %dma_start3A_1189 = arith.constant 24 : i32
        %dma_start3A_1190 = arith.constant 1 : i32
        %dma_start3A_1191 = arith.constant 24 : i32
        %dma_start3A_1192 = arith.constant 0 : i32
        %dma_start3A_1193 = arith.constant 0 : i32
        %dma_start3A_1194 = tpu.memref_slice %arg6[%dma_start3A_1190, %dma_start3A_1191, %dma_start3A_1192, %dma_start3A_1193] : memref<2x50x16x64xf32, #tpu.memory_space<vmem>> -> memref<1x1x16x64xf32, #tpu.memory_space<vmem>>
        %dma_start3A_1195 = tpu.memref_squeeze %dma_start3A_1194 : memref<1x1x16x64xf32, #tpu.memory_space<vmem>> -> memref<16x64xf32, #tpu.memory_space<vmem>>
        %dma_start3A_1196 = arith.constant 0 : i32
        %dma_start3A_1197 = tpu.memref_slice %arg5[%dma_start3A_1188, %dma_start3A_1189, %dma_start3A_1196] : memref<2x50x16xi32, #tpu.memory_space<vmem>> -> memref<1x1x16xi32, #tpu.memory_space<vmem>>
        %dma_start3A_1198 = tpu.memref_squeeze %dma_start3A_1197 : memref<1x1x16xi32, #tpu.memory_space<vmem>> -> memref<16xi32, #tpu.memory_space<vmem>>
        %dma_start3A_1199 = arith.constant 0 : i32
        %dma_start3A_1200 = arith.constant 0 : i32
        %dma_start3A_1201 = tpu.memref_slice %arg2[%dma_start3A_1199, %dma_start3A_1200] : memref<100000x64xf32, #tpu.memory_space<hbm>> -> memref<100000x64xf32, #tpu.memory_space<hbm>>
        tpu.enqueue_indirect_dma source(%dma_start3A_1201 : memref<100000x64xf32, #tpu.memory_space<hbm>>) target(%dma_start3A_1195 : memref<16x64xf32, #tpu.memory_space<vmem>>) offsets(%dma_start3A_1198 : memref<16xi32, #tpu.memory_space<vmem>>) semaphore(%arg8 : memref<!tpu.dma_semaphore, #tpu.memory_space<semaphore_mem>>)
        %dma_start3A_1202 = arith.constant 1 : i32
        %dma_start3A_1203 = arith.constant 25 : i32
        %dma_start3A_1204 = arith.constant 1 : i32
        %dma_start3A_1205 = arith.constant 25 : i32
        %dma_start3A_1206 = arith.constant 0 : i32
        %dma_start3A_1207 = arith.constant 0 : i32
        %dma_start3A_1208 = tpu.memref_slice %arg6[%dma_start3A_1204, %dma_start3A_1205, %dma_start3A_1206, %dma_start3A_1207] : memref<2x50x16x64xf32, #tpu.memory_space<vmem>> -> memref<1x1x16x64xf32, #tpu.memory_space<vmem>>
        %dma_start3A_1209 = tpu.memref_squeeze %dma_start3A_1208 : memref<1x1x16x64xf32, #tpu.memory_space<vmem>> -> memref<16x64xf32, #tpu.memory_space<vmem>>
        %dma_start3A_1210 = arith.constant 0 : i32
        %dma_start3A_1211 = tpu.memref_slice %arg5[%dma_start3A_1202, %dma_start3A_1203, %dma_start3A_1210] : memref<2x50x16xi32, #tpu.memory_space<vmem>> -> memref<1x1x16xi32, #tpu.memory_space<vmem>>
        %dma_start3A_1212 = tpu.memref_squeeze %dma_start3A_1211 : memref<1x1x16xi32, #tpu.memory_space<vmem>> -> memref<16xi32, #tpu.memory_space<vmem>>
        %dma_start3A_1213 = arith.constant 0 : i32
        %dma_start3A_1214 = arith.constant 0 : i32
        %dma_start3A_1215 = tpu.memref_slice %arg2[%dma_start3A_1213, %dma_start3A_1214] : memref<100000x64xf32, #tpu.memory_space<hbm>> -> memref<100000x64xf32, #tpu.memory_space<hbm>>
        tpu.enqueue_indirect_dma source(%dma_start3A_1215 : memref<100000x64xf32, #tpu.memory_space<hbm>>) target(%dma_start3A_1209 : memref<16x64xf32, #tpu.memory_space<vmem>>) offsets(%dma_start3A_1212 : memref<16xi32, #tpu.memory_space<vmem>>) semaphore(%arg8 : memref<!tpu.dma_semaphore, #tpu.memory_space<semaphore_mem>>)
        %dma_start3A_1216 = arith.constant 1 : i32
        %dma_start3A_1217 = arith.constant 26 : i32
        %dma_start3A_1218 = arith.constant 1 : i32
        %dma_start3A_1219 = arith.constant 26 : i32
        %dma_start3A_1220 = arith.constant 0 : i32
        %dma_start3A_1221 = arith.constant 0 : i32
        %dma_start3A_1222 = tpu.memref_slice %arg6[%dma_start3A_1218, %dma_start3A_1219, %dma_start3A_1220, %dma_start3A_1221] : memref<2x50x16x64xf32, #tpu.memory_space<vmem>> -> memref<1x1x16x64xf32, #tpu.memory_space<vmem>>
        %dma_start3A_1223 = tpu.memref_squeeze %dma_start3A_1222 : memref<1x1x16x64xf32, #tpu.memory_space<vmem>> -> memref<16x64xf32, #tpu.memory_space<vmem>>
        %dma_start3A_1224 = arith.constant 0 : i32
        %dma_start3A_1225 = tpu.memref_slice %arg5[%dma_start3A_1216, %dma_start3A_1217, %dma_start3A_1224] : memref<2x50x16xi32, #tpu.memory_space<vmem>> -> memref<1x1x16xi32, #tpu.memory_space<vmem>>
        %dma_start3A_1226 = tpu.memref_squeeze %dma_start3A_1225 : memref<1x1x16xi32, #tpu.memory_space<vmem>> -> memref<16xi32, #tpu.memory_space<vmem>>
        %dma_start3A_1227 = arith.constant 0 : i32
        %dma_start3A_1228 = arith.constant 0 : i32
        %dma_start3A_1229 = tpu.memref_slice %arg2[%dma_start3A_1227, %dma_start3A_1228] : memref<100000x64xf32, #tpu.memory_space<hbm>> -> memref<100000x64xf32, #tpu.memory_space<hbm>>
        tpu.enqueue_indirect_dma source(%dma_start3A_1229 : memref<100000x64xf32, #tpu.memory_space<hbm>>) target(%dma_start3A_1223 : memref<16x64xf32, #tpu.memory_space<vmem>>) offsets(%dma_start3A_1226 : memref<16xi32, #tpu.memory_space<vmem>>) semaphore(%arg8 : memref<!tpu.dma_semaphore, #tpu.memory_space<semaphore_mem>>)
        %dma_start3A_1230 = arith.constant 1 : i32
        %dma_start3A_1231 = arith.constant 27 : i32
        %dma_start3A_1232 = arith.constant 1 : i32
        %dma_start3A_1233 = arith.constant 27 : i32
        %dma_start3A_1234 = arith.constant 0 : i32
        %dma_start3A_1235 = arith.constant 0 : i32
        %dma_start3A_1236 = tpu.memref_slice %arg6[%dma_start3A_1232, %dma_start3A_1233, %dma_start3A_1234, %dma_start3A_1235] : memref<2x50x16x64xf32, #tpu.memory_space<vmem>> -> memref<1x1x16x64xf32, #tpu.memory_space<vmem>>
        %dma_start3A_1237 = tpu.memref_squeeze %dma_start3A_1236 : memref<1x1x16x64xf32, #tpu.memory_space<vmem>> -> memref<16x64xf32, #tpu.memory_space<vmem>>
        %dma_start3A_1238 = arith.constant 0 : i32
        %dma_start3A_1239 = tpu.memref_slice %arg5[%dma_start3A_1230, %dma_start3A_1231, %dma_start3A_1238] : memref<2x50x16xi32, #tpu.memory_space<vmem>> -> memref<1x1x16xi32, #tpu.memory_space<vmem>>
        %dma_start3A_1240 = tpu.memref_squeeze %dma_start3A_1239 : memref<1x1x16xi32, #tpu.memory_space<vmem>> -> memref<16xi32, #tpu.memory_space<vmem>>
        %dma_start3A_1241 = arith.constant 0 : i32
        %dma_start3A_1242 = arith.constant 0 : i32
        %dma_start3A_1243 = tpu.memref_slice %arg2[%dma_start3A_1241, %dma_start3A_1242] : memref<100000x64xf32, #tpu.memory_space<hbm>> -> memref<100000x64xf32, #tpu.memory_space<hbm>>
        tpu.enqueue_indirect_dma source(%dma_start3A_1243 : memref<100000x64xf32, #tpu.memory_space<hbm>>) target(%dma_start3A_1237 : memref<16x64xf32, #tpu.memory_space<vmem>>) offsets(%dma_start3A_1240 : memref<16xi32, #tpu.memory_space<vmem>>) semaphore(%arg8 : memref<!tpu.dma_semaphore, #tpu.memory_space<semaphore_mem>>)
        %dma_start3A_1244 = arith.constant 1 : i32
        %dma_start3A_1245 = arith.constant 28 : i32
        %dma_start3A_1246 = arith.constant 1 : i32
        %dma_start3A_1247 = arith.constant 28 : i32
        %dma_start3A_1248 = arith.constant 0 : i32
        %dma_start3A_1249 = arith.constant 0 : i32
        %dma_start3A_1250 = tpu.memref_slice %arg6[%dma_start3A_1246, %dma_start3A_1247, %dma_start3A_1248, %dma_start3A_1249] : memref<2x50x16x64xf32, #tpu.memory_space<vmem>> -> memref<1x1x16x64xf32, #tpu.memory_space<vmem>>
        %dma_start3A_1251 = tpu.memref_squeeze %dma_start3A_1250 : memref<1x1x16x64xf32, #tpu.memory_space<vmem>> -> memref<16x64xf32, #tpu.memory_space<vmem>>
        %dma_start3A_1252 = arith.constant 0 : i32
        %dma_start3A_1253 = tpu.memref_slice %arg5[%dma_start3A_1244, %dma_start3A_1245, %dma_start3A_1252] : memref<2x50x16xi32, #tpu.memory_space<vmem>> -> memref<1x1x16xi32, #tpu.memory_space<vmem>>
        %dma_start3A_1254 = tpu.memref_squeeze %dma_start3A_1253 : memref<1x1x16xi32, #tpu.memory_space<vmem>> -> memref<16xi32, #tpu.memory_space<vmem>>
        %dma_start3A_1255 = arith.constant 0 : i32
        %dma_start3A_1256 = arith.constant 0 : i32
        %dma_start3A_1257 = tpu.memref_slice %arg2[%dma_start3A_1255, %dma_start3A_1256] : memref<100000x64xf32, #tpu.memory_space<hbm>> -> memref<100000x64xf32, #tpu.memory_space<hbm>>
        tpu.enqueue_indirect_dma source(%dma_start3A_1257 : memref<100000x64xf32, #tpu.memory_space<hbm>>) target(%dma_start3A_1251 : memref<16x64xf32, #tpu.memory_space<vmem>>) offsets(%dma_start3A_1254 : memref<16xi32, #tpu.memory_space<vmem>>) semaphore(%arg8 : memref<!tpu.dma_semaphore, #tpu.memory_space<semaphore_mem>>)
        %dma_start3A_1258 = arith.constant 1 : i32
        %dma_start3A_1259 = arith.constant 29 : i32
        %dma_start3A_1260 = arith.constant 1 : i32
        %dma_start3A_1261 = arith.constant 29 : i32
        %dma_start3A_1262 = arith.constant 0 : i32
        %dma_start3A_1263 = arith.constant 0 : i32
        %dma_start3A_1264 = tpu.memref_slice %arg6[%dma_start3A_1260, %dma_start3A_1261, %dma_start3A_1262, %dma_start3A_1263] : memref<2x50x16x64xf32, #tpu.memory_space<vmem>> -> memref<1x1x16x64xf32, #tpu.memory_space<vmem>>
        %dma_start3A_1265 = tpu.memref_squeeze %dma_start3A_1264 : memref<1x1x16x64xf32, #tpu.memory_space<vmem>> -> memref<16x64xf32, #tpu.memory_space<vmem>>
        %dma_start3A_1266 = arith.constant 0 : i32
        %dma_start3A_1267 = tpu.memref_slice %arg5[%dma_start3A_1258, %dma_start3A_1259, %dma_start3A_1266] : memref<2x50x16xi32, #tpu.memory_space<vmem>> -> memref<1x1x16xi32, #tpu.memory_space<vmem>>
        %dma_start3A_1268 = tpu.memref_squeeze %dma_start3A_1267 : memref<1x1x16xi32, #tpu.memory_space<vmem>> -> memref<16xi32, #tpu.memory_space<vmem>>
        %dma_start3A_1269 = arith.constant 0 : i32
        %dma_start3A_1270 = arith.constant 0 : i32
        %dma_start3A_1271 = tpu.memref_slice %arg2[%dma_start3A_1269, %dma_start3A_1270] : memref<100000x64xf32, #tpu.memory_space<hbm>> -> memref<100000x64xf32, #tpu.memory_space<hbm>>
        tpu.enqueue_indirect_dma source(%dma_start3A_1271 : memref<100000x64xf32, #tpu.memory_space<hbm>>) target(%dma_start3A_1265 : memref<16x64xf32, #tpu.memory_space<vmem>>) offsets(%dma_start3A_1268 : memref<16xi32, #tpu.memory_space<vmem>>) semaphore(%arg8 : memref<!tpu.dma_semaphore, #tpu.memory_space<semaphore_mem>>)
        %dma_start3A_1272 = arith.constant 1 : i32
        %dma_start3A_1273 = arith.constant 30 : i32
        %dma_start3A_1274 = arith.constant 1 : i32
        %dma_start3A_1275 = arith.constant 30 : i32
        %dma_start3A_1276 = arith.constant 0 : i32
        %dma_start3A_1277 = arith.constant 0 : i32
        %dma_start3A_1278 = tpu.memref_slice %arg6[%dma_start3A_1274, %dma_start3A_1275, %dma_start3A_1276, %dma_start3A_1277] : memref<2x50x16x64xf32, #tpu.memory_space<vmem>> -> memref<1x1x16x64xf32, #tpu.memory_space<vmem>>
        %dma_start3A_1279 = tpu.memref_squeeze %dma_start3A_1278 : memref<1x1x16x64xf32, #tpu.memory_space<vmem>> -> memref<16x64xf32, #tpu.memory_space<vmem>>
        %dma_start3A_1280 = arith.constant 0 : i32
        %dma_start3A_1281 = tpu.memref_slice %arg5[%dma_start3A_1272, %dma_start3A_1273, %dma_start3A_1280] : memref<2x50x16xi32, #tpu.memory_space<vmem>> -> memref<1x1x16xi32, #tpu.memory_space<vmem>>
        %dma_start3A_1282 = tpu.memref_squeeze %dma_start3A_1281 : memref<1x1x16xi32, #tpu.memory_space<vmem>> -> memref<16xi32, #tpu.memory_space<vmem>>
        %dma_start3A_1283 = arith.constant 0 : i32
        %dma_start3A_1284 = arith.constant 0 : i32
        %dma_start3A_1285 = tpu.memref_slice %arg2[%dma_start3A_1283, %dma_start3A_1284] : memref<100000x64xf32, #tpu.memory_space<hbm>> -> memref<100000x64xf32, #tpu.memory_space<hbm>>
        tpu.enqueue_indirect_dma source(%dma_start3A_1285 : memref<100000x64xf32, #tpu.memory_space<hbm>>) target(%dma_start3A_1279 : memref<16x64xf32, #tpu.memory_space<vmem>>) offsets(%dma_start3A_1282 : memref<16xi32, #tpu.memory_space<vmem>>) semaphore(%arg8 : memref<!tpu.dma_semaphore, #tpu.memory_space<semaphore_mem>>)
        %dma_start3A_1286 = arith.constant 1 : i32
        %dma_start3A_1287 = arith.constant 31 : i32
        %dma_start3A_1288 = arith.constant 1 : i32
        %dma_start3A_1289 = arith.constant 31 : i32
        %dma_start3A_1290 = arith.constant 0 : i32
        %dma_start3A_1291 = arith.constant 0 : i32
        %dma_start3A_1292 = tpu.memref_slice %arg6[%dma_start3A_1288, %dma_start3A_1289, %dma_start3A_1290, %dma_start3A_1291] : memref<2x50x16x64xf32, #tpu.memory_space<vmem>> -> memref<1x1x16x64xf32, #tpu.memory_space<vmem>>
        %dma_start3A_1293 = tpu.memref_squeeze %dma_start3A_1292 : memref<1x1x16x64xf32, #tpu.memory_space<vmem>> -> memref<16x64xf32, #tpu.memory_space<vmem>>
        %dma_start3A_1294 = arith.constant 0 : i32
        %dma_start3A_1295 = tpu.memref_slice %arg5[%dma_start3A_1286, %dma_start3A_1287, %dma_start3A_1294] : memref<2x50x16xi32, #tpu.memory_space<vmem>> -> memref<1x1x16xi32, #tpu.memory_space<vmem>>
        %dma_start3A_1296 = tpu.memref_squeeze %dma_start3A_1295 : memref<1x1x16xi32, #tpu.memory_space<vmem>> -> memref<16xi32, #tpu.memory_space<vmem>>
        %dma_start3A_1297 = arith.constant 0 : i32
        %dma_start3A_1298 = arith.constant 0 : i32
        %dma_start3A_1299 = tpu.memref_slice %arg2[%dma_start3A_1297, %dma_start3A_1298] : memref<100000x64xf32, #tpu.memory_space<hbm>> -> memref<100000x64xf32, #tpu.memory_space<hbm>>
        tpu.enqueue_indirect_dma source(%dma_start3A_1299 : memref<100000x64xf32, #tpu.memory_space<hbm>>) target(%dma_start3A_1293 : memref<16x64xf32, #tpu.memory_space<vmem>>) offsets(%dma_start3A_1296 : memref<16xi32, #tpu.memory_space<vmem>>) semaphore(%arg8 : memref<!tpu.dma_semaphore, #tpu.memory_space<semaphore_mem>>)
        %dma_start3A_1300 = arith.constant 1 : i32
        %dma_start3A_1301 = arith.constant 32 : i32
        %dma_start3A_1302 = arith.constant 1 : i32
        %dma_start3A_1303 = arith.constant 32 : i32
        %dma_start3A_1304 = arith.constant 0 : i32
        %dma_start3A_1305 = arith.constant 0 : i32
        %dma_start3A_1306 = tpu.memref_slice %arg6[%dma_start3A_1302, %dma_start3A_1303, %dma_start3A_1304, %dma_start3A_1305] : memref<2x50x16x64xf32, #tpu.memory_space<vmem>> -> memref<1x1x16x64xf32, #tpu.memory_space<vmem>>
        %dma_start3A_1307 = tpu.memref_squeeze %dma_start3A_1306 : memref<1x1x16x64xf32, #tpu.memory_space<vmem>> -> memref<16x64xf32, #tpu.memory_space<vmem>>
        %dma_start3A_1308 = arith.constant 0 : i32
        %dma_start3A_1309 = tpu.memref_slice %arg5[%dma_start3A_1300, %dma_start3A_1301, %dma_start3A_1308] : memref<2x50x16xi32, #tpu.memory_space<vmem>> -> memref<1x1x16xi32, #tpu.memory_space<vmem>>
        %dma_start3A_1310 = tpu.memref_squeeze %dma_start3A_1309 : memref<1x1x16xi32, #tpu.memory_space<vmem>> -> memref<16xi32, #tpu.memory_space<vmem>>
        %dma_start3A_1311 = arith.constant 0 : i32
        %dma_start3A_1312 = arith.constant 0 : i32
        %dma_start3A_1313 = tpu.memref_slice %arg2[%dma_start3A_1311, %dma_start3A_1312] : memref<100000x64xf32, #tpu.memory_space<hbm>> -> memref<100000x64xf32, #tpu.memory_space<hbm>>
        tpu.enqueue_indirect_dma source(%dma_start3A_1313 : memref<100000x64xf32, #tpu.memory_space<hbm>>) target(%dma_start3A_1307 : memref<16x64xf32, #tpu.memory_space<vmem>>) offsets(%dma_start3A_1310 : memref<16xi32, #tpu.memory_space<vmem>>) semaphore(%arg8 : memref<!tpu.dma_semaphore, #tpu.memory_space<semaphore_mem>>)
        %dma_start3A_1314 = arith.constant 1 : i32
        %dma_start3A_1315 = arith.constant 33 : i32
        %dma_start3A_1316 = arith.constant 1 : i32
        %dma_start3A_1317 = arith.constant 33 : i32
        %dma_start3A_1318 = arith.constant 0 : i32
        %dma_start3A_1319 = arith.constant 0 : i32
        %dma_start3A_1320 = tpu.memref_slice %arg6[%dma_start3A_1316, %dma_start3A_1317, %dma_start3A_1318, %dma_start3A_1319] : memref<2x50x16x64xf32, #tpu.memory_space<vmem>> -> memref<1x1x16x64xf32, #tpu.memory_space<vmem>>
        %dma_start3A_1321 = tpu.memref_squeeze %dma_start3A_1320 : memref<1x1x16x64xf32, #tpu.memory_space<vmem>> -> memref<16x64xf32, #tpu.memory_space<vmem>>
        %dma_start3A_1322 = arith.constant 0 : i32
        %dma_start3A_1323 = tpu.memref_slice %arg5[%dma_start3A_1314, %dma_start3A_1315, %dma_start3A_1322] : memref<2x50x16xi32, #tpu.memory_space<vmem>> -> memref<1x1x16xi32, #tpu.memory_space<vmem>>
        %dma_start3A_1324 = tpu.memref_squeeze %dma_start3A_1323 : memref<1x1x16xi32, #tpu.memory_space<vmem>> -> memref<16xi32, #tpu.memory_space<vmem>>
        %dma_start3A_1325 = arith.constant 0 : i32
        %dma_start3A_1326 = arith.constant 0 : i32
        %dma_start3A_1327 = tpu.memref_slice %arg2[%dma_start3A_1325, %dma_start3A_1326] : memref<100000x64xf32, #tpu.memory_space<hbm>> -> memref<100000x64xf32, #tpu.memory_space<hbm>>
        tpu.enqueue_indirect_dma source(%dma_start3A_1327 : memref<100000x64xf32, #tpu.memory_space<hbm>>) target(%dma_start3A_1321 : memref<16x64xf32, #tpu.memory_space<vmem>>) offsets(%dma_start3A_1324 : memref<16xi32, #tpu.memory_space<vmem>>) semaphore(%arg8 : memref<!tpu.dma_semaphore, #tpu.memory_space<semaphore_mem>>)
        %dma_start3A_1328 = arith.constant 1 : i32
        %dma_start3A_1329 = arith.constant 34 : i32
        %dma_start3A_1330 = arith.constant 1 : i32
        %dma_start3A_1331 = arith.constant 34 : i32
        %dma_start3A_1332 = arith.constant 0 : i32
        %dma_start3A_1333 = arith.constant 0 : i32
        %dma_start3A_1334 = tpu.memref_slice %arg6[%dma_start3A_1330, %dma_start3A_1331, %dma_start3A_1332, %dma_start3A_1333] : memref<2x50x16x64xf32, #tpu.memory_space<vmem>> -> memref<1x1x16x64xf32, #tpu.memory_space<vmem>>
        %dma_start3A_1335 = tpu.memref_squeeze %dma_start3A_1334 : memref<1x1x16x64xf32, #tpu.memory_space<vmem>> -> memref<16x64xf32, #tpu.memory_space<vmem>>
        %dma_start3A_1336 = arith.constant 0 : i32
        %dma_start3A_1337 = tpu.memref_slice %arg5[%dma_start3A_1328, %dma_start3A_1329, %dma_start3A_1336] : memref<2x50x16xi32, #tpu.memory_space<vmem>> -> memref<1x1x16xi32, #tpu.memory_space<vmem>>
        %dma_start3A_1338 = tpu.memref_squeeze %dma_start3A_1337 : memref<1x1x16xi32, #tpu.memory_space<vmem>> -> memref<16xi32, #tpu.memory_space<vmem>>
        %dma_start3A_1339 = arith.constant 0 : i32
        %dma_start3A_1340 = arith.constant 0 : i32
        %dma_start3A_1341 = tpu.memref_slice %arg2[%dma_start3A_1339, %dma_start3A_1340] : memref<100000x64xf32, #tpu.memory_space<hbm>> -> memref<100000x64xf32, #tpu.memory_space<hbm>>
        tpu.enqueue_indirect_dma source(%dma_start3A_1341 : memref<100000x64xf32, #tpu.memory_space<hbm>>) target(%dma_start3A_1335 : memref<16x64xf32, #tpu.memory_space<vmem>>) offsets(%dma_start3A_1338 : memref<16xi32, #tpu.memory_space<vmem>>) semaphore(%arg8 : memref<!tpu.dma_semaphore, #tpu.memory_space<semaphore_mem>>)
        %dma_start3A_1342 = arith.constant 1 : i32
        %dma_start3A_1343 = arith.constant 35 : i32
        %dma_start3A_1344 = arith.constant 1 : i32
        %dma_start3A_1345 = arith.constant 35 : i32
        %dma_start3A_1346 = arith.constant 0 : i32
        %dma_start3A_1347 = arith.constant 0 : i32
        %dma_start3A_1348 = tpu.memref_slice %arg6[%dma_start3A_1344, %dma_start3A_1345, %dma_start3A_1346, %dma_start3A_1347] : memref<2x50x16x64xf32, #tpu.memory_space<vmem>> -> memref<1x1x16x64xf32, #tpu.memory_space<vmem>>
        %dma_start3A_1349 = tpu.memref_squeeze %dma_start3A_1348 : memref<1x1x16x64xf32, #tpu.memory_space<vmem>> -> memref<16x64xf32, #tpu.memory_space<vmem>>
        %dma_start3A_1350 = arith.constant 0 : i32
        %dma_start3A_1351 = tpu.memref_slice %arg5[%dma_start3A_1342, %dma_start3A_1343, %dma_start3A_1350] : memref<2x50x16xi32, #tpu.memory_space<vmem>> -> memref<1x1x16xi32, #tpu.memory_space<vmem>>
        %dma_start3A_1352 = tpu.memref_squeeze %dma_start3A_1351 : memref<1x1x16xi32, #tpu.memory_space<vmem>> -> memref<16xi32, #tpu.memory_space<vmem>>
        %dma_start3A_1353 = arith.constant 0 : i32
        %dma_start3A_1354 = arith.constant 0 : i32
        %dma_start3A_1355 = tpu.memref_slice %arg2[%dma_start3A_1353, %dma_start3A_1354] : memref<100000x64xf32, #tpu.memory_space<hbm>> -> memref<100000x64xf32, #tpu.memory_space<hbm>>
        tpu.enqueue_indirect_dma source(%dma_start3A_1355 : memref<100000x64xf32, #tpu.memory_space<hbm>>) target(%dma_start3A_1349 : memref<16x64xf32, #tpu.memory_space<vmem>>) offsets(%dma_start3A_1352 : memref<16xi32, #tpu.memory_space<vmem>>) semaphore(%arg8 : memref<!tpu.dma_semaphore, #tpu.memory_space<semaphore_mem>>)
        %dma_start3A_1356 = arith.constant 1 : i32
        %dma_start3A_1357 = arith.constant 36 : i32
        %dma_start3A_1358 = arith.constant 1 : i32
        %dma_start3A_1359 = arith.constant 36 : i32
        %dma_start3A_1360 = arith.constant 0 : i32
        %dma_start3A_1361 = arith.constant 0 : i32
        %dma_start3A_1362 = tpu.memref_slice %arg6[%dma_start3A_1358, %dma_start3A_1359, %dma_start3A_1360, %dma_start3A_1361] : memref<2x50x16x64xf32, #tpu.memory_space<vmem>> -> memref<1x1x16x64xf32, #tpu.memory_space<vmem>>
        %dma_start3A_1363 = tpu.memref_squeeze %dma_start3A_1362 : memref<1x1x16x64xf32, #tpu.memory_space<vmem>> -> memref<16x64xf32, #tpu.memory_space<vmem>>
        %dma_start3A_1364 = arith.constant 0 : i32
        %dma_start3A_1365 = tpu.memref_slice %arg5[%dma_start3A_1356, %dma_start3A_1357, %dma_start3A_1364] : memref<2x50x16xi32, #tpu.memory_space<vmem>> -> memref<1x1x16xi32, #tpu.memory_space<vmem>>
        %dma_start3A_1366 = tpu.memref_squeeze %dma_start3A_1365 : memref<1x1x16xi32, #tpu.memory_space<vmem>> -> memref<16xi32, #tpu.memory_space<vmem>>
        %dma_start3A_1367 = arith.constant 0 : i32
        %dma_start3A_1368 = arith.constant 0 : i32
        %dma_start3A_1369 = tpu.memref_slice %arg2[%dma_start3A_1367, %dma_start3A_1368] : memref<100000x64xf32, #tpu.memory_space<hbm>> -> memref<100000x64xf32, #tpu.memory_space<hbm>>
        tpu.enqueue_indirect_dma source(%dma_start3A_1369 : memref<100000x64xf32, #tpu.memory_space<hbm>>) target(%dma_start3A_1363 : memref<16x64xf32, #tpu.memory_space<vmem>>) offsets(%dma_start3A_1366 : memref<16xi32, #tpu.memory_space<vmem>>) semaphore(%arg8 : memref<!tpu.dma_semaphore, #tpu.memory_space<semaphore_mem>>)
        %dma_start3A_1370 = arith.constant 1 : i32
        %dma_start3A_1371 = arith.constant 37 : i32
        %dma_start3A_1372 = arith.constant 1 : i32
        %dma_start3A_1373 = arith.constant 37 : i32
        %dma_start3A_1374 = arith.constant 0 : i32
        %dma_start3A_1375 = arith.constant 0 : i32
        %dma_start3A_1376 = tpu.memref_slice %arg6[%dma_start3A_1372, %dma_start3A_1373, %dma_start3A_1374, %dma_start3A_1375] : memref<2x50x16x64xf32, #tpu.memory_space<vmem>> -> memref<1x1x16x64xf32, #tpu.memory_space<vmem>>
        %dma_start3A_1377 = tpu.memref_squeeze %dma_start3A_1376 : memref<1x1x16x64xf32, #tpu.memory_space<vmem>> -> memref<16x64xf32, #tpu.memory_space<vmem>>
        %dma_start3A_1378 = arith.constant 0 : i32
        %dma_start3A_1379 = tpu.memref_slice %arg5[%dma_start3A_1370, %dma_start3A_1371, %dma_start3A_1378] : memref<2x50x16xi32, #tpu.memory_space<vmem>> -> memref<1x1x16xi32, #tpu.memory_space<vmem>>
        %dma_start3A_1380 = tpu.memref_squeeze %dma_start3A_1379 : memref<1x1x16xi32, #tpu.memory_space<vmem>> -> memref<16xi32, #tpu.memory_space<vmem>>
        %dma_start3A_1381 = arith.constant 0 : i32
        %dma_start3A_1382 = arith.constant 0 : i32
        %dma_start3A_1383 = tpu.memref_slice %arg2[%dma_start3A_1381, %dma_start3A_1382] : memref<100000x64xf32, #tpu.memory_space<hbm>> -> memref<100000x64xf32, #tpu.memory_space<hbm>>
        tpu.enqueue_indirect_dma source(%dma_start3A_1383 : memref<100000x64xf32, #tpu.memory_space<hbm>>) target(%dma_start3A_1377 : memref<16x64xf32, #tpu.memory_space<vmem>>) offsets(%dma_start3A_1380 : memref<16xi32, #tpu.memory_space<vmem>>) semaphore(%arg8 : memref<!tpu.dma_semaphore, #tpu.memory_space<semaphore_mem>>)
        %dma_start3A_1384 = arith.constant 1 : i32
        %dma_start3A_1385 = arith.constant 38 : i32
        %dma_start3A_1386 = arith.constant 1 : i32
        %dma_start3A_1387 = arith.constant 38 : i32
        %dma_start3A_1388 = arith.constant 0 : i32
        %dma_start3A_1389 = arith.constant 0 : i32
        %dma_start3A_1390 = tpu.memref_slice %arg6[%dma_start3A_1386, %dma_start3A_1387, %dma_start3A_1388, %dma_start3A_1389] : memref<2x50x16x64xf32, #tpu.memory_space<vmem>> -> memref<1x1x16x64xf32, #tpu.memory_space<vmem>>
        %dma_start3A_1391 = tpu.memref_squeeze %dma_start3A_1390 : memref<1x1x16x64xf32, #tpu.memory_space<vmem>> -> memref<16x64xf32, #tpu.memory_space<vmem>>
        %dma_start3A_1392 = arith.constant 0 : i32
        %dma_start3A_1393 = tpu.memref_slice %arg5[%dma_start3A_1384, %dma_start3A_1385, %dma_start3A_1392] : memref<2x50x16xi32, #tpu.memory_space<vmem>> -> memref<1x1x16xi32, #tpu.memory_space<vmem>>
        %dma_start3A_1394 = tpu.memref_squeeze %dma_start3A_1393 : memref<1x1x16xi32, #tpu.memory_space<vmem>> -> memref<16xi32, #tpu.memory_space<vmem>>
        %dma_start3A_1395 = arith.constant 0 : i32
        %dma_start3A_1396 = arith.constant 0 : i32
        %dma_start3A_1397 = tpu.memref_slice %arg2[%dma_start3A_1395, %dma_start3A_1396] : memref<100000x64xf32, #tpu.memory_space<hbm>> -> memref<100000x64xf32, #tpu.memory_space<hbm>>
        tpu.enqueue_indirect_dma source(%dma_start3A_1397 : memref<100000x64xf32, #tpu.memory_space<hbm>>) target(%dma_start3A_1391 : memref<16x64xf32, #tpu.memory_space<vmem>>) offsets(%dma_start3A_1394 : memref<16xi32, #tpu.memory_space<vmem>>) semaphore(%arg8 : memref<!tpu.dma_semaphore, #tpu.memory_space<semaphore_mem>>)
        %dma_start3A_1398 = arith.constant 1 : i32
        %dma_start3A_1399 = arith.constant 39 : i32
        %dma_start3A_1400 = arith.constant 1 : i32
        %dma_start3A_1401 = arith.constant 39 : i32
        %dma_start3A_1402 = arith.constant 0 : i32
        %dma_start3A_1403 = arith.constant 0 : i32
        %dma_start3A_1404 = tpu.memref_slice %arg6[%dma_start3A_1400, %dma_start3A_1401, %dma_start3A_1402, %dma_start3A_1403] : memref<2x50x16x64xf32, #tpu.memory_space<vmem>> -> memref<1x1x16x64xf32, #tpu.memory_space<vmem>>
        %dma_start3A_1405 = tpu.memref_squeeze %dma_start3A_1404 : memref<1x1x16x64xf32, #tpu.memory_space<vmem>> -> memref<16x64xf32, #tpu.memory_space<vmem>>
        %dma_start3A_1406 = arith.constant 0 : i32
        %dma_start3A_1407 = tpu.memref_slice %arg5[%dma_start3A_1398, %dma_start3A_1399, %dma_start3A_1406] : memref<2x50x16xi32, #tpu.memory_space<vmem>> -> memref<1x1x16xi32, #tpu.memory_space<vmem>>
        %dma_start3A_1408 = tpu.memref_squeeze %dma_start3A_1407 : memref<1x1x16xi32, #tpu.memory_space<vmem>> -> memref<16xi32, #tpu.memory_space<vmem>>
        %dma_start3A_1409 = arith.constant 0 : i32
        %dma_start3A_1410 = arith.constant 0 : i32
        %dma_start3A_1411 = tpu.memref_slice %arg2[%dma_start3A_1409, %dma_start3A_1410] : memref<100000x64xf32, #tpu.memory_space<hbm>> -> memref<100000x64xf32, #tpu.memory_space<hbm>>
        tpu.enqueue_indirect_dma source(%dma_start3A_1411 : memref<100000x64xf32, #tpu.memory_space<hbm>>) target(%dma_start3A_1405 : memref<16x64xf32, #tpu.memory_space<vmem>>) offsets(%dma_start3A_1408 : memref<16xi32, #tpu.memory_space<vmem>>) semaphore(%arg8 : memref<!tpu.dma_semaphore, #tpu.memory_space<semaphore_mem>>)
        %dma_start3A_1412 = arith.constant 1 : i32
        %dma_start3A_1413 = arith.constant 40 : i32
        %dma_start3A_1414 = arith.constant 1 : i32
        %dma_start3A_1415 = arith.constant 40 : i32
        %dma_start3A_1416 = arith.constant 0 : i32
        %dma_start3A_1417 = arith.constant 0 : i32
        %dma_start3A_1418 = tpu.memref_slice %arg6[%dma_start3A_1414, %dma_start3A_1415, %dma_start3A_1416, %dma_start3A_1417] : memref<2x50x16x64xf32, #tpu.memory_space<vmem>> -> memref<1x1x16x64xf32, #tpu.memory_space<vmem>>
        %dma_start3A_1419 = tpu.memref_squeeze %dma_start3A_1418 : memref<1x1x16x64xf32, #tpu.memory_space<vmem>> -> memref<16x64xf32, #tpu.memory_space<vmem>>
        %dma_start3A_1420 = arith.constant 0 : i32
        %dma_start3A_1421 = tpu.memref_slice %arg5[%dma_start3A_1412, %dma_start3A_1413, %dma_start3A_1420] : memref<2x50x16xi32, #tpu.memory_space<vmem>> -> memref<1x1x16xi32, #tpu.memory_space<vmem>>
        %dma_start3A_1422 = tpu.memref_squeeze %dma_start3A_1421 : memref<1x1x16xi32, #tpu.memory_space<vmem>> -> memref<16xi32, #tpu.memory_space<vmem>>
        %dma_start3A_1423 = arith.constant 0 : i32
        %dma_start3A_1424 = arith.constant 0 : i32
        %dma_start3A_1425 = tpu.memref_slice %arg2[%dma_start3A_1423, %dma_start3A_1424] : memref<100000x64xf32, #tpu.memory_space<hbm>> -> memref<100000x64xf32, #tpu.memory_space<hbm>>
        tpu.enqueue_indirect_dma source(%dma_start3A_1425 : memref<100000x64xf32, #tpu.memory_space<hbm>>) target(%dma_start3A_1419 : memref<16x64xf32, #tpu.memory_space<vmem>>) offsets(%dma_start3A_1422 : memref<16xi32, #tpu.memory_space<vmem>>) semaphore(%arg8 : memref<!tpu.dma_semaphore, #tpu.memory_space<semaphore_mem>>)
        %dma_start3A_1426 = arith.constant 1 : i32
        %dma_start3A_1427 = arith.constant 41 : i32
        %dma_start3A_1428 = arith.constant 1 : i32
        %dma_start3A_1429 = arith.constant 41 : i32
        %dma_start3A_1430 = arith.constant 0 : i32
        %dma_start3A_1431 = arith.constant 0 : i32
        %dma_start3A_1432 = tpu.memref_slice %arg6[%dma_start3A_1428, %dma_start3A_1429, %dma_start3A_1430, %dma_start3A_1431] : memref<2x50x16x64xf32, #tpu.memory_space<vmem>> -> memref<1x1x16x64xf32, #tpu.memory_space<vmem>>
        %dma_start3A_1433 = tpu.memref_squeeze %dma_start3A_1432 : memref<1x1x16x64xf32, #tpu.memory_space<vmem>> -> memref<16x64xf32, #tpu.memory_space<vmem>>
        %dma_start3A_1434 = arith.constant 0 : i32
        %dma_start3A_1435 = tpu.memref_slice %arg5[%dma_start3A_1426, %dma_start3A_1427, %dma_start3A_1434] : memref<2x50x16xi32, #tpu.memory_space<vmem>> -> memref<1x1x16xi32, #tpu.memory_space<vmem>>
        %dma_start3A_1436 = tpu.memref_squeeze %dma_start3A_1435 : memref<1x1x16xi32, #tpu.memory_space<vmem>> -> memref<16xi32, #tpu.memory_space<vmem>>
        %dma_start3A_1437 = arith.constant 0 : i32
        %dma_start3A_1438 = arith.constant 0 : i32
        %dma_start3A_1439 = tpu.memref_slice %arg2[%dma_start3A_1437, %dma_start3A_1438] : memref<100000x64xf32, #tpu.memory_space<hbm>> -> memref<100000x64xf32, #tpu.memory_space<hbm>>
        tpu.enqueue_indirect_dma source(%dma_start3A_1439 : memref<100000x64xf32, #tpu.memory_space<hbm>>) target(%dma_start3A_1433 : memref<16x64xf32, #tpu.memory_space<vmem>>) offsets(%dma_start3A_1436 : memref<16xi32, #tpu.memory_space<vmem>>) semaphore(%arg8 : memref<!tpu.dma_semaphore, #tpu.memory_space<semaphore_mem>>)
        %dma_start3A_1440 = arith.constant 1 : i32
        %dma_start3A_1441 = arith.constant 42 : i32
        %dma_start3A_1442 = arith.constant 1 : i32
        %dma_start3A_1443 = arith.constant 42 : i32
        %dma_start3A_1444 = arith.constant 0 : i32
        %dma_start3A_1445 = arith.constant 0 : i32
        %dma_start3A_1446 = tpu.memref_slice %arg6[%dma_start3A_1442, %dma_start3A_1443, %dma_start3A_1444, %dma_start3A_1445] : memref<2x50x16x64xf32, #tpu.memory_space<vmem>> -> memref<1x1x16x64xf32, #tpu.memory_space<vmem>>
        %dma_start3A_1447 = tpu.memref_squeeze %dma_start3A_1446 : memref<1x1x16x64xf32, #tpu.memory_space<vmem>> -> memref<16x64xf32, #tpu.memory_space<vmem>>
        %dma_start3A_1448 = arith.constant 0 : i32
        %dma_start3A_1449 = tpu.memref_slice %arg5[%dma_start3A_1440, %dma_start3A_1441, %dma_start3A_1448] : memref<2x50x16xi32, #tpu.memory_space<vmem>> -> memref<1x1x16xi32, #tpu.memory_space<vmem>>
        %dma_start3A_1450 = tpu.memref_squeeze %dma_start3A_1449 : memref<1x1x16xi32, #tpu.memory_space<vmem>> -> memref<16xi32, #tpu.memory_space<vmem>>
        %dma_start3A_1451 = arith.constant 0 : i32
        %dma_start3A_1452 = arith.constant 0 : i32
        %dma_start3A_1453 = tpu.memref_slice %arg2[%dma_start3A_1451, %dma_start3A_1452] : memref<100000x64xf32, #tpu.memory_space<hbm>> -> memref<100000x64xf32, #tpu.memory_space<hbm>>
        tpu.enqueue_indirect_dma source(%dma_start3A_1453 : memref<100000x64xf32, #tpu.memory_space<hbm>>) target(%dma_start3A_1447 : memref<16x64xf32, #tpu.memory_space<vmem>>) offsets(%dma_start3A_1450 : memref<16xi32, #tpu.memory_space<vmem>>) semaphore(%arg8 : memref<!tpu.dma_semaphore, #tpu.memory_space<semaphore_mem>>)
        %dma_start3A_1454 = arith.constant 1 : i32
        %dma_start3A_1455 = arith.constant 43 : i32
        %dma_start3A_1456 = arith.constant 1 : i32
        %dma_start3A_1457 = arith.constant 43 : i32
        %dma_start3A_1458 = arith.constant 0 : i32
        %dma_start3A_1459 = arith.constant 0 : i32
        %dma_start3A_1460 = tpu.memref_slice %arg6[%dma_start3A_1456, %dma_start3A_1457, %dma_start3A_1458, %dma_start3A_1459] : memref<2x50x16x64xf32, #tpu.memory_space<vmem>> -> memref<1x1x16x64xf32, #tpu.memory_space<vmem>>
        %dma_start3A_1461 = tpu.memref_squeeze %dma_start3A_1460 : memref<1x1x16x64xf32, #tpu.memory_space<vmem>> -> memref<16x64xf32, #tpu.memory_space<vmem>>
        %dma_start3A_1462 = arith.constant 0 : i32
        %dma_start3A_1463 = tpu.memref_slice %arg5[%dma_start3A_1454, %dma_start3A_1455, %dma_start3A_1462] : memref<2x50x16xi32, #tpu.memory_space<vmem>> -> memref<1x1x16xi32, #tpu.memory_space<vmem>>
        %dma_start3A_1464 = tpu.memref_squeeze %dma_start3A_1463 : memref<1x1x16xi32, #tpu.memory_space<vmem>> -> memref<16xi32, #tpu.memory_space<vmem>>
        %dma_start3A_1465 = arith.constant 0 : i32
        %dma_start3A_1466 = arith.constant 0 : i32
        %dma_start3A_1467 = tpu.memref_slice %arg2[%dma_start3A_1465, %dma_start3A_1466] : memref<100000x64xf32, #tpu.memory_space<hbm>> -> memref<100000x64xf32, #tpu.memory_space<hbm>>
        tpu.enqueue_indirect_dma source(%dma_start3A_1467 : memref<100000x64xf32, #tpu.memory_space<hbm>>) target(%dma_start3A_1461 : memref<16x64xf32, #tpu.memory_space<vmem>>) offsets(%dma_start3A_1464 : memref<16xi32, #tpu.memory_space<vmem>>) semaphore(%arg8 : memref<!tpu.dma_semaphore, #tpu.memory_space<semaphore_mem>>)
        %dma_start3A_1468 = arith.constant 1 : i32
        %dma_start3A_1469 = arith.constant 44 : i32
        %dma_start3A_1470 = arith.constant 1 : i32
        %dma_start3A_1471 = arith.constant 44 : i32
        %dma_start3A_1472 = arith.constant 0 : i32
        %dma_start3A_1473 = arith.constant 0 : i32
        %dma_start3A_1474 = tpu.memref_slice %arg6[%dma_start3A_1470, %dma_start3A_1471, %dma_start3A_1472, %dma_start3A_1473] : memref<2x50x16x64xf32, #tpu.memory_space<vmem>> -> memref<1x1x16x64xf32, #tpu.memory_space<vmem>>
        %dma_start3A_1475 = tpu.memref_squeeze %dma_start3A_1474 : memref<1x1x16x64xf32, #tpu.memory_space<vmem>> -> memref<16x64xf32, #tpu.memory_space<vmem>>
        %dma_start3A_1476 = arith.constant 0 : i32
        %dma_start3A_1477 = tpu.memref_slice %arg5[%dma_start3A_1468, %dma_start3A_1469, %dma_start3A_1476] : memref<2x50x16xi32, #tpu.memory_space<vmem>> -> memref<1x1x16xi32, #tpu.memory_space<vmem>>
        %dma_start3A_1478 = tpu.memref_squeeze %dma_start3A_1477 : memref<1x1x16xi32, #tpu.memory_space<vmem>> -> memref<16xi32, #tpu.memory_space<vmem>>
        %dma_start3A_1479 = arith.constant 0 : i32
        %dma_start3A_1480 = arith.constant 0 : i32
        %dma_start3A_1481 = tpu.memref_slice %arg2[%dma_start3A_1479, %dma_start3A_1480] : memref<100000x64xf32, #tpu.memory_space<hbm>> -> memref<100000x64xf32, #tpu.memory_space<hbm>>
        tpu.enqueue_indirect_dma source(%dma_start3A_1481 : memref<100000x64xf32, #tpu.memory_space<hbm>>) target(%dma_start3A_1475 : memref<16x64xf32, #tpu.memory_space<vmem>>) offsets(%dma_start3A_1478 : memref<16xi32, #tpu.memory_space<vmem>>) semaphore(%arg8 : memref<!tpu.dma_semaphore, #tpu.memory_space<semaphore_mem>>)
        %dma_start3A_1482 = arith.constant 1 : i32
        %dma_start3A_1483 = arith.constant 45 : i32
        %dma_start3A_1484 = arith.constant 1 : i32
        %dma_start3A_1485 = arith.constant 45 : i32
        %dma_start3A_1486 = arith.constant 0 : i32
        %dma_start3A_1487 = arith.constant 0 : i32
        %dma_start3A_1488 = tpu.memref_slice %arg6[%dma_start3A_1484, %dma_start3A_1485, %dma_start3A_1486, %dma_start3A_1487] : memref<2x50x16x64xf32, #tpu.memory_space<vmem>> -> memref<1x1x16x64xf32, #tpu.memory_space<vmem>>
        %dma_start3A_1489 = tpu.memref_squeeze %dma_start3A_1488 : memref<1x1x16x64xf32, #tpu.memory_space<vmem>> -> memref<16x64xf32, #tpu.memory_space<vmem>>
        %dma_start3A_1490 = arith.constant 0 : i32
        %dma_start3A_1491 = tpu.memref_slice %arg5[%dma_start3A_1482, %dma_start3A_1483, %dma_start3A_1490] : memref<2x50x16xi32, #tpu.memory_space<vmem>> -> memref<1x1x16xi32, #tpu.memory_space<vmem>>
        %dma_start3A_1492 = tpu.memref_squeeze %dma_start3A_1491 : memref<1x1x16xi32, #tpu.memory_space<vmem>> -> memref<16xi32, #tpu.memory_space<vmem>>
        %dma_start3A_1493 = arith.constant 0 : i32
        %dma_start3A_1494 = arith.constant 0 : i32
        %dma_start3A_1495 = tpu.memref_slice %arg2[%dma_start3A_1493, %dma_start3A_1494] : memref<100000x64xf32, #tpu.memory_space<hbm>> -> memref<100000x64xf32, #tpu.memory_space<hbm>>
        tpu.enqueue_indirect_dma source(%dma_start3A_1495 : memref<100000x64xf32, #tpu.memory_space<hbm>>) target(%dma_start3A_1489 : memref<16x64xf32, #tpu.memory_space<vmem>>) offsets(%dma_start3A_1492 : memref<16xi32, #tpu.memory_space<vmem>>) semaphore(%arg8 : memref<!tpu.dma_semaphore, #tpu.memory_space<semaphore_mem>>)
        %dma_start3A_1496 = arith.constant 1 : i32
        %dma_start3A_1497 = arith.constant 46 : i32
        %dma_start3A_1498 = arith.constant 1 : i32
        %dma_start3A_1499 = arith.constant 46 : i32
        %dma_start3A_1500 = arith.constant 0 : i32
        %dma_start3A_1501 = arith.constant 0 : i32
        %dma_start3A_1502 = tpu.memref_slice %arg6[%dma_start3A_1498, %dma_start3A_1499, %dma_start3A_1500, %dma_start3A_1501] : memref<2x50x16x64xf32, #tpu.memory_space<vmem>> -> memref<1x1x16x64xf32, #tpu.memory_space<vmem>>
        %dma_start3A_1503 = tpu.memref_squeeze %dma_start3A_1502 : memref<1x1x16x64xf32, #tpu.memory_space<vmem>> -> memref<16x64xf32, #tpu.memory_space<vmem>>
        %dma_start3A_1504 = arith.constant 0 : i32
        %dma_start3A_1505 = tpu.memref_slice %arg5[%dma_start3A_1496, %dma_start3A_1497, %dma_start3A_1504] : memref<2x50x16xi32, #tpu.memory_space<vmem>> -> memref<1x1x16xi32, #tpu.memory_space<vmem>>
        %dma_start3A_1506 = tpu.memref_squeeze %dma_start3A_1505 : memref<1x1x16xi32, #tpu.memory_space<vmem>> -> memref<16xi32, #tpu.memory_space<vmem>>
        %dma_start3A_1507 = arith.constant 0 : i32
        %dma_start3A_1508 = arith.constant 0 : i32
        %dma_start3A_1509 = tpu.memref_slice %arg2[%dma_start3A_1507, %dma_start3A_1508] : memref<100000x64xf32, #tpu.memory_space<hbm>> -> memref<100000x64xf32, #tpu.memory_space<hbm>>
        tpu.enqueue_indirect_dma source(%dma_start3A_1509 : memref<100000x64xf32, #tpu.memory_space<hbm>>) target(%dma_start3A_1503 : memref<16x64xf32, #tpu.memory_space<vmem>>) offsets(%dma_start3A_1506 : memref<16xi32, #tpu.memory_space<vmem>>) semaphore(%arg8 : memref<!tpu.dma_semaphore, #tpu.memory_space<semaphore_mem>>)
        %dma_start3A_1510 = arith.constant 1 : i32
        %dma_start3A_1511 = arith.constant 47 : i32
        %dma_start3A_1512 = arith.constant 1 : i32
        %dma_start3A_1513 = arith.constant 47 : i32
        %dma_start3A_1514 = arith.constant 0 : i32
        %dma_start3A_1515 = arith.constant 0 : i32
        %dma_start3A_1516 = tpu.memref_slice %arg6[%dma_start3A_1512, %dma_start3A_1513, %dma_start3A_1514, %dma_start3A_1515] : memref<2x50x16x64xf32, #tpu.memory_space<vmem>> -> memref<1x1x16x64xf32, #tpu.memory_space<vmem>>
        %dma_start3A_1517 = tpu.memref_squeeze %dma_start3A_1516 : memref<1x1x16x64xf32, #tpu.memory_space<vmem>> -> memref<16x64xf32, #tpu.memory_space<vmem>>
        %dma_start3A_1518 = arith.constant 0 : i32
        %dma_start3A_1519 = tpu.memref_slice %arg5[%dma_start3A_1510, %dma_start3A_1511, %dma_start3A_1518] : memref<2x50x16xi32, #tpu.memory_space<vmem>> -> memref<1x1x16xi32, #tpu.memory_space<vmem>>
        %dma_start3A_1520 = tpu.memref_squeeze %dma_start3A_1519 : memref<1x1x16xi32, #tpu.memory_space<vmem>> -> memref<16xi32, #tpu.memory_space<vmem>>
        %dma_start3A_1521 = arith.constant 0 : i32
        %dma_start3A_1522 = arith.constant 0 : i32
        %dma_start3A_1523 = tpu.memref_slice %arg2[%dma_start3A_1521, %dma_start3A_1522] : memref<100000x64xf32, #tpu.memory_space<hbm>> -> memref<100000x64xf32, #tpu.memory_space<hbm>>
        tpu.enqueue_indirect_dma source(%dma_start3A_1523 : memref<100000x64xf32, #tpu.memory_space<hbm>>) target(%dma_start3A_1517 : memref<16x64xf32, #tpu.memory_space<vmem>>) offsets(%dma_start3A_1520 : memref<16xi32, #tpu.memory_space<vmem>>) semaphore(%arg8 : memref<!tpu.dma_semaphore, #tpu.memory_space<semaphore_mem>>)
        %dma_start3A_1524 = arith.constant 1 : i32
        %dma_start3A_1525 = arith.constant 48 : i32
        %dma_start3A_1526 = arith.constant 1 : i32
        %dma_start3A_1527 = arith.constant 48 : i32
        %dma_start3A_1528 = arith.constant 0 : i32
        %dma_start3A_1529 = arith.constant 0 : i32
        %dma_start3A_1530 = tpu.memref_slice %arg6[%dma_start3A_1526, %dma_start3A_1527, %dma_start3A_1528, %dma_start3A_1529] : memref<2x50x16x64xf32, #tpu.memory_space<vmem>> -> memref<1x1x16x64xf32, #tpu.memory_space<vmem>>
        %dma_start3A_1531 = tpu.memref_squeeze %dma_start3A_1530 : memref<1x1x16x64xf32, #tpu.memory_space<vmem>> -> memref<16x64xf32, #tpu.memory_space<vmem>>
        %dma_start3A_1532 = arith.constant 0 : i32
        %dma_start3A_1533 = tpu.memref_slice %arg5[%dma_start3A_1524, %dma_start3A_1525, %dma_start3A_1532] : memref<2x50x16xi32, #tpu.memory_space<vmem>> -> memref<1x1x16xi32, #tpu.memory_space<vmem>>
        %dma_start3A_1534 = tpu.memref_squeeze %dma_start3A_1533 : memref<1x1x16xi32, #tpu.memory_space<vmem>> -> memref<16xi32, #tpu.memory_space<vmem>>
        %dma_start3A_1535 = arith.constant 0 : i32
        %dma_start3A_1536 = arith.constant 0 : i32
        %dma_start3A_1537 = tpu.memref_slice %arg2[%dma_start3A_1535, %dma_start3A_1536] : memref<100000x64xf32, #tpu.memory_space<hbm>> -> memref<100000x64xf32, #tpu.memory_space<hbm>>
        tpu.enqueue_indirect_dma source(%dma_start3A_1537 : memref<100000x64xf32, #tpu.memory_space<hbm>>) target(%dma_start3A_1531 : memref<16x64xf32, #tpu.memory_space<vmem>>) offsets(%dma_start3A_1534 : memref<16xi32, #tpu.memory_space<vmem>>) semaphore(%arg8 : memref<!tpu.dma_semaphore, #tpu.memory_space<semaphore_mem>>)
        %dma_start3A_1538 = arith.constant 1 : i32
        %dma_start3A_1539 = arith.constant 49 : i32
        %dma_start3A_1540 = arith.constant 1 : i32
        %dma_start3A_1541 = arith.constant 49 : i32
        %dma_start3A_1542 = arith.constant 0 : i32
        %dma_start3A_1543 = arith.constant 0 : i32
        %dma_start3A_1544 = tpu.memref_slice %arg6[%dma_start3A_1540, %dma_start3A_1541, %dma_start3A_1542, %dma_start3A_1543] : memref<2x50x16x64xf32, #tpu.memory_space<vmem>> -> memref<1x1x16x64xf32, #tpu.memory_space<vmem>>
        %dma_start3A_1545 = tpu.memref_squeeze %dma_start3A_1544 : memref<1x1x16x64xf32, #tpu.memory_space<vmem>> -> memref<16x64xf32, #tpu.memory_space<vmem>>
        %dma_start3A_1546 = arith.constant 0 : i32
        %dma_start3A_1547 = tpu.memref_slice %arg5[%dma_start3A_1538, %dma_start3A_1539, %dma_start3A_1546] : memref<2x50x16xi32, #tpu.memory_space<vmem>> -> memref<1x1x16xi32, #tpu.memory_space<vmem>>
        %dma_start3A_1548 = tpu.memref_squeeze %dma_start3A_1547 : memref<1x1x16xi32, #tpu.memory_space<vmem>> -> memref<16xi32, #tpu.memory_space<vmem>>
        %dma_start3A_1549 = arith.constant 0 : i32
        %dma_start3A_1550 = arith.constant 0 : i32
        %dma_start3A_1551 = tpu.memref_slice %arg2[%dma_start3A_1549, %dma_start3A_1550] : memref<100000x64xf32, #tpu.memory_space<hbm>> -> memref<100000x64xf32, #tpu.memory_space<hbm>>
        tpu.enqueue_indirect_dma source(%dma_start3A_1551 : memref<100000x64xf32, #tpu.memory_space<hbm>>) target(%dma_start3A_1545 : memref<16x64xf32, #tpu.memory_space<vmem>>) offsets(%dma_start3A_1548 : memref<16xi32, #tpu.memory_space<vmem>>) semaphore(%arg8 : memref<!tpu.dma_semaphore, #tpu.memory_space<semaphore_mem>>)
      } else {
      }
      %dma_wait3A_753 = arith.constant 0 : i32
      %dma_wait3A_754 = arith.constant 0 : i32
      %dma_wait3A_755 = arith.constant 0 : i32
      %dma_wait3A_756 = arith.constant 0 : i32
      %dma_wait3A_757 = tpu.memref_slice %arg6[%dma_wait3A_753, %dma_wait3A_754, %dma_wait3A_755, %dma_wait3A_756] : memref<2x50x16x64xf32, #tpu.memory_space<vmem>> -> memref<1x50x16x64xf32, #tpu.memory_space<vmem>>
      %dma_wait3A_758 = tpu.memref_squeeze %dma_wait3A_757 : memref<1x50x16x64xf32, #tpu.memory_space<vmem>> -> memref<50x16x64xf32, #tpu.memory_space<vmem>>
      %dma_wait3A_759 = arith.constant 0 : i32
      %dma_wait3A_760 = arith.constant 0 : i32
      %dma_wait3A_761 = arith.constant 0 : i32
      %dma_wait3A_762 = tpu.memref_slice %arg4[%dma_wait3A_759, %dma_wait3A_760, %dma_wait3A_761] : memref<50x16384x64xf32, #tpu.memory_space<hbm>> -> memref<50x16x64xf32, #tpu.memory_space<hbm>>
      %dma_wait3A_763 = arith.constant 0 : i32
      %dma_wait3A_764 = arith.constant 0 : i32
      %dma_wait3A_765 = arith.constant 0 : i32
      %dma_wait3A_766 = tpu.memref_slice %arg6[%dma_wait3A_753, %dma_wait3A_763, %dma_wait3A_764, %dma_wait3A_765] : memref<2x50x16x64xf32, #tpu.memory_space<vmem>> -> memref<1x50x16x64xf32, #tpu.memory_space<vmem>>
      %dma_wait3A_767 = tpu.memref_squeeze %dma_wait3A_766 : memref<1x50x16x64xf32, #tpu.memory_space<vmem>> -> memref<50x16x64xf32, #tpu.memory_space<vmem>>
      %dma_wait3A_768 = arith.constant 0 : i32
      %dma_wait3A_769 = arith.constant 0 : i32
      %dma_wait3A_770 = arith.constant 0 : i32
      %dma_wait3A_771 = tpu.memref_slice %arg4[%dma_wait3A_768, %dma_wait3A_769, %dma_wait3A_770] : memref<50x16384x64xf32, #tpu.memory_space<hbm>> -> memref<50x16x64xf32, #tpu.memory_space<hbm>>
      tpu.wait_dma2 semaphore(%arg7 : memref<!tpu.dma_semaphore, #tpu.memory_space<semaphore_mem>>) src(%dma_wait3A_771 : memref<50x16x64xf32, #tpu.memory_space<hbm>>) dst(%dma_wait3A_767 : memref<50x16x64xf32, #tpu.memory_space<vmem>>)
      %mul3A_772 = arith.constant 16 : i32
      %mul3A_773 = arith.muli %add3A_748, %mul3A_772 : i32
      %add3A_774 = arith.addi %mul3A_2, %mul3A_773 : i32
      %dma_start3A_775 = arith.constant 0 : i32
      %dma_start3A_776 = arith.constant 0 : i32
      %dma_start3A_777 = arith.constant 0 : i32
      %dma_start3A_778 = arith.constant 0 : i32
      %dma_start3A_779 = tpu.memref_slice %arg6[%dma_start3A_775, %dma_start3A_776, %dma_start3A_777, %dma_start3A_778] : memref<2x50x16x64xf32, #tpu.memory_space<vmem>> -> memref<1x50x16x64xf32, #tpu.memory_space<vmem>>
      %dma_start3A_780 = tpu.memref_squeeze %dma_start3A_779 : memref<1x50x16x64xf32, #tpu.memory_space<vmem>> -> memref<50x16x64xf32, #tpu.memory_space<vmem>>
      %dma_start3A_781 = arith.constant 0 : i32
      %dma_start3A_782 = arith.constant 0 : i32
      %dma_start3A_783 = tpu.memref_slice %arg4[%dma_start3A_781, %add3A_774, %dma_start3A_782] : memref<50x16384x64xf32, #tpu.memory_space<hbm>> -> memref<50x16x64xf32, #tpu.memory_space<hbm>>
      %dma_start3A_784 = arith.constant 0 : i32
      %dma_start3A_785 = arith.constant 0 : i32
      %dma_start3A_786 = tpu.memref_slice %arg4[%dma_start3A_784, %add3A_774, %dma_start3A_785] : memref<50x16384x64xf32, #tpu.memory_space<hbm>> -> memref<50x16x64xf32, #tpu.memory_space<hbm>>
      %dma_start3A_787 = arith.constant 0 : i32
      %dma_start3A_788 = arith.constant 0 : i32
      %dma_start3A_789 = arith.constant 0 : i32
      %dma_start3A_790 = tpu.memref_slice %arg6[%dma_start3A_775, %dma_start3A_787, %dma_start3A_788, %dma_start3A_789] : memref<2x50x16x64xf32, #tpu.memory_space<vmem>> -> memref<1x50x16x64xf32, #tpu.memory_space<vmem>>
      %dma_start3A_791 = tpu.memref_squeeze %dma_start3A_790 : memref<1x50x16x64xf32, #tpu.memory_space<vmem>> -> memref<50x16x64xf32, #tpu.memory_space<vmem>>
      tpu.enqueue_dma source(%dma_start3A_791 : memref<50x16x64xf32, #tpu.memory_space<vmem>>) target(%dma_start3A_786 : memref<50x16x64xf32, #tpu.memory_space<hbm>>) target_semaphore(%arg9 : memref<!tpu.dma_semaphore, #tpu.memory_space<semaphore_mem>>)
      %mul3A_792 = arith.constant 2 : i32
      %mul3A_793 = arith.muli %mul3A_792, %scan3A_744 : i32
      %add3A_794 = arith.constant 1 : i32
      %add3A_795 = arith.addi %mul3A_793, %add3A_794 : i32
      %add3A_796 = arith.constant 1 : i32
      %add3A_797 = arith.addi %add3A_795, %add3A_796 : i32
      %lt3A_798 = arith.constant 32 : i32
      %lt3A_799 = arith.cmpi slt, %add3A_797, %lt3A_798 : i32
      %convert_element_type3A_800 = arith.extui %lt3A_799 : i1 to i32
      %cond3A_801 = arith.constant 0 : i32
      %cond3A_802 = arith.cmpi ne, %convert_element_type3A_800, %cond3A_801 : i32
      scf.if %cond3A_802 {
        %ge3A = arith.constant 1 : i32
        %ge3A_842 = arith.cmpi sge, %add3A_795, %ge3A : i32
        %convert_element_type3A_843 = arith.extui %ge3A_842 : i1 to i32
        %cond3A_844 = arith.constant 0 : i32
        %cond3A_845 = arith.cmpi ne, %convert_element_type3A_843, %cond3A_844 : i32
        scf.if %cond3A_845 {
          %dma_wait3A_1552 = arith.constant 0 : i32
          %dma_wait3A_1553 = arith.constant 0 : i32
          %dma_wait3A_1554 = arith.constant 0 : i32
          %dma_wait3A_1555 = arith.constant 0 : i32
          %dma_wait3A_1556 = tpu.memref_slice %arg6[%dma_wait3A_1552, %dma_wait3A_1553, %dma_wait3A_1554, %dma_wait3A_1555] : memref<2x50x16x64xf32, #tpu.memory_space<vmem>> -> memref<1x50x16x64xf32, #tpu.memory_space<vmem>>
          %dma_wait3A_1557 = tpu.memref_squeeze %dma_wait3A_1556 : memref<1x50x16x64xf32, #tpu.memory_space<vmem>> -> memref<50x16x64xf32, #tpu.memory_space<vmem>>
          %dma_wait3A_1558 = arith.constant 0 : i32
          %dma_wait3A_1559 = arith.constant 0 : i32
          %dma_wait3A_1560 = arith.constant 0 : i32
          %dma_wait3A_1561 = tpu.memref_slice %arg4[%dma_wait3A_1558, %dma_wait3A_1559, %dma_wait3A_1560] : memref<50x16384x64xf32, #tpu.memory_space<hbm>> -> memref<50x16x64xf32, #tpu.memory_space<hbm>>
          %dma_wait3A_1562 = arith.constant 0 : i32
          %dma_wait3A_1563 = arith.constant 0 : i32
          %dma_wait3A_1564 = arith.constant 0 : i32
          %dma_wait3A_1565 = tpu.memref_slice %arg4[%dma_wait3A_1562, %dma_wait3A_1563, %dma_wait3A_1564] : memref<50x16384x64xf32, #tpu.memory_space<hbm>> -> memref<50x16x64xf32, #tpu.memory_space<hbm>>
          %dma_wait3A_1566 = arith.constant 0 : i32
          %dma_wait3A_1567 = arith.constant 0 : i32
          %dma_wait3A_1568 = arith.constant 0 : i32
          %dma_wait3A_1569 = tpu.memref_slice %arg6[%dma_wait3A_1552, %dma_wait3A_1566, %dma_wait3A_1567, %dma_wait3A_1568] : memref<2x50x16x64xf32, #tpu.memory_space<vmem>> -> memref<1x50x16x64xf32, #tpu.memory_space<vmem>>
          %dma_wait3A_1570 = tpu.memref_squeeze %dma_wait3A_1569 : memref<1x50x16x64xf32, #tpu.memory_space<vmem>> -> memref<50x16x64xf32, #tpu.memory_space<vmem>>
          tpu.wait_dma2 semaphore(%arg9 : memref<!tpu.dma_semaphore, #tpu.memory_space<semaphore_mem>>) src(%dma_wait3A_1570 : memref<50x16x64xf32, #tpu.memory_space<vmem>>) dst(%dma_wait3A_1565 : memref<50x16x64xf32, #tpu.memory_space<hbm>>)
        } else {
        }
        %add3A_846 = arith.constant 1 : i32
        %add3A_847 = arith.addi %add3A_795, %add3A_846 : i32
        %mul3A_848 = arith.constant 16 : i32
        %mul3A_849 = arith.muli %add3A_847, %mul3A_848 : i32
        %add3A_850 = arith.addi %mul3A_2, %mul3A_849 : i32
        %run_scoped3A_851 = arith.constant 0 : i32
        "tpu.region"() ({
          %run_scoped3A_1552 = tpu.sem_alloc : memref<!tpu.dma_semaphore, #tpu.memory_space<semaphore_mem>>
          %dma_start3A_1553 = arith.constant 0 : i32
          %dma_start3A_1554 = arith.constant 0 : i32
          %dma_start3A_1555 = tpu.memref_slice %arg5[%run_scoped3A_851, %dma_start3A_1553, %dma_start3A_1554] : memref<2x50x16xi32, #tpu.memory_space<vmem>> -> memref<1x50x16xi32, #tpu.memory_space<vmem>>
          %dma_start3A_1556 = tpu.memref_squeeze %dma_start3A_1555 : memref<1x50x16xi32, #tpu.memory_space<vmem>> -> memref<50x16xi32, #tpu.memory_space<vmem>>
          %dma_start3A_1557 = arith.constant 0 : i32
          %dma_start3A_1558 = tpu.memref_slice %arg3[%dma_start3A_1557, %add3A_850] : memref<50x16384xi32, #tpu.memory_space<hbm>> -> memref<50x16xi32, #tpu.memory_space<hbm>>
          %dma_start3A_1559 = arith.constant 0 : i32
          %dma_start3A_1560 = arith.constant 0 : i32
          %dma_start3A_1561 = tpu.memref_slice %arg5[%run_scoped3A_851, %dma_start3A_1559, %dma_start3A_1560] : memref<2x50x16xi32, #tpu.memory_space<vmem>> -> memref<1x50x16xi32, #tpu.memory_space<vmem>>
          %dma_start3A_1562 = tpu.memref_squeeze %dma_start3A_1561 : memref<1x50x16xi32, #tpu.memory_space<vmem>> -> memref<50x16xi32, #tpu.memory_space<vmem>>
          %dma_start3A_1563 = arith.constant 0 : i32
          %dma_start3A_1564 = tpu.memref_slice %arg3[%dma_start3A_1563, %add3A_850] : memref<50x16384xi32, #tpu.memory_space<hbm>> -> memref<50x16xi32, #tpu.memory_space<hbm>>
          tpu.enqueue_dma source(%dma_start3A_1564 : memref<50x16xi32, #tpu.memory_space<hbm>>) target(%dma_start3A_1562 : memref<50x16xi32, #tpu.memory_space<vmem>>) target_semaphore(%run_scoped3A_1552 : memref<!tpu.dma_semaphore, #tpu.memory_space<semaphore_mem>>)
          %dma_wait3A_1565 = arith.constant 0 : i32
          %dma_wait3A_1566 = arith.constant 0 : i32
          %dma_wait3A_1567 = tpu.memref_slice %arg5[%run_scoped3A_851, %dma_wait3A_1565, %dma_wait3A_1566] : memref<2x50x16xi32, #tpu.memory_space<vmem>> -> memref<1x50x16xi32, #tpu.memory_space<vmem>>
          %dma_wait3A_1568 = tpu.memref_squeeze %dma_wait3A_1567 : memref<1x50x16xi32, #tpu.memory_space<vmem>> -> memref<50x16xi32, #tpu.memory_space<vmem>>
          %dma_wait3A_1569 = arith.constant 0 : i32
          %dma_wait3A_1570 = tpu.memref_slice %arg3[%dma_wait3A_1569, %add3A_850] : memref<50x16384xi32, #tpu.memory_space<hbm>> -> memref<50x16xi32, #tpu.memory_space<hbm>>
          %dma_wait3A_1571 = arith.constant 0 : i32
          %dma_wait3A_1572 = arith.constant 0 : i32
          %dma_wait3A_1573 = tpu.memref_slice %arg5[%run_scoped3A_851, %dma_wait3A_1571, %dma_wait3A_1572] : memref<2x50x16xi32, #tpu.memory_space<vmem>> -> memref<1x50x16xi32, #tpu.memory_space<vmem>>
          %dma_wait3A_1574 = tpu.memref_squeeze %dma_wait3A_1573 : memref<1x50x16xi32, #tpu.memory_space<vmem>> -> memref<50x16xi32, #tpu.memory_space<vmem>>
          %dma_wait3A_1575 = arith.constant 0 : i32
          %dma_wait3A_1576 = tpu.memref_slice %arg3[%dma_wait3A_1575, %add3A_850] : memref<50x16384xi32, #tpu.memory_space<hbm>> -> memref<50x16xi32, #tpu.memory_space<hbm>>
          tpu.wait_dma2 semaphore(%run_scoped3A_1552 : memref<!tpu.dma_semaphore, #tpu.memory_space<semaphore_mem>>) src(%dma_wait3A_1576 : memref<50x16xi32, #tpu.memory_space<hbm>>) dst(%dma_wait3A_1574 : memref<50x16xi32, #tpu.memory_space<vmem>>)
          tpu.yield
        }) : () -> ()
        %dma_start3A_852 = arith.constant 0 : i32
        %dma_start3A_853 = arith.constant 0 : i32
        %dma_start3A_854 = arith.constant 0 : i32
        %dma_start3A_855 = arith.constant 0 : i32
        %dma_start3A_856 = arith.constant 0 : i32
        %dma_start3A_857 = arith.constant 0 : i32
        %dma_start3A_858 = tpu.memref_slice %arg6[%dma_start3A_854, %dma_start3A_855, %dma_start3A_856, %dma_start3A_857] : memref<2x50x16x64xf32, #tpu.memory_space<vmem>> -> memref<1x1x16x64xf32, #tpu.memory_space<vmem>>
        %dma_start3A_859 = tpu.memref_squeeze %dma_start3A_858 : memref<1x1x16x64xf32, #tpu.memory_space<vmem>> -> memref<16x64xf32, #tpu.memory_space<vmem>>
        %dma_start3A_860 = arith.constant 0 : i32
        %dma_start3A_861 = tpu.memref_slice %arg5[%dma_start3A_852, %dma_start3A_853, %dma_start3A_860] : memref<2x50x16xi32, #tpu.memory_space<vmem>> -> memref<1x1x16xi32, #tpu.memory_space<vmem>>
        %dma_start3A_862 = tpu.memref_squeeze %dma_start3A_861 : memref<1x1x16xi32, #tpu.memory_space<vmem>> -> memref<16xi32, #tpu.memory_space<vmem>>
        %dma_start3A_863 = arith.constant 0 : i32
        %dma_start3A_864 = arith.constant 0 : i32
        %dma_start3A_865 = tpu.memref_slice %arg2[%dma_start3A_863, %dma_start3A_864] : memref<100000x64xf32, #tpu.memory_space<hbm>> -> memref<100000x64xf32, #tpu.memory_space<hbm>>
        tpu.enqueue_indirect_dma source(%dma_start3A_865 : memref<100000x64xf32, #tpu.memory_space<hbm>>) target(%dma_start3A_859 : memref<16x64xf32, #tpu.memory_space<vmem>>) offsets(%dma_start3A_862 : memref<16xi32, #tpu.memory_space<vmem>>) semaphore(%arg7 : memref<!tpu.dma_semaphore, #tpu.memory_space<semaphore_mem>>)
        %dma_start3A_866 = arith.constant 0 : i32
        %dma_start3A_867 = arith.constant 1 : i32
        %dma_start3A_868 = arith.constant 0 : i32
        %dma_start3A_869 = arith.constant 1 : i32
        %dma_start3A_870 = arith.constant 0 : i32
        %dma_start3A_871 = arith.constant 0 : i32
        %dma_start3A_872 = tpu.memref_slice %arg6[%dma_start3A_868, %dma_start3A_869, %dma_start3A_870, %dma_start3A_871] : memref<2x50x16x64xf32, #tpu.memory_space<vmem>> -> memref<1x1x16x64xf32, #tpu.memory_space<vmem>>
        %dma_start3A_873 = tpu.memref_squeeze %dma_start3A_872 : memref<1x1x16x64xf32, #tpu.memory_space<vmem>> -> memref<16x64xf32, #tpu.memory_space<vmem>>
        %dma_start3A_874 = arith.constant 0 : i32
        %dma_start3A_875 = tpu.memref_slice %arg5[%dma_start3A_866, %dma_start3A_867, %dma_start3A_874] : memref<2x50x16xi32, #tpu.memory_space<vmem>> -> memref<1x1x16xi32, #tpu.memory_space<vmem>>
        %dma_start3A_876 = tpu.memref_squeeze %dma_start3A_875 : memref<1x1x16xi32, #tpu.memory_space<vmem>> -> memref<16xi32, #tpu.memory_space<vmem>>
        %dma_start3A_877 = arith.constant 0 : i32
        %dma_start3A_878 = arith.constant 0 : i32
        %dma_start3A_879 = tpu.memref_slice %arg2[%dma_start3A_877, %dma_start3A_878] : memref<100000x64xf32, #tpu.memory_space<hbm>> -> memref<100000x64xf32, #tpu.memory_space<hbm>>
        tpu.enqueue_indirect_dma source(%dma_start3A_879 : memref<100000x64xf32, #tpu.memory_space<hbm>>) target(%dma_start3A_873 : memref<16x64xf32, #tpu.memory_space<vmem>>) offsets(%dma_start3A_876 : memref<16xi32, #tpu.memory_space<vmem>>) semaphore(%arg7 : memref<!tpu.dma_semaphore, #tpu.memory_space<semaphore_mem>>)
        %dma_start3A_880 = arith.constant 0 : i32
        %dma_start3A_881 = arith.constant 2 : i32
        %dma_start3A_882 = arith.constant 0 : i32
        %dma_start3A_883 = arith.constant 2 : i32
        %dma_start3A_884 = arith.constant 0 : i32
        %dma_start3A_885 = arith.constant 0 : i32
        %dma_start3A_886 = tpu.memref_slice %arg6[%dma_start3A_882, %dma_start3A_883, %dma_start3A_884, %dma_start3A_885] : memref<2x50x16x64xf32, #tpu.memory_space<vmem>> -> memref<1x1x16x64xf32, #tpu.memory_space<vmem>>
        %dma_start3A_887 = tpu.memref_squeeze %dma_start3A_886 : memref<1x1x16x64xf32, #tpu.memory_space<vmem>> -> memref<16x64xf32, #tpu.memory_space<vmem>>
        %dma_start3A_888 = arith.constant 0 : i32
        %dma_start3A_889 = tpu.memref_slice %arg5[%dma_start3A_880, %dma_start3A_881, %dma_start3A_888] : memref<2x50x16xi32, #tpu.memory_space<vmem>> -> memref<1x1x16xi32, #tpu.memory_space<vmem>>
        %dma_start3A_890 = tpu.memref_squeeze %dma_start3A_889 : memref<1x1x16xi32, #tpu.memory_space<vmem>> -> memref<16xi32, #tpu.memory_space<vmem>>
        %dma_start3A_891 = arith.constant 0 : i32
        %dma_start3A_892 = arith.constant 0 : i32
        %dma_start3A_893 = tpu.memref_slice %arg2[%dma_start3A_891, %dma_start3A_892] : memref<100000x64xf32, #tpu.memory_space<hbm>> -> memref<100000x64xf32, #tpu.memory_space<hbm>>
        tpu.enqueue_indirect_dma source(%dma_start3A_893 : memref<100000x64xf32, #tpu.memory_space<hbm>>) target(%dma_start3A_887 : memref<16x64xf32, #tpu.memory_space<vmem>>) offsets(%dma_start3A_890 : memref<16xi32, #tpu.memory_space<vmem>>) semaphore(%arg7 : memref<!tpu.dma_semaphore, #tpu.memory_space<semaphore_mem>>)
        %dma_start3A_894 = arith.constant 0 : i32
        %dma_start3A_895 = arith.constant 3 : i32
        %dma_start3A_896 = arith.constant 0 : i32
        %dma_start3A_897 = arith.constant 3 : i32
        %dma_start3A_898 = arith.constant 0 : i32
        %dma_start3A_899 = arith.constant 0 : i32
        %dma_start3A_900 = tpu.memref_slice %arg6[%dma_start3A_896, %dma_start3A_897, %dma_start3A_898, %dma_start3A_899] : memref<2x50x16x64xf32, #tpu.memory_space<vmem>> -> memref<1x1x16x64xf32, #tpu.memory_space<vmem>>
        %dma_start3A_901 = tpu.memref_squeeze %dma_start3A_900 : memref<1x1x16x64xf32, #tpu.memory_space<vmem>> -> memref<16x64xf32, #tpu.memory_space<vmem>>
        %dma_start3A_902 = arith.constant 0 : i32
        %dma_start3A_903 = tpu.memref_slice %arg5[%dma_start3A_894, %dma_start3A_895, %dma_start3A_902] : memref<2x50x16xi32, #tpu.memory_space<vmem>> -> memref<1x1x16xi32, #tpu.memory_space<vmem>>
        %dma_start3A_904 = tpu.memref_squeeze %dma_start3A_903 : memref<1x1x16xi32, #tpu.memory_space<vmem>> -> memref<16xi32, #tpu.memory_space<vmem>>
        %dma_start3A_905 = arith.constant 0 : i32
        %dma_start3A_906 = arith.constant 0 : i32
        %dma_start3A_907 = tpu.memref_slice %arg2[%dma_start3A_905, %dma_start3A_906] : memref<100000x64xf32, #tpu.memory_space<hbm>> -> memref<100000x64xf32, #tpu.memory_space<hbm>>
        tpu.enqueue_indirect_dma source(%dma_start3A_907 : memref<100000x64xf32, #tpu.memory_space<hbm>>) target(%dma_start3A_901 : memref<16x64xf32, #tpu.memory_space<vmem>>) offsets(%dma_start3A_904 : memref<16xi32, #tpu.memory_space<vmem>>) semaphore(%arg7 : memref<!tpu.dma_semaphore, #tpu.memory_space<semaphore_mem>>)
        %dma_start3A_908 = arith.constant 0 : i32
        %dma_start3A_909 = arith.constant 4 : i32
        %dma_start3A_910 = arith.constant 0 : i32
        %dma_start3A_911 = arith.constant 4 : i32
        %dma_start3A_912 = arith.constant 0 : i32
        %dma_start3A_913 = arith.constant 0 : i32
        %dma_start3A_914 = tpu.memref_slice %arg6[%dma_start3A_910, %dma_start3A_911, %dma_start3A_912, %dma_start3A_913] : memref<2x50x16x64xf32, #tpu.memory_space<vmem>> -> memref<1x1x16x64xf32, #tpu.memory_space<vmem>>
        %dma_start3A_915 = tpu.memref_squeeze %dma_start3A_914 : memref<1x1x16x64xf32, #tpu.memory_space<vmem>> -> memref<16x64xf32, #tpu.memory_space<vmem>>
        %dma_start3A_916 = arith.constant 0 : i32
        %dma_start3A_917 = tpu.memref_slice %arg5[%dma_start3A_908, %dma_start3A_909, %dma_start3A_916] : memref<2x50x16xi32, #tpu.memory_space<vmem>> -> memref<1x1x16xi32, #tpu.memory_space<vmem>>
        %dma_start3A_918 = tpu.memref_squeeze %dma_start3A_917 : memref<1x1x16xi32, #tpu.memory_space<vmem>> -> memref<16xi32, #tpu.memory_space<vmem>>
        %dma_start3A_919 = arith.constant 0 : i32
        %dma_start3A_920 = arith.constant 0 : i32
        %dma_start3A_921 = tpu.memref_slice %arg2[%dma_start3A_919, %dma_start3A_920] : memref<100000x64xf32, #tpu.memory_space<hbm>> -> memref<100000x64xf32, #tpu.memory_space<hbm>>
        tpu.enqueue_indirect_dma source(%dma_start3A_921 : memref<100000x64xf32, #tpu.memory_space<hbm>>) target(%dma_start3A_915 : memref<16x64xf32, #tpu.memory_space<vmem>>) offsets(%dma_start3A_918 : memref<16xi32, #tpu.memory_space<vmem>>) semaphore(%arg7 : memref<!tpu.dma_semaphore, #tpu.memory_space<semaphore_mem>>)
        %dma_start3A_922 = arith.constant 0 : i32
        %dma_start3A_923 = arith.constant 5 : i32
        %dma_start3A_924 = arith.constant 0 : i32
        %dma_start3A_925 = arith.constant 5 : i32
        %dma_start3A_926 = arith.constant 0 : i32
        %dma_start3A_927 = arith.constant 0 : i32
        %dma_start3A_928 = tpu.memref_slice %arg6[%dma_start3A_924, %dma_start3A_925, %dma_start3A_926, %dma_start3A_927] : memref<2x50x16x64xf32, #tpu.memory_space<vmem>> -> memref<1x1x16x64xf32, #tpu.memory_space<vmem>>
        %dma_start3A_929 = tpu.memref_squeeze %dma_start3A_928 : memref<1x1x16x64xf32, #tpu.memory_space<vmem>> -> memref<16x64xf32, #tpu.memory_space<vmem>>
        %dma_start3A_930 = arith.constant 0 : i32
        %dma_start3A_931 = tpu.memref_slice %arg5[%dma_start3A_922, %dma_start3A_923, %dma_start3A_930] : memref<2x50x16xi32, #tpu.memory_space<vmem>> -> memref<1x1x16xi32, #tpu.memory_space<vmem>>
        %dma_start3A_932 = tpu.memref_squeeze %dma_start3A_931 : memref<1x1x16xi32, #tpu.memory_space<vmem>> -> memref<16xi32, #tpu.memory_space<vmem>>
        %dma_start3A_933 = arith.constant 0 : i32
        %dma_start3A_934 = arith.constant 0 : i32
        %dma_start3A_935 = tpu.memref_slice %arg2[%dma_start3A_933, %dma_start3A_934] : memref<100000x64xf32, #tpu.memory_space<hbm>> -> memref<100000x64xf32, #tpu.memory_space<hbm>>
        tpu.enqueue_indirect_dma source(%dma_start3A_935 : memref<100000x64xf32, #tpu.memory_space<hbm>>) target(%dma_start3A_929 : memref<16x64xf32, #tpu.memory_space<vmem>>) offsets(%dma_start3A_932 : memref<16xi32, #tpu.memory_space<vmem>>) semaphore(%arg7 : memref<!tpu.dma_semaphore, #tpu.memory_space<semaphore_mem>>)
        %dma_start3A_936 = arith.constant 0 : i32
        %dma_start3A_937 = arith.constant 6 : i32
        %dma_start3A_938 = arith.constant 0 : i32
        %dma_start3A_939 = arith.constant 6 : i32
        %dma_start3A_940 = arith.constant 0 : i32
        %dma_start3A_941 = arith.constant 0 : i32
        %dma_start3A_942 = tpu.memref_slice %arg6[%dma_start3A_938, %dma_start3A_939, %dma_start3A_940, %dma_start3A_941] : memref<2x50x16x64xf32, #tpu.memory_space<vmem>> -> memref<1x1x16x64xf32, #tpu.memory_space<vmem>>
        %dma_start3A_943 = tpu.memref_squeeze %dma_start3A_942 : memref<1x1x16x64xf32, #tpu.memory_space<vmem>> -> memref<16x64xf32, #tpu.memory_space<vmem>>
        %dma_start3A_944 = arith.constant 0 : i32
        %dma_start3A_945 = tpu.memref_slice %arg5[%dma_start3A_936, %dma_start3A_937, %dma_start3A_944] : memref<2x50x16xi32, #tpu.memory_space<vmem>> -> memref<1x1x16xi32, #tpu.memory_space<vmem>>
        %dma_start3A_946 = tpu.memref_squeeze %dma_start3A_945 : memref<1x1x16xi32, #tpu.memory_space<vmem>> -> memref<16xi32, #tpu.memory_space<vmem>>
        %dma_start3A_947 = arith.constant 0 : i32
        %dma_start3A_948 = arith.constant 0 : i32
        %dma_start3A_949 = tpu.memref_slice %arg2[%dma_start3A_947, %dma_start3A_948] : memref<100000x64xf32, #tpu.memory_space<hbm>> -> memref<100000x64xf32, #tpu.memory_space<hbm>>
        tpu.enqueue_indirect_dma source(%dma_start3A_949 : memref<100000x64xf32, #tpu.memory_space<hbm>>) target(%dma_start3A_943 : memref<16x64xf32, #tpu.memory_space<vmem>>) offsets(%dma_start3A_946 : memref<16xi32, #tpu.memory_space<vmem>>) semaphore(%arg7 : memref<!tpu.dma_semaphore, #tpu.memory_space<semaphore_mem>>)
        %dma_start3A_950 = arith.constant 0 : i32
        %dma_start3A_951 = arith.constant 7 : i32
        %dma_start3A_952 = arith.constant 0 : i32
        %dma_start3A_953 = arith.constant 7 : i32
        %dma_start3A_954 = arith.constant 0 : i32
        %dma_start3A_955 = arith.constant 0 : i32
        %dma_start3A_956 = tpu.memref_slice %arg6[%dma_start3A_952, %dma_start3A_953, %dma_start3A_954, %dma_start3A_955] : memref<2x50x16x64xf32, #tpu.memory_space<vmem>> -> memref<1x1x16x64xf32, #tpu.memory_space<vmem>>
        %dma_start3A_957 = tpu.memref_squeeze %dma_start3A_956 : memref<1x1x16x64xf32, #tpu.memory_space<vmem>> -> memref<16x64xf32, #tpu.memory_space<vmem>>
        %dma_start3A_958 = arith.constant 0 : i32
        %dma_start3A_959 = tpu.memref_slice %arg5[%dma_start3A_950, %dma_start3A_951, %dma_start3A_958] : memref<2x50x16xi32, #tpu.memory_space<vmem>> -> memref<1x1x16xi32, #tpu.memory_space<vmem>>
        %dma_start3A_960 = tpu.memref_squeeze %dma_start3A_959 : memref<1x1x16xi32, #tpu.memory_space<vmem>> -> memref<16xi32, #tpu.memory_space<vmem>>
        %dma_start3A_961 = arith.constant 0 : i32
        %dma_start3A_962 = arith.constant 0 : i32
        %dma_start3A_963 = tpu.memref_slice %arg2[%dma_start3A_961, %dma_start3A_962] : memref<100000x64xf32, #tpu.memory_space<hbm>> -> memref<100000x64xf32, #tpu.memory_space<hbm>>
        tpu.enqueue_indirect_dma source(%dma_start3A_963 : memref<100000x64xf32, #tpu.memory_space<hbm>>) target(%dma_start3A_957 : memref<16x64xf32, #tpu.memory_space<vmem>>) offsets(%dma_start3A_960 : memref<16xi32, #tpu.memory_space<vmem>>) semaphore(%arg7 : memref<!tpu.dma_semaphore, #tpu.memory_space<semaphore_mem>>)
        %dma_start3A_964 = arith.constant 0 : i32
        %dma_start3A_965 = arith.constant 8 : i32
        %dma_start3A_966 = arith.constant 0 : i32
        %dma_start3A_967 = arith.constant 8 : i32
        %dma_start3A_968 = arith.constant 0 : i32
        %dma_start3A_969 = arith.constant 0 : i32
        %dma_start3A_970 = tpu.memref_slice %arg6[%dma_start3A_966, %dma_start3A_967, %dma_start3A_968, %dma_start3A_969] : memref<2x50x16x64xf32, #tpu.memory_space<vmem>> -> memref<1x1x16x64xf32, #tpu.memory_space<vmem>>
        %dma_start3A_971 = tpu.memref_squeeze %dma_start3A_970 : memref<1x1x16x64xf32, #tpu.memory_space<vmem>> -> memref<16x64xf32, #tpu.memory_space<vmem>>
        %dma_start3A_972 = arith.constant 0 : i32
        %dma_start3A_973 = tpu.memref_slice %arg5[%dma_start3A_964, %dma_start3A_965, %dma_start3A_972] : memref<2x50x16xi32, #tpu.memory_space<vmem>> -> memref<1x1x16xi32, #tpu.memory_space<vmem>>
        %dma_start3A_974 = tpu.memref_squeeze %dma_start3A_973 : memref<1x1x16xi32, #tpu.memory_space<vmem>> -> memref<16xi32, #tpu.memory_space<vmem>>
        %dma_start3A_975 = arith.constant 0 : i32
        %dma_start3A_976 = arith.constant 0 : i32
        %dma_start3A_977 = tpu.memref_slice %arg2[%dma_start3A_975, %dma_start3A_976] : memref<100000x64xf32, #tpu.memory_space<hbm>> -> memref<100000x64xf32, #tpu.memory_space<hbm>>
        tpu.enqueue_indirect_dma source(%dma_start3A_977 : memref<100000x64xf32, #tpu.memory_space<hbm>>) target(%dma_start3A_971 : memref<16x64xf32, #tpu.memory_space<vmem>>) offsets(%dma_start3A_974 : memref<16xi32, #tpu.memory_space<vmem>>) semaphore(%arg7 : memref<!tpu.dma_semaphore, #tpu.memory_space<semaphore_mem>>)
        %dma_start3A_978 = arith.constant 0 : i32
        %dma_start3A_979 = arith.constant 9 : i32
        %dma_start3A_980 = arith.constant 0 : i32
        %dma_start3A_981 = arith.constant 9 : i32
        %dma_start3A_982 = arith.constant 0 : i32
        %dma_start3A_983 = arith.constant 0 : i32
        %dma_start3A_984 = tpu.memref_slice %arg6[%dma_start3A_980, %dma_start3A_981, %dma_start3A_982, %dma_start3A_983] : memref<2x50x16x64xf32, #tpu.memory_space<vmem>> -> memref<1x1x16x64xf32, #tpu.memory_space<vmem>>
        %dma_start3A_985 = tpu.memref_squeeze %dma_start3A_984 : memref<1x1x16x64xf32, #tpu.memory_space<vmem>> -> memref<16x64xf32, #tpu.memory_space<vmem>>
        %dma_start3A_986 = arith.constant 0 : i32
        %dma_start3A_987 = tpu.memref_slice %arg5[%dma_start3A_978, %dma_start3A_979, %dma_start3A_986] : memref<2x50x16xi32, #tpu.memory_space<vmem>> -> memref<1x1x16xi32, #tpu.memory_space<vmem>>
        %dma_start3A_988 = tpu.memref_squeeze %dma_start3A_987 : memref<1x1x16xi32, #tpu.memory_space<vmem>> -> memref<16xi32, #tpu.memory_space<vmem>>
        %dma_start3A_989 = arith.constant 0 : i32
        %dma_start3A_990 = arith.constant 0 : i32
        %dma_start3A_991 = tpu.memref_slice %arg2[%dma_start3A_989, %dma_start3A_990] : memref<100000x64xf32, #tpu.memory_space<hbm>> -> memref<100000x64xf32, #tpu.memory_space<hbm>>
        tpu.enqueue_indirect_dma source(%dma_start3A_991 : memref<100000x64xf32, #tpu.memory_space<hbm>>) target(%dma_start3A_985 : memref<16x64xf32, #tpu.memory_space<vmem>>) offsets(%dma_start3A_988 : memref<16xi32, #tpu.memory_space<vmem>>) semaphore(%arg7 : memref<!tpu.dma_semaphore, #tpu.memory_space<semaphore_mem>>)
        %dma_start3A_992 = arith.constant 0 : i32
        %dma_start3A_993 = arith.constant 10 : i32
        %dma_start3A_994 = arith.constant 0 : i32
        %dma_start3A_995 = arith.constant 10 : i32
        %dma_start3A_996 = arith.constant 0 : i32
        %dma_start3A_997 = arith.constant 0 : i32
        %dma_start3A_998 = tpu.memref_slice %arg6[%dma_start3A_994, %dma_start3A_995, %dma_start3A_996, %dma_start3A_997] : memref<2x50x16x64xf32, #tpu.memory_space<vmem>> -> memref<1x1x16x64xf32, #tpu.memory_space<vmem>>
        %dma_start3A_999 = tpu.memref_squeeze %dma_start3A_998 : memref<1x1x16x64xf32, #tpu.memory_space<vmem>> -> memref<16x64xf32, #tpu.memory_space<vmem>>
        %dma_start3A_1000 = arith.constant 0 : i32
        %dma_start3A_1001 = tpu.memref_slice %arg5[%dma_start3A_992, %dma_start3A_993, %dma_start3A_1000] : memref<2x50x16xi32, #tpu.memory_space<vmem>> -> memref<1x1x16xi32, #tpu.memory_space<vmem>>
        %dma_start3A_1002 = tpu.memref_squeeze %dma_start3A_1001 : memref<1x1x16xi32, #tpu.memory_space<vmem>> -> memref<16xi32, #tpu.memory_space<vmem>>
        %dma_start3A_1003 = arith.constant 0 : i32
        %dma_start3A_1004 = arith.constant 0 : i32
        %dma_start3A_1005 = tpu.memref_slice %arg2[%dma_start3A_1003, %dma_start3A_1004] : memref<100000x64xf32, #tpu.memory_space<hbm>> -> memref<100000x64xf32, #tpu.memory_space<hbm>>
        tpu.enqueue_indirect_dma source(%dma_start3A_1005 : memref<100000x64xf32, #tpu.memory_space<hbm>>) target(%dma_start3A_999 : memref<16x64xf32, #tpu.memory_space<vmem>>) offsets(%dma_start3A_1002 : memref<16xi32, #tpu.memory_space<vmem>>) semaphore(%arg7 : memref<!tpu.dma_semaphore, #tpu.memory_space<semaphore_mem>>)
        %dma_start3A_1006 = arith.constant 0 : i32
        %dma_start3A_1007 = arith.constant 11 : i32
        %dma_start3A_1008 = arith.constant 0 : i32
        %dma_start3A_1009 = arith.constant 11 : i32
        %dma_start3A_1010 = arith.constant 0 : i32
        %dma_start3A_1011 = arith.constant 0 : i32
        %dma_start3A_1012 = tpu.memref_slice %arg6[%dma_start3A_1008, %dma_start3A_1009, %dma_start3A_1010, %dma_start3A_1011] : memref<2x50x16x64xf32, #tpu.memory_space<vmem>> -> memref<1x1x16x64xf32, #tpu.memory_space<vmem>>
        %dma_start3A_1013 = tpu.memref_squeeze %dma_start3A_1012 : memref<1x1x16x64xf32, #tpu.memory_space<vmem>> -> memref<16x64xf32, #tpu.memory_space<vmem>>
        %dma_start3A_1014 = arith.constant 0 : i32
        %dma_start3A_1015 = tpu.memref_slice %arg5[%dma_start3A_1006, %dma_start3A_1007, %dma_start3A_1014] : memref<2x50x16xi32, #tpu.memory_space<vmem>> -> memref<1x1x16xi32, #tpu.memory_space<vmem>>
        %dma_start3A_1016 = tpu.memref_squeeze %dma_start3A_1015 : memref<1x1x16xi32, #tpu.memory_space<vmem>> -> memref<16xi32, #tpu.memory_space<vmem>>
        %dma_start3A_1017 = arith.constant 0 : i32
        %dma_start3A_1018 = arith.constant 0 : i32
        %dma_start3A_1019 = tpu.memref_slice %arg2[%dma_start3A_1017, %dma_start3A_1018] : memref<100000x64xf32, #tpu.memory_space<hbm>> -> memref<100000x64xf32, #tpu.memory_space<hbm>>
        tpu.enqueue_indirect_dma source(%dma_start3A_1019 : memref<100000x64xf32, #tpu.memory_space<hbm>>) target(%dma_start3A_1013 : memref<16x64xf32, #tpu.memory_space<vmem>>) offsets(%dma_start3A_1016 : memref<16xi32, #tpu.memory_space<vmem>>) semaphore(%arg7 : memref<!tpu.dma_semaphore, #tpu.memory_space<semaphore_mem>>)
        %dma_start3A_1020 = arith.constant 0 : i32
        %dma_start3A_1021 = arith.constant 12 : i32
        %dma_start3A_1022 = arith.constant 0 : i32
        %dma_start3A_1023 = arith.constant 12 : i32
        %dma_start3A_1024 = arith.constant 0 : i32
        %dma_start3A_1025 = arith.constant 0 : i32
        %dma_start3A_1026 = tpu.memref_slice %arg6[%dma_start3A_1022, %dma_start3A_1023, %dma_start3A_1024, %dma_start3A_1025] : memref<2x50x16x64xf32, #tpu.memory_space<vmem>> -> memref<1x1x16x64xf32, #tpu.memory_space<vmem>>
        %dma_start3A_1027 = tpu.memref_squeeze %dma_start3A_1026 : memref<1x1x16x64xf32, #tpu.memory_space<vmem>> -> memref<16x64xf32, #tpu.memory_space<vmem>>
        %dma_start3A_1028 = arith.constant 0 : i32
        %dma_start3A_1029 = tpu.memref_slice %arg5[%dma_start3A_1020, %dma_start3A_1021, %dma_start3A_1028] : memref<2x50x16xi32, #tpu.memory_space<vmem>> -> memref<1x1x16xi32, #tpu.memory_space<vmem>>
        %dma_start3A_1030 = tpu.memref_squeeze %dma_start3A_1029 : memref<1x1x16xi32, #tpu.memory_space<vmem>> -> memref<16xi32, #tpu.memory_space<vmem>>
        %dma_start3A_1031 = arith.constant 0 : i32
        %dma_start3A_1032 = arith.constant 0 : i32
        %dma_start3A_1033 = tpu.memref_slice %arg2[%dma_start3A_1031, %dma_start3A_1032] : memref<100000x64xf32, #tpu.memory_space<hbm>> -> memref<100000x64xf32, #tpu.memory_space<hbm>>
        tpu.enqueue_indirect_dma source(%dma_start3A_1033 : memref<100000x64xf32, #tpu.memory_space<hbm>>) target(%dma_start3A_1027 : memref<16x64xf32, #tpu.memory_space<vmem>>) offsets(%dma_start3A_1030 : memref<16xi32, #tpu.memory_space<vmem>>) semaphore(%arg7 : memref<!tpu.dma_semaphore, #tpu.memory_space<semaphore_mem>>)
        %dma_start3A_1034 = arith.constant 0 : i32
        %dma_start3A_1035 = arith.constant 13 : i32
        %dma_start3A_1036 = arith.constant 0 : i32
        %dma_start3A_1037 = arith.constant 13 : i32
        %dma_start3A_1038 = arith.constant 0 : i32
        %dma_start3A_1039 = arith.constant 0 : i32
        %dma_start3A_1040 = tpu.memref_slice %arg6[%dma_start3A_1036, %dma_start3A_1037, %dma_start3A_1038, %dma_start3A_1039] : memref<2x50x16x64xf32, #tpu.memory_space<vmem>> -> memref<1x1x16x64xf32, #tpu.memory_space<vmem>>
        %dma_start3A_1041 = tpu.memref_squeeze %dma_start3A_1040 : memref<1x1x16x64xf32, #tpu.memory_space<vmem>> -> memref<16x64xf32, #tpu.memory_space<vmem>>
        %dma_start3A_1042 = arith.constant 0 : i32
        %dma_start3A_1043 = tpu.memref_slice %arg5[%dma_start3A_1034, %dma_start3A_1035, %dma_start3A_1042] : memref<2x50x16xi32, #tpu.memory_space<vmem>> -> memref<1x1x16xi32, #tpu.memory_space<vmem>>
        %dma_start3A_1044 = tpu.memref_squeeze %dma_start3A_1043 : memref<1x1x16xi32, #tpu.memory_space<vmem>> -> memref<16xi32, #tpu.memory_space<vmem>>
        %dma_start3A_1045 = arith.constant 0 : i32
        %dma_start3A_1046 = arith.constant 0 : i32
        %dma_start3A_1047 = tpu.memref_slice %arg2[%dma_start3A_1045, %dma_start3A_1046] : memref<100000x64xf32, #tpu.memory_space<hbm>> -> memref<100000x64xf32, #tpu.memory_space<hbm>>
        tpu.enqueue_indirect_dma source(%dma_start3A_1047 : memref<100000x64xf32, #tpu.memory_space<hbm>>) target(%dma_start3A_1041 : memref<16x64xf32, #tpu.memory_space<vmem>>) offsets(%dma_start3A_1044 : memref<16xi32, #tpu.memory_space<vmem>>) semaphore(%arg7 : memref<!tpu.dma_semaphore, #tpu.memory_space<semaphore_mem>>)
        %dma_start3A_1048 = arith.constant 0 : i32
        %dma_start3A_1049 = arith.constant 14 : i32
        %dma_start3A_1050 = arith.constant 0 : i32
        %dma_start3A_1051 = arith.constant 14 : i32
        %dma_start3A_1052 = arith.constant 0 : i32
        %dma_start3A_1053 = arith.constant 0 : i32
        %dma_start3A_1054 = tpu.memref_slice %arg6[%dma_start3A_1050, %dma_start3A_1051, %dma_start3A_1052, %dma_start3A_1053] : memref<2x50x16x64xf32, #tpu.memory_space<vmem>> -> memref<1x1x16x64xf32, #tpu.memory_space<vmem>>
        %dma_start3A_1055 = tpu.memref_squeeze %dma_start3A_1054 : memref<1x1x16x64xf32, #tpu.memory_space<vmem>> -> memref<16x64xf32, #tpu.memory_space<vmem>>
        %dma_start3A_1056 = arith.constant 0 : i32
        %dma_start3A_1057 = tpu.memref_slice %arg5[%dma_start3A_1048, %dma_start3A_1049, %dma_start3A_1056] : memref<2x50x16xi32, #tpu.memory_space<vmem>> -> memref<1x1x16xi32, #tpu.memory_space<vmem>>
        %dma_start3A_1058 = tpu.memref_squeeze %dma_start3A_1057 : memref<1x1x16xi32, #tpu.memory_space<vmem>> -> memref<16xi32, #tpu.memory_space<vmem>>
        %dma_start3A_1059 = arith.constant 0 : i32
        %dma_start3A_1060 = arith.constant 0 : i32
        %dma_start3A_1061 = tpu.memref_slice %arg2[%dma_start3A_1059, %dma_start3A_1060] : memref<100000x64xf32, #tpu.memory_space<hbm>> -> memref<100000x64xf32, #tpu.memory_space<hbm>>
        tpu.enqueue_indirect_dma source(%dma_start3A_1061 : memref<100000x64xf32, #tpu.memory_space<hbm>>) target(%dma_start3A_1055 : memref<16x64xf32, #tpu.memory_space<vmem>>) offsets(%dma_start3A_1058 : memref<16xi32, #tpu.memory_space<vmem>>) semaphore(%arg7 : memref<!tpu.dma_semaphore, #tpu.memory_space<semaphore_mem>>)
        %dma_start3A_1062 = arith.constant 0 : i32
        %dma_start3A_1063 = arith.constant 15 : i32
        %dma_start3A_1064 = arith.constant 0 : i32
        %dma_start3A_1065 = arith.constant 15 : i32
        %dma_start3A_1066 = arith.constant 0 : i32
        %dma_start3A_1067 = arith.constant 0 : i32
        %dma_start3A_1068 = tpu.memref_slice %arg6[%dma_start3A_1064, %dma_start3A_1065, %dma_start3A_1066, %dma_start3A_1067] : memref<2x50x16x64xf32, #tpu.memory_space<vmem>> -> memref<1x1x16x64xf32, #tpu.memory_space<vmem>>
        %dma_start3A_1069 = tpu.memref_squeeze %dma_start3A_1068 : memref<1x1x16x64xf32, #tpu.memory_space<vmem>> -> memref<16x64xf32, #tpu.memory_space<vmem>>
        %dma_start3A_1070 = arith.constant 0 : i32
        %dma_start3A_1071 = tpu.memref_slice %arg5[%dma_start3A_1062, %dma_start3A_1063, %dma_start3A_1070] : memref<2x50x16xi32, #tpu.memory_space<vmem>> -> memref<1x1x16xi32, #tpu.memory_space<vmem>>
        %dma_start3A_1072 = tpu.memref_squeeze %dma_start3A_1071 : memref<1x1x16xi32, #tpu.memory_space<vmem>> -> memref<16xi32, #tpu.memory_space<vmem>>
        %dma_start3A_1073 = arith.constant 0 : i32
        %dma_start3A_1074 = arith.constant 0 : i32
        %dma_start3A_1075 = tpu.memref_slice %arg2[%dma_start3A_1073, %dma_start3A_1074] : memref<100000x64xf32, #tpu.memory_space<hbm>> -> memref<100000x64xf32, #tpu.memory_space<hbm>>
        tpu.enqueue_indirect_dma source(%dma_start3A_1075 : memref<100000x64xf32, #tpu.memory_space<hbm>>) target(%dma_start3A_1069 : memref<16x64xf32, #tpu.memory_space<vmem>>) offsets(%dma_start3A_1072 : memref<16xi32, #tpu.memory_space<vmem>>) semaphore(%arg7 : memref<!tpu.dma_semaphore, #tpu.memory_space<semaphore_mem>>)
        %dma_start3A_1076 = arith.constant 0 : i32
        %dma_start3A_1077 = arith.constant 16 : i32
        %dma_start3A_1078 = arith.constant 0 : i32
        %dma_start3A_1079 = arith.constant 16 : i32
        %dma_start3A_1080 = arith.constant 0 : i32
        %dma_start3A_1081 = arith.constant 0 : i32
        %dma_start3A_1082 = tpu.memref_slice %arg6[%dma_start3A_1078, %dma_start3A_1079, %dma_start3A_1080, %dma_start3A_1081] : memref<2x50x16x64xf32, #tpu.memory_space<vmem>> -> memref<1x1x16x64xf32, #tpu.memory_space<vmem>>
        %dma_start3A_1083 = tpu.memref_squeeze %dma_start3A_1082 : memref<1x1x16x64xf32, #tpu.memory_space<vmem>> -> memref<16x64xf32, #tpu.memory_space<vmem>>
        %dma_start3A_1084 = arith.constant 0 : i32
        %dma_start3A_1085 = tpu.memref_slice %arg5[%dma_start3A_1076, %dma_start3A_1077, %dma_start3A_1084] : memref<2x50x16xi32, #tpu.memory_space<vmem>> -> memref<1x1x16xi32, #tpu.memory_space<vmem>>
        %dma_start3A_1086 = tpu.memref_squeeze %dma_start3A_1085 : memref<1x1x16xi32, #tpu.memory_space<vmem>> -> memref<16xi32, #tpu.memory_space<vmem>>
        %dma_start3A_1087 = arith.constant 0 : i32
        %dma_start3A_1088 = arith.constant 0 : i32
        %dma_start3A_1089 = tpu.memref_slice %arg2[%dma_start3A_1087, %dma_start3A_1088] : memref<100000x64xf32, #tpu.memory_space<hbm>> -> memref<100000x64xf32, #tpu.memory_space<hbm>>
        tpu.enqueue_indirect_dma source(%dma_start3A_1089 : memref<100000x64xf32, #tpu.memory_space<hbm>>) target(%dma_start3A_1083 : memref<16x64xf32, #tpu.memory_space<vmem>>) offsets(%dma_start3A_1086 : memref<16xi32, #tpu.memory_space<vmem>>) semaphore(%arg7 : memref<!tpu.dma_semaphore, #tpu.memory_space<semaphore_mem>>)
        %dma_start3A_1090 = arith.constant 0 : i32
        %dma_start3A_1091 = arith.constant 17 : i32
        %dma_start3A_1092 = arith.constant 0 : i32
        %dma_start3A_1093 = arith.constant 17 : i32
        %dma_start3A_1094 = arith.constant 0 : i32
        %dma_start3A_1095 = arith.constant 0 : i32
        %dma_start3A_1096 = tpu.memref_slice %arg6[%dma_start3A_1092, %dma_start3A_1093, %dma_start3A_1094, %dma_start3A_1095] : memref<2x50x16x64xf32, #tpu.memory_space<vmem>> -> memref<1x1x16x64xf32, #tpu.memory_space<vmem>>
        %dma_start3A_1097 = tpu.memref_squeeze %dma_start3A_1096 : memref<1x1x16x64xf32, #tpu.memory_space<vmem>> -> memref<16x64xf32, #tpu.memory_space<vmem>>
        %dma_start3A_1098 = arith.constant 0 : i32
        %dma_start3A_1099 = tpu.memref_slice %arg5[%dma_start3A_1090, %dma_start3A_1091, %dma_start3A_1098] : memref<2x50x16xi32, #tpu.memory_space<vmem>> -> memref<1x1x16xi32, #tpu.memory_space<vmem>>
        %dma_start3A_1100 = tpu.memref_squeeze %dma_start3A_1099 : memref<1x1x16xi32, #tpu.memory_space<vmem>> -> memref<16xi32, #tpu.memory_space<vmem>>
        %dma_start3A_1101 = arith.constant 0 : i32
        %dma_start3A_1102 = arith.constant 0 : i32
        %dma_start3A_1103 = tpu.memref_slice %arg2[%dma_start3A_1101, %dma_start3A_1102] : memref<100000x64xf32, #tpu.memory_space<hbm>> -> memref<100000x64xf32, #tpu.memory_space<hbm>>
        tpu.enqueue_indirect_dma source(%dma_start3A_1103 : memref<100000x64xf32, #tpu.memory_space<hbm>>) target(%dma_start3A_1097 : memref<16x64xf32, #tpu.memory_space<vmem>>) offsets(%dma_start3A_1100 : memref<16xi32, #tpu.memory_space<vmem>>) semaphore(%arg7 : memref<!tpu.dma_semaphore, #tpu.memory_space<semaphore_mem>>)
        %dma_start3A_1104 = arith.constant 0 : i32
        %dma_start3A_1105 = arith.constant 18 : i32
        %dma_start3A_1106 = arith.constant 0 : i32
        %dma_start3A_1107 = arith.constant 18 : i32
        %dma_start3A_1108 = arith.constant 0 : i32
        %dma_start3A_1109 = arith.constant 0 : i32
        %dma_start3A_1110 = tpu.memref_slice %arg6[%dma_start3A_1106, %dma_start3A_1107, %dma_start3A_1108, %dma_start3A_1109] : memref<2x50x16x64xf32, #tpu.memory_space<vmem>> -> memref<1x1x16x64xf32, #tpu.memory_space<vmem>>
        %dma_start3A_1111 = tpu.memref_squeeze %dma_start3A_1110 : memref<1x1x16x64xf32, #tpu.memory_space<vmem>> -> memref<16x64xf32, #tpu.memory_space<vmem>>
        %dma_start3A_1112 = arith.constant 0 : i32
        %dma_start3A_1113 = tpu.memref_slice %arg5[%dma_start3A_1104, %dma_start3A_1105, %dma_start3A_1112] : memref<2x50x16xi32, #tpu.memory_space<vmem>> -> memref<1x1x16xi32, #tpu.memory_space<vmem>>
        %dma_start3A_1114 = tpu.memref_squeeze %dma_start3A_1113 : memref<1x1x16xi32, #tpu.memory_space<vmem>> -> memref<16xi32, #tpu.memory_space<vmem>>
        %dma_start3A_1115 = arith.constant 0 : i32
        %dma_start3A_1116 = arith.constant 0 : i32
        %dma_start3A_1117 = tpu.memref_slice %arg2[%dma_start3A_1115, %dma_start3A_1116] : memref<100000x64xf32, #tpu.memory_space<hbm>> -> memref<100000x64xf32, #tpu.memory_space<hbm>>
        tpu.enqueue_indirect_dma source(%dma_start3A_1117 : memref<100000x64xf32, #tpu.memory_space<hbm>>) target(%dma_start3A_1111 : memref<16x64xf32, #tpu.memory_space<vmem>>) offsets(%dma_start3A_1114 : memref<16xi32, #tpu.memory_space<vmem>>) semaphore(%arg7 : memref<!tpu.dma_semaphore, #tpu.memory_space<semaphore_mem>>)
        %dma_start3A_1118 = arith.constant 0 : i32
        %dma_start3A_1119 = arith.constant 19 : i32
        %dma_start3A_1120 = arith.constant 0 : i32
        %dma_start3A_1121 = arith.constant 19 : i32
        %dma_start3A_1122 = arith.constant 0 : i32
        %dma_start3A_1123 = arith.constant 0 : i32
        %dma_start3A_1124 = tpu.memref_slice %arg6[%dma_start3A_1120, %dma_start3A_1121, %dma_start3A_1122, %dma_start3A_1123] : memref<2x50x16x64xf32, #tpu.memory_space<vmem>> -> memref<1x1x16x64xf32, #tpu.memory_space<vmem>>
        %dma_start3A_1125 = tpu.memref_squeeze %dma_start3A_1124 : memref<1x1x16x64xf32, #tpu.memory_space<vmem>> -> memref<16x64xf32, #tpu.memory_space<vmem>>
        %dma_start3A_1126 = arith.constant 0 : i32
        %dma_start3A_1127 = tpu.memref_slice %arg5[%dma_start3A_1118, %dma_start3A_1119, %dma_start3A_1126] : memref<2x50x16xi32, #tpu.memory_space<vmem>> -> memref<1x1x16xi32, #tpu.memory_space<vmem>>
        %dma_start3A_1128 = tpu.memref_squeeze %dma_start3A_1127 : memref<1x1x16xi32, #tpu.memory_space<vmem>> -> memref<16xi32, #tpu.memory_space<vmem>>
        %dma_start3A_1129 = arith.constant 0 : i32
        %dma_start3A_1130 = arith.constant 0 : i32
        %dma_start3A_1131 = tpu.memref_slice %arg2[%dma_start3A_1129, %dma_start3A_1130] : memref<100000x64xf32, #tpu.memory_space<hbm>> -> memref<100000x64xf32, #tpu.memory_space<hbm>>
        tpu.enqueue_indirect_dma source(%dma_start3A_1131 : memref<100000x64xf32, #tpu.memory_space<hbm>>) target(%dma_start3A_1125 : memref<16x64xf32, #tpu.memory_space<vmem>>) offsets(%dma_start3A_1128 : memref<16xi32, #tpu.memory_space<vmem>>) semaphore(%arg7 : memref<!tpu.dma_semaphore, #tpu.memory_space<semaphore_mem>>)
        %dma_start3A_1132 = arith.constant 0 : i32
        %dma_start3A_1133 = arith.constant 20 : i32
        %dma_start3A_1134 = arith.constant 0 : i32
        %dma_start3A_1135 = arith.constant 20 : i32
        %dma_start3A_1136 = arith.constant 0 : i32
        %dma_start3A_1137 = arith.constant 0 : i32
        %dma_start3A_1138 = tpu.memref_slice %arg6[%dma_start3A_1134, %dma_start3A_1135, %dma_start3A_1136, %dma_start3A_1137] : memref<2x50x16x64xf32, #tpu.memory_space<vmem>> -> memref<1x1x16x64xf32, #tpu.memory_space<vmem>>
        %dma_start3A_1139 = tpu.memref_squeeze %dma_start3A_1138 : memref<1x1x16x64xf32, #tpu.memory_space<vmem>> -> memref<16x64xf32, #tpu.memory_space<vmem>>
        %dma_start3A_1140 = arith.constant 0 : i32
        %dma_start3A_1141 = tpu.memref_slice %arg5[%dma_start3A_1132, %dma_start3A_1133, %dma_start3A_1140] : memref<2x50x16xi32, #tpu.memory_space<vmem>> -> memref<1x1x16xi32, #tpu.memory_space<vmem>>
        %dma_start3A_1142 = tpu.memref_squeeze %dma_start3A_1141 : memref<1x1x16xi32, #tpu.memory_space<vmem>> -> memref<16xi32, #tpu.memory_space<vmem>>
        %dma_start3A_1143 = arith.constant 0 : i32
        %dma_start3A_1144 = arith.constant 0 : i32
        %dma_start3A_1145 = tpu.memref_slice %arg2[%dma_start3A_1143, %dma_start3A_1144] : memref<100000x64xf32, #tpu.memory_space<hbm>> -> memref<100000x64xf32, #tpu.memory_space<hbm>>
        tpu.enqueue_indirect_dma source(%dma_start3A_1145 : memref<100000x64xf32, #tpu.memory_space<hbm>>) target(%dma_start3A_1139 : memref<16x64xf32, #tpu.memory_space<vmem>>) offsets(%dma_start3A_1142 : memref<16xi32, #tpu.memory_space<vmem>>) semaphore(%arg7 : memref<!tpu.dma_semaphore, #tpu.memory_space<semaphore_mem>>)
        %dma_start3A_1146 = arith.constant 0 : i32
        %dma_start3A_1147 = arith.constant 21 : i32
        %dma_start3A_1148 = arith.constant 0 : i32
        %dma_start3A_1149 = arith.constant 21 : i32
        %dma_start3A_1150 = arith.constant 0 : i32
        %dma_start3A_1151 = arith.constant 0 : i32
        %dma_start3A_1152 = tpu.memref_slice %arg6[%dma_start3A_1148, %dma_start3A_1149, %dma_start3A_1150, %dma_start3A_1151] : memref<2x50x16x64xf32, #tpu.memory_space<vmem>> -> memref<1x1x16x64xf32, #tpu.memory_space<vmem>>
        %dma_start3A_1153 = tpu.memref_squeeze %dma_start3A_1152 : memref<1x1x16x64xf32, #tpu.memory_space<vmem>> -> memref<16x64xf32, #tpu.memory_space<vmem>>
        %dma_start3A_1154 = arith.constant 0 : i32
        %dma_start3A_1155 = tpu.memref_slice %arg5[%dma_start3A_1146, %dma_start3A_1147, %dma_start3A_1154] : memref<2x50x16xi32, #tpu.memory_space<vmem>> -> memref<1x1x16xi32, #tpu.memory_space<vmem>>
        %dma_start3A_1156 = tpu.memref_squeeze %dma_start3A_1155 : memref<1x1x16xi32, #tpu.memory_space<vmem>> -> memref<16xi32, #tpu.memory_space<vmem>>
        %dma_start3A_1157 = arith.constant 0 : i32
        %dma_start3A_1158 = arith.constant 0 : i32
        %dma_start3A_1159 = tpu.memref_slice %arg2[%dma_start3A_1157, %dma_start3A_1158] : memref<100000x64xf32, #tpu.memory_space<hbm>> -> memref<100000x64xf32, #tpu.memory_space<hbm>>
        tpu.enqueue_indirect_dma source(%dma_start3A_1159 : memref<100000x64xf32, #tpu.memory_space<hbm>>) target(%dma_start3A_1153 : memref<16x64xf32, #tpu.memory_space<vmem>>) offsets(%dma_start3A_1156 : memref<16xi32, #tpu.memory_space<vmem>>) semaphore(%arg7 : memref<!tpu.dma_semaphore, #tpu.memory_space<semaphore_mem>>)
        %dma_start3A_1160 = arith.constant 0 : i32
        %dma_start3A_1161 = arith.constant 22 : i32
        %dma_start3A_1162 = arith.constant 0 : i32
        %dma_start3A_1163 = arith.constant 22 : i32
        %dma_start3A_1164 = arith.constant 0 : i32
        %dma_start3A_1165 = arith.constant 0 : i32
        %dma_start3A_1166 = tpu.memref_slice %arg6[%dma_start3A_1162, %dma_start3A_1163, %dma_start3A_1164, %dma_start3A_1165] : memref<2x50x16x64xf32, #tpu.memory_space<vmem>> -> memref<1x1x16x64xf32, #tpu.memory_space<vmem>>
        %dma_start3A_1167 = tpu.memref_squeeze %dma_start3A_1166 : memref<1x1x16x64xf32, #tpu.memory_space<vmem>> -> memref<16x64xf32, #tpu.memory_space<vmem>>
        %dma_start3A_1168 = arith.constant 0 : i32
        %dma_start3A_1169 = tpu.memref_slice %arg5[%dma_start3A_1160, %dma_start3A_1161, %dma_start3A_1168] : memref<2x50x16xi32, #tpu.memory_space<vmem>> -> memref<1x1x16xi32, #tpu.memory_space<vmem>>
        %dma_start3A_1170 = tpu.memref_squeeze %dma_start3A_1169 : memref<1x1x16xi32, #tpu.memory_space<vmem>> -> memref<16xi32, #tpu.memory_space<vmem>>
        %dma_start3A_1171 = arith.constant 0 : i32
        %dma_start3A_1172 = arith.constant 0 : i32
        %dma_start3A_1173 = tpu.memref_slice %arg2[%dma_start3A_1171, %dma_start3A_1172] : memref<100000x64xf32, #tpu.memory_space<hbm>> -> memref<100000x64xf32, #tpu.memory_space<hbm>>
        tpu.enqueue_indirect_dma source(%dma_start3A_1173 : memref<100000x64xf32, #tpu.memory_space<hbm>>) target(%dma_start3A_1167 : memref<16x64xf32, #tpu.memory_space<vmem>>) offsets(%dma_start3A_1170 : memref<16xi32, #tpu.memory_space<vmem>>) semaphore(%arg7 : memref<!tpu.dma_semaphore, #tpu.memory_space<semaphore_mem>>)
        %dma_start3A_1174 = arith.constant 0 : i32
        %dma_start3A_1175 = arith.constant 23 : i32
        %dma_start3A_1176 = arith.constant 0 : i32
        %dma_start3A_1177 = arith.constant 23 : i32
        %dma_start3A_1178 = arith.constant 0 : i32
        %dma_start3A_1179 = arith.constant 0 : i32
        %dma_start3A_1180 = tpu.memref_slice %arg6[%dma_start3A_1176, %dma_start3A_1177, %dma_start3A_1178, %dma_start3A_1179] : memref<2x50x16x64xf32, #tpu.memory_space<vmem>> -> memref<1x1x16x64xf32, #tpu.memory_space<vmem>>
        %dma_start3A_1181 = tpu.memref_squeeze %dma_start3A_1180 : memref<1x1x16x64xf32, #tpu.memory_space<vmem>> -> memref<16x64xf32, #tpu.memory_space<vmem>>
        %dma_start3A_1182 = arith.constant 0 : i32
        %dma_start3A_1183 = tpu.memref_slice %arg5[%dma_start3A_1174, %dma_start3A_1175, %dma_start3A_1182] : memref<2x50x16xi32, #tpu.memory_space<vmem>> -> memref<1x1x16xi32, #tpu.memory_space<vmem>>
        %dma_start3A_1184 = tpu.memref_squeeze %dma_start3A_1183 : memref<1x1x16xi32, #tpu.memory_space<vmem>> -> memref<16xi32, #tpu.memory_space<vmem>>
        %dma_start3A_1185 = arith.constant 0 : i32
        %dma_start3A_1186 = arith.constant 0 : i32
        %dma_start3A_1187 = tpu.memref_slice %arg2[%dma_start3A_1185, %dma_start3A_1186] : memref<100000x64xf32, #tpu.memory_space<hbm>> -> memref<100000x64xf32, #tpu.memory_space<hbm>>
        tpu.enqueue_indirect_dma source(%dma_start3A_1187 : memref<100000x64xf32, #tpu.memory_space<hbm>>) target(%dma_start3A_1181 : memref<16x64xf32, #tpu.memory_space<vmem>>) offsets(%dma_start3A_1184 : memref<16xi32, #tpu.memory_space<vmem>>) semaphore(%arg7 : memref<!tpu.dma_semaphore, #tpu.memory_space<semaphore_mem>>)
        %dma_start3A_1188 = arith.constant 0 : i32
        %dma_start3A_1189 = arith.constant 24 : i32
        %dma_start3A_1190 = arith.constant 0 : i32
        %dma_start3A_1191 = arith.constant 24 : i32
        %dma_start3A_1192 = arith.constant 0 : i32
        %dma_start3A_1193 = arith.constant 0 : i32
        %dma_start3A_1194 = tpu.memref_slice %arg6[%dma_start3A_1190, %dma_start3A_1191, %dma_start3A_1192, %dma_start3A_1193] : memref<2x50x16x64xf32, #tpu.memory_space<vmem>> -> memref<1x1x16x64xf32, #tpu.memory_space<vmem>>
        %dma_start3A_1195 = tpu.memref_squeeze %dma_start3A_1194 : memref<1x1x16x64xf32, #tpu.memory_space<vmem>> -> memref<16x64xf32, #tpu.memory_space<vmem>>
        %dma_start3A_1196 = arith.constant 0 : i32
        %dma_start3A_1197 = tpu.memref_slice %arg5[%dma_start3A_1188, %dma_start3A_1189, %dma_start3A_1196] : memref<2x50x16xi32, #tpu.memory_space<vmem>> -> memref<1x1x16xi32, #tpu.memory_space<vmem>>
        %dma_start3A_1198 = tpu.memref_squeeze %dma_start3A_1197 : memref<1x1x16xi32, #tpu.memory_space<vmem>> -> memref<16xi32, #tpu.memory_space<vmem>>
        %dma_start3A_1199 = arith.constant 0 : i32
        %dma_start3A_1200 = arith.constant 0 : i32
        %dma_start3A_1201 = tpu.memref_slice %arg2[%dma_start3A_1199, %dma_start3A_1200] : memref<100000x64xf32, #tpu.memory_space<hbm>> -> memref<100000x64xf32, #tpu.memory_space<hbm>>
        tpu.enqueue_indirect_dma source(%dma_start3A_1201 : memref<100000x64xf32, #tpu.memory_space<hbm>>) target(%dma_start3A_1195 : memref<16x64xf32, #tpu.memory_space<vmem>>) offsets(%dma_start3A_1198 : memref<16xi32, #tpu.memory_space<vmem>>) semaphore(%arg7 : memref<!tpu.dma_semaphore, #tpu.memory_space<semaphore_mem>>)
        %dma_start3A_1202 = arith.constant 0 : i32
        %dma_start3A_1203 = arith.constant 25 : i32
        %dma_start3A_1204 = arith.constant 0 : i32
        %dma_start3A_1205 = arith.constant 25 : i32
        %dma_start3A_1206 = arith.constant 0 : i32
        %dma_start3A_1207 = arith.constant 0 : i32
        %dma_start3A_1208 = tpu.memref_slice %arg6[%dma_start3A_1204, %dma_start3A_1205, %dma_start3A_1206, %dma_start3A_1207] : memref<2x50x16x64xf32, #tpu.memory_space<vmem>> -> memref<1x1x16x64xf32, #tpu.memory_space<vmem>>
        %dma_start3A_1209 = tpu.memref_squeeze %dma_start3A_1208 : memref<1x1x16x64xf32, #tpu.memory_space<vmem>> -> memref<16x64xf32, #tpu.memory_space<vmem>>
        %dma_start3A_1210 = arith.constant 0 : i32
        %dma_start3A_1211 = tpu.memref_slice %arg5[%dma_start3A_1202, %dma_start3A_1203, %dma_start3A_1210] : memref<2x50x16xi32, #tpu.memory_space<vmem>> -> memref<1x1x16xi32, #tpu.memory_space<vmem>>
        %dma_start3A_1212 = tpu.memref_squeeze %dma_start3A_1211 : memref<1x1x16xi32, #tpu.memory_space<vmem>> -> memref<16xi32, #tpu.memory_space<vmem>>
        %dma_start3A_1213 = arith.constant 0 : i32
        %dma_start3A_1214 = arith.constant 0 : i32
        %dma_start3A_1215 = tpu.memref_slice %arg2[%dma_start3A_1213, %dma_start3A_1214] : memref<100000x64xf32, #tpu.memory_space<hbm>> -> memref<100000x64xf32, #tpu.memory_space<hbm>>
        tpu.enqueue_indirect_dma source(%dma_start3A_1215 : memref<100000x64xf32, #tpu.memory_space<hbm>>) target(%dma_start3A_1209 : memref<16x64xf32, #tpu.memory_space<vmem>>) offsets(%dma_start3A_1212 : memref<16xi32, #tpu.memory_space<vmem>>) semaphore(%arg7 : memref<!tpu.dma_semaphore, #tpu.memory_space<semaphore_mem>>)
        %dma_start3A_1216 = arith.constant 0 : i32
        %dma_start3A_1217 = arith.constant 26 : i32
        %dma_start3A_1218 = arith.constant 0 : i32
        %dma_start3A_1219 = arith.constant 26 : i32
        %dma_start3A_1220 = arith.constant 0 : i32
        %dma_start3A_1221 = arith.constant 0 : i32
        %dma_start3A_1222 = tpu.memref_slice %arg6[%dma_start3A_1218, %dma_start3A_1219, %dma_start3A_1220, %dma_start3A_1221] : memref<2x50x16x64xf32, #tpu.memory_space<vmem>> -> memref<1x1x16x64xf32, #tpu.memory_space<vmem>>
        %dma_start3A_1223 = tpu.memref_squeeze %dma_start3A_1222 : memref<1x1x16x64xf32, #tpu.memory_space<vmem>> -> memref<16x64xf32, #tpu.memory_space<vmem>>
        %dma_start3A_1224 = arith.constant 0 : i32
        %dma_start3A_1225 = tpu.memref_slice %arg5[%dma_start3A_1216, %dma_start3A_1217, %dma_start3A_1224] : memref<2x50x16xi32, #tpu.memory_space<vmem>> -> memref<1x1x16xi32, #tpu.memory_space<vmem>>
        %dma_start3A_1226 = tpu.memref_squeeze %dma_start3A_1225 : memref<1x1x16xi32, #tpu.memory_space<vmem>> -> memref<16xi32, #tpu.memory_space<vmem>>
        %dma_start3A_1227 = arith.constant 0 : i32
        %dma_start3A_1228 = arith.constant 0 : i32
        %dma_start3A_1229 = tpu.memref_slice %arg2[%dma_start3A_1227, %dma_start3A_1228] : memref<100000x64xf32, #tpu.memory_space<hbm>> -> memref<100000x64xf32, #tpu.memory_space<hbm>>
        tpu.enqueue_indirect_dma source(%dma_start3A_1229 : memref<100000x64xf32, #tpu.memory_space<hbm>>) target(%dma_start3A_1223 : memref<16x64xf32, #tpu.memory_space<vmem>>) offsets(%dma_start3A_1226 : memref<16xi32, #tpu.memory_space<vmem>>) semaphore(%arg7 : memref<!tpu.dma_semaphore, #tpu.memory_space<semaphore_mem>>)
        %dma_start3A_1230 = arith.constant 0 : i32
        %dma_start3A_1231 = arith.constant 27 : i32
        %dma_start3A_1232 = arith.constant 0 : i32
        %dma_start3A_1233 = arith.constant 27 : i32
        %dma_start3A_1234 = arith.constant 0 : i32
        %dma_start3A_1235 = arith.constant 0 : i32
        %dma_start3A_1236 = tpu.memref_slice %arg6[%dma_start3A_1232, %dma_start3A_1233, %dma_start3A_1234, %dma_start3A_1235] : memref<2x50x16x64xf32, #tpu.memory_space<vmem>> -> memref<1x1x16x64xf32, #tpu.memory_space<vmem>>
        %dma_start3A_1237 = tpu.memref_squeeze %dma_start3A_1236 : memref<1x1x16x64xf32, #tpu.memory_space<vmem>> -> memref<16x64xf32, #tpu.memory_space<vmem>>
        %dma_start3A_1238 = arith.constant 0 : i32
        %dma_start3A_1239 = tpu.memref_slice %arg5[%dma_start3A_1230, %dma_start3A_1231, %dma_start3A_1238] : memref<2x50x16xi32, #tpu.memory_space<vmem>> -> memref<1x1x16xi32, #tpu.memory_space<vmem>>
        %dma_start3A_1240 = tpu.memref_squeeze %dma_start3A_1239 : memref<1x1x16xi32, #tpu.memory_space<vmem>> -> memref<16xi32, #tpu.memory_space<vmem>>
        %dma_start3A_1241 = arith.constant 0 : i32
        %dma_start3A_1242 = arith.constant 0 : i32
        %dma_start3A_1243 = tpu.memref_slice %arg2[%dma_start3A_1241, %dma_start3A_1242] : memref<100000x64xf32, #tpu.memory_space<hbm>> -> memref<100000x64xf32, #tpu.memory_space<hbm>>
        tpu.enqueue_indirect_dma source(%dma_start3A_1243 : memref<100000x64xf32, #tpu.memory_space<hbm>>) target(%dma_start3A_1237 : memref<16x64xf32, #tpu.memory_space<vmem>>) offsets(%dma_start3A_1240 : memref<16xi32, #tpu.memory_space<vmem>>) semaphore(%arg7 : memref<!tpu.dma_semaphore, #tpu.memory_space<semaphore_mem>>)
        %dma_start3A_1244 = arith.constant 0 : i32
        %dma_start3A_1245 = arith.constant 28 : i32
        %dma_start3A_1246 = arith.constant 0 : i32
        %dma_start3A_1247 = arith.constant 28 : i32
        %dma_start3A_1248 = arith.constant 0 : i32
        %dma_start3A_1249 = arith.constant 0 : i32
        %dma_start3A_1250 = tpu.memref_slice %arg6[%dma_start3A_1246, %dma_start3A_1247, %dma_start3A_1248, %dma_start3A_1249] : memref<2x50x16x64xf32, #tpu.memory_space<vmem>> -> memref<1x1x16x64xf32, #tpu.memory_space<vmem>>
        %dma_start3A_1251 = tpu.memref_squeeze %dma_start3A_1250 : memref<1x1x16x64xf32, #tpu.memory_space<vmem>> -> memref<16x64xf32, #tpu.memory_space<vmem>>
        %dma_start3A_1252 = arith.constant 0 : i32
        %dma_start3A_1253 = tpu.memref_slice %arg5[%dma_start3A_1244, %dma_start3A_1245, %dma_start3A_1252] : memref<2x50x16xi32, #tpu.memory_space<vmem>> -> memref<1x1x16xi32, #tpu.memory_space<vmem>>
        %dma_start3A_1254 = tpu.memref_squeeze %dma_start3A_1253 : memref<1x1x16xi32, #tpu.memory_space<vmem>> -> memref<16xi32, #tpu.memory_space<vmem>>
        %dma_start3A_1255 = arith.constant 0 : i32
        %dma_start3A_1256 = arith.constant 0 : i32
        %dma_start3A_1257 = tpu.memref_slice %arg2[%dma_start3A_1255, %dma_start3A_1256] : memref<100000x64xf32, #tpu.memory_space<hbm>> -> memref<100000x64xf32, #tpu.memory_space<hbm>>
        tpu.enqueue_indirect_dma source(%dma_start3A_1257 : memref<100000x64xf32, #tpu.memory_space<hbm>>) target(%dma_start3A_1251 : memref<16x64xf32, #tpu.memory_space<vmem>>) offsets(%dma_start3A_1254 : memref<16xi32, #tpu.memory_space<vmem>>) semaphore(%arg7 : memref<!tpu.dma_semaphore, #tpu.memory_space<semaphore_mem>>)
        %dma_start3A_1258 = arith.constant 0 : i32
        %dma_start3A_1259 = arith.constant 29 : i32
        %dma_start3A_1260 = arith.constant 0 : i32
        %dma_start3A_1261 = arith.constant 29 : i32
        %dma_start3A_1262 = arith.constant 0 : i32
        %dma_start3A_1263 = arith.constant 0 : i32
        %dma_start3A_1264 = tpu.memref_slice %arg6[%dma_start3A_1260, %dma_start3A_1261, %dma_start3A_1262, %dma_start3A_1263] : memref<2x50x16x64xf32, #tpu.memory_space<vmem>> -> memref<1x1x16x64xf32, #tpu.memory_space<vmem>>
        %dma_start3A_1265 = tpu.memref_squeeze %dma_start3A_1264 : memref<1x1x16x64xf32, #tpu.memory_space<vmem>> -> memref<16x64xf32, #tpu.memory_space<vmem>>
        %dma_start3A_1266 = arith.constant 0 : i32
        %dma_start3A_1267 = tpu.memref_slice %arg5[%dma_start3A_1258, %dma_start3A_1259, %dma_start3A_1266] : memref<2x50x16xi32, #tpu.memory_space<vmem>> -> memref<1x1x16xi32, #tpu.memory_space<vmem>>
        %dma_start3A_1268 = tpu.memref_squeeze %dma_start3A_1267 : memref<1x1x16xi32, #tpu.memory_space<vmem>> -> memref<16xi32, #tpu.memory_space<vmem>>
        %dma_start3A_1269 = arith.constant 0 : i32
        %dma_start3A_1270 = arith.constant 0 : i32
        %dma_start3A_1271 = tpu.memref_slice %arg2[%dma_start3A_1269, %dma_start3A_1270] : memref<100000x64xf32, #tpu.memory_space<hbm>> -> memref<100000x64xf32, #tpu.memory_space<hbm>>
        tpu.enqueue_indirect_dma source(%dma_start3A_1271 : memref<100000x64xf32, #tpu.memory_space<hbm>>) target(%dma_start3A_1265 : memref<16x64xf32, #tpu.memory_space<vmem>>) offsets(%dma_start3A_1268 : memref<16xi32, #tpu.memory_space<vmem>>) semaphore(%arg7 : memref<!tpu.dma_semaphore, #tpu.memory_space<semaphore_mem>>)
        %dma_start3A_1272 = arith.constant 0 : i32
        %dma_start3A_1273 = arith.constant 30 : i32
        %dma_start3A_1274 = arith.constant 0 : i32
        %dma_start3A_1275 = arith.constant 30 : i32
        %dma_start3A_1276 = arith.constant 0 : i32
        %dma_start3A_1277 = arith.constant 0 : i32
        %dma_start3A_1278 = tpu.memref_slice %arg6[%dma_start3A_1274, %dma_start3A_1275, %dma_start3A_1276, %dma_start3A_1277] : memref<2x50x16x64xf32, #tpu.memory_space<vmem>> -> memref<1x1x16x64xf32, #tpu.memory_space<vmem>>
        %dma_start3A_1279 = tpu.memref_squeeze %dma_start3A_1278 : memref<1x1x16x64xf32, #tpu.memory_space<vmem>> -> memref<16x64xf32, #tpu.memory_space<vmem>>
        %dma_start3A_1280 = arith.constant 0 : i32
        %dma_start3A_1281 = tpu.memref_slice %arg5[%dma_start3A_1272, %dma_start3A_1273, %dma_start3A_1280] : memref<2x50x16xi32, #tpu.memory_space<vmem>> -> memref<1x1x16xi32, #tpu.memory_space<vmem>>
        %dma_start3A_1282 = tpu.memref_squeeze %dma_start3A_1281 : memref<1x1x16xi32, #tpu.memory_space<vmem>> -> memref<16xi32, #tpu.memory_space<vmem>>
        %dma_start3A_1283 = arith.constant 0 : i32
        %dma_start3A_1284 = arith.constant 0 : i32
        %dma_start3A_1285 = tpu.memref_slice %arg2[%dma_start3A_1283, %dma_start3A_1284] : memref<100000x64xf32, #tpu.memory_space<hbm>> -> memref<100000x64xf32, #tpu.memory_space<hbm>>
        tpu.enqueue_indirect_dma source(%dma_start3A_1285 : memref<100000x64xf32, #tpu.memory_space<hbm>>) target(%dma_start3A_1279 : memref<16x64xf32, #tpu.memory_space<vmem>>) offsets(%dma_start3A_1282 : memref<16xi32, #tpu.memory_space<vmem>>) semaphore(%arg7 : memref<!tpu.dma_semaphore, #tpu.memory_space<semaphore_mem>>)
        %dma_start3A_1286 = arith.constant 0 : i32
        %dma_start3A_1287 = arith.constant 31 : i32
        %dma_start3A_1288 = arith.constant 0 : i32
        %dma_start3A_1289 = arith.constant 31 : i32
        %dma_start3A_1290 = arith.constant 0 : i32
        %dma_start3A_1291 = arith.constant 0 : i32
        %dma_start3A_1292 = tpu.memref_slice %arg6[%dma_start3A_1288, %dma_start3A_1289, %dma_start3A_1290, %dma_start3A_1291] : memref<2x50x16x64xf32, #tpu.memory_space<vmem>> -> memref<1x1x16x64xf32, #tpu.memory_space<vmem>>
        %dma_start3A_1293 = tpu.memref_squeeze %dma_start3A_1292 : memref<1x1x16x64xf32, #tpu.memory_space<vmem>> -> memref<16x64xf32, #tpu.memory_space<vmem>>
        %dma_start3A_1294 = arith.constant 0 : i32
        %dma_start3A_1295 = tpu.memref_slice %arg5[%dma_start3A_1286, %dma_start3A_1287, %dma_start3A_1294] : memref<2x50x16xi32, #tpu.memory_space<vmem>> -> memref<1x1x16xi32, #tpu.memory_space<vmem>>
        %dma_start3A_1296 = tpu.memref_squeeze %dma_start3A_1295 : memref<1x1x16xi32, #tpu.memory_space<vmem>> -> memref<16xi32, #tpu.memory_space<vmem>>
        %dma_start3A_1297 = arith.constant 0 : i32
        %dma_start3A_1298 = arith.constant 0 : i32
        %dma_start3A_1299 = tpu.memref_slice %arg2[%dma_start3A_1297, %dma_start3A_1298] : memref<100000x64xf32, #tpu.memory_space<hbm>> -> memref<100000x64xf32, #tpu.memory_space<hbm>>
        tpu.enqueue_indirect_dma source(%dma_start3A_1299 : memref<100000x64xf32, #tpu.memory_space<hbm>>) target(%dma_start3A_1293 : memref<16x64xf32, #tpu.memory_space<vmem>>) offsets(%dma_start3A_1296 : memref<16xi32, #tpu.memory_space<vmem>>) semaphore(%arg7 : memref<!tpu.dma_semaphore, #tpu.memory_space<semaphore_mem>>)
        %dma_start3A_1300 = arith.constant 0 : i32
        %dma_start3A_1301 = arith.constant 32 : i32
        %dma_start3A_1302 = arith.constant 0 : i32
        %dma_start3A_1303 = arith.constant 32 : i32
        %dma_start3A_1304 = arith.constant 0 : i32
        %dma_start3A_1305 = arith.constant 0 : i32
        %dma_start3A_1306 = tpu.memref_slice %arg6[%dma_start3A_1302, %dma_start3A_1303, %dma_start3A_1304, %dma_start3A_1305] : memref<2x50x16x64xf32, #tpu.memory_space<vmem>> -> memref<1x1x16x64xf32, #tpu.memory_space<vmem>>
        %dma_start3A_1307 = tpu.memref_squeeze %dma_start3A_1306 : memref<1x1x16x64xf32, #tpu.memory_space<vmem>> -> memref<16x64xf32, #tpu.memory_space<vmem>>
        %dma_start3A_1308 = arith.constant 0 : i32
        %dma_start3A_1309 = tpu.memref_slice %arg5[%dma_start3A_1300, %dma_start3A_1301, %dma_start3A_1308] : memref<2x50x16xi32, #tpu.memory_space<vmem>> -> memref<1x1x16xi32, #tpu.memory_space<vmem>>
        %dma_start3A_1310 = tpu.memref_squeeze %dma_start3A_1309 : memref<1x1x16xi32, #tpu.memory_space<vmem>> -> memref<16xi32, #tpu.memory_space<vmem>>
        %dma_start3A_1311 = arith.constant 0 : i32
        %dma_start3A_1312 = arith.constant 0 : i32
        %dma_start3A_1313 = tpu.memref_slice %arg2[%dma_start3A_1311, %dma_start3A_1312] : memref<100000x64xf32, #tpu.memory_space<hbm>> -> memref<100000x64xf32, #tpu.memory_space<hbm>>
        tpu.enqueue_indirect_dma source(%dma_start3A_1313 : memref<100000x64xf32, #tpu.memory_space<hbm>>) target(%dma_start3A_1307 : memref<16x64xf32, #tpu.memory_space<vmem>>) offsets(%dma_start3A_1310 : memref<16xi32, #tpu.memory_space<vmem>>) semaphore(%arg7 : memref<!tpu.dma_semaphore, #tpu.memory_space<semaphore_mem>>)
        %dma_start3A_1314 = arith.constant 0 : i32
        %dma_start3A_1315 = arith.constant 33 : i32
        %dma_start3A_1316 = arith.constant 0 : i32
        %dma_start3A_1317 = arith.constant 33 : i32
        %dma_start3A_1318 = arith.constant 0 : i32
        %dma_start3A_1319 = arith.constant 0 : i32
        %dma_start3A_1320 = tpu.memref_slice %arg6[%dma_start3A_1316, %dma_start3A_1317, %dma_start3A_1318, %dma_start3A_1319] : memref<2x50x16x64xf32, #tpu.memory_space<vmem>> -> memref<1x1x16x64xf32, #tpu.memory_space<vmem>>
        %dma_start3A_1321 = tpu.memref_squeeze %dma_start3A_1320 : memref<1x1x16x64xf32, #tpu.memory_space<vmem>> -> memref<16x64xf32, #tpu.memory_space<vmem>>
        %dma_start3A_1322 = arith.constant 0 : i32
        %dma_start3A_1323 = tpu.memref_slice %arg5[%dma_start3A_1314, %dma_start3A_1315, %dma_start3A_1322] : memref<2x50x16xi32, #tpu.memory_space<vmem>> -> memref<1x1x16xi32, #tpu.memory_space<vmem>>
        %dma_start3A_1324 = tpu.memref_squeeze %dma_start3A_1323 : memref<1x1x16xi32, #tpu.memory_space<vmem>> -> memref<16xi32, #tpu.memory_space<vmem>>
        %dma_start3A_1325 = arith.constant 0 : i32
        %dma_start3A_1326 = arith.constant 0 : i32
        %dma_start3A_1327 = tpu.memref_slice %arg2[%dma_start3A_1325, %dma_start3A_1326] : memref<100000x64xf32, #tpu.memory_space<hbm>> -> memref<100000x64xf32, #tpu.memory_space<hbm>>
        tpu.enqueue_indirect_dma source(%dma_start3A_1327 : memref<100000x64xf32, #tpu.memory_space<hbm>>) target(%dma_start3A_1321 : memref<16x64xf32, #tpu.memory_space<vmem>>) offsets(%dma_start3A_1324 : memref<16xi32, #tpu.memory_space<vmem>>) semaphore(%arg7 : memref<!tpu.dma_semaphore, #tpu.memory_space<semaphore_mem>>)
        %dma_start3A_1328 = arith.constant 0 : i32
        %dma_start3A_1329 = arith.constant 34 : i32
        %dma_start3A_1330 = arith.constant 0 : i32
        %dma_start3A_1331 = arith.constant 34 : i32
        %dma_start3A_1332 = arith.constant 0 : i32
        %dma_start3A_1333 = arith.constant 0 : i32
        %dma_start3A_1334 = tpu.memref_slice %arg6[%dma_start3A_1330, %dma_start3A_1331, %dma_start3A_1332, %dma_start3A_1333] : memref<2x50x16x64xf32, #tpu.memory_space<vmem>> -> memref<1x1x16x64xf32, #tpu.memory_space<vmem>>
        %dma_start3A_1335 = tpu.memref_squeeze %dma_start3A_1334 : memref<1x1x16x64xf32, #tpu.memory_space<vmem>> -> memref<16x64xf32, #tpu.memory_space<vmem>>
        %dma_start3A_1336 = arith.constant 0 : i32
        %dma_start3A_1337 = tpu.memref_slice %arg5[%dma_start3A_1328, %dma_start3A_1329, %dma_start3A_1336] : memref<2x50x16xi32, #tpu.memory_space<vmem>> -> memref<1x1x16xi32, #tpu.memory_space<vmem>>
        %dma_start3A_1338 = tpu.memref_squeeze %dma_start3A_1337 : memref<1x1x16xi32, #tpu.memory_space<vmem>> -> memref<16xi32, #tpu.memory_space<vmem>>
        %dma_start3A_1339 = arith.constant 0 : i32
        %dma_start3A_1340 = arith.constant 0 : i32
        %dma_start3A_1341 = tpu.memref_slice %arg2[%dma_start3A_1339, %dma_start3A_1340] : memref<100000x64xf32, #tpu.memory_space<hbm>> -> memref<100000x64xf32, #tpu.memory_space<hbm>>
        tpu.enqueue_indirect_dma source(%dma_start3A_1341 : memref<100000x64xf32, #tpu.memory_space<hbm>>) target(%dma_start3A_1335 : memref<16x64xf32, #tpu.memory_space<vmem>>) offsets(%dma_start3A_1338 : memref<16xi32, #tpu.memory_space<vmem>>) semaphore(%arg7 : memref<!tpu.dma_semaphore, #tpu.memory_space<semaphore_mem>>)
        %dma_start3A_1342 = arith.constant 0 : i32
        %dma_start3A_1343 = arith.constant 35 : i32
        %dma_start3A_1344 = arith.constant 0 : i32
        %dma_start3A_1345 = arith.constant 35 : i32
        %dma_start3A_1346 = arith.constant 0 : i32
        %dma_start3A_1347 = arith.constant 0 : i32
        %dma_start3A_1348 = tpu.memref_slice %arg6[%dma_start3A_1344, %dma_start3A_1345, %dma_start3A_1346, %dma_start3A_1347] : memref<2x50x16x64xf32, #tpu.memory_space<vmem>> -> memref<1x1x16x64xf32, #tpu.memory_space<vmem>>
        %dma_start3A_1349 = tpu.memref_squeeze %dma_start3A_1348 : memref<1x1x16x64xf32, #tpu.memory_space<vmem>> -> memref<16x64xf32, #tpu.memory_space<vmem>>
        %dma_start3A_1350 = arith.constant 0 : i32
        %dma_start3A_1351 = tpu.memref_slice %arg5[%dma_start3A_1342, %dma_start3A_1343, %dma_start3A_1350] : memref<2x50x16xi32, #tpu.memory_space<vmem>> -> memref<1x1x16xi32, #tpu.memory_space<vmem>>
        %dma_start3A_1352 = tpu.memref_squeeze %dma_start3A_1351 : memref<1x1x16xi32, #tpu.memory_space<vmem>> -> memref<16xi32, #tpu.memory_space<vmem>>
        %dma_start3A_1353 = arith.constant 0 : i32
        %dma_start3A_1354 = arith.constant 0 : i32
        %dma_start3A_1355 = tpu.memref_slice %arg2[%dma_start3A_1353, %dma_start3A_1354] : memref<100000x64xf32, #tpu.memory_space<hbm>> -> memref<100000x64xf32, #tpu.memory_space<hbm>>
        tpu.enqueue_indirect_dma source(%dma_start3A_1355 : memref<100000x64xf32, #tpu.memory_space<hbm>>) target(%dma_start3A_1349 : memref<16x64xf32, #tpu.memory_space<vmem>>) offsets(%dma_start3A_1352 : memref<16xi32, #tpu.memory_space<vmem>>) semaphore(%arg7 : memref<!tpu.dma_semaphore, #tpu.memory_space<semaphore_mem>>)
        %dma_start3A_1356 = arith.constant 0 : i32
        %dma_start3A_1357 = arith.constant 36 : i32
        %dma_start3A_1358 = arith.constant 0 : i32
        %dma_start3A_1359 = arith.constant 36 : i32
        %dma_start3A_1360 = arith.constant 0 : i32
        %dma_start3A_1361 = arith.constant 0 : i32
        %dma_start3A_1362 = tpu.memref_slice %arg6[%dma_start3A_1358, %dma_start3A_1359, %dma_start3A_1360, %dma_start3A_1361] : memref<2x50x16x64xf32, #tpu.memory_space<vmem>> -> memref<1x1x16x64xf32, #tpu.memory_space<vmem>>
        %dma_start3A_1363 = tpu.memref_squeeze %dma_start3A_1362 : memref<1x1x16x64xf32, #tpu.memory_space<vmem>> -> memref<16x64xf32, #tpu.memory_space<vmem>>
        %dma_start3A_1364 = arith.constant 0 : i32
        %dma_start3A_1365 = tpu.memref_slice %arg5[%dma_start3A_1356, %dma_start3A_1357, %dma_start3A_1364] : memref<2x50x16xi32, #tpu.memory_space<vmem>> -> memref<1x1x16xi32, #tpu.memory_space<vmem>>
        %dma_start3A_1366 = tpu.memref_squeeze %dma_start3A_1365 : memref<1x1x16xi32, #tpu.memory_space<vmem>> -> memref<16xi32, #tpu.memory_space<vmem>>
        %dma_start3A_1367 = arith.constant 0 : i32
        %dma_start3A_1368 = arith.constant 0 : i32
        %dma_start3A_1369 = tpu.memref_slice %arg2[%dma_start3A_1367, %dma_start3A_1368] : memref<100000x64xf32, #tpu.memory_space<hbm>> -> memref<100000x64xf32, #tpu.memory_space<hbm>>
        tpu.enqueue_indirect_dma source(%dma_start3A_1369 : memref<100000x64xf32, #tpu.memory_space<hbm>>) target(%dma_start3A_1363 : memref<16x64xf32, #tpu.memory_space<vmem>>) offsets(%dma_start3A_1366 : memref<16xi32, #tpu.memory_space<vmem>>) semaphore(%arg7 : memref<!tpu.dma_semaphore, #tpu.memory_space<semaphore_mem>>)
        %dma_start3A_1370 = arith.constant 0 : i32
        %dma_start3A_1371 = arith.constant 37 : i32
        %dma_start3A_1372 = arith.constant 0 : i32
        %dma_start3A_1373 = arith.constant 37 : i32
        %dma_start3A_1374 = arith.constant 0 : i32
        %dma_start3A_1375 = arith.constant 0 : i32
        %dma_start3A_1376 = tpu.memref_slice %arg6[%dma_start3A_1372, %dma_start3A_1373, %dma_start3A_1374, %dma_start3A_1375] : memref<2x50x16x64xf32, #tpu.memory_space<vmem>> -> memref<1x1x16x64xf32, #tpu.memory_space<vmem>>
        %dma_start3A_1377 = tpu.memref_squeeze %dma_start3A_1376 : memref<1x1x16x64xf32, #tpu.memory_space<vmem>> -> memref<16x64xf32, #tpu.memory_space<vmem>>
        %dma_start3A_1378 = arith.constant 0 : i32
        %dma_start3A_1379 = tpu.memref_slice %arg5[%dma_start3A_1370, %dma_start3A_1371, %dma_start3A_1378] : memref<2x50x16xi32, #tpu.memory_space<vmem>> -> memref<1x1x16xi32, #tpu.memory_space<vmem>>
        %dma_start3A_1380 = tpu.memref_squeeze %dma_start3A_1379 : memref<1x1x16xi32, #tpu.memory_space<vmem>> -> memref<16xi32, #tpu.memory_space<vmem>>
        %dma_start3A_1381 = arith.constant 0 : i32
        %dma_start3A_1382 = arith.constant 0 : i32
        %dma_start3A_1383 = tpu.memref_slice %arg2[%dma_start3A_1381, %dma_start3A_1382] : memref<100000x64xf32, #tpu.memory_space<hbm>> -> memref<100000x64xf32, #tpu.memory_space<hbm>>
        tpu.enqueue_indirect_dma source(%dma_start3A_1383 : memref<100000x64xf32, #tpu.memory_space<hbm>>) target(%dma_start3A_1377 : memref<16x64xf32, #tpu.memory_space<vmem>>) offsets(%dma_start3A_1380 : memref<16xi32, #tpu.memory_space<vmem>>) semaphore(%arg7 : memref<!tpu.dma_semaphore, #tpu.memory_space<semaphore_mem>>)
        %dma_start3A_1384 = arith.constant 0 : i32
        %dma_start3A_1385 = arith.constant 38 : i32
        %dma_start3A_1386 = arith.constant 0 : i32
        %dma_start3A_1387 = arith.constant 38 : i32
        %dma_start3A_1388 = arith.constant 0 : i32
        %dma_start3A_1389 = arith.constant 0 : i32
        %dma_start3A_1390 = tpu.memref_slice %arg6[%dma_start3A_1386, %dma_start3A_1387, %dma_start3A_1388, %dma_start3A_1389] : memref<2x50x16x64xf32, #tpu.memory_space<vmem>> -> memref<1x1x16x64xf32, #tpu.memory_space<vmem>>
        %dma_start3A_1391 = tpu.memref_squeeze %dma_start3A_1390 : memref<1x1x16x64xf32, #tpu.memory_space<vmem>> -> memref<16x64xf32, #tpu.memory_space<vmem>>
        %dma_start3A_1392 = arith.constant 0 : i32
        %dma_start3A_1393 = tpu.memref_slice %arg5[%dma_start3A_1384, %dma_start3A_1385, %dma_start3A_1392] : memref<2x50x16xi32, #tpu.memory_space<vmem>> -> memref<1x1x16xi32, #tpu.memory_space<vmem>>
        %dma_start3A_1394 = tpu.memref_squeeze %dma_start3A_1393 : memref<1x1x16xi32, #tpu.memory_space<vmem>> -> memref<16xi32, #tpu.memory_space<vmem>>
        %dma_start3A_1395 = arith.constant 0 : i32
        %dma_start3A_1396 = arith.constant 0 : i32
        %dma_start3A_1397 = tpu.memref_slice %arg2[%dma_start3A_1395, %dma_start3A_1396] : memref<100000x64xf32, #tpu.memory_space<hbm>> -> memref<100000x64xf32, #tpu.memory_space<hbm>>
        tpu.enqueue_indirect_dma source(%dma_start3A_1397 : memref<100000x64xf32, #tpu.memory_space<hbm>>) target(%dma_start3A_1391 : memref<16x64xf32, #tpu.memory_space<vmem>>) offsets(%dma_start3A_1394 : memref<16xi32, #tpu.memory_space<vmem>>) semaphore(%arg7 : memref<!tpu.dma_semaphore, #tpu.memory_space<semaphore_mem>>)
        %dma_start3A_1398 = arith.constant 0 : i32
        %dma_start3A_1399 = arith.constant 39 : i32
        %dma_start3A_1400 = arith.constant 0 : i32
        %dma_start3A_1401 = arith.constant 39 : i32
        %dma_start3A_1402 = arith.constant 0 : i32
        %dma_start3A_1403 = arith.constant 0 : i32
        %dma_start3A_1404 = tpu.memref_slice %arg6[%dma_start3A_1400, %dma_start3A_1401, %dma_start3A_1402, %dma_start3A_1403] : memref<2x50x16x64xf32, #tpu.memory_space<vmem>> -> memref<1x1x16x64xf32, #tpu.memory_space<vmem>>
        %dma_start3A_1405 = tpu.memref_squeeze %dma_start3A_1404 : memref<1x1x16x64xf32, #tpu.memory_space<vmem>> -> memref<16x64xf32, #tpu.memory_space<vmem>>
        %dma_start3A_1406 = arith.constant 0 : i32
        %dma_start3A_1407 = tpu.memref_slice %arg5[%dma_start3A_1398, %dma_start3A_1399, %dma_start3A_1406] : memref<2x50x16xi32, #tpu.memory_space<vmem>> -> memref<1x1x16xi32, #tpu.memory_space<vmem>>
        %dma_start3A_1408 = tpu.memref_squeeze %dma_start3A_1407 : memref<1x1x16xi32, #tpu.memory_space<vmem>> -> memref<16xi32, #tpu.memory_space<vmem>>
        %dma_start3A_1409 = arith.constant 0 : i32
        %dma_start3A_1410 = arith.constant 0 : i32
        %dma_start3A_1411 = tpu.memref_slice %arg2[%dma_start3A_1409, %dma_start3A_1410] : memref<100000x64xf32, #tpu.memory_space<hbm>> -> memref<100000x64xf32, #tpu.memory_space<hbm>>
        tpu.enqueue_indirect_dma source(%dma_start3A_1411 : memref<100000x64xf32, #tpu.memory_space<hbm>>) target(%dma_start3A_1405 : memref<16x64xf32, #tpu.memory_space<vmem>>) offsets(%dma_start3A_1408 : memref<16xi32, #tpu.memory_space<vmem>>) semaphore(%arg7 : memref<!tpu.dma_semaphore, #tpu.memory_space<semaphore_mem>>)
        %dma_start3A_1412 = arith.constant 0 : i32
        %dma_start3A_1413 = arith.constant 40 : i32
        %dma_start3A_1414 = arith.constant 0 : i32
        %dma_start3A_1415 = arith.constant 40 : i32
        %dma_start3A_1416 = arith.constant 0 : i32
        %dma_start3A_1417 = arith.constant 0 : i32
        %dma_start3A_1418 = tpu.memref_slice %arg6[%dma_start3A_1414, %dma_start3A_1415, %dma_start3A_1416, %dma_start3A_1417] : memref<2x50x16x64xf32, #tpu.memory_space<vmem>> -> memref<1x1x16x64xf32, #tpu.memory_space<vmem>>
        %dma_start3A_1419 = tpu.memref_squeeze %dma_start3A_1418 : memref<1x1x16x64xf32, #tpu.memory_space<vmem>> -> memref<16x64xf32, #tpu.memory_space<vmem>>
        %dma_start3A_1420 = arith.constant 0 : i32
        %dma_start3A_1421 = tpu.memref_slice %arg5[%dma_start3A_1412, %dma_start3A_1413, %dma_start3A_1420] : memref<2x50x16xi32, #tpu.memory_space<vmem>> -> memref<1x1x16xi32, #tpu.memory_space<vmem>>
        %dma_start3A_1422 = tpu.memref_squeeze %dma_start3A_1421 : memref<1x1x16xi32, #tpu.memory_space<vmem>> -> memref<16xi32, #tpu.memory_space<vmem>>
        %dma_start3A_1423 = arith.constant 0 : i32
        %dma_start3A_1424 = arith.constant 0 : i32
        %dma_start3A_1425 = tpu.memref_slice %arg2[%dma_start3A_1423, %dma_start3A_1424] : memref<100000x64xf32, #tpu.memory_space<hbm>> -> memref<100000x64xf32, #tpu.memory_space<hbm>>
        tpu.enqueue_indirect_dma source(%dma_start3A_1425 : memref<100000x64xf32, #tpu.memory_space<hbm>>) target(%dma_start3A_1419 : memref<16x64xf32, #tpu.memory_space<vmem>>) offsets(%dma_start3A_1422 : memref<16xi32, #tpu.memory_space<vmem>>) semaphore(%arg7 : memref<!tpu.dma_semaphore, #tpu.memory_space<semaphore_mem>>)
        %dma_start3A_1426 = arith.constant 0 : i32
        %dma_start3A_1427 = arith.constant 41 : i32
        %dma_start3A_1428 = arith.constant 0 : i32
        %dma_start3A_1429 = arith.constant 41 : i32
        %dma_start3A_1430 = arith.constant 0 : i32
        %dma_start3A_1431 = arith.constant 0 : i32
        %dma_start3A_1432 = tpu.memref_slice %arg6[%dma_start3A_1428, %dma_start3A_1429, %dma_start3A_1430, %dma_start3A_1431] : memref<2x50x16x64xf32, #tpu.memory_space<vmem>> -> memref<1x1x16x64xf32, #tpu.memory_space<vmem>>
        %dma_start3A_1433 = tpu.memref_squeeze %dma_start3A_1432 : memref<1x1x16x64xf32, #tpu.memory_space<vmem>> -> memref<16x64xf32, #tpu.memory_space<vmem>>
        %dma_start3A_1434 = arith.constant 0 : i32
        %dma_start3A_1435 = tpu.memref_slice %arg5[%dma_start3A_1426, %dma_start3A_1427, %dma_start3A_1434] : memref<2x50x16xi32, #tpu.memory_space<vmem>> -> memref<1x1x16xi32, #tpu.memory_space<vmem>>
        %dma_start3A_1436 = tpu.memref_squeeze %dma_start3A_1435 : memref<1x1x16xi32, #tpu.memory_space<vmem>> -> memref<16xi32, #tpu.memory_space<vmem>>
        %dma_start3A_1437 = arith.constant 0 : i32
        %dma_start3A_1438 = arith.constant 0 : i32
        %dma_start3A_1439 = tpu.memref_slice %arg2[%dma_start3A_1437, %dma_start3A_1438] : memref<100000x64xf32, #tpu.memory_space<hbm>> -> memref<100000x64xf32, #tpu.memory_space<hbm>>
        tpu.enqueue_indirect_dma source(%dma_start3A_1439 : memref<100000x64xf32, #tpu.memory_space<hbm>>) target(%dma_start3A_1433 : memref<16x64xf32, #tpu.memory_space<vmem>>) offsets(%dma_start3A_1436 : memref<16xi32, #tpu.memory_space<vmem>>) semaphore(%arg7 : memref<!tpu.dma_semaphore, #tpu.memory_space<semaphore_mem>>)
        %dma_start3A_1440 = arith.constant 0 : i32
        %dma_start3A_1441 = arith.constant 42 : i32
        %dma_start3A_1442 = arith.constant 0 : i32
        %dma_start3A_1443 = arith.constant 42 : i32
        %dma_start3A_1444 = arith.constant 0 : i32
        %dma_start3A_1445 = arith.constant 0 : i32
        %dma_start3A_1446 = tpu.memref_slice %arg6[%dma_start3A_1442, %dma_start3A_1443, %dma_start3A_1444, %dma_start3A_1445] : memref<2x50x16x64xf32, #tpu.memory_space<vmem>> -> memref<1x1x16x64xf32, #tpu.memory_space<vmem>>
        %dma_start3A_1447 = tpu.memref_squeeze %dma_start3A_1446 : memref<1x1x16x64xf32, #tpu.memory_space<vmem>> -> memref<16x64xf32, #tpu.memory_space<vmem>>
        %dma_start3A_1448 = arith.constant 0 : i32
        %dma_start3A_1449 = tpu.memref_slice %arg5[%dma_start3A_1440, %dma_start3A_1441, %dma_start3A_1448] : memref<2x50x16xi32, #tpu.memory_space<vmem>> -> memref<1x1x16xi32, #tpu.memory_space<vmem>>
        %dma_start3A_1450 = tpu.memref_squeeze %dma_start3A_1449 : memref<1x1x16xi32, #tpu.memory_space<vmem>> -> memref<16xi32, #tpu.memory_space<vmem>>
        %dma_start3A_1451 = arith.constant 0 : i32
        %dma_start3A_1452 = arith.constant 0 : i32
        %dma_start3A_1453 = tpu.memref_slice %arg2[%dma_start3A_1451, %dma_start3A_1452] : memref<100000x64xf32, #tpu.memory_space<hbm>> -> memref<100000x64xf32, #tpu.memory_space<hbm>>
        tpu.enqueue_indirect_dma source(%dma_start3A_1453 : memref<100000x64xf32, #tpu.memory_space<hbm>>) target(%dma_start3A_1447 : memref<16x64xf32, #tpu.memory_space<vmem>>) offsets(%dma_start3A_1450 : memref<16xi32, #tpu.memory_space<vmem>>) semaphore(%arg7 : memref<!tpu.dma_semaphore, #tpu.memory_space<semaphore_mem>>)
        %dma_start3A_1454 = arith.constant 0 : i32
        %dma_start3A_1455 = arith.constant 43 : i32
        %dma_start3A_1456 = arith.constant 0 : i32
        %dma_start3A_1457 = arith.constant 43 : i32
        %dma_start3A_1458 = arith.constant 0 : i32
        %dma_start3A_1459 = arith.constant 0 : i32
        %dma_start3A_1460 = tpu.memref_slice %arg6[%dma_start3A_1456, %dma_start3A_1457, %dma_start3A_1458, %dma_start3A_1459] : memref<2x50x16x64xf32, #tpu.memory_space<vmem>> -> memref<1x1x16x64xf32, #tpu.memory_space<vmem>>
        %dma_start3A_1461 = tpu.memref_squeeze %dma_start3A_1460 : memref<1x1x16x64xf32, #tpu.memory_space<vmem>> -> memref<16x64xf32, #tpu.memory_space<vmem>>
        %dma_start3A_1462 = arith.constant 0 : i32
        %dma_start3A_1463 = tpu.memref_slice %arg5[%dma_start3A_1454, %dma_start3A_1455, %dma_start3A_1462] : memref<2x50x16xi32, #tpu.memory_space<vmem>> -> memref<1x1x16xi32, #tpu.memory_space<vmem>>
        %dma_start3A_1464 = tpu.memref_squeeze %dma_start3A_1463 : memref<1x1x16xi32, #tpu.memory_space<vmem>> -> memref<16xi32, #tpu.memory_space<vmem>>
        %dma_start3A_1465 = arith.constant 0 : i32
        %dma_start3A_1466 = arith.constant 0 : i32
        %dma_start3A_1467 = tpu.memref_slice %arg2[%dma_start3A_1465, %dma_start3A_1466] : memref<100000x64xf32, #tpu.memory_space<hbm>> -> memref<100000x64xf32, #tpu.memory_space<hbm>>
        tpu.enqueue_indirect_dma source(%dma_start3A_1467 : memref<100000x64xf32, #tpu.memory_space<hbm>>) target(%dma_start3A_1461 : memref<16x64xf32, #tpu.memory_space<vmem>>) offsets(%dma_start3A_1464 : memref<16xi32, #tpu.memory_space<vmem>>) semaphore(%arg7 : memref<!tpu.dma_semaphore, #tpu.memory_space<semaphore_mem>>)
        %dma_start3A_1468 = arith.constant 0 : i32
        %dma_start3A_1469 = arith.constant 44 : i32
        %dma_start3A_1470 = arith.constant 0 : i32
        %dma_start3A_1471 = arith.constant 44 : i32
        %dma_start3A_1472 = arith.constant 0 : i32
        %dma_start3A_1473 = arith.constant 0 : i32
        %dma_start3A_1474 = tpu.memref_slice %arg6[%dma_start3A_1470, %dma_start3A_1471, %dma_start3A_1472, %dma_start3A_1473] : memref<2x50x16x64xf32, #tpu.memory_space<vmem>> -> memref<1x1x16x64xf32, #tpu.memory_space<vmem>>
        %dma_start3A_1475 = tpu.memref_squeeze %dma_start3A_1474 : memref<1x1x16x64xf32, #tpu.memory_space<vmem>> -> memref<16x64xf32, #tpu.memory_space<vmem>>
        %dma_start3A_1476 = arith.constant 0 : i32
        %dma_start3A_1477 = tpu.memref_slice %arg5[%dma_start3A_1468, %dma_start3A_1469, %dma_start3A_1476] : memref<2x50x16xi32, #tpu.memory_space<vmem>> -> memref<1x1x16xi32, #tpu.memory_space<vmem>>
        %dma_start3A_1478 = tpu.memref_squeeze %dma_start3A_1477 : memref<1x1x16xi32, #tpu.memory_space<vmem>> -> memref<16xi32, #tpu.memory_space<vmem>>
        %dma_start3A_1479 = arith.constant 0 : i32
        %dma_start3A_1480 = arith.constant 0 : i32
        %dma_start3A_1481 = tpu.memref_slice %arg2[%dma_start3A_1479, %dma_start3A_1480] : memref<100000x64xf32, #tpu.memory_space<hbm>> -> memref<100000x64xf32, #tpu.memory_space<hbm>>
        tpu.enqueue_indirect_dma source(%dma_start3A_1481 : memref<100000x64xf32, #tpu.memory_space<hbm>>) target(%dma_start3A_1475 : memref<16x64xf32, #tpu.memory_space<vmem>>) offsets(%dma_start3A_1478 : memref<16xi32, #tpu.memory_space<vmem>>) semaphore(%arg7 : memref<!tpu.dma_semaphore, #tpu.memory_space<semaphore_mem>>)
        %dma_start3A_1482 = arith.constant 0 : i32
        %dma_start3A_1483 = arith.constant 45 : i32
        %dma_start3A_1484 = arith.constant 0 : i32
        %dma_start3A_1485 = arith.constant 45 : i32
        %dma_start3A_1486 = arith.constant 0 : i32
        %dma_start3A_1487 = arith.constant 0 : i32
        %dma_start3A_1488 = tpu.memref_slice %arg6[%dma_start3A_1484, %dma_start3A_1485, %dma_start3A_1486, %dma_start3A_1487] : memref<2x50x16x64xf32, #tpu.memory_space<vmem>> -> memref<1x1x16x64xf32, #tpu.memory_space<vmem>>
        %dma_start3A_1489 = tpu.memref_squeeze %dma_start3A_1488 : memref<1x1x16x64xf32, #tpu.memory_space<vmem>> -> memref<16x64xf32, #tpu.memory_space<vmem>>
        %dma_start3A_1490 = arith.constant 0 : i32
        %dma_start3A_1491 = tpu.memref_slice %arg5[%dma_start3A_1482, %dma_start3A_1483, %dma_start3A_1490] : memref<2x50x16xi32, #tpu.memory_space<vmem>> -> memref<1x1x16xi32, #tpu.memory_space<vmem>>
        %dma_start3A_1492 = tpu.memref_squeeze %dma_start3A_1491 : memref<1x1x16xi32, #tpu.memory_space<vmem>> -> memref<16xi32, #tpu.memory_space<vmem>>
        %dma_start3A_1493 = arith.constant 0 : i32
        %dma_start3A_1494 = arith.constant 0 : i32
        %dma_start3A_1495 = tpu.memref_slice %arg2[%dma_start3A_1493, %dma_start3A_1494] : memref<100000x64xf32, #tpu.memory_space<hbm>> -> memref<100000x64xf32, #tpu.memory_space<hbm>>
        tpu.enqueue_indirect_dma source(%dma_start3A_1495 : memref<100000x64xf32, #tpu.memory_space<hbm>>) target(%dma_start3A_1489 : memref<16x64xf32, #tpu.memory_space<vmem>>) offsets(%dma_start3A_1492 : memref<16xi32, #tpu.memory_space<vmem>>) semaphore(%arg7 : memref<!tpu.dma_semaphore, #tpu.memory_space<semaphore_mem>>)
        %dma_start3A_1496 = arith.constant 0 : i32
        %dma_start3A_1497 = arith.constant 46 : i32
        %dma_start3A_1498 = arith.constant 0 : i32
        %dma_start3A_1499 = arith.constant 46 : i32
        %dma_start3A_1500 = arith.constant 0 : i32
        %dma_start3A_1501 = arith.constant 0 : i32
        %dma_start3A_1502 = tpu.memref_slice %arg6[%dma_start3A_1498, %dma_start3A_1499, %dma_start3A_1500, %dma_start3A_1501] : memref<2x50x16x64xf32, #tpu.memory_space<vmem>> -> memref<1x1x16x64xf32, #tpu.memory_space<vmem>>
        %dma_start3A_1503 = tpu.memref_squeeze %dma_start3A_1502 : memref<1x1x16x64xf32, #tpu.memory_space<vmem>> -> memref<16x64xf32, #tpu.memory_space<vmem>>
        %dma_start3A_1504 = arith.constant 0 : i32
        %dma_start3A_1505 = tpu.memref_slice %arg5[%dma_start3A_1496, %dma_start3A_1497, %dma_start3A_1504] : memref<2x50x16xi32, #tpu.memory_space<vmem>> -> memref<1x1x16xi32, #tpu.memory_space<vmem>>
        %dma_start3A_1506 = tpu.memref_squeeze %dma_start3A_1505 : memref<1x1x16xi32, #tpu.memory_space<vmem>> -> memref<16xi32, #tpu.memory_space<vmem>>
        %dma_start3A_1507 = arith.constant 0 : i32
        %dma_start3A_1508 = arith.constant 0 : i32
        %dma_start3A_1509 = tpu.memref_slice %arg2[%dma_start3A_1507, %dma_start3A_1508] : memref<100000x64xf32, #tpu.memory_space<hbm>> -> memref<100000x64xf32, #tpu.memory_space<hbm>>
        tpu.enqueue_indirect_dma source(%dma_start3A_1509 : memref<100000x64xf32, #tpu.memory_space<hbm>>) target(%dma_start3A_1503 : memref<16x64xf32, #tpu.memory_space<vmem>>) offsets(%dma_start3A_1506 : memref<16xi32, #tpu.memory_space<vmem>>) semaphore(%arg7 : memref<!tpu.dma_semaphore, #tpu.memory_space<semaphore_mem>>)
        %dma_start3A_1510 = arith.constant 0 : i32
        %dma_start3A_1511 = arith.constant 47 : i32
        %dma_start3A_1512 = arith.constant 0 : i32
        %dma_start3A_1513 = arith.constant 47 : i32
        %dma_start3A_1514 = arith.constant 0 : i32
        %dma_start3A_1515 = arith.constant 0 : i32
        %dma_start3A_1516 = tpu.memref_slice %arg6[%dma_start3A_1512, %dma_start3A_1513, %dma_start3A_1514, %dma_start3A_1515] : memref<2x50x16x64xf32, #tpu.memory_space<vmem>> -> memref<1x1x16x64xf32, #tpu.memory_space<vmem>>
        %dma_start3A_1517 = tpu.memref_squeeze %dma_start3A_1516 : memref<1x1x16x64xf32, #tpu.memory_space<vmem>> -> memref<16x64xf32, #tpu.memory_space<vmem>>
        %dma_start3A_1518 = arith.constant 0 : i32
        %dma_start3A_1519 = tpu.memref_slice %arg5[%dma_start3A_1510, %dma_start3A_1511, %dma_start3A_1518] : memref<2x50x16xi32, #tpu.memory_space<vmem>> -> memref<1x1x16xi32, #tpu.memory_space<vmem>>
        %dma_start3A_1520 = tpu.memref_squeeze %dma_start3A_1519 : memref<1x1x16xi32, #tpu.memory_space<vmem>> -> memref<16xi32, #tpu.memory_space<vmem>>
        %dma_start3A_1521 = arith.constant 0 : i32
        %dma_start3A_1522 = arith.constant 0 : i32
        %dma_start3A_1523 = tpu.memref_slice %arg2[%dma_start3A_1521, %dma_start3A_1522] : memref<100000x64xf32, #tpu.memory_space<hbm>> -> memref<100000x64xf32, #tpu.memory_space<hbm>>
        tpu.enqueue_indirect_dma source(%dma_start3A_1523 : memref<100000x64xf32, #tpu.memory_space<hbm>>) target(%dma_start3A_1517 : memref<16x64xf32, #tpu.memory_space<vmem>>) offsets(%dma_start3A_1520 : memref<16xi32, #tpu.memory_space<vmem>>) semaphore(%arg7 : memref<!tpu.dma_semaphore, #tpu.memory_space<semaphore_mem>>)
        %dma_start3A_1524 = arith.constant 0 : i32
        %dma_start3A_1525 = arith.constant 48 : i32
        %dma_start3A_1526 = arith.constant 0 : i32
        %dma_start3A_1527 = arith.constant 48 : i32
        %dma_start3A_1528 = arith.constant 0 : i32
        %dma_start3A_1529 = arith.constant 0 : i32
        %dma_start3A_1530 = tpu.memref_slice %arg6[%dma_start3A_1526, %dma_start3A_1527, %dma_start3A_1528, %dma_start3A_1529] : memref<2x50x16x64xf32, #tpu.memory_space<vmem>> -> memref<1x1x16x64xf32, #tpu.memory_space<vmem>>
        %dma_start3A_1531 = tpu.memref_squeeze %dma_start3A_1530 : memref<1x1x16x64xf32, #tpu.memory_space<vmem>> -> memref<16x64xf32, #tpu.memory_space<vmem>>
        %dma_start3A_1532 = arith.constant 0 : i32
        %dma_start3A_1533 = tpu.memref_slice %arg5[%dma_start3A_1524, %dma_start3A_1525, %dma_start3A_1532] : memref<2x50x16xi32, #tpu.memory_space<vmem>> -> memref<1x1x16xi32, #tpu.memory_space<vmem>>
        %dma_start3A_1534 = tpu.memref_squeeze %dma_start3A_1533 : memref<1x1x16xi32, #tpu.memory_space<vmem>> -> memref<16xi32, #tpu.memory_space<vmem>>
        %dma_start3A_1535 = arith.constant 0 : i32
        %dma_start3A_1536 = arith.constant 0 : i32
        %dma_start3A_1537 = tpu.memref_slice %arg2[%dma_start3A_1535, %dma_start3A_1536] : memref<100000x64xf32, #tpu.memory_space<hbm>> -> memref<100000x64xf32, #tpu.memory_space<hbm>>
        tpu.enqueue_indirect_dma source(%dma_start3A_1537 : memref<100000x64xf32, #tpu.memory_space<hbm>>) target(%dma_start3A_1531 : memref<16x64xf32, #tpu.memory_space<vmem>>) offsets(%dma_start3A_1534 : memref<16xi32, #tpu.memory_space<vmem>>) semaphore(%arg7 : memref<!tpu.dma_semaphore, #tpu.memory_space<semaphore_mem>>)
        %dma_start3A_1538 = arith.constant 0 : i32
        %dma_start3A_1539 = arith.constant 49 : i32
        %dma_start3A_1540 = arith.constant 0 : i32
        %dma_start3A_1541 = arith.constant 49 : i32
        %dma_start3A_1542 = arith.constant 0 : i32
        %dma_start3A_1543 = arith.constant 0 : i32
        %dma_start3A_1544 = tpu.memref_slice %arg6[%dma_start3A_1540, %dma_start3A_1541, %dma_start3A_1542, %dma_start3A_1543] : memref<2x50x16x64xf32, #tpu.memory_space<vmem>> -> memref<1x1x16x64xf32, #tpu.memory_space<vmem>>
        %dma_start3A_1545 = tpu.memref_squeeze %dma_start3A_1544 : memref<1x1x16x64xf32, #tpu.memory_space<vmem>> -> memref<16x64xf32, #tpu.memory_space<vmem>>
        %dma_start3A_1546 = arith.constant 0 : i32
        %dma_start3A_1547 = tpu.memref_slice %arg5[%dma_start3A_1538, %dma_start3A_1539, %dma_start3A_1546] : memref<2x50x16xi32, #tpu.memory_space<vmem>> -> memref<1x1x16xi32, #tpu.memory_space<vmem>>
        %dma_start3A_1548 = tpu.memref_squeeze %dma_start3A_1547 : memref<1x1x16xi32, #tpu.memory_space<vmem>> -> memref<16xi32, #tpu.memory_space<vmem>>
        %dma_start3A_1549 = arith.constant 0 : i32
        %dma_start3A_1550 = arith.constant 0 : i32
        %dma_start3A_1551 = tpu.memref_slice %arg2[%dma_start3A_1549, %dma_start3A_1550] : memref<100000x64xf32, #tpu.memory_space<hbm>> -> memref<100000x64xf32, #tpu.memory_space<hbm>>
        tpu.enqueue_indirect_dma source(%dma_start3A_1551 : memref<100000x64xf32, #tpu.memory_space<hbm>>) target(%dma_start3A_1545 : memref<16x64xf32, #tpu.memory_space<vmem>>) offsets(%dma_start3A_1548 : memref<16xi32, #tpu.memory_space<vmem>>) semaphore(%arg7 : memref<!tpu.dma_semaphore, #tpu.memory_space<semaphore_mem>>)
      } else {
      }
      %dma_wait3A_803 = arith.constant 1 : i32
      %dma_wait3A_804 = arith.constant 0 : i32
      %dma_wait3A_805 = arith.constant 0 : i32
      %dma_wait3A_806 = arith.constant 0 : i32
      %dma_wait3A_807 = tpu.memref_slice %arg6[%dma_wait3A_803, %dma_wait3A_804, %dma_wait3A_805, %dma_wait3A_806] : memref<2x50x16x64xf32, #tpu.memory_space<vmem>> -> memref<1x50x16x64xf32, #tpu.memory_space<vmem>>
      %dma_wait3A_808 = tpu.memref_squeeze %dma_wait3A_807 : memref<1x50x16x64xf32, #tpu.memory_space<vmem>> -> memref<50x16x64xf32, #tpu.memory_space<vmem>>
      %dma_wait3A_809 = arith.constant 0 : i32
      %dma_wait3A_810 = arith.constant 0 : i32
      %dma_wait3A_811 = arith.constant 0 : i32
      %dma_wait3A_812 = tpu.memref_slice %arg4[%dma_wait3A_809, %dma_wait3A_810, %dma_wait3A_811] : memref<50x16384x64xf32, #tpu.memory_space<hbm>> -> memref<50x16x64xf32, #tpu.memory_space<hbm>>
      %dma_wait3A_813 = arith.constant 0 : i32
      %dma_wait3A_814 = arith.constant 0 : i32
      %dma_wait3A_815 = arith.constant 0 : i32
      %dma_wait3A_816 = tpu.memref_slice %arg6[%dma_wait3A_803, %dma_wait3A_813, %dma_wait3A_814, %dma_wait3A_815] : memref<2x50x16x64xf32, #tpu.memory_space<vmem>> -> memref<1x50x16x64xf32, #tpu.memory_space<vmem>>
      %dma_wait3A_817 = tpu.memref_squeeze %dma_wait3A_816 : memref<1x50x16x64xf32, #tpu.memory_space<vmem>> -> memref<50x16x64xf32, #tpu.memory_space<vmem>>
      %dma_wait3A_818 = arith.constant 0 : i32
      %dma_wait3A_819 = arith.constant 0 : i32
      %dma_wait3A_820 = arith.constant 0 : i32
      %dma_wait3A_821 = tpu.memref_slice %arg4[%dma_wait3A_818, %dma_wait3A_819, %dma_wait3A_820] : memref<50x16384x64xf32, #tpu.memory_space<hbm>> -> memref<50x16x64xf32, #tpu.memory_space<hbm>>
      tpu.wait_dma2 semaphore(%arg8 : memref<!tpu.dma_semaphore, #tpu.memory_space<semaphore_mem>>) src(%dma_wait3A_821 : memref<50x16x64xf32, #tpu.memory_space<hbm>>) dst(%dma_wait3A_817 : memref<50x16x64xf32, #tpu.memory_space<vmem>>)
      %mul3A_822 = arith.constant 16 : i32
      %mul3A_823 = arith.muli %add3A_795, %mul3A_822 : i32
      %add3A_824 = arith.addi %mul3A_2, %mul3A_823 : i32
      %dma_start3A_825 = arith.constant 1 : i32
      %dma_start3A_826 = arith.constant 0 : i32
      %dma_start3A_827 = arith.constant 0 : i32
      %dma_start3A_828 = arith.constant 0 : i32
      %dma_start3A_829 = tpu.memref_slice %arg6[%dma_start3A_825, %dma_start3A_826, %dma_start3A_827, %dma_start3A_828] : memref<2x50x16x64xf32, #tpu.memory_space<vmem>> -> memref<1x50x16x64xf32, #tpu.memory_space<vmem>>
      %dma_start3A_830 = tpu.memref_squeeze %dma_start3A_829 : memref<1x50x16x64xf32, #tpu.memory_space<vmem>> -> memref<50x16x64xf32, #tpu.memory_space<vmem>>
      %dma_start3A_831 = arith.constant 0 : i32
      %dma_start3A_832 = arith.constant 0 : i32
      %dma_start3A_833 = tpu.memref_slice %arg4[%dma_start3A_831, %add3A_824, %dma_start3A_832] : memref<50x16384x64xf32, #tpu.memory_space<hbm>> -> memref<50x16x64xf32, #tpu.memory_space<hbm>>
      %dma_start3A_834 = arith.constant 0 : i32
      %dma_start3A_835 = arith.constant 0 : i32
      %dma_start3A_836 = tpu.memref_slice %arg4[%dma_start3A_834, %add3A_824, %dma_start3A_835] : memref<50x16384x64xf32, #tpu.memory_space<hbm>> -> memref<50x16x64xf32, #tpu.memory_space<hbm>>
      %dma_start3A_837 = arith.constant 0 : i32
      %dma_start3A_838 = arith.constant 0 : i32
      %dma_start3A_839 = arith.constant 0 : i32
      %dma_start3A_840 = tpu.memref_slice %arg6[%dma_start3A_825, %dma_start3A_837, %dma_start3A_838, %dma_start3A_839] : memref<2x50x16x64xf32, #tpu.memory_space<vmem>> -> memref<1x50x16x64xf32, #tpu.memory_space<vmem>>
      %dma_start3A_841 = tpu.memref_squeeze %dma_start3A_840 : memref<1x50x16x64xf32, #tpu.memory_space<vmem>> -> memref<50x16x64xf32, #tpu.memory_space<vmem>>
      tpu.enqueue_dma source(%dma_start3A_841 : memref<50x16x64xf32, #tpu.memory_space<vmem>>) target(%dma_start3A_836 : memref<50x16x64xf32, #tpu.memory_space<hbm>>) target_semaphore(%arg10 : memref<!tpu.dma_semaphore, #tpu.memory_space<semaphore_mem>>)
    }
    %scan3A_706 = arith.constant 16 : i32
    %dma_wait3A = arith.constant 0 : i32
    %dma_wait3A_707 = arith.constant 0 : i32
    %dma_wait3A_708 = arith.constant 0 : i32
    %dma_wait3A_709 = arith.constant 0 : i32
    %dma_wait3A_710 = tpu.memref_slice %arg6[%dma_wait3A, %dma_wait3A_707, %dma_wait3A_708, %dma_wait3A_709] : memref<2x50x16x64xf32, #tpu.memory_space<vmem>> -> memref<1x50x16x64xf32, #tpu.memory_space<vmem>>
    %dma_wait3A_711 = tpu.memref_squeeze %dma_wait3A_710 : memref<1x50x16x64xf32, #tpu.memory_space<vmem>> -> memref<50x16x64xf32, #tpu.memory_space<vmem>>
    %dma_wait3A_712 = arith.constant 0 : i32
    %dma_wait3A_713 = arith.constant 0 : i32
    %dma_wait3A_714 = arith.constant 0 : i32
    %dma_wait3A_715 = tpu.memref_slice %arg4[%dma_wait3A_712, %dma_wait3A_713, %dma_wait3A_714] : memref<50x16384x64xf32, #tpu.memory_space<hbm>> -> memref<50x16x64xf32, #tpu.memory_space<hbm>>
    %dma_wait3A_716 = arith.constant 0 : i32
    %dma_wait3A_717 = arith.constant 0 : i32
    %dma_wait3A_718 = arith.constant 0 : i32
    %dma_wait3A_719 = tpu.memref_slice %arg4[%dma_wait3A_716, %dma_wait3A_717, %dma_wait3A_718] : memref<50x16384x64xf32, #tpu.memory_space<hbm>> -> memref<50x16x64xf32, #tpu.memory_space<hbm>>
    %dma_wait3A_720 = arith.constant 0 : i32
    %dma_wait3A_721 = arith.constant 0 : i32
    %dma_wait3A_722 = arith.constant 0 : i32
    %dma_wait3A_723 = tpu.memref_slice %arg6[%dma_wait3A, %dma_wait3A_720, %dma_wait3A_721, %dma_wait3A_722] : memref<2x50x16x64xf32, #tpu.memory_space<vmem>> -> memref<1x50x16x64xf32, #tpu.memory_space<vmem>>
    %dma_wait3A_724 = tpu.memref_squeeze %dma_wait3A_723 : memref<1x50x16x64xf32, #tpu.memory_space<vmem>> -> memref<50x16x64xf32, #tpu.memory_space<vmem>>
    tpu.wait_dma2 semaphore(%arg9 : memref<!tpu.dma_semaphore, #tpu.memory_space<semaphore_mem>>) src(%dma_wait3A_724 : memref<50x16x64xf32, #tpu.memory_space<vmem>>) dst(%dma_wait3A_719 : memref<50x16x64xf32, #tpu.memory_space<hbm>>)
    %dma_wait3A_725 = arith.constant 1 : i32
    %dma_wait3A_726 = arith.constant 0 : i32
    %dma_wait3A_727 = arith.constant 0 : i32
    %dma_wait3A_728 = arith.constant 0 : i32
    %dma_wait3A_729 = tpu.memref_slice %arg6[%dma_wait3A_725, %dma_wait3A_726, %dma_wait3A_727, %dma_wait3A_728] : memref<2x50x16x64xf32, #tpu.memory_space<vmem>> -> memref<1x50x16x64xf32, #tpu.memory_space<vmem>>
    %dma_wait3A_730 = tpu.memref_squeeze %dma_wait3A_729 : memref<1x50x16x64xf32, #tpu.memory_space<vmem>> -> memref<50x16x64xf32, #tpu.memory_space<vmem>>
    %dma_wait3A_731 = arith.constant 0 : i32
    %dma_wait3A_732 = arith.constant 0 : i32
    %dma_wait3A_733 = arith.constant 0 : i32
    %dma_wait3A_734 = tpu.memref_slice %arg4[%dma_wait3A_731, %dma_wait3A_732, %dma_wait3A_733] : memref<50x16384x64xf32, #tpu.memory_space<hbm>> -> memref<50x16x64xf32, #tpu.memory_space<hbm>>
    %dma_wait3A_735 = arith.constant 0 : i32
    %dma_wait3A_736 = arith.constant 0 : i32
    %dma_wait3A_737 = arith.constant 0 : i32
    %dma_wait3A_738 = tpu.memref_slice %arg4[%dma_wait3A_735, %dma_wait3A_736, %dma_wait3A_737] : memref<50x16384x64xf32, #tpu.memory_space<hbm>> -> memref<50x16x64xf32, #tpu.memory_space<hbm>>
    %dma_wait3A_739 = arith.constant 0 : i32
    %dma_wait3A_740 = arith.constant 0 : i32
    %dma_wait3A_741 = arith.constant 0 : i32
    %dma_wait3A_742 = tpu.memref_slice %arg6[%dma_wait3A_725, %dma_wait3A_739, %dma_wait3A_740, %dma_wait3A_741] : memref<2x50x16x64xf32, #tpu.memory_space<vmem>> -> memref<1x50x16x64xf32, #tpu.memory_space<vmem>>
    %dma_wait3A_743 = tpu.memref_squeeze %dma_wait3A_742 : memref<1x50x16x64xf32, #tpu.memory_space<vmem>> -> memref<50x16x64xf32, #tpu.memory_space<vmem>>
    tpu.wait_dma2 semaphore(%arg10 : memref<!tpu.dma_semaphore, #tpu.memory_space<semaphore_mem>>) src(%dma_wait3A_743 : memref<50x16x64xf32, #tpu.memory_space<vmem>>) dst(%dma_wait3A_738 : memref<50x16x64xf32, #tpu.memory_space<hbm>>)
    return
  }
}

module attributes {stable_mosaic.version = 14 : i64} {
  func.func @_proj_body(%arg0: i32, %arg1: memref<4000x64xf32, #tpu.memory_space<vmem>>, %arg2: memref<64x64xf32, #tpu.memory_space<vmem>>, %arg3: memref<1x64xf32, #tpu.memory_space<vmem>>, %arg4: memref<4000x64xf32, #tpu.memory_space<vmem>>) attributes {dimension_semantics = [#tpu.dimension_semantics<arbitrary>], iteration_bounds = array<i64: 25>, scalar_prefetch = 0 : i64, scratch_operands = 0 : i64, tpu.core_type = #tpu.core_type<tc>, window_params = [{transform_indices = @transform_0, window_bounds = array<i64: 4000, 64>}, {pipeline_mode = #tpu.pipeline_mode<synchronous>, transform_indices = @transform_1, window_bounds = array<i64: 64, 64>}, {pipeline_mode = #tpu.pipeline_mode<synchronous>, transform_indices = @transform_2, window_bounds = array<i64: 1, 64>}, {transform_indices = @transform_3, window_bounds = array<i64: 4000, 64>}]} {
    %get3A = arith.constant 0 : index
    %get3A_0 = arith.constant 0 : index
    %get3A_1 = vector.load %arg1[%get3A, %get3A_0] : memref<4000x64xf32, #tpu.memory_space<vmem>>, vector<4000x64xf32>
    %get3A_2 = arith.constant 0 : index
    %get3A_3 = arith.constant 0 : index
    %get3A_4 = vector.load %arg2[%get3A_2, %get3A_3] : memref<64x64xf32, #tpu.memory_space<vmem>>, vector<64x64xf32>
    %dot_general3A = arith.constant dense<0.000000e+00> : vector<4000x64xf32>
    %dot_general3A_5 = tpu.matmul %get3A_1, %get3A_4, %dot_general3A {dimension_numbers = #tpu.dot_dimension_numbers<[1], [1], [0], [0], [0, 0, 1, 0], [], []>, transpose_lhs_hint = false} : vector<4000x64xf32>, vector<64x64xf32>, vector<4000x64xf32> -> vector<4000x64xf32>
    %get3A_6 = arith.constant 0 : index
    %get3A_7 = arith.constant 0 : index
    %get3A_8 = vector.load %arg3[%get3A_6, %get3A_7] : memref<1x64xf32, #tpu.memory_space<vmem>>, vector<1x64xf32>
    %add3A = vector.broadcast %get3A_8 : vector<1x64xf32> to vector<4000x64xf32>
    %add3A_9 = arith.addf %dot_general3A_5, %add3A : vector<4000x64xf32>
    %swap3A = arith.constant 0 : index
    %swap3A_10 = arith.constant 0 : index
    %swap3A_11 = vector.load %arg4[%swap3A, %swap3A_10] : memref<4000x64xf32, #tpu.memory_space<vmem>>, vector<4000x64xf32>
    tpu.vector_store %arg4[%swap3A, %swap3A_10], %add3A_9 {strides = array<i32>} : memref<4000x64xf32, #tpu.memory_space<vmem>>, vector<4000x64xf32>,
    return
  }
  func.func @transform_0(%arg0: i32) -> (i32, i32) {
    %c0_i32 = arith.constant 0 : i32
    %c0_i32_0 = arith.constant 0 : i32
    return %arg0, %c0_i32 : i32, i32
  }
  func.func @transform_1(%arg0: i32) -> (i32, i32) {
    %c0_i32 = arith.constant 0 : i32
    %c0_i32_0 = arith.constant 0 : i32
    %c0_i32_1 = arith.constant 0 : i32
    return %c0_i32, %c0_i32_0 : i32, i32
  }
  func.func @transform_2(%arg0: i32) -> (i32, i32) {
    %c0_i32 = arith.constant 0 : i32
    %c0_i32_0 = arith.constant 0 : i32
    %c0_i32_1 = arith.constant 0 : i32
    return %c0_i32, %c0_i32_0 : i32, i32
  }
  func.func @transform_3(%arg0: i32) -> (i32, i32) {
    %c0_i32 = arith.constant 0 : i32
    %c0_i32_0 = arith.constant 0 : i32
    return %arg0, %c0_i32 : i32, i32
  }
}

</mosaic_0001>

<sc_bundles>
// kernel: kernel.4.cloned.1.call-start
scs
__scs_entry_jumppad:
0x0: {  	(pc) =	sbr.rel $0x88, $3  }
0x1: {  	(tag) =	ssettag $0x0;
	lr =	simm.s32 $0x1  }
0x2: {  	[smem:$0x3F9D] =	sst lr;
	_ =	strace $0xD0000000  }
0x3: {  	_ = 	snop  }
0x4: {  	_ = 	snop  }
0x5: {  	_ = 	snop  }
0x6: {  	_ = 	snop  }
0x7: {  	_ = 	snop  }
__scs_overlays_trampoline_lowered:
0x8: {  	[smem:$0x3FAC] =	sst s0  }
0x9: {  	[smem:$0x3FAD] =	sst s1  }
0xa: {  	[smem:$0x3FAE] =	sst s2  }
0xb: {  	[smem:$0x3FAF] =	sst s3  }
0xc: {  	[smem:$0x3FB0] =	sst s4  }
0xd: {  	[smem:$0x3FB1] =	sst s5  }
0xe: {  	[smem:$0x3FB2] =	sst s6  }
0xf: {  	[smem:$0x3FB3] =	sst s7  }
0x10: {  	[smem:$0x3FB4] =	sst s8  }
0x11: {  	[smem:$0x3FB5] =	sst s9;
	s0 =	simm.s32 @!p0 $0x0  }
0x12: {  	s1 =	sld [smem:$0x3F9B];
	s0 =	simm.s32 @p0 $0x1  }
0x13: {  	[smem:$0x3FB6] =	sst s0;
	s0 =	simm.s32 @!p1 $0x0  }
0x14: {  	s2 =	sld [smem:$0x3F9A];
	s0 =	simm.s32 @p1 $0x1  }
0x15: {  	[smem:$0x3FB7] =	sst s0;
	s0 =	simm.s32 @!p2 $0x0  }
0x16: {  	s3 =	sld [smem:$0x3FDB];
	s0 =	simm.s32 @p2 $0x1  }
0x17: {  	s4 =	simm.s32 $0x1BF5;
	[smem:$0x3FB9] =	sst s0  }
0x18: {  	s0 =	sld [smem:$0x3F9C];
	_ =	swait.ge [sflag:s4], $0x0  }
0x19: {  	s7 =	sld [smem:$0x3F9D]  }
0x1a: {  	s8 =	sadd.s32 $0xFFFFE003, lr  }
0x1b: {  	s9 =	sadd.s32 $0xFFFFFEF7, lr;
	s5 =	simm.s32 $0xFFFFFFFF;
	p2 =	slt.u32 s8, $0xFFFFF086  }
0x1c: {  	p1 =	slt.u32 s9, $0xF7A;
	s5 =	simm.s32 @!p2 $0x0  }
0x1d: {  	s5 =	simm.s32 @p1 $0x1;
	p0 =	seq.s32 s7, s2  }
0x1e: {  	s7 =	smul.u32 @!p0 $0xF7A, s2;
	p2 =	seq.s32 @!p0 s5, $0x0  }
0x1f: {  	s9 =	smul.u32 $0xF7A, s1;
	s8 =	simm.s32 @!p0 $0x1BF5;
	p2 =	por !p2, p0  }
0x20: {  	[sflag:s8] =	ssyncset.s32 @!p0 $0xFFFFF086;
	s6 =	sadd.s32 @!p0 s3, s7;
	s7 =	simm.s32 @!p0 $0x108  }
0x21: {  	s3 =	sadd.s32 s3, s9;
	s6 =	sadd.s32 @!p0 $0x88, s6;
	s7 =	simm.s32 @p2 $0x1082  }
0x22: {  	[simem:s7], [sflag:s8] =	dma.local @!p0 [hbm:s6], $0xF7A  }
0x23: {  	s9 =	sor.u32 $0xD0000000, s2;
	s6 =	simm.s32 $0x108;
	_ =	swait.ge @!p0 [sflag:s8], $0x0  }
0x24: {  	s3 =	sadd.s32 $0x88, s3;
	s6 =	simm.s32 @!p1 $0x1082;
	[sflag:s4] =	ssyncset.s32 $0xFFFFF086  }
0x25: {  	[simem:s6], [sflag:s4] =	dma.local [hbm:s3], $0xF7A  }
0x26: {  	[smem:$0x3F9D] =	sst s1;
	(tag) =	ssettag s2;
	_ =	strace s9  }
0x27: {  	s1 =	sld [smem:$0x3FAD]  }
0x28: {  	s2 =	sld [smem:$0x3FAE]  }
0x29: {  	s4 =	sld [smem:$0x3FB0]  }
0x2a: {  	p0 =	seq.s32 s5, $0x0;
	s5 =	sld [smem:$0x3FB1]  }
0x2b: {  	s6 =	sld [smem:$0x3FB2]  }
0x2c: {  	s7 =	sld [smem:$0x3FB3]  }
0x2d: {  	s3 =	simm.s32 $0x108;
	s8 =	sld [smem:$0x3FB4]  }
0x2e: {  	s3 =	simm.s32 @!p0 $0x1082;
	s9 =	sld [smem:$0x3FB5]  }
0x2f: {  	lr =	sadd.s32 s0, s3;
	s0 =	sld [smem:$0x3FAC]  }
0x30: {  	s3 =	sld [smem:$0x3FAF]  }
0x31: {  	[smem:$0x3FB8] =	sst s10  }
0x32: {  	s10 =	sld [smem:$0x3FB6];
	_ =	sdelay $0x3  }
0x33: {  	p0 =	seq.s32 s10, $0x1;
	s10 =	sld [smem:$0x3FB8];
	_ =	sdelay $0x3  }
0x34: {  	[smem:$0x3FB8] =	sst s10  }
0x35: {  	s10 =	sld [smem:$0x3FB7];
	_ =	sdelay $0x3  }
0x36: {  	p1 =	seq.s32 s10, $0x1;
	s10 =	sld [smem:$0x3FB8];
	_ =	sdelay $0x3  }
0x37: {  	[smem:$0x3FB8] =	sst s10  }
0x38: {  	s10 =	sld [smem:$0x3FB9]  }
0x39: {  	_ = 	snop;
	(pc) =	sbr.ind lr, $3  }
0x3a: {  	_ = 	snop  }
0x3b: {  	_ = 	snop  }
0x3c: {  	p2 =	seq.s32 s10, $0x1;
	s10 =	sld [smem:$0x3FB8]  }
0x3d: {  	_ =	shalt  }
0x3e: {  	_ =	shalt  }
0x3f: {  	_ =	shalt  }
0x40: {  	_ =	shalt  }
0x41: {  	_ =	shalt  }
0x42: {  	_ =	shalt  }
0x43: {  	_ =	shalt  }
0x44: {  	_ =	shalt  }
0x45: {  	_ =	shalt  }
0x46: {  	_ =	shalt  }
0x47: {  	_ =	shalt  }
0x48: {  	_ =	shalt  }
0x49: {  	_ =	shalt  }
0x4a: {  	_ =	shalt  }
0x4b: {  	_ =	shalt  }
0x4c: {  	_ =	shalt  }
0x4d: {  	_ =	shalt  }
0x4e: {  	_ =	shalt  }
0x4f: {  	_ =	shalt  }
0x50: {  	_ =	shalt  }
0x51: {  	_ =	shalt  }
0x52: {  	_ =	shalt  }
0x53: {  	_ =	shalt  }
0x54: {  	_ =	shalt  }
0x55: {  	_ =	shalt  }
0x56: {  	_ =	shalt  }
0x57: {  	_ =	shalt  }
0x58: {  	_ =	shalt  }
0x59: {  	_ =	shalt  }
0x5a: {  	_ =	shalt  }
0x5b: {  	_ =	shalt  }
0x5c: {  	_ =	shalt  }
0x5d: {  	_ =	shalt  }
0x5e: {  	_ =	shalt  }
0x5f: {  	_ =	shalt  }
0x60: {  	_ =	shalt  }
0x61: {  	_ =	shalt  }
0x62: {  	_ =	shalt  }
0x63: {  	_ =	shalt  }
0x64: {  	_ =	shalt  }
0x65: {  	_ =	shalt  }
0x66: {  	_ =	shalt  }
0x67: {  	_ =	shalt  }
0x68: {  	_ =	shalt  }
0x69: {  	_ =	shalt  }
0x6a: {  	_ =	shalt  }
0x6b: {  	_ =	shalt  }
0x6c: {  	_ =	shalt  }
0x6d: {  	_ =	shalt  }
0x6e: {  	_ =	shalt  }
0x6f: {  	_ =	shalt  }
0x70: {  	_ =	shalt  }
0x71: {  	_ =	shalt  }
0x72: {  	_ =	shalt  }
0x73: {  	_ =	shalt  }
0x74: {  	_ =	shalt  }
0x75: {  	_ =	shalt  }
0x76: {  	_ =	shalt  }
0x77: {  	_ =	shalt  }
0x78: {  	_ =	shalt  }
0x79: {  	_ =	shalt  }
0x7a: {  	_ =	shalt  }
0x7b: {  	_ =	shalt  }
0x7c: {  	_ =	shalt  }
0x7d: {  	_ =	shalt  }
0x7e: {  	_ =	shalt  }
0x7f: {  	_ =	shalt  }
0x80: {  	_ =	shalt  }
0x81: {  	_ =	shalt  }
0x82: {  	_ =	shalt  }
0x83: {  	_ =	shalt  }
0x84: {  	_ =	shalt  }
0x85: {  	_ =	shalt  }
0x86: {  	_ =	shalt  }
0x87: {  	_ =	shalt  }
.Lfunc_end0:
.L_simem_size_0:
called_computation.1_lowered:
.L_overlay_start_0:
0x88: {  	s2 =	sld [smem:$0x3FD9]  }
0x89: {  	s3 =	sld [smem:$0x3FFE];
	_ =	sdelay $0x1  }
0x8a: {  	s1 =	srdreg.scid  }
0x8b: {  	s0 =	sand.u32 $0x1, s1  }
0x8c: {  	s17 =	sshll.u32 s0, $0xA;
	s2 =	sadd.s32 s3, s2  }
0x8d: {  	s2 =	sadd.s32 s2, s17  }
0x8e: {  	[smem:$0x3FC4] =	sst s2  }
0x8f: {  	_ = 	snop  }
0x90: {  	s2 =	sld [smem:$0x3FD0];
	(tm) =	ssettm $0x1  }
0x91: {  	s18 =	sld [smem:$0x3FFB];
	_ =	sdelay $0x3  }
0x92: {  	_ =	strace s18  }
0x93: {  	s3 =	sld [smem:$0x3FFC];
	_ =	sdelay $0x3  }
0x94: {  	_ =	strace s3  }
0x95: {  	s3 =	sld [smem:$0x3FFD];
	_ =	sdelay $0x3  }
0x96: {  	_ =	strace s3  }
0x97: {  	_ =	strace $0x8FFFFFFF  }
0x98: {  	s19 =	sld [smem:$0x3FDB];
	_ =	sdelay $0x1  }
0x99: {  	s4 =	simm.s32 $_scs_section_size  }
0x9a: {  	s5 =	simm.s32 $_size__tile_overlayer_lowered;
	s6 =	simm.s32 $_tile_overlayer_lowered  }
0x9b: {  	s22 =	simm.s32 $0x1BFF;
	s21 =	sshll.u32 s6, $0x1;
	s3 =	sadd.s32 s4, s19  }
0x9c: {  	s7 =	simm.s32 $0x0;
	s20 =	sshll.u32 s5, $0x1;
	s5 =	sadd.s32 s21, s3  }
0x9d: {  	[timem:s7], [sflag:s22] =	dma.local [hbm:s5], s20  }
0x9e: {  	_ =	swait.ge [sflag:s22], s20  }
0x9f: {  	s4 =	ssub.s32 $0x0, s20;
	[sflag:s22] =	ssyncset.done $0x0  }
0xa0: {  	[sflag:s22] =	ssyncadd.s32 s4;
	_ =	sdelay $0x1  }
0xa1: {  	s23 =	simm.s32 $0x1B8B  }
0xa2: {  	_ =	swait.ge [sflag:s23], $0x1  }
0xa3: {  	[sflag:s23] =	ssyncset.done $0x0  }
0xa4: {  	s25 =	simm.s32 $0x1B8E;
	s24 =	sld [smem:$0x3FFE];
	[sflag:s23] =	ssyncadd.s32 $0xFFFFFFFF  }
0xa5: {  	s26 =	simm.s32 $execute0_lowered;
	[smem:$0x3FD2] =	sst s25  }
0xa6: {  	s5 =	sshll.u32 s26, $0x1;
	_ =	strace $0x80000046;
	[dreg:$0x1] =	wrdreg $0xFFFFFFFF  }
0xa7: {  	s28 =	simm.s32 $_size_execute0_lowered;
	s3 =	sadd.s32 s3, s5;
	[dreg:$0x0] =	wrdreg $0x0  }
0xa8: {  	s5 =	sshll.u32 s28, $0x1;
	[dreg:$0x2] =	wrdreg s3  }
0xa9: {  	[dreg:$0x3] =	wrdreg s5  }
0xaa: {  	[dreg:$0x4] =	wrdreg $0xC0  }
0xab: {  	_ =	task [dreg:s7], $0x5FFFF  }
0xac: {  	[dreg:$0x1] =	wrdreg $0xFFFFFFFF  }
0xad: {  	[dreg:$0x0] =	wrdreg $0x60  }
0xae: {  	[dreg:$0x2] =	wrdreg s24  }
0xaf: {  	[dreg:$0x3] =	wrdreg s2  }
0xb0: {  	[dreg:$0x4] =	wrdreg $0x9  }
0xb1: {  	_ =	task.clear_ibuf [dreg:s7], $0x5FFFF;
	_ =	strace $0x90000046  }
0xb2: {  	s29 =	simm.s32 $0x9;
	_ =	strace $0x80000048  }
0xb3: {  	_ =	swait.ge [sflag:s29], $0x1  }
0xb4: {  	[sflag:s29] =	ssyncadd.s32 $0xFFFFFFFF  }
0xb5: {  	_ =	strace $0x90000048  }
0xb6: {  	_ =	sfence  }
0xb7: {  	s30 =	sld [smem:$0x0];
	_ =	sdelay $0x2  }
0xb8: {  	s31 =	sshll.u32 s1, $0xD;
	s1 =	sshrl.u32 s1, $0x2  }
0xb9: {  	s3 =	sand.u32 $0x4000, s31;
	s1 =	sadd.s32 s1, s30  }
0xba: {  	s0 =	sor.u32 s3, s0;
	s1 =	sshll.u32 s1, $0x11  }
0xbb: {  	s0 =	sor.u32 s1, s0  }
0xbc: {  	s0 =	sadd.s32 $0x8F2B, s0  }
0xbd: {  	[sflag:s0] =	ssyncadd.remote.s32 $0x1  }
0xbe: {  	_ =	sfence.sel $0xFFFF  }
0xbf: {  	[dreg:$0x0] =	wrdreg $0xFFFFFFFF;
	(pc) =	sbr.abs _section_cstart, $3  }
0xc0: {  	[dreg:$0x1] =	wrdreg $0xFFFFFFFF  }
0xc1: {  	_ =	task.clear_ibuf [dreg:s7], $0x2FFFF;
	_ =	strace $0x9FFFFFFF  }
0xc2: {  	(tm) =	ssettm $0x7FFFFFFF  }
0xc3: {  	_ =	shalt  }
tec
execute0_lowered:
.L_overlay_start_1:
0x0: {  	(tag) =	ssettag $0x1  }
0x1: {  	s0 =	rddreg [dreg:$0x0]  }
0x2: {  	s1 =	rddreg [dreg:$0x1];
	s2 =	simm.s32 $0x0  }
0x3: {  	s25 =	srdreg.scid;
	s8 =	stileid.u32;
	s9 =	simm.s32 $0x10  }
0x4: {  	s11 =	simm.s32 $0x5;
	s18 =	simm.s32 $0x320;
	s19 =	simm.s32 $0xCE40  }
0x5: {  	s23 =	simm.s32 $0x400;
	s13 =	simm.s32 $0x17A40;
	s14 =	simm.s32 $0x5E0  }
0x6: {  	s15 =	simm.s32 $0x17E40;
	s16 =	simm.s32 $0x5F0;
	s17 =	simm.s32 $0x18240  }
0x7: {  	s20 =	simm.s32 $0x610;
	s21 =	simm.s32 $0x18A40;
	s22 =	simm.s32 $0x620  }
0x8: {  	s24 =	simm.s32 $0x18E40;
	s10 =	simm.s32 $0x630;
	s12 =	simm.s32 $0x1  }
0x9: {  	s28 =	simm.s32 $0x2;
	s29 =	simm.s32 $0x3;
	s30 =	simm.s32 $0x0  }
0xa: {  	[smem:$0x7FF] =	sst s2;
	s2 =	sand.u32 $0x1, s25;
	s5 =	sshll.u32 s8, $0xA  }
0xb: {  	s3 =	sadd.s32 $0x1A0600, s0;
	s0 =	sadd.s32 $0xC00, s0;
	s31 =	sshll.u32 s8, $0xD  }
0xc: {  	s25 =	simm.s32 $0x19240;
	_ =	strace $0x80000047;
	s4 =	ssub.s32 $0x2, s2  }
0xd: {  	s6 =	sshll.u32 s2, $0x9;
	s1 =	sadd.s32 s31, s1;
	s2 =	sshll.u32 s2, $0xC  }
0xe: {  	s7 =	sshrl.u32 s4, $0x1;
	s5 =	sor.u32 s6, s5;
	s1 =	sadd.s32 s2, s1  }
0xf: {  	s2 =	simm.s32 $0x18640;
	s4 =	ssub.s32 s4, s7;
	s6 =	sshrl.u32 s5, $0x3  }
0x10: {  	s26 =	sor.u32 $0x20, s5;
	s5 =	sor.u32 $0x10, s5;
	[dreg:$0x6] =	wrdreg s1  }
.Ltmp0:
0x11: {  	s7 =	simm.s32 $0x5D0;
	s6 =	sadd.s32 s0, s6;
	(pc) =	sbr.rel .LBB2_1-.Ltmp0, $4  }
0x12: {  	s4 =	smax.u32 s4, $0x1;
	s5 =	sshrl.u32 s5, $0x3;
	[dreg:$0x3] =	wrdreg s6  }
0x13: {  	[dreg:$0x4] =	wrdreg s4;
	s4 =	sshrl.u32 s26, $0x3;
	s8 =	sadd.s32 s5, s0  }
0x14: {  	s5 =	simm.s32 $0x17640;
	s6 =	simm.s32 $0x600;
	s4 =	sadd.s32 s4, s0  }
0x15: {  	s26 =	simm.s32 $0x100000;
	[dreg:$0x5] =	wrdreg s4;
	s4 =	simm.s32 $0x640  }
.LBB2_5:
0x16: {  	_ =	swait.ge [sflag:s29], $0xC800  }
0x17: {  	[sflag:s29] =	ssyncset.done $0x0  }
0x18: {  	s1 =	simm.s32 $0x4;
	[sflag:s29] =	ssyncadd.s32 $0xFFFF3800  }
0x19: {  	_ =	swait.ge [sflag:s1], $0xC800  }
0x1a: {  	s30 =	rddreg [dreg:$0x7]  }
0x1b: {  	s0 =	rddreg [dreg:$0x4];
	s30 =	sadd.s32 $0x1, s30  }
0x1c: {  	p0 =	sne.s32 s30, s0  }
.Ltmp1:
0x1d: {  	_ = 	snop;
	(pc) =	sbr.rel @!p0 .LBB2_6-.Ltmp1, $3  }
0x1e: {  	_ =	sdelay $0x1  }
0x1f: {  	[sflag:s1] =	ssyncset.done $0x0  }
0x20: {  	[sflag:s1] =	ssyncadd.s32 $0xFFFF3800  }
.LBB2_1:
0x21: {  	[dreg:$0x7] =	wrdreg s30  }
0x22: {  	s0 =	simm.s32 $0x0;
	s1 =	rddreg [dreg:$0x3];
	s30 =	simm.s32 $0x4000  }
0x23: {  	[tilespmem:s0], [sflag:$0x5] =	stream.strided.gather [hbm4b:s1+s9], $0x320, s30, s9, $0x38;
	[tilespmem:$0x19640] =	vst v63  }
0x24: {  	_ =	swait.ge [sflag:s11], $0x320  }
0x25: {  	[sflag:s11] =	ssyncset.done $0x0  }
0x26: {  	[sflag:s11] =	ssyncadd.s32 $0xFFFFFCE0  }
0x27: {  	[tilespmem:s4], [sflag:$0x1] =	stream.indirect.gather [hbm4b:s3+s9], $0x40, s0, s9, $0xb8;
	[tilespmem:$0x19640] =	vst v63  }
0x28: {  	s1 =	simm.s32 $0xA40  }
0x29: {  	[tilespmem:s1], [sflag:$0x1] =	stream.indirect.gather [hbm4b:s3+s9], $0x40, s9, s9, $0xb8;
	[tilespmem:$0x19640] =	vst v63  }
0x2a: {  	s0 =	simm.s32 $0x20;
	s1 =	simm.s32 $0xE40  }
0x2b: {  	[tilespmem:s1], [sflag:$0x1] =	stream.indirect.gather [hbm4b:s3+s9], $0x40, s0, s9, $0xb8;
	[tilespmem:$0x19640] =	vst v63  }
0x2c: {  	s0 =	simm.s32 $0x30;
	s1 =	simm.s32 $0x1240  }
0x2d: {  	[tilespmem:s1], [sflag:$0x1] =	stream.indirect.gather [hbm4b:s3+s9], $0x40, s0, s9, $0xb8;
	[tilespmem:$0x19640] =	vst v63  }
0x2e: {  	s0 =	simm.s32 $0x40;
	s1 =	simm.s32 $0x1640  }
0x2f: {  	[tilespmem:s1], [sflag:$0x1] =	stream.indirect.gather [hbm4b:s3+s9], $0x40, s0, s9, $0xb8;
	[tilespmem:$0x19640] =	vst v63  }
0x30: {  	s0 =	simm.s32 $0x50;
	s1 =	simm.s32 $0x1A40  }
0x31: {  	[tilespmem:s1], [sflag:$0x1] =	stream.indirect.gather [hbm4b:s3+s9], $0x40, s0, s9, $0xb8;
	[tilespmem:$0x19640] =	vst v63  }
0x32: {  	s0 =	simm.s32 $0x60;
	s1 =	simm.s32 $0x1E40  }
0x33: {  	[tilespmem:s1], [sflag:$0x1] =	stream.indirect.gather [hbm4b:s3+s9], $0x40, s0, s9, $0xb8;
	[tilespmem:$0x19640] =	vst v63  }
0x34: {  	s0 =	simm.s32 $0x70;
	s1 =	simm.s32 $0x2240  }
0x35: {  	[tilespmem:s1], [sflag:$0x1] =	stream.indirect.gather [hbm4b:s3+s9], $0x40, s0, s9, $0xb8;
	[tilespmem:$0x19640] =	vst v63  }
0x36: {  	s0 =	simm.s32 $0x80;
	s1 =	simm.s32 $0x2640  }
0x37: {  	[tilespmem:s1], [sflag:$0x1] =	stream.indirect.gather [hbm4b:s3+s9], $0x40, s0, s9, $0xb8;
	[tilespmem:$0x19640] =	vst v63  }
0x38: {  	s0 =	simm.s32 $0x90;
	s1 =	simm.s32 $0x2A40  }
0x39: {  	[tilespmem:s1], [sflag:$0x1] =	stream.indirect.gather [hbm4b:s3+s9], $0x40, s0, s9, $0xb8;
	[tilespmem:$0x19640] =	vst v63  }
0x3a: {  	s0 =	simm.s32 $0xA0;
	s1 =	simm.s32 $0x2E40  }
0x3b: {  	[tilespmem:s1], [sflag:$0x1] =	stream.indirect.gather [hbm4b:s3+s9], $0x40, s0, s9, $0xb8;
	[tilespmem:$0x19640] =	vst v63  }
0x3c: {  	s0 =	simm.s32 $0xB0;
	s1 =	simm.s32 $0x3240  }
0x3d: {  	[tilespmem:s1], [sflag:$0x1] =	stream.indirect.gather [hbm4b:s3+s9], $0x40, s0, s9, $0xb8;
	[tilespmem:$0x19640] =	vst v63  }
0x3e: {  	s0 =	simm.s32 $0xC0;
	s1 =	simm.s32 $0x3640  }
0x3f: {  	[tilespmem:s1], [sflag:$0x1] =	stream.indirect.gather [hbm4b:s3+s9], $0x40, s0, s9, $0xb8;
	[tilespmem:$0x19640] =	vst v63  }
0x40: {  	s0 =	simm.s32 $0xD0;
	s1 =	simm.s32 $0x3A40  }
0x41: {  	[tilespmem:s1], [sflag:$0x1] =	stream.indirect.gather [hbm4b:s3+s9], $0x40, s0, s9, $0xb8;
	[tilespmem:$0x19640] =	vst v63  }
0x42: {  	s0 =	simm.s32 $0xE0;
	s1 =	simm.s32 $0x3E40  }
0x43: {  	[tilespmem:s1], [sflag:$0x1] =	stream.indirect.gather [hbm4b:s3+s9], $0x40, s0, s9, $0xb8;
	[tilespmem:$0x19640] =	vst v63  }
0x44: {  	s0 =	simm.s32 $0xF0;
	s1 =	simm.s32 $0x4240  }
0x45: {  	[tilespmem:s1], [sflag:$0x1] =	stream.indirect.gather [hbm4b:s3+s9], $0x40, s0, s9, $0xb8;
	[tilespmem:$0x19640] =	vst v63  }
0x46: {  	s0 =	simm.s32 $0x100;
	s1 =	simm.s32 $0x4640  }
0x47: {  	[tilespmem:s1], [sflag:$0x1] =	stream.indirect.gather [hbm4b:s3+s9], $0x40, s0, s9, $0xb8;
	[tilespmem:$0x19640] =	vst v63  }
0x48: {  	s0 =	simm.s32 $0x110;
	s1 =	simm.s32 $0x4A40  }
0x49: {  	[tilespmem:s1], [sflag:$0x1] =	stream.indirect.gather [hbm4b:s3+s9], $0x40, s0, s9, $0xb8;
	[tilespmem:$0x19640] =	vst v63  }
0x4a: {  	s0 =	simm.s32 $0x120;
	s1 =	simm.s32 $0x4E40  }
0x4b: {  	[tilespmem:s1], [sflag:$0x1] =	stream.indirect.gather [hbm4b:s3+s9], $0x40, s0, s9, $0xb8;
	[tilespmem:$0x19640] =	vst v63  }
0x4c: {  	s0 =	simm.s32 $0x130;
	s1 =	simm.s32 $0x5240  }
0x4d: {  	[tilespmem:s1], [sflag:$0x1] =	stream.indirect.gather [hbm4b:s3+s9], $0x40, s0, s9, $0xb8;
	[tilespmem:$0x19640] =	vst v63  }
0x4e: {  	s0 =	simm.s32 $0x140;
	s1 =	simm.s32 $0x5640  }
0x4f: {  	[tilespmem:s1], [sflag:$0x1] =	stream.indirect.gather [hbm4b:s3+s9], $0x40, s0, s9, $0xb8;
	[tilespmem:$0x19640] =	vst v63  }
0x50: {  	s0 =	simm.s32 $0x150;
	s1 =	simm.s32 $0x5A40  }
0x51: {  	[tilespmem:s1], [sflag:$0x1] =	stream.indirect.gather [hbm4b:s3+s9], $0x40, s0, s9, $0xb8;
	[tilespmem:$0x19640] =	vst v63  }
0x52: {  	s0 =	simm.s32 $0x160;
	s1 =	simm.s32 $0x5E40  }
0x53: {  	[tilespmem:s1], [sflag:$0x1] =	stream.indirect.gather [hbm4b:s3+s9], $0x40, s0, s9, $0xb8;
	[tilespmem:$0x19640] =	vst v63  }
0x54: {  	s0 =	simm.s32 $0x170;
	s1 =	simm.s32 $0x6240  }
0x55: {  	[tilespmem:s1], [sflag:$0x1] =	stream.indirect.gather [hbm4b:s3+s9], $0x40, s0, s9, $0xb8;
	[tilespmem:$0x19640] =	vst v63  }
0x56: {  	s0 =	simm.s32 $0x180;
	s1 =	simm.s32 $0x6640  }
0x57: {  	[tilespmem:s1], [sflag:$0x1] =	stream.indirect.gather [hbm4b:s3+s9], $0x40, s0, s9, $0xb8;
	[tilespmem:$0x19640] =	vst v63  }
0x58: {  	s0 =	simm.s32 $0x190;
	s1 =	simm.s32 $0x6A40  }
0x59: {  	[tilespmem:s1], [sflag:$0x1] =	stream.indirect.gather [hbm4b:s3+s9], $0x40, s0, s9, $0xb8;
	[tilespmem:$0x19640] =	vst v63  }
0x5a: {  	s0 =	simm.s32 $0x1A0;
	s1 =	simm.s32 $0x6E40  }
0x5b: {  	[tilespmem:s1], [sflag:$0x1] =	stream.indirect.gather [hbm4b:s3+s9], $0x40, s0, s9, $0xb8;
	[tilespmem:$0x19640] =	vst v63  }
0x5c: {  	s0 =	simm.s32 $0x1B0;
	s1 =	simm.s32 $0x7240  }
0x5d: {  	[tilespmem:s1], [sflag:$0x1] =	stream.indirect.gather [hbm4b:s3+s9], $0x40, s0, s9, $0xb8;
	[tilespmem:$0x19640] =	vst v63  }
0x5e: {  	s0 =	simm.s32 $0x1C0;
	s1 =	simm.s32 $0x7640  }
0x5f: {  	[tilespmem:s1], [sflag:$0x1] =	stream.indirect.gather [hbm4b:s3+s9], $0x40, s0, s9, $0xb8;
	[tilespmem:$0x19640] =	vst v63  }
0x60: {  	s0 =	simm.s32 $0x1D0;
	s1 =	simm.s32 $0x7A40  }
0x61: {  	[tilespmem:s1], [sflag:$0x1] =	stream.indirect.gather [hbm4b:s3+s9], $0x40, s0, s9, $0xb8;
	[tilespmem:$0x19640] =	vst v63  }
0x62: {  	s0 =	simm.s32 $0x1E0;
	s1 =	simm.s32 $0x7E40  }
0x63: {  	[tilespmem:s1], [sflag:$0x1] =	stream.indirect.gather [hbm4b:s3+s9], $0x40, s0, s9, $0xb8;
	[tilespmem:$0x19640] =	vst v63  }
0x64: {  	s0 =	simm.s32 $0x1F0;
	s1 =	simm.s32 $0x8240  }
0x65: {  	[tilespmem:s1], [sflag:$0x1] =	stream.indirect.gather [hbm4b:s3+s9], $0x40, s0, s9, $0xb8;
	[tilespmem:$0x19640] =	vst v63  }
0x66: {  	s0 =	simm.s32 $0x200;
	s1 =	simm.s32 $0x8640  }
0x67: {  	[tilespmem:s1], [sflag:$0x1] =	stream.indirect.gather [hbm4b:s3+s9], $0x40, s0, s9, $0xb8;
	[tilespmem:$0x19640] =	vst v63  }
0x68: {  	s0 =	simm.s32 $0x210;
	s1 =	simm.s32 $0x8A40  }
0x69: {  	[tilespmem:s1], [sflag:$0x1] =	stream.indirect.gather [hbm4b:s3+s9], $0x40, s0, s9, $0xb8;
	[tilespmem:$0x19640] =	vst v63  }
0x6a: {  	s0 =	simm.s32 $0x220;
	s1 =	simm.s32 $0x8E40  }
0x6b: {  	[tilespmem:s1], [sflag:$0x1] =	stream.indirect.gather [hbm4b:s3+s9], $0x40, s0, s9, $0xb8;
	[tilespmem:$0x19640] =	vst v63  }
0x6c: {  	s0 =	simm.s32 $0x230;
	s1 =	simm.s32 $0x9240  }
0x6d: {  	[tilespmem:s1], [sflag:$0x1] =	stream.indirect.gather [hbm4b:s3+s9], $0x40, s0, s9, $0xb8;
	[tilespmem:$0x19640] =	vst v63  }
0x6e: {  	s0 =	simm.s32 $0x240;
	s1 =	simm.s32 $0x9640  }
0x6f: {  	[tilespmem:s1], [sflag:$0x1] =	stream.indirect.gather [hbm4b:s3+s9], $0x40, s0, s9, $0xb8;
	[tilespmem:$0x19640] =	vst v63  }
0x70: {  	s0 =	simm.s32 $0x250;
	s1 =	simm.s32 $0x9A40  }
0x71: {  	[tilespmem:s1], [sflag:$0x1] =	stream.indirect.gather [hbm4b:s3+s9], $0x40, s0, s9, $0xb8;
	[tilespmem:$0x19640] =	vst v63  }
0x72: {  	s0 =	simm.s32 $0x260;
	s1 =	simm.s32 $0x9E40  }
0x73: {  	[tilespmem:s1], [sflag:$0x1] =	stream.indirect.gather [hbm4b:s3+s9], $0x40, s0, s9, $0xb8;
	[tilespmem:$0x19640] =	vst v63  }
0x74: {  	s0 =	simm.s32 $0x270;
	s1 =	simm.s32 $0xA240  }
0x75: {  	[tilespmem:s1], [sflag:$0x1] =	stream.indirect.gather [hbm4b:s3+s9], $0x40, s0, s9, $0xb8;
	[tilespmem:$0x19640] =	vst v63  }
0x76: {  	s0 =	simm.s32 $0x280;
	s1 =	simm.s32 $0xA640  }
0x77: {  	[tilespmem:s1], [sflag:$0x1] =	stream.indirect.gather [hbm4b:s3+s9], $0x40, s0, s9, $0xb8;
	[tilespmem:$0x19640] =	vst v63  }
0x78: {  	s0 =	simm.s32 $0x290;
	s1 =	simm.s32 $0xAA40  }
0x79: {  	[tilespmem:s1], [sflag:$0x1] =	stream.indirect.gather [hbm4b:s3+s9], $0x40, s0, s9, $0xb8;
	[tilespmem:$0x19640] =	vst v63  }
0x7a: {  	s0 =	simm.s32 $0x2A0;
	s1 =	simm.s32 $0xAE40  }
0x7b: {  	[tilespmem:s1], [sflag:$0x1] =	stream.indirect.gather [hbm4b:s3+s9], $0x40, s0, s9, $0xb8;
	[tilespmem:$0x19640] =	vst v63  }
0x7c: {  	s0 =	simm.s32 $0x2B0;
	s1 =	simm.s32 $0xB240  }
0x7d: {  	[tilespmem:s1], [sflag:$0x1] =	stream.indirect.gather [hbm4b:s3+s9], $0x40, s0, s9, $0xb8;
	[tilespmem:$0x19640] =	vst v63  }
0x7e: {  	s0 =	simm.s32 $0x2C0;
	s1 =	simm.s32 $0xB640  }
0x7f: {  	[tilespmem:s1], [sflag:$0x1] =	stream.indirect.gather [hbm4b:s3+s9], $0x40, s0, s9, $0xb8;
	[tilespmem:$0x19640] =	vst v63  }
0x80: {  	s0 =	simm.s32 $0x2D0;
	s1 =	simm.s32 $0xBA40  }
0x81: {  	[tilespmem:s1], [sflag:$0x1] =	stream.indirect.gather [hbm4b:s3+s9], $0x40, s0, s9, $0xb8;
	[tilespmem:$0x19640] =	vst v63  }
0x82: {  	s0 =	simm.s32 $0x2E0;
	s1 =	simm.s32 $0xBE40  }
0x83: {  	[tilespmem:s1], [sflag:$0x1] =	stream.indirect.gather [hbm4b:s3+s9], $0x40, s0, s9, $0xb8;
	[tilespmem:$0x19640] =	vst v63  }
0x84: {  	s0 =	simm.s32 $0x2F0;
	s1 =	simm.s32 $0xC240  }
0x85: {  	[tilespmem:s1], [sflag:$0x1] =	stream.indirect.gather [hbm4b:s3+s9], $0x40, s0, s9, $0xb8;
	[tilespmem:$0x19640] =	vst v63  }
.Ltmp2:
0x86: {  	_ = 	snop;
	(pc) =	sbr.rel .LBB2_2-.Ltmp2, $4  }
0x87: {  	s31 =	simm.s32 $0x0;
	s0 =	simm.s32 $0x300;
	s1 =	simm.s32 $0xC640  }
0x88: {  	[tilespmem:s1], [sflag:$0x1] =	stream.indirect.gather [hbm4b:s3+s9], $0x40, s0, s9, $0xb8;
	[tilespmem:$0x19640] =	vst v63  }
0x89: {  	s30 =	rddreg [dreg:$0x6];
	s0 =	simm.s32 $0x310;
	s1 =	simm.s32 $0xCA40  }
0x8a: {  	[tilespmem:s1], [sflag:$0x1] =	stream.indirect.gather [hbm4b:s3+s9], $0x40, s0, s9, $0xb8;
	[tilespmem:$0x19640] =	vst v63  }
.LBB2_4:
0x8b: {  	s31 =	sadd.s32 $0x4, s31  }
0x8c: {  	p0 =	sne.s32 s31, $0x40  }
.Ltmp3:
0x8d: {  	_ = 	snop;
	(pc) =	sbr.rel @!p0 .LBB2_5-.Ltmp3, $4  }
0x8e: {  	_ =	swait.ge [sflag:s28], $0xC800  }
0x8f: {  	[sflag:s28] =	ssyncset.done $0x0  }
0x90: {  	s0 =	sadd.s32 $0x80, s30;
	s30 =	sadd.s32 $0x100, s30;
	[sflag:s28] =	ssyncadd.s32 $0xFFFF3800  }
0x91: {  	[hbm4b:s0+s23] =	stream.strided.scatter [tilespmem:s19], [sflag:$0x4], $0xC800, s26, s23, $0x38;
	[tilespmem:$0x19640] =	vst v63  }
.LBB2_2:
0x92: {  	p0 =	seq.s32 s31, $0x0  }
0x93: {  	s0 =	simm.s32 @!p0 $0x4  }
0x94: {  	_ =	swait.ge @!p0 [sflag:s0], $0xC800  }
0x95: {  	[sflag:s0] =	ssyncset.done @!p0 $0x0  }
0x96: {  	s1 =	simm.s32 $0x4000;
	[sflag:s0] =	ssyncadd.s32 @!p0 $0xFFFF3800;
	s0 =	sadd.s32 s31, s8  }
0x97: {  	[tilespmem:s18], [sflag:$0x5] =	stream.strided.gather [hbm4b:s0+s9], $0x320, s1, s9, $0x38;
	[tilespmem:$0x19640] =	vst v63  }
0x98: {  	_ =	swait.ge [sflag:s11], $0x320  }
0x99: {  	[sflag:s11] =	ssyncset.done $0x0  }
0x9a: {  	[sflag:s11] =	ssyncadd.s32 $0xFFFFFCE0  }
0x9b: {  	[tilespmem:s19], [sflag:$0x2] =	stream.indirect.gather [hbm4b:s3+s9], $0x40, s18, s9, $0xb8;
	[tilespmem:$0x19640] =	vst v63  }
0x9c: {  	s0 =	simm.s32 $0x330;
	s1 =	simm.s32 $0xD240  }
0x9d: {  	[tilespmem:s1], [sflag:$0x2] =	stream.indirect.gather [hbm4b:s3+s9], $0x40, s0, s9, $0xb8;
	[tilespmem:$0x19640] =	vst v63  }
0x9e: {  	s0 =	simm.s32 $0x340;
	s1 =	simm.s32 $0xD640  }
0x9f: {  	[tilespmem:s1], [sflag:$0x2] =	stream.indirect.gather [hbm4b:s3+s9], $0x40, s0, s9, $0xb8;
	[tilespmem:$0x19640] =	vst v63  }
0xa0: {  	s0 =	simm.s32 $0x350;
	s1 =	simm.s32 $0xDA40  }
0xa1: {  	[tilespmem:s1], [sflag:$0x2] =	stream.indirect.gather [hbm4b:s3+s9], $0x40, s0, s9, $0xb8;
	[tilespmem:$0x19640] =	vst v63  }
0xa2: {  	s0 =	simm.s32 $0x360;
	s1 =	simm.s32 $0xDE40  }
0xa3: {  	[tilespmem:s1], [sflag:$0x2] =	stream.indirect.gather [hbm4b:s3+s9], $0x40, s0, s9, $0xb8;
	[tilespmem:$0x19640] =	vst v63  }
0xa4: {  	s0 =	simm.s32 $0x370;
	s1 =	simm.s32 $0xE240  }
0xa5: {  	[tilespmem:s1], [sflag:$0x2] =	stream.indirect.gather [hbm4b:s3+s9], $0x40, s0, s9, $0xb8;
	[tilespmem:$0x19640] =	vst v63  }
0xa6: {  	s0 =	simm.s32 $0x380;
	s1 =	simm.s32 $0xE640  }
0xa7: {  	[tilespmem:s1], [sflag:$0x2] =	stream.indirect.gather [hbm4b:s3+s9], $0x40, s0, s9, $0xb8;
	[tilespmem:$0x19640] =	vst v63  }
0xa8: {  	s0 =	simm.s32 $0x390;
	s1 =	simm.s32 $0xEA40  }
0xa9: {  	[tilespmem:s1], [sflag:$0x2] =	stream.indirect.gather [hbm4b:s3+s9], $0x40, s0, s9, $0xb8;
	[tilespmem:$0x19640] =	vst v63  }
0xaa: {  	s0 =	simm.s32 $0x3A0;
	s1 =	simm.s32 $0xEE40  }
0xab: {  	[tilespmem:s1], [sflag:$0x2] =	stream.indirect.gather [hbm4b:s3+s9], $0x40, s0, s9, $0xb8;
	[tilespmem:$0x19640] =	vst v63  }
0xac: {  	s0 =	simm.s32 $0x3B0;
	s1 =	simm.s32 $0xF240  }
0xad: {  	[tilespmem:s1], [sflag:$0x2] =	stream.indirect.gather [hbm4b:s3+s9], $0x40, s0, s9, $0xb8;
	[tilespmem:$0x19640] =	vst v63  }
0xae: {  	s0 =	simm.s32 $0x3C0;
	s1 =	simm.s32 $0xF640  }
0xaf: {  	[tilespmem:s1], [sflag:$0x2] =	stream.indirect.gather [hbm4b:s3+s9], $0x40, s0, s9, $0xb8;
	[tilespmem:$0x19640] =	vst v63  }
0xb0: {  	s0 =	simm.s32 $0x3D0;
	s1 =	simm.s32 $0xFA40  }
0xb1: {  	[tilespmem:s1], [sflag:$0x2] =	stream.indirect.gather [hbm4b:s3+s9], $0x40, s0, s9, $0xb8;
	[tilespmem:$0x19640] =	vst v63  }
0xb2: {  	s0 =	simm.s32 $0x3E0;
	s1 =	simm.s32 $0xFE40  }
0xb3: {  	[tilespmem:s1], [sflag:$0x2] =	stream.indirect.gather [hbm4b:s3+s9], $0x40, s0, s9, $0xb8;
	[tilespmem:$0x19640] =	vst v63  }
0xb4: {  	s0 =	simm.s32 $0x3F0;
	s1 =	simm.s32 $0x10240  }
0xb5: {  	[tilespmem:s1], [sflag:$0x2] =	stream.indirect.gather [hbm4b:s3+s9], $0x40, s0, s9, $0xb8;
	[tilespmem:$0x19640] =	vst v63  }
0xb6: {  	s1 =	simm.s32 $0x10640  }
0xb7: {  	[tilespmem:s1], [sflag:$0x2] =	stream.indirect.gather [hbm4b:s3+s9], $0x40, s23, s9, $0xb8;
	[tilespmem:$0x19640] =	vst v63  }
0xb8: {  	s0 =	simm.s32 $0x410;
	s1 =	simm.s32 $0x10A40  }
0xb9: {  	[tilespmem:s1], [sflag:$0x2] =	stream.indirect.gather [hbm4b:s3+s9], $0x40, s0, s9, $0xb8;
	[tilespmem:$0x19640] =	vst v63  }
0xba: {  	s0 =	simm.s32 $0x420;
	s1 =	simm.s32 $0x10E40  }
0xbb: {  	[tilespmem:s1], [sflag:$0x2] =	stream.indirect.gather [hbm4b:s3+s9], $0x40, s0, s9, $0xb8;
	[tilespmem:$0x19640] =	vst v63  }
0xbc: {  	s0 =	simm.s32 $0x430;
	s1 =	simm.s32 $0x11240  }
0xbd: {  	[tilespmem:s1], [sflag:$0x2] =	stream.indirect.gather [hbm4b:s3+s9], $0x40, s0, s9, $0xb8;
	[tilespmem:$0x19640] =	vst v63  }
0xbe: {  	s0 =	simm.s32 $0x440;
	s1 =	simm.s32 $0x11640  }
0xbf: {  	[tilespmem:s1], [sflag:$0x2] =	stream.indirect.gather [hbm4b:s3+s9], $0x40, s0, s9, $0xb8;
	[tilespmem:$0x19640] =	vst v63  }
0xc0: {  	s0 =	simm.s32 $0x450;
	s1 =	simm.s32 $0x11A40  }
0xc1: {  	[tilespmem:s1], [sflag:$0x2] =	stream.indirect.gather [hbm4b:s3+s9], $0x40, s0, s9, $0xb8;
	[tilespmem:$0x19640] =	vst v63  }
0xc2: {  	s0 =	simm.s32 $0x460;
	s1 =	simm.s32 $0x11E40  }
0xc3: {  	[tilespmem:s1], [sflag:$0x2] =	stream.indirect.gather [hbm4b:s3+s9], $0x40, s0, s9, $0xb8;
	[tilespmem:$0x19640] =	vst v63  }
0xc4: {  	s0 =	simm.s32 $0x470;
	s1 =	simm.s32 $0x12240  }
0xc5: {  	[tilespmem:s1], [sflag:$0x2] =	stream.indirect.gather [hbm4b:s3+s9], $0x40, s0, s9, $0xb8;
	[tilespmem:$0x19640] =	vst v63  }
0xc6: {  	s0 =	simm.s32 $0x480;
	s1 =	simm.s32 $0x12640  }
0xc7: {  	[tilespmem:s1], [sflag:$0x2] =	stream.indirect.gather [hbm4b:s3+s9], $0x40, s0, s9, $0xb8;
	[tilespmem:$0x19640] =	vst v63  }
0xc8: {  	s0 =	simm.s32 $0x490;
	s1 =	simm.s32 $0x12A40  }
0xc9: {  	[tilespmem:s1], [sflag:$0x2] =	stream.indirect.gather [hbm4b:s3+s9], $0x40, s0, s9, $0xb8;
	[tilespmem:$0x19640] =	vst v63  }
0xca: {  	s0 =	simm.s32 $0x4A0;
	s1 =	simm.s32 $0x12E40  }
0xcb: {  	[tilespmem:s1], [sflag:$0x2] =	stream.indirect.gather [hbm4b:s3+s9], $0x40, s0, s9, $0xb8;
	[tilespmem:$0x19640] =	vst v63  }
0xcc: {  	s0 =	simm.s32 $0x4B0;
	s1 =	simm.s32 $0x13240  }
0xcd: {  	[tilespmem:s1], [sflag:$0x2] =	stream.indirect.gather [hbm4b:s3+s9], $0x40, s0, s9, $0xb8;
	[tilespmem:$0x19640] =	vst v63  }
0xce: {  	s0 =	simm.s32 $0x4C0;
	s1 =	simm.s32 $0x13640  }
0xcf: {  	[tilespmem:s1], [sflag:$0x2] =	stream.indirect.gather [hbm4b:s3+s9], $0x40, s0, s9, $0xb8;
	[tilespmem:$0x19640] =	vst v63  }
0xd0: {  	s0 =	simm.s32 $0x4D0;
	s1 =	simm.s32 $0x13A40  }
0xd1: {  	[tilespmem:s1], [sflag:$0x2] =	stream.indirect.gather [hbm4b:s3+s9], $0x40, s0, s9, $0xb8;
	[tilespmem:$0x19640] =	vst v63  }
0xd2: {  	s0 =	simm.s32 $0x4E0;
	s1 =	simm.s32 $0x13E40  }
0xd3: {  	[tilespmem:s1], [sflag:$0x2] =	stream.indirect.gather [hbm4b:s3+s9], $0x40, s0, s9, $0xb8;
	[tilespmem:$0x19640] =	vst v63  }
0xd4: {  	s0 =	simm.s32 $0x4F0;
	s1 =	simm.s32 $0x14240  }
0xd5: {  	[tilespmem:s1], [sflag:$0x2] =	stream.indirect.gather [hbm4b:s3+s9], $0x40, s0, s9, $0xb8;
	[tilespmem:$0x19640] =	vst v63  }
0xd6: {  	s0 =	simm.s32 $0x500;
	s1 =	simm.s32 $0x14640  }
0xd7: {  	[tilespmem:s1], [sflag:$0x2] =	stream.indirect.gather [hbm4b:s3+s9], $0x40, s0, s9, $0xb8;
	[tilespmem:$0x19640] =	vst v63  }
0xd8: {  	s0 =	simm.s32 $0x510;
	s1 =	simm.s32 $0x14A40  }
0xd9: {  	[tilespmem:s1], [sflag:$0x2] =	stream.indirect.gather [hbm4b:s3+s9], $0x40, s0, s9, $0xb8;
	[tilespmem:$0x19640] =	vst v63  }
0xda: {  	s0 =	simm.s32 $0x520;
	s1 =	simm.s32 $0x14E40  }
0xdb: {  	[tilespmem:s1], [sflag:$0x2] =	stream.indirect.gather [hbm4b:s3+s9], $0x40, s0, s9, $0xb8;
	[tilespmem:$0x19640] =	vst v63  }
0xdc: {  	s0 =	simm.s32 $0x530;
	s1 =	simm.s32 $0x15240  }
0xdd: {  	[tilespmem:s1], [sflag:$0x2] =	stream.indirect.gather [hbm4b:s3+s9], $0x40, s0, s9, $0xb8;
	[tilespmem:$0x19640] =	vst v63  }
0xde: {  	s0 =	simm.s32 $0x540;
	s1 =	simm.s32 $0x15640  }
0xdf: {  	[tilespmem:s1], [sflag:$0x2] =	stream.indirect.gather [hbm4b:s3+s9], $0x40, s0, s9, $0xb8;
	[tilespmem:$0x19640] =	vst v63  }
0xe0: {  	s0 =	simm.s32 $0x550;
	s1 =	simm.s32 $0x15A40  }
0xe1: {  	[tilespmem:s1], [sflag:$0x2] =	stream.indirect.gather [hbm4b:s3+s9], $0x40, s0, s9, $0xb8;
	[tilespmem:$0x19640] =	vst v63  }
0xe2: {  	s0 =	simm.s32 $0x560;
	s1 =	simm.s32 $0x15E40  }
0xe3: {  	[tilespmem:s1], [sflag:$0x2] =	stream.indirect.gather [hbm4b:s3+s9], $0x40, s0, s9, $0xb8;
	[tilespmem:$0x19640] =	vst v63  }
0xe4: {  	s0 =	simm.s32 $0x570;
	s1 =	simm.s32 $0x16240  }
0xe5: {  	[tilespmem:s1], [sflag:$0x2] =	stream.indirect.gather [hbm4b:s3+s9], $0x40, s0, s9, $0xb8;
	[tilespmem:$0x19640] =	vst v63  }
0xe6: {  	s0 =	simm.s32 $0x580;
	s1 =	simm.s32 $0x16640  }
0xe7: {  	[tilespmem:s1], [sflag:$0x2] =	stream.indirect.gather [hbm4b:s3+s9], $0x40, s0, s9, $0xb8;
	[tilespmem:$0x19640] =	vst v63  }
0xe8: {  	s0 =	simm.s32 $0x590;
	s1 =	simm.s32 $0x16A40  }
0xe9: {  	[tilespmem:s1], [sflag:$0x2] =	stream.indirect.gather [hbm4b:s3+s9], $0x40, s0, s9, $0xb8;
	[tilespmem:$0x19640] =	vst v63  }
0xea: {  	s0 =	simm.s32 $0x5A0;
	s1 =	simm.s32 $0x16E40  }
0xeb: {  	[tilespmem:s1], [sflag:$0x2] =	stream.indirect.gather [hbm4b:s3+s9], $0x40, s0, s9, $0xb8;
	[tilespmem:$0x19640] =	vst v63  }
0xec: {  	s0 =	simm.s32 $0x5B0;
	s1 =	simm.s32 $0x17240  }
0xed: {  	[tilespmem:s1], [sflag:$0x2] =	stream.indirect.gather [hbm4b:s3+s9], $0x40, s0, s9, $0xb8;
	[tilespmem:$0x19640] =	vst v63  }
0xee: {  	s1 =	simm.s32 $0x5C0  }
0xef: {  	[tilespmem:s5], [sflag:$0x2] =	stream.indirect.gather [hbm4b:s3+s9], $0x40, s1, s9, $0xb8;
	[tilespmem:$0x19640] =	vst v63  }
0xf0: {  	_ = 	snop  }
0xf1: {  	[tilespmem:s13], [sflag:$0x2] =	stream.indirect.gather [hbm4b:s3+s9], $0x40, s7, s9, $0xb8;
	[tilespmem:$0x19640] =	vst v63  }
0xf2: {  	_ = 	snop  }
0xf3: {  	[tilespmem:s15], [sflag:$0x2] =	stream.indirect.gather [hbm4b:s3+s9], $0x40, s14, s9, $0xb8;
	[tilespmem:$0x19640] =	vst v63  }
0xf4: {  	_ = 	snop  }
0xf5: {  	[tilespmem:s17], [sflag:$0x2] =	stream.indirect.gather [hbm4b:s3+s9], $0x40, s16, s9, $0xb8;
	[tilespmem:$0x19640] =	vst v63  }
0xf6: {  	_ = 	snop  }
0xf7: {  	[tilespmem:s2], [sflag:$0x2] =	stream.indirect.gather [hbm4b:s3+s9], $0x40, s6, s9, $0xb8;
	[tilespmem:$0x19640] =	vst v63  }
0xf8: {  	_ = 	snop  }
0xf9: {  	[tilespmem:s21], [sflag:$0x2] =	stream.indirect.gather [hbm4b:s3+s9], $0x40, s20, s9, $0xb8;
	[tilespmem:$0x19640] =	vst v63  }
0xfa: {  	_ = 	snop  }
0xfb: {  	[tilespmem:s24], [sflag:$0x2] =	stream.indirect.gather [hbm4b:s3+s9], $0x40, s22, s9, $0xb8;
	[tilespmem:$0x19640] =	vst v63  }
0xfc: {  	p0 =	seq.s32 s31, $0x3C  }
0xfd: {  	[tilespmem:s25], [sflag:$0x2] =	stream.indirect.gather [hbm4b:s3+s9], $0x40, s10, s9, $0xb8;
	[tilespmem:$0x19640] =	vst v63  }
.Ltmp4:
0xfe: {  	_ = 	snop;
	(pc) =	sbr.rel @p0 .LBB2_4-.Ltmp4, $4  }
0xff: {  	_ =	swait.ge [sflag:s12], $0xC800  }
0x100: {  	[sflag:s12] =	ssyncset.done $0x0  }
0x101: {  	[sflag:s12] =	ssyncadd.s32 $0xFFFF3800  }
0x102: {  	[hbm4b:s30+s23] =	stream.strided.scatter [tilespmem:s4], [sflag:$0x3], $0xC800, s26, s23, $0x38;
	[tilespmem:$0x19640] =	vst v63  }
0x103: {  	_ =	swait.ge [sflag:s29], $0xC800  }
0x104: {  	s1 =	simm.s32 $0x0;
	[sflag:s29] =	ssyncset.done $0x0;
	s0 =	rddreg [dreg:$0x5]  }
0x105: {  	s4 =	simm.s32 $0x4000;
	[sflag:s29] =	ssyncadd.s32 $0xFFFF3800;
	s0 =	sadd.s32 s31, s0  }
0x106: {  	[tilespmem:s1], [sflag:$0x5] =	stream.strided.gather [hbm4b:s0+s9], $0x320, s4, s9, $0x38;
	[tilespmem:$0x19640] =	vst v63  }
0x107: {  	_ =	swait.ge [sflag:s11], $0x320  }
0x108: {  	[sflag:s11] =	ssyncset.done $0x0  }
0x109: {  	s4 =	simm.s32 $0x640;
	[sflag:s11] =	ssyncadd.s32 $0xFFFFFCE0  }
0x10a: {  	[tilespmem:s4], [sflag:$0x1] =	stream.indirect.gather [hbm4b:s3+s9], $0x40, s1, s9, $0xb8;
	[tilespmem:$0x19640] =	vst v63  }
0x10b: {  	s1 =	simm.s32 $0xA40  }
0x10c: {  	[tilespmem:s1], [sflag:$0x1] =	stream.indirect.gather [hbm4b:s3+s9], $0x40, s9, s9, $0xb8;
	[tilespmem:$0x19640] =	vst v63  }
0x10d: {  	s0 =	simm.s32 $0x20;
	s1 =	simm.s32 $0xE40  }
0x10e: {  	[tilespmem:s1], [sflag:$0x1] =	stream.indirect.gather [hbm4b:s3+s9], $0x40, s0, s9, $0xb8;
	[tilespmem:$0x19640] =	vst v63  }
0x10f: {  	s0 =	simm.s32 $0x30;
	s1 =	simm.s32 $0x1240  }
0x110: {  	[tilespmem:s1], [sflag:$0x1] =	stream.indirect.gather [hbm4b:s3+s9], $0x40, s0, s9, $0xb8;
	[tilespmem:$0x19640] =	vst v63  }
0x111: {  	s0 =	simm.s32 $0x40;
	s1 =	simm.s32 $0x1640  }
0x112: {  	[tilespmem:s1], [sflag:$0x1] =	stream.indirect.gather [hbm4b:s3+s9], $0x40, s0, s9, $0xb8;
	[tilespmem:$0x19640] =	vst v63  }
0x113: {  	s0 =	simm.s32 $0x50;
	s1 =	simm.s32 $0x1A40  }
0x114: {  	[tilespmem:s1], [sflag:$0x1] =	stream.indirect.gather [hbm4b:s3+s9], $0x40, s0, s9, $0xb8;
	[tilespmem:$0x19640] =	vst v63  }
0x115: {  	s0 =	simm.s32 $0x60;
	s1 =	simm.s32 $0x1E40  }
0x116: {  	[tilespmem:s1], [sflag:$0x1] =	stream.indirect.gather [hbm4b:s3+s9], $0x40, s0, s9, $0xb8;
	[tilespmem:$0x19640] =	vst v63  }
0x117: {  	s0 =	simm.s32 $0x70;
	s1 =	simm.s32 $0x2240  }
0x118: {  	[tilespmem:s1], [sflag:$0x1] =	stream.indirect.gather [hbm4b:s3+s9], $0x40, s0, s9, $0xb8;
	[tilespmem:$0x19640] =	vst v63  }
0x119: {  	s0 =	simm.s32 $0x80;
	s1 =	simm.s32 $0x2640  }
0x11a: {  	[tilespmem:s1], [sflag:$0x1] =	stream.indirect.gather [hbm4b:s3+s9], $0x40, s0, s9, $0xb8;
	[tilespmem:$0x19640] =	vst v63  }
0x11b: {  	s0 =	simm.s32 $0x90;
	s1 =	simm.s32 $0x2A40  }
0x11c: {  	[tilespmem:s1], [sflag:$0x1] =	stream.indirect.gather [hbm4b:s3+s9], $0x40, s0, s9, $0xb8;
	[tilespmem:$0x19640] =	vst v63  }
0x11d: {  	s0 =	simm.s32 $0xA0;
	s1 =	simm.s32 $0x2E40  }
0x11e: {  	[tilespmem:s1], [sflag:$0x1] =	stream.indirect.gather [hbm4b:s3+s9], $0x40, s0, s9, $0xb8;
	[tilespmem:$0x19640] =	vst v63  }
0x11f: {  	s0 =	simm.s32 $0xB0;
	s1 =	simm.s32 $0x3240  }
0x120: {  	[tilespmem:s1], [sflag:$0x1] =	stream.indirect.gather [hbm4b:s3+s9], $0x40, s0, s9, $0xb8;
	[tilespmem:$0x19640] =	vst v63  }
0x121: {  	s0 =	simm.s32 $0xC0;
	s1 =	simm.s32 $0x3640  }
0x122: {  	[tilespmem:s1], [sflag:$0x1] =	stream.indirect.gather [hbm4b:s3+s9], $0x40, s0, s9, $0xb8;
	[tilespmem:$0x19640] =	vst v63  }
0x123: {  	s0 =	simm.s32 $0xD0;
	s1 =	simm.s32 $0x3A40  }
0x124: {  	[tilespmem:s1], [sflag:$0x1] =	stream.indirect.gather [hbm4b:s3+s9], $0x40, s0, s9, $0xb8;
	[tilespmem:$0x19640] =	vst v63  }
0x125: {  	s0 =	simm.s32 $0xE0;
	s1 =	simm.s32 $0x3E40  }
0x126: {  	[tilespmem:s1], [sflag:$0x1] =	stream.indirect.gather [hbm4b:s3+s9], $0x40, s0, s9, $0xb8;
	[tilespmem:$0x19640] =	vst v63  }
0x127: {  	s0 =	simm.s32 $0xF0;
	s1 =	simm.s32 $0x4240  }
0x128: {  	[tilespmem:s1], [sflag:$0x1] =	stream.indirect.gather [hbm4b:s3+s9], $0x40, s0, s9, $0xb8;
	[tilespmem:$0x19640] =	vst v63  }
0x129: {  	s0 =	simm.s32 $0x100;
	s1 =	simm.s32 $0x4640  }
0x12a: {  	[tilespmem:s1], [sflag:$0x1] =	stream.indirect.gather [hbm4b:s3+s9], $0x40, s0, s9, $0xb8;
	[tilespmem:$0x19640] =	vst v63  }
0x12b: {  	s0 =	simm.s32 $0x110;
	s1 =	simm.s32 $0x4A40  }
0x12c: {  	[tilespmem:s1], [sflag:$0x1] =	stream.indirect.gather [hbm4b:s3+s9], $0x40, s0, s9, $0xb8;
	[tilespmem:$0x19640] =	vst v63  }
0x12d: {  	s0 =	simm.s32 $0x120;
	s1 =	simm.s32 $0x4E40  }
0x12e: {  	[tilespmem:s1], [sflag:$0x1] =	stream.indirect.gather [hbm4b:s3+s9], $0x40, s0, s9, $0xb8;
	[tilespmem:$0x19640] =	vst v63  }
0x12f: {  	s0 =	simm.s32 $0x130;
	s1 =	simm.s32 $0x5240  }
0x130: {  	[tilespmem:s1], [sflag:$0x1] =	stream.indirect.gather [hbm4b:s3+s9], $0x40, s0, s9, $0xb8;
	[tilespmem:$0x19640] =	vst v63  }
0x131: {  	s0 =	simm.s32 $0x140;
	s1 =	simm.s32 $0x5640  }
0x132: {  	[tilespmem:s1], [sflag:$0x1] =	stream.indirect.gather [hbm4b:s3+s9], $0x40, s0, s9, $0xb8;
	[tilespmem:$0x19640] =	vst v63  }
0x133: {  	s0 =	simm.s32 $0x150;
	s1 =	simm.s32 $0x5A40  }
0x134: {  	[tilespmem:s1], [sflag:$0x1] =	stream.indirect.gather [hbm4b:s3+s9], $0x40, s0, s9, $0xb8;
	[tilespmem:$0x19640] =	vst v63  }
0x135: {  	s0 =	simm.s32 $0x160;
	s1 =	simm.s32 $0x5E40  }
0x136: {  	[tilespmem:s1], [sflag:$0x1] =	stream.indirect.gather [hbm4b:s3+s9], $0x40, s0, s9, $0xb8;
	[tilespmem:$0x19640] =	vst v63  }
0x137: {  	s0 =	simm.s32 $0x170;
	s1 =	simm.s32 $0x6240  }
0x138: {  	[tilespmem:s1], [sflag:$0x1] =	stream.indirect.gather [hbm4b:s3+s9], $0x40, s0, s9, $0xb8;
	[tilespmem:$0x19640] =	vst v63  }
0x139: {  	s0 =	simm.s32 $0x180;
	s1 =	simm.s32 $0x6640  }
0x13a: {  	[tilespmem:s1], [sflag:$0x1] =	stream.indirect.gather [hbm4b:s3+s9], $0x40, s0, s9, $0xb8;
	[tilespmem:$0x19640] =	vst v63  }
0x13b: {  	s0 =	simm.s32 $0x190;
	s1 =	simm.s32 $0x6A40  }
0x13c: {  	[tilespmem:s1], [sflag:$0x1] =	stream.indirect.gather [hbm4b:s3+s9], $0x40, s0, s9, $0xb8;
	[tilespmem:$0x19640] =	vst v63  }
0x13d: {  	s0 =	simm.s32 $0x1A0;
	s1 =	simm.s32 $0x6E40  }
0x13e: {  	[tilespmem:s1], [sflag:$0x1] =	stream.indirect.gather [hbm4b:s3+s9], $0x40, s0, s9, $0xb8;
	[tilespmem:$0x19640] =	vst v63  }
0x13f: {  	s0 =	simm.s32 $0x1B0;
	s1 =	simm.s32 $0x7240  }
0x140: {  	[tilespmem:s1], [sflag:$0x1] =	stream.indirect.gather [hbm4b:s3+s9], $0x40, s0, s9, $0xb8;
	[tilespmem:$0x19640] =	vst v63  }
0x141: {  	s0 =	simm.s32 $0x1C0;
	s1 =	simm.s32 $0x7640  }
0x142: {  	[tilespmem:s1], [sflag:$0x1] =	stream.indirect.gather [hbm4b:s3+s9], $0x40, s0, s9, $0xb8;
	[tilespmem:$0x19640] =	vst v63  }
0x143: {  	s0 =	simm.s32 $0x1D0;
	s1 =	simm.s32 $0x7A40  }
0x144: {  	[tilespmem:s1], [sflag:$0x1] =	stream.indirect.gather [hbm4b:s3+s9], $0x40, s0, s9, $0xb8;
	[tilespmem:$0x19640] =	vst v63  }
0x145: {  	s0 =	simm.s32 $0x1E0;
	s1 =	simm.s32 $0x7E40  }
0x146: {  	[tilespmem:s1], [sflag:$0x1] =	stream.indirect.gather [hbm4b:s3+s9], $0x40, s0, s9, $0xb8;
	[tilespmem:$0x19640] =	vst v63  }
0x147: {  	s0 =	simm.s32 $0x1F0;
	s1 =	simm.s32 $0x8240  }
0x148: {  	[tilespmem:s1], [sflag:$0x1] =	stream.indirect.gather [hbm4b:s3+s9], $0x40, s0, s9, $0xb8;
	[tilespmem:$0x19640] =	vst v63  }
0x149: {  	s0 =	simm.s32 $0x200;
	s1 =	simm.s32 $0x8640  }
0x14a: {  	[tilespmem:s1], [sflag:$0x1] =	stream.indirect.gather [hbm4b:s3+s9], $0x40, s0, s9, $0xb8;
	[tilespmem:$0x19640] =	vst v63  }
0x14b: {  	s0 =	simm.s32 $0x210;
	s1 =	simm.s32 $0x8A40  }
0x14c: {  	[tilespmem:s1], [sflag:$0x1] =	stream.indirect.gather [hbm4b:s3+s9], $0x40, s0, s9, $0xb8;
	[tilespmem:$0x19640] =	vst v63  }
0x14d: {  	s0 =	simm.s32 $0x220;
	s1 =	simm.s32 $0x8E40  }
0x14e: {  	[tilespmem:s1], [sflag:$0x1] =	stream.indirect.gather [hbm4b:s3+s9], $0x40, s0, s9, $0xb8;
	[tilespmem:$0x19640] =	vst v63  }
0x14f: {  	s0 =	simm.s32 $0x230;
	s1 =	simm.s32 $0x9240  }
0x150: {  	[tilespmem:s1], [sflag:$0x1] =	stream.indirect.gather [hbm4b:s3+s9], $0x40, s0, s9, $0xb8;
	[tilespmem:$0x19640] =	vst v63  }
0x151: {  	s0 =	simm.s32 $0x240;
	s1 =	simm.s32 $0x9640  }
0x152: {  	[tilespmem:s1], [sflag:$0x1] =	stream.indirect.gather [hbm4b:s3+s9], $0x40, s0, s9, $0xb8;
	[tilespmem:$0x19640] =	vst v63  }
0x153: {  	s0 =	simm.s32 $0x250;
	s1 =	simm.s32 $0x9A40  }
0x154: {  	[tilespmem:s1], [sflag:$0x1] =	stream.indirect.gather [hbm4b:s3+s9], $0x40, s0, s9, $0xb8;
	[tilespmem:$0x19640] =	vst v63  }
0x155: {  	s0 =	simm.s32 $0x260;
	s1 =	simm.s32 $0x9E40  }
0x156: {  	[tilespmem:s1], [sflag:$0x1] =	stream.indirect.gather [hbm4b:s3+s9], $0x40, s0, s9, $0xb8;
	[tilespmem:$0x19640] =	vst v63  }
0x157: {  	s0 =	simm.s32 $0x270;
	s1 =	simm.s32 $0xA240  }
0x158: {  	[tilespmem:s1], [sflag:$0x1] =	stream.indirect.gather [hbm4b:s3+s9], $0x40, s0, s9, $0xb8;
	[tilespmem:$0x19640] =	vst v63  }
0x159: {  	s0 =	simm.s32 $0x280;
	s1 =	simm.s32 $0xA640  }
0x15a: {  	[tilespmem:s1], [sflag:$0x1] =	stream.indirect.gather [hbm4b:s3+s9], $0x40, s0, s9, $0xb8;
	[tilespmem:$0x19640] =	vst v63  }
0x15b: {  	s0 =	simm.s32 $0x290;
	s1 =	simm.s32 $0xAA40  }
0x15c: {  	[tilespmem:s1], [sflag:$0x1] =	stream.indirect.gather [hbm4b:s3+s9], $0x40, s0, s9, $0xb8;
	[tilespmem:$0x19640] =	vst v63  }
0x15d: {  	s0 =	simm.s32 $0x2A0;
	s1 =	simm.s32 $0xAE40  }
0x15e: {  	[tilespmem:s1], [sflag:$0x1] =	stream.indirect.gather [hbm4b:s3+s9], $0x40, s0, s9, $0xb8;
	[tilespmem:$0x19640] =	vst v63  }
0x15f: {  	s0 =	simm.s32 $0x2B0;
	s1 =	simm.s32 $0xB240  }
0x160: {  	[tilespmem:s1], [sflag:$0x1] =	stream.indirect.gather [hbm4b:s3+s9], $0x40, s0, s9, $0xb8;
	[tilespmem:$0x19640] =	vst v63  }
0x161: {  	s0 =	simm.s32 $0x2C0;
	s1 =	simm.s32 $0xB640  }
0x162: {  	[tilespmem:s1], [sflag:$0x1] =	stream.indirect.gather [hbm4b:s3+s9], $0x40, s0, s9, $0xb8;
	[tilespmem:$0x19640] =	vst v63  }
0x163: {  	s0 =	simm.s32 $0x2D0;
	s1 =	simm.s32 $0xBA40  }
0x164: {  	[tilespmem:s1], [sflag:$0x1] =	stream.indirect.gather [hbm4b:s3+s9], $0x40, s0, s9, $0xb8;
	[tilespmem:$0x19640] =	vst v63  }
0x165: {  	s0 =	simm.s32 $0x2E0;
	s1 =	simm.s32 $0xBE40  }
0x166: {  	[tilespmem:s1], [sflag:$0x1] =	stream.indirect.gather [hbm4b:s3+s9], $0x40, s0, s9, $0xb8;
	[tilespmem:$0x19640] =	vst v63  }
0x167: {  	s0 =	simm.s32 $0x2F0;
	s1 =	simm.s32 $0xC240  }
0x168: {  	[tilespmem:s1], [sflag:$0x1] =	stream.indirect.gather [hbm4b:s3+s9], $0x40, s0, s9, $0xb8;
	[tilespmem:$0x19640] =	vst v63  }
.Ltmp5:
0x169: {  	_ = 	snop;
	(pc) =	sbr.rel .LBB2_4-.Ltmp5, $4  }
0x16a: {  	s0 =	simm.s32 $0x300;
	s1 =	simm.s32 $0xC640  }
0x16b: {  	[tilespmem:s1], [sflag:$0x1] =	stream.indirect.gather [hbm4b:s3+s9], $0x40, s0, s9, $0xb8;
	[tilespmem:$0x19640] =	vst v63  }
0x16c: {  	s0 =	simm.s32 $0x310;
	s1 =	simm.s32 $0xCA40  }
0x16d: {  	[tilespmem:s1], [sflag:$0x1] =	stream.indirect.gather [hbm4b:s3+s9], $0x40, s0, s9, $0xb8;
	[tilespmem:$0x19640] =	vst v63  }
.LBB2_6:
0x16e: {  	_ =	sfence.sel $0x180000  }
0x16f: {  	[bflag:$0x0] =	sbarrier.arrive $0xFFFF  }
0x170: {  	_ =	strace $0x90000047  }
0x171: {  	s0 =	stileid.u32;
	[bflag:$0x2] =	sbarrier.arrive $0xFFFF  }
0x172: {  	p0 =	sne.s32 s0, $0x0;
	s0 =	rddreg [dreg:$0x2]  }
0x173: {  	s0 =	sadd.s32 @!p0 $0x100000, s0  }
0x174: {  	[sflag:s0] =	ssyncadd.tile.s32 @!p0 $0x1;
	_ =	shalt  }
.Lfunc_end2:
_tile_overlayer_lowered:
.L_overlay_start_2:
0x175: {  	(tag) =	ssettag $0x2  }
0x176: {  	s0 =	rddreg [dreg:$0x0];
	s2 =	stileid.u32  }
0x177: {  	s1 =	rddreg [dreg:$0x1];
	p0 =	sne.s32 s2, $0x0  }
0x178: {  	s3 =	rddreg [dreg:$0x2];
	[bflag:$0x3] =	sbarrier.arrive $0xFFFF;
	s2 =	simm.s32 @!p0 $0x1C05  }
0x179: {  	[timem:s3], [sflag:s2] =	dma.local @!p0 [hbm:s0], s1  }
0x17a: {  	s0 =	simm.s32 @!p0 $0x5  }
0x17b: {  	_ =	swait.ge @!p0 [sflag:s0], s1  }
0x17c: {  	s1 =	ssub.s32 @!p0 $0x0, s1;
	[sflag:s0] =	ssyncset.done @!p0 $0x0  }
0x17d: {  	[sflag:s0] =	ssyncadd.s32 @!p0 s1  }
0x17e: {  	[bflag:$0x3] =	sbarrier.arrive $0xFFFF  }
0x17f: {  	_ =	shalt  }

// kernel: sparse-core-data-format-call.cloned.1.call-start
scs
called_computation_lowered:
.L_overlay_start_0:
0x0: {  	s2 =	sld [smem:$0x3FD9]  }
0x1: {  	s3 =	sld [smem:$0x3FFE];
	_ =	sdelay $0x1  }
0x2: {  	s1 =	srdreg.scid  }
0x3: {  	s0 =	sand.u32 $0x1, s1  }
0x4: {  	s18 =	sshll.u32 s0, $0xA;
	s2 =	sadd.s32 s3, s2  }
0x5: {  	s2 =	sadd.s32 s2, s18  }
0x6: {  	[smem:$0x3FC4] =	sst s2  }
0x7: {  	_ = 	snop  }
0x8: {  	s2 =	sld [smem:$0x3FD0];
	(tm) =	ssettm $0x1  }
0x9: {  	s19 =	sld [smem:$0x3FFB];
	_ =	sdelay $0x3  }
0xa: {  	_ =	strace s19  }
0xb: {  	s3 =	sld [smem:$0x3FFC];
	_ =	sdelay $0x3  }
0xc: {  	_ =	strace s3  }
0xd: {  	s3 =	sld [smem:$0x3FFD];
	_ =	sdelay $0x3  }
0xe: {  	_ =	strace s3  }
0xf: {  	_ =	strace $0x8FFFFFFF  }
0x10: {  	s20 =	sld [smem:$0x3FDB];
	_ =	sdelay $0x1  }
0x11: {  	s4 =	simm.s32 $_scs_section_size  }
0x12: {  	s5 =	simm.s32 $_size__tile_overlayer_lowered;
	s6 =	simm.s32 $_tile_overlayer_lowered  }
0x13: {  	s23 =	simm.s32 $0x1BFF;
	s22 =	sshll.u32 s6, $0x1;
	s3 =	sadd.s32 s4, s20  }
0x14: {  	s7 =	simm.s32 $0x0;
	s21 =	sshll.u32 s5, $0x1;
	s5 =	sadd.s32 s22, s3  }
0x15: {  	[timem:s7], [sflag:s23] =	dma.local [hbm:s5], s21  }
0x16: {  	_ =	swait.ge [sflag:s23], s21  }
0x17: {  	s4 =	ssub.s32 $0x0, s21;
	[sflag:s23] =	ssyncset.done $0x0  }
0x18: {  	[sflag:s23] =	ssyncadd.s32 s4;
	_ =	sdelay $0x1  }
0x19: {  	s24 =	simm.s32 $0x1B8B  }
0x1a: {  	_ =	swait.ge [sflag:s24], $0x1  }
0x1b: {  	[sflag:s24] =	ssyncset.done $0x0  }
0x1c: {  	s26 =	simm.s32 $0x1B8E;
	s25 =	sld [smem:$0x3FFE];
	[sflag:s24] =	ssyncadd.s32 $0xFFFFFFFF  }
0x1d: {  	s27 =	simm.s32 $execute0_lowered;
	[smem:$0x3FD2] =	sst s26  }
0x1e: {  	s5 =	sshll.u32 s27, $0x1;
	_ =	strace $0x80000049;
	[dreg:$0x1] =	wrdreg $0xFFFFFFFF  }
0x1f: {  	s28 =	simm.s32 $_size_execute0_lowered;
	s3 =	sadd.s32 s3, s5;
	[dreg:$0x0] =	wrdreg $0x0  }
0x20: {  	s5 =	sshll.u32 s28, $0x1;
	[dreg:$0x2] =	wrdreg s3  }
0x21: {  	[dreg:$0x3] =	wrdreg s5  }
0x22: {  	[dreg:$0x4] =	wrdreg $0xC0  }
0x23: {  	_ =	task [dreg:s7], $0x5FFFF  }
0x24: {  	[dreg:$0x1] =	wrdreg $0xFFFFFFFF  }
0x25: {  	[dreg:$0x0] =	wrdreg $0x60  }
0x26: {  	[dreg:$0x2] =	wrdreg s25  }
0x27: {  	[dreg:$0x3] =	wrdreg s2  }
0x28: {  	[dreg:$0x4] =	wrdreg $0x9  }
0x29: {  	_ =	task.clear_ibuf [dreg:s7], $0x5FFFF;
	_ =	strace $0x90000049  }
0x2a: {  	s29 =	simm.s32 $0x9;
	_ =	strace $0x8000004B  }
0x2b: {  	_ =	swait.ge [sflag:s29], $0x1  }
0x2c: {  	[sflag:s29] =	ssyncadd.s32 $0xFFFFFFFF  }
0x2d: {  	_ =	strace $0x9000004B  }
0x2e: {  	_ =	sfence  }
0x2f: {  	s30 =	sld [smem:$0x0];
	_ =	sdelay $0x2  }
0x30: {  	s31 =	sshll.u32 s1, $0xD;
	s1 =	sshrl.u32 s1, $0x2  }
0x31: {  	s3 =	sand.u32 $0x4000, s31;
	s1 =	sadd.s32 s1, s30  }
0x32: {  	s0 =	sor.u32 s3, s0;
	s1 =	sshll.u32 s1, $0x11  }
0x33: {  	s0 =	sor.u32 s1, s0  }
0x34: {  	s0 =	sadd.s32 $0x8F2B, s0  }
0x35: {  	[sflag:s0] =	ssyncadd.remote.s32 $0x1  }
0x36: {  	_ =	sfence.sel $0xFFFF  }
0x37: {  	[dreg:$0x0] =	wrdreg $0xFFFFFFFF;
	(pc) =	sbr.abs _section_cstart, $3  }
0x38: {  	[dreg:$0x1] =	wrdreg $0xFFFFFFFF  }
0x39: {  	_ =	task.clear_ibuf [dreg:s7], $0x2FFFF;
	_ =	strace $0x9FFFFFFF  }
0x3a: {  	(tm) =	ssettm $0x7FFFFFFF  }
0x3b: {  	_ =	shalt  }
tec
execute0_lowered:
.L_overlay_start_1:
0x0: {  	(tag) =	ssettag $0x1  }
0x1: {  	s0 =	srdreg.scid  }
0x2: {  	s1 =	sshll.u32 s0, $0x4  }
0x3: {  	s0 =	stileid.u32;
	s1 =	sand.u32 $0x10, s1  }
0x4: {  	s7 =	rddreg [dreg:$0x0];
	s1 =	sor.u32 s0, s1  }
0x5: {  	s4 =	simm.s32 $0x1;
	s8 =	simm.s32 $0x2;
	s2 =	sshll.u32 s1, $0x7  }
0x6: {  	s13 =	simm.s32 $0x0;
	s9 =	simm.s32 $0x20000;
	s1 =	ssub.s32 $0x4000, s2  }
0x7: {  	s14 =	simm.s32 $0x0;
	s11 =	simm.s32 $0x0;
	s3 =	sand.u32 $0xF80, s1  }
0x8: {  	s12 =	simm.s32 $0x0;
	s5 =	sshrl.u32 s1, $0xC;
	p0 =	sne.s32 s3, $0x0  }
.Ltmp0:
0x9: {  	s1 =	rddreg [dreg:$0x2];
	s4 =	simm.s32 @!p0 $0x0;
	(pc) =	sbr.rel .LBB1_1-.Ltmp0, $4  }
0xa: {  	s6 =	sadd.s32 $0xC00, s7;
	s3 =	rddreg [dreg:$0x1];
	s5 =	sadd.s32 s4, s5  }
0xb: {  	_ =	strace $0x8000004A;
	s4 =	simm.s32 $0x1;
	s5 =	smul.u32 $0x19, s5  }
0xc: {  	s7 =	sadd.s32 $0x40C00, s7;
	s10 =	smov.u32 s2;
	[sflag:s4] =	ssyncpa.u1 $0x0  }
0xd: {  	p0 =	por $0x0, $0x0;
	[sflag:s8] =	ssyncpa.u1 $0x0;
	s8 =	sadd.s32 $0x1, s5  }
.LBB1_7:
0xe: {  	s15 =	sadd.s32 $0x1000, s10  }
0xf: {  	s13 =	sadd.s32 $0x2, s11;
	s17 =	smov.u32 s11;
	p2 =	sgt.s32 s15, $0x3FFF  }
0x10: {  	s17 =	smov.u32 @p2 s13  }
0x11: {  	s15 =	smov.u32 @p2 s2;
	p2 =	sgt.s32 s17, $0x31  }
0x12: {  	s17 =	simm.s32 @p2 $0x0;
	p2 =	sne.s32 s12, s8  }
.Ltmp1:
0x13: {  	p1 =	slt.u32 s12, $0x2;
	(pc) =	sbr.rel @!p2 .LBB1_8-.Ltmp1, $4  }
0x14: {  	s16 =	simm.s32 @!p1 $0x2  }
0x15: {  	s14 =	smov.u32 s11;
	p0 =	por !p0, !p0;
	_ =	swait.ge @!p1 [sflag:s16], $0x4000  }
0x16: {  	s13 =	smov.u32 s10;
	[sflag:s16] =	ssyncset.done @!p1 $0x0;
	s10 =	smov.u32 s15  }
0x17: {  	s12 =	sadd.s32 $0x1, s12;
	[sflag:s16] =	ssyncadd.s32 @!p1 $0xFFFFC000;
	s11 =	smov.u32 s17  }
.LBB1_1:
0x18: {  	p1 =	sge.u32 s12, s5  }
0x19: {  	s15 =	sxor.u32 @!p1 $0xFFFFFFFF, s12;
	s16 =	sshll.u32 @!p1 s11, $0x12  }
0x1a: {  	s17 =	sshll.u32 @!p1 s10, $0x4;
	s19 =	simm.s32 @!p1 $0x40;
	s20 =	simm.s32 @!p1 $0x80  }
0x1b: {  	s15 =	sshll.u32 @!p1 s15, $0xE;
	s17 =	sand.u32 @!p1 $0x3FFF0, s17;
	s18 =	sadd.s32 @!p1 s6, s16  }
0x1c: {  	s16 =	sadd.s32 @!p1 s16, s7;
	s15 =	sand.u32 @!p1 $0x4000, s15;
	s18 =	sadd.s32 @!p1 s17, s18  }
0x1d: {  	[tilespmem:s15], [sflag:$0x1] =	stream.strided.gather @!p1 [hbm4b:s18+s19], $0x2000, s20, s19, $0x38;
	[tilespmem:$0x10100] =	vst v63  }
0x1e: {  	s31 =	sadd.s32 $0xFFFFFFFF, s12;
	s16 =	sadd.s32 @!p1 s17, s16;
	s15 =	sor.u32 @!p1 $0x2000, s15  }
0x1f: {  	[tilespmem:s15], [sflag:$0x1] =	stream.strided.gather @!p1 [hbm4b:s16+s19], $0x2000, s20, s19, $0x38;
	[tilespmem:$0x10100] =	vst v63  }
0x20: {  	p1 =	sge.u32 s31, s5  }
.Ltmp2:
0x21: {  	_ = 	snop;
	(pc) =	sbr.rel @p1 .LBB1_7-.Ltmp2, $1  }
0x22: {  	_ =	sdelay $0x3  }
0x23: {  	s15 =	simm.s32 $0x1;
	s17 =	sand.u32 $0x1, s12  }
0x24: {  	_ =	swait.ge [sflag:s4], $0x4000;
	s15 =	simm.s32 @!p0 $0x0;
	s17 =	smul.u32 $0x10200, s17  }
0x25: {  	p2 =	por $0x1, $0x1;
	[sflag:s4] =	ssyncset.done $0x0;
	s16 =	smul.u32 $0x10200, s15  }
0x26: {  	s18 =	sshll.u32 s15, $0x10;
	[sflag:s4] =	ssyncadd.s32 $0xFFFFC000;
	s30 =	sshrl.u32 s17, $0x2  }
0x27: {  	s31 =	sshrl.u32 s18, $0x2;
	s18 =	simm.s32 $0x0;
	s16 =	sshrl.u32 s16, $0x2  }
0x28: {  	s15 =	sor.u32 $0x8000, s30;
	s17 =	sadd.s32 $0x20, s31;
	s16 =	sor.u32 $0x8000, s16  }
.LBB1_3:
0x29: {  	s19 =	sshll.u32 s18, $0xD  }
0x2a: {  	s19 =	sand.u32 $0x3FFFE000, s19  }
0x2b: {  	s21 =	sadd.s32 s19, s17  }
0x2c: {  	s31 =	smul.u32 $0x8100, s18;
	v3 =	vld [tilespmem:s21+$0x10]  }
0x2d: {  	v1 =	vld [tilespmem:s21+$0xFFFFFFF0]  }
0x2e: {  	s18 =	sshra.s32 s31, $0x2;
	v0 =	vld [tilespmem:s21+$0x0]  }
0x2f: {  	s18 =	sadd.s32 s18, s16;
	v2 =	vld [tilespmem:s21+$0xFFFFFFE0]  }
0x30: {  	s19 =	sadd.s32 $0x0, s18  }
0x31: {  	p1 =	por p2, p2;
	s20 =	simm.s32 $0x4;
	s21 =	sadd.s32 $0x40, s21;
	[tilespmem:s19+$0x1830 ss:$0x81] =	vst.msk $0xffff, v3  }
.LBB1_4:
0x32: {  	v3 =	vld [tilespmem:s21+$0x10];
	p2 =	sne.s32 s20, $0x1FC;
	[tilespmem:s19+$0x810 ss:$0x81] =	vst.msk $0xffff, v1;
	s22 =	smov.u32 s20;
	s20 =	sadd.s32 $0x4, s20  }
.Ltmp3:
0x33: {  	v1 =	vld [tilespmem:s21+$0xFFFFFFF0];
	[tilespmem:s19+$0x1020 ss:$0x81] =	vst.msk $0xffff, v0;
	(pc) =	sbr.rel @p2 .LBB1_4-.Ltmp3, $4  }
0x34: {  	v0 =	vld [tilespmem:s21+$0x0];
	[tilespmem:s19+$0x0 ss:$0x81] =	vst.msk $0xffff, v2  }
0x35: {  	s19 =	sshra.s32 s22, $0x2;
	v2 =	vld [tilespmem:s21+$0xFFFFFFE0]  }
0x36: {  	s19 =	sadd.s32 s19, s18  }
0x37: {  	s21 =	sadd.s32 $0x40, s21;
	[tilespmem:s19+$0x1830 ss:$0x81] =	vst.msk $0xffff, v3  }
.Ltmp4:
0x38: {  	(pc) =	sbr.rel @p1 .LBB1_3-.Ltmp4, $4  }
0x39: {  	_ = 	snop  }
0x3a: {  	[tilespmem:s19+$0x810 ss:$0x81] =	vst.msk $0xffff, v1  }
0x3b: {  	[tilespmem:s19+$0x1020 ss:$0x81] =	vst.msk $0xffff, v0  }
0x3c: {  	s18 =	simm.s32 $0x1;
	p2 =	por $0x0, $0x0;
	[tilespmem:s19+$0x0 ss:$0x81] =	vst.msk $0xffff, v2  }
0x3d: {  	s16 =	sshll.u32 s13, $0x3;
	s17 =	sand.u32 $0x78, s13;
	s14 =	sshll.u32 s14, $0x11  }
.Ltmp5:
0x3e: {  	s30 =	sand.u32 $0x1F800, s13;
	s16 =	sand.u32 $0x3C00, s16;
	(pc) =	sbr.rel .LBB1_7-.Ltmp5, $4  }
0x3f: {  	s31 =	sand.u32 $0x7, s13;
	s14 =	sadd.s32 s3, s14;
	s16 =	sor.u32 s17, s16  }
0x40: {  	s13 =	sshll.u32 s31, $0x12;
	s14 =	sadd.s32 s30, s14;
	s16 =	sshrl.u32 s16, $0x3  }
0x41: {  	s13 =	sor.u32 $0x400, s13;
	s14 =	sadd.s32 s16, s14  }
0x42: {  	[hbm4b:s14+s13] =	stream.strided.scatter [tilespmem:s15], [sflag:$0x2], $0x4000, s9, s13, $0x20;
	[tilespmem:$0x10100] =	vst v63  }
.LBB1_8:
0x43: {  	_ =	sfence.sel $0x180000  }
0x44: {  	s2 =	simm.s32 $0x1;
	[bflag:$0x0] =	sbarrier.arrive $0xFFFF  }
0x45: {  	s31 =	simm.s32 $0x2;
	[sflag:s2] =	ssyncpa.u1 $0x1  }
0x46: {  	[sflag:s31] =	ssyncpa.u1 $0x1  }
0x47: {  	p0 =	sne.s32 s0, $0x0;
	_ =	strace $0x9000004A  }
0x48: {  	s0 =	sadd.s32 @!p0 $0x100000, s1;
	[bflag:$0x2] =	sbarrier.arrive $0xFFFF  }
0x49: {  	[sflag:s0] =	ssyncadd.tile.s32 @!p0 $0x1;
	_ =	shalt  }
.Lfunc_end1:
_tile_overlayer_lowered:
.L_overlay_start_2:
0x4a: {  	(tag) =	ssettag $0x2  }
0x4b: {  	s0 =	rddreg [dreg:$0x0];
	s2 =	stileid.u32  }
0x4c: {  	s1 =	rddreg [dreg:$0x1];
	p0 =	sne.s32 s2, $0x0  }
0x4d: {  	s3 =	rddreg [dreg:$0x2];
	[bflag:$0x3] =	sbarrier.arrive $0xFFFF;
	s2 =	simm.s32 @!p0 $0x1C01  }
0x4e: {  	[timem:s3], [sflag:s2] =	dma.local @!p0 [hbm:s0], s1  }
0x4f: {  	s0 =	simm.s32 @!p0 $0x1  }
0x50: {  	_ =	swait.ge @!p0 [sflag:s0], s1  }
0x51: {  	s1 =	ssub.s32 @!p0 $0x0, s1;
	[sflag:s0] =	ssyncset.done @!p0 $0x0  }
0x52: {  	[sflag:s0] =	ssyncadd.s32 @!p0 s1  }
0x53: {  	[bflag:$0x3] =	sbarrier.arrive $0xFFFF  }
0x54: {  	_ =	shalt  }

</sc_bundles>
